<compile_context>
chip_gen: v7x
topology: tpu7x:2x2x1
jax: 0.10.2.dev20260603
libtpu: 0.0.44.dev20260713+nightly
codegen_flags: <defaults>
</compile_context>

<pallas_src>
import functools

import jax
import jax.numpy as jnp
from jax import lax
from jax.experimental import pallas as pl
from jax.experimental.pallas import tpu as pltpu
from jax.experimental.pallas import tpu_sc as plsc

_N_CLUSTERS = 1024
_EMBED_DIM = 32
_BETA = 0.25
_EPS = 1e-05

_BLOCK = 4096
_NC, _NS = 2, 16
_LN2 = 0.6931471805599453


def _vq_body(z_ref, cb_ref, z2_ref, e2_ref, idx_ref, ssum_ref):
    i = pl.program_id(0)
    z = z_ref[...]
    cb = cb_ref[...]

    ze = lax.dot_general(cb, z, (((1,), (1,)), ((), ())),
                         preferred_element_type=jnp.float32)
    dist = z2_ref[...] + e2_ref[...] - 2.0 * ze

    minval = jnp.min(dist, axis=0, keepdims=True)
    iota = lax.broadcasted_iota(jnp.int32, dist.shape, 0)
    idx = jnp.min(jnp.where(dist == minval, iota, _N_CLUSTERS), axis=0)
    idx_ref[0, 0, :] = idx

    bsum = jnp.sum(minval)

    @pl.when(i == 0)
    def _init():
        ssum_ref[0, 0] = bsum

    @pl.when(i > 0)
    def _accum():
        ssum_ref[0, 0] += bsum


def _vq_pallas(z_flat, codebook, z2_row, e2_col, nblk, off, interpret=False):
    k = codebook.shape[0]
    out_shapes = (
        jax.ShapeDtypeStruct((nblk, 1, _BLOCK), jnp.int32),
        jax.ShapeDtypeStruct((1, 1), jnp.float32),
    )
    return pl.pallas_call(
        _vq_body,
        grid=(nblk,),
        in_specs=[
            pl.BlockSpec((_BLOCK, _EMBED_DIM), lambda i: (i + off, 0)),
            pl.BlockSpec((k, _EMBED_DIM), lambda i: (0, 0)),
            pl.BlockSpec((1, _BLOCK), lambda i: (0, i + off)),
            pl.BlockSpec((k, 1), lambda i: (0, 0)),
        ],
        out_specs=(
            pl.BlockSpec((1, 1, _BLOCK), lambda i: (i, 0, 0)),
            pl.BlockSpec((1, 1), lambda i: (0, 0), memory_space=pltpu.SMEM),
        ),
        out_shape=out_shapes,
        interpret=interpret,
    )(z_flat, codebook, z2_row, e2_col)


def _ln(x):
    bits = lax.bitcast_convert_type(x, jnp.int32)
    e = ((bits >> 23) & 0xFF) - 127
    m = lax.bitcast_convert_type((bits & 0x007FFFFF) | 0x3F800000,
                                 jnp.float32)
    r = (m - 1.0) / (m + 1.0)
    r2 = r * r
    lnm = r * (2.0 + r2 * (2.0 / 3.0 + r2 * (2.0 / 5.0 + r2 * (2.0 / 7.0))))
    return e.astype(jnp.float32) * _LN2 + lnm


def _make_sc_kernel(n):
    nw = _NC * _NS
    b_per_w = n // nw
    c_per_s = n // _NS
    mesh = plsc.VectorSubcoreMesh(core_axis_name="c", subcore_axis_name="s")
    inv_n = 1.0 / n

    @functools.partial(
        pl.kernel, mesh=mesh,
        out_type=(
            jax.ShapeDtypeStruct((n, _EMBED_DIM), jnp.float32),
            jax.ShapeDtypeStruct((16,), jnp.float32),
        ),
        compiler_params=pltpu.CompilerParams(use_tc_tiling_on_sc=False,
                                             needs_layout_passes=False),
        scratch_types=[
            pltpu.VMEM((b_per_w,), jnp.int32),
            pltpu.VMEM((b_per_w, _EMBED_DIM), jnp.float32),
            pltpu.VMEM((c_per_s,), jnp.int32),
            pltpu.VMEM((c_per_s,), jnp.float32),
            pltpu.VMEM((_N_CLUSTERS,), jnp.float32),
            pltpu.VMEM_SHARED((_N_CLUSTERS,), jnp.float32),
            pltpu.VMEM((16,), jnp.float32),
            pltpu.SemaphoreType.DMA,
        ],
    )
    def _sc(cb_hbm, idx_hbm, out_hbm, perp_hbm,
            idx_v, rows_v, cnt1d_v, ones2_v, cnt_v, counts_sh, pv_v, sem):
        cid = lax.axis_index("c")
        sid = lax.axis_index("s")
        wid = sid * _NC + cid

        pltpu.sync_copy(idx_hbm.at[pl.ds(sid * c_per_s, c_per_s)], cnt1d_v)
        for j in range(c_per_s // 16):
            ones2_v[pl.ds(j * 16, 16)] = jnp.full((16,), 1.0, jnp.float32)

        @pl.when(sid == 0)
        def _zero():
            for j in range(_N_CLUSTERS // 16):
                cnt_v[pl.ds(j * 16, 16)] = jnp.zeros((16,), jnp.float32)
            pltpu.sync_copy(cnt_v, counts_sh)

        base = wid * b_per_w
        pltpu.sync_copy(idx_hbm.at[pl.ds(base, b_per_w)], idx_v)
        pltpu.async_copy(cb_hbm.at[idx_v], rows_v, sem).wait()
        pltpu.sync_copy(rows_v, out_hbm.at[pl.ds(base, b_per_w)])

        plsc.subcore_barrier()
        pltpu.sync_copy(ones2_v, counts_sh.at[cnt1d_v], add=True)
        plsc.subcore_barrier()

        @pl.when((sid == 0) & (cid == 0))
        def _fin():
            pltpu.sync_copy(counts_sh, cnt_v)
            acc = jnp.zeros((16,), jnp.float32)
            for j in range(_N_CLUSTERS // 16):
                cnt = cnt_v[pl.ds(j * 16, 16)]
                p = cnt * inv_n
                acc = acc + p * _ln(p + _EPS)
            ent = jnp.sum(acc)
            pv_v[...] = jnp.exp(jnp.full((16,), -ent, jnp.float32))
            pltpu.sync_copy(pv_v, perp_hbm)

    return _sc


def kernel(z, codebook):
    B, V, P, D = z.shape
    z_flat = z.reshape(-1, D)
    n = z_flat.shape[0]
    nblk = n // _BLOCK
    z2_row = jnp.sum(z_flat ** 2, axis=-1)[None, :]
    e2_col = jnp.sum(codebook ** 2, axis=-1)[:, None]

    idx3, ssum = _vq_pallas(z_flat, codebook, z2_row, e2_col, nblk, 0)
    zq, perp = _make_sc_kernel(n)(codebook, idx3.reshape(-1))

    loss = ssum[0, 0] / jnp.float32(n * _EMBED_DIM)
    cluster = loss + _BETA * loss
    return (
        zq.reshape(B, V, P, D),
        loss,
        loss,
        cluster,
        perp[0],
        idx3.reshape(B, V, P),
    )

# --- scband reference (transcript-rebuilt; emitter-appended) ---
"""Pipeline reference for scband-cluster-quantizer-26886495273681 (READ-ONLY COPY).

The authoritative reference and input builder live on the scoring server;
editing this copy changes nothing except your own understanding.
"""

import jax, jax.numpy as jnp
import numpy as np

N_CLUSTERS = 1024
EMBED_DIM = 32
BETA = 0.25
EPS = 1e-05


def setup_inputs(seed: int = 0) -> dict:
    key = jax.random.key(seed)
    k1, k2 = jax.random.split(key)
    z = jax.random.normal(k1, (8, 4, 1024, 32), dtype=jnp.float32)
    bound = 1.0 / N_CLUSTERS
    codebook = jax.random.uniform(k2, (N_CLUSTERS, EMBED_DIM), dtype=jnp.float32,
                                  minval=-bound, maxval=bound)
    return {"z": z, "codebook": codebook}


def reference(z, codebook):
    B, V, P, D = z.shape
    K = codebook.shape[0]
    z2 = jnp.sum(z ** 2, axis=-1, keepdims=True)
    e2 = jnp.sum(codebook ** 2, axis=-1)
    z_e = jnp.einsum('bvpd,kd->bvpk', z, codebook)
    dist = z2 + e2.reshape(1, 1, 1, K) - 2.0 * z_e
    indices = jnp.argmin(dist, axis=-1)
    z_q = jnp.take(codebook, indices, axis=0)
    z_q_st = z + jax.lax.stop_gradient(z_q - z)
    z_flat = z.reshape(-1, D)
    zq_flat = z_q.reshape(-1, D)
    codebook_loss = jnp.mean((zq_flat - jax.lax.stop_gradient(z_flat)) ** 2)
    commitment_loss = jnp.mean((z_flat - jax.lax.stop_gradient(zq_flat)) ** 2)
    cluster_loss = codebook_loss + BETA * commitment_loss
    counts = jnp.bincount(indices.reshape(-1), length=K).astype(jnp.float32)
    probs = counts / (counts.sum() + EPS)
    perplexity = jnp.exp(-jnp.sum(probs * jnp.log(probs + EPS)))
    return (z_q_st, commitment_loss, codebook_loss, cluster_loss, perplexity, indices)

if __name__ == "__main__":
    import jax
    _d = setup_inputs()
    print(jax.jit(kernel)(*tuple(_d.values())))

</pallas_src>

<mosaic_0001>
#map = affine_map<(d0, d1) -> (0, 0)>
#map1 = affine_map<(d0, d1) -> (0)>
module attributes {stable_mosaic.version = 14 : i64} {
  func.func @_sc(%arg0: i32, %arg1: i32, %arg2: memref<1024x32xf32, #tpu.memory_space<hbm>>, %arg3: memref<32768xi32, #tpu.memory_space<hbm>>, %arg4: memref<32768x32xf32, #tpu.memory_space<hbm>>, %arg5: memref<16xf32, #tpu.memory_space<hbm>>, %arg6: memref<1024xi32, #tpu.memory_space<vmem>>, %arg7: memref<1024x32xf32, #tpu.memory_space<vmem>>, %arg8: memref<2048xi32, #tpu.memory_space<vmem>>, %arg9: memref<2048xf32, #tpu.memory_space<vmem>>, %arg10: memref<1024xf32, #tpu.memory_space<vmem>>, %arg11: memref<1024xf32, #tpu.memory_space<vmem_shared>>, %arg12: memref<16xf32, #tpu.memory_space<vmem>>, %arg13: memref<!tpu.dma_semaphore, #tpu.memory_space<semaphore_mem>>) attributes {dimension_semantics = [#tpu.dimension_semantics<core_parallel>, #tpu.dimension_semantics<subcore_parallel>], iteration_bounds = array<i64: 2, 16>, scalar_prefetch = 0 : i64, scratch_operands = 8 : i64, tpu.core_type = #tpu.core_type<sc_vector_subcore>, window_params = [{transform_indices = #map}, {transform_indices = #map1}, {transform_indices = #map}, {transform_indices = #map1}]} {
    %mul3A = arith.constant 2 : i32
    %mul3A_0 = arith.muli %arg1, %mul3A : i32
    %add3A = arith.addi %mul3A_0, %arg0 : i32
    %mul3A_1 = arith.constant 2048 : i32
    %mul3A_2 = arith.muli %arg1, %mul3A_1 : i32
    "tpu.region"() ({
      %run_scoped3A = tpu.sem_alloc : memref<!tpu.dma_semaphore, #tpu.memory_space<semaphore_mem>>
      %dma_start3A_529 = tpu.memref_slice %arg3[%mul3A_2] : memref<32768xi32, #tpu.memory_space<hbm>> -> memref<2048xi32, #tpu.memory_space<hbm>>
      %dma_start3A_530 = tpu.memref_slice %arg3[%mul3A_2] : memref<32768xi32, #tpu.memory_space<hbm>> -> memref<2048xi32, #tpu.memory_space<hbm>>
      tpu.enqueue_dma source(%dma_start3A_530 : memref<2048xi32, #tpu.memory_space<hbm>>) target(%arg8 : memref<2048xi32, #tpu.memory_space<vmem>>) target_semaphore(%run_scoped3A : memref<!tpu.dma_semaphore, #tpu.memory_space<semaphore_mem>>)
      %dma_wait3A_531 = tpu.memref_slice %arg3[%mul3A_2] : memref<32768xi32, #tpu.memory_space<hbm>> -> memref<2048xi32, #tpu.memory_space<hbm>>
      %dma_wait3A_532 = tpu.memref_slice %arg3[%mul3A_2] : memref<32768xi32, #tpu.memory_space<hbm>> -> memref<2048xi32, #tpu.memory_space<hbm>>
      tpu.wait_dma2 semaphore(%run_scoped3A : memref<!tpu.dma_semaphore, #tpu.memory_space<semaphore_mem>>) src(%dma_wait3A_532 : memref<2048xi32, #tpu.memory_space<hbm>>) dst(%arg8 : memref<2048xi32, #tpu.memory_space<vmem>>)
      tpu.yield
    }) : () -> ()
    %broadcast_in_dim3A = arith.constant 1.000000e+00 : f32
    %broadcast_in_dim3A_3 = vector.broadcast %broadcast_in_dim3A : f32 to vector<16xf32>
    %swap3A = arith.constant 0 : index
    %swap3A_4 = tpu.vector_load %arg9[%swap3A] {strides = array<i32>} : memref<2048xf32, #tpu.memory_space<vmem>>, vector<16xf32>,
    tpu.vector_store %arg9[%swap3A], %broadcast_in_dim3A_3 {strides = array<i32>} : memref<2048xf32, #tpu.memory_space<vmem>>, vector<16xf32>,
    %broadcast_in_dim3A_5 = arith.constant 1.000000e+00 : f32
    %broadcast_in_dim3A_6 = vector.broadcast %broadcast_in_dim3A_5 : f32 to vector<16xf32>
    %swap3A_7 = arith.constant 16 : index
    %swap3A_8 = tpu.vector_load %arg9[%swap3A_7] {strides = array<i32>} : memref<2048xf32, #tpu.memory_space<vmem>>, vector<16xf32>,
    tpu.vector_store %arg9[%swap3A_7], %broadcast_in_dim3A_6 {strides = array<i32>} : memref<2048xf32, #tpu.memory_space<vmem>>, vector<16xf32>,
    %broadcast_in_dim3A_9 = arith.constant 1.000000e+00 : f32
    %broadcast_in_dim3A_10 = vector.broadcast %broadcast_in_dim3A_9 : f32 to vector<16xf32>
    %swap3A_11 = arith.constant 32 : index
    %swap3A_12 = tpu.vector_load %arg9[%swap3A_11] {strides = array<i32>} : memref<2048xf32, #tpu.memory_space<vmem>>, vector<16xf32>,
    tpu.vector_store %arg9[%swap3A_11], %broadcast_in_dim3A_10 {strides = array<i32>} : memref<2048xf32, #tpu.memory_space<vmem>>, vector<16xf32>,
    %broadcast_in_dim3A_13 = arith.constant 1.000000e+00 : f32
    %broadcast_in_dim3A_14 = vector.broadcast %broadcast_in_dim3A_13 : f32 to vector<16xf32>
    %swap3A_15 = arith.constant 48 : index
    %swap3A_16 = tpu.vector_load %arg9[%swap3A_15] {strides = array<i32>} : memref<2048xf32, #tpu.memory_space<vmem>>, vector<16xf32>,
    tpu.vector_store %arg9[%swap3A_15], %broadcast_in_dim3A_14 {strides = array<i32>} : memref<2048xf32, #tpu.memory_space<vmem>>, vector<16xf32>,
    %broadcast_in_dim3A_17 = arith.constant 1.000000e+00 : f32
    %broadcast_in_dim3A_18 = vector.broadcast %broadcast_in_dim3A_17 : f32 to vector<16xf32>
    %swap3A_19 = arith.constant 64 : index
    %swap3A_20 = tpu.vector_load %arg9[%swap3A_19] {strides = array<i32>} : memref<2048xf32, #tpu.memory_space<vmem>>, vector<16xf32>,
    tpu.vector_store %arg9[%swap3A_19], %broadcast_in_dim3A_18 {strides = array<i32>} : memref<2048xf32, #tpu.memory_space<vmem>>, vector<16xf32>,
    %broadcast_in_dim3A_21 = arith.constant 1.000000e+00 : f32
    %broadcast_in_dim3A_22 = vector.broadcast %broadcast_in_dim3A_21 : f32 to vector<16xf32>
    %swap3A_23 = arith.constant 80 : index
    %swap3A_24 = tpu.vector_load %arg9[%swap3A_23] {strides = array<i32>} : memref<2048xf32, #tpu.memory_space<vmem>>, vector<16xf32>,
    tpu.vector_store %arg9[%swap3A_23], %broadcast_in_dim3A_22 {strides = array<i32>} : memref<2048xf32, #tpu.memory_space<vmem>>, vector<16xf32>,
    %broadcast_in_dim3A_25 = arith.constant 1.000000e+00 : f32
    %broadcast_in_dim3A_26 = vector.broadcast %broadcast_in_dim3A_25 : f32 to vector<16xf32>
    %swap3A_27 = arith.constant 96 : index
    %swap3A_28 = tpu.vector_load %arg9[%swap3A_27] {strides = array<i32>} : memref<2048xf32, #tpu.memory_space<vmem>>, vector<16xf32>,
    tpu.vector_store %arg9[%swap3A_27], %broadcast_in_dim3A_26 {strides = array<i32>} : memref<2048xf32, #tpu.memory_space<vmem>>, vector<16xf32>,
    %broadcast_in_dim3A_29 = arith.constant 1.000000e+00 : f32
    %broadcast_in_dim3A_30 = vector.broadcast %broadcast_in_dim3A_29 : f32 to vector<16xf32>
    %swap3A_31 = arith.constant 112 : index
    %swap3A_32 = tpu.vector_load %arg9[%swap3A_31] {strides = array<i32>} : memref<2048xf32, #tpu.memory_space<vmem>>, vector<16xf32>,
    tpu.vector_store %arg9[%swap3A_31], %broadcast_in_dim3A_30 {strides = array<i32>} : memref<2048xf32, #tpu.memory_space<vmem>>, vector<16xf32>,
    %broadcast_in_dim3A_33 = arith.constant 1.000000e+00 : f32
    %broadcast_in_dim3A_34 = vector.broadcast %broadcast_in_dim3A_33 : f32 to vector<16xf32>
    %swap3A_35 = arith.constant 128 : index
    %swap3A_36 = tpu.vector_load %arg9[%swap3A_35] {strides = array<i32>} : memref<2048xf32, #tpu.memory_space<vmem>>, vector<16xf32>,
    tpu.vector_store %arg9[%swap3A_35], %broadcast_in_dim3A_34 {strides = array<i32>} : memref<2048xf32, #tpu.memory_space<vmem>>, vector<16xf32>,
    %broadcast_in_dim3A_37 = arith.constant 1.000000e+00 : f32
    %broadcast_in_dim3A_38 = vector.broadcast %broadcast_in_dim3A_37 : f32 to vector<16xf32>
    %swap3A_39 = arith.constant 144 : index
    %swap3A_40 = tpu.vector_load %arg9[%swap3A_39] {strides = array<i32>} : memref<2048xf32, #tpu.memory_space<vmem>>, vector<16xf32>,
    tpu.vector_store %arg9[%swap3A_39], %broadcast_in_dim3A_38 {strides = array<i32>} : memref<2048xf32, #tpu.memory_space<vmem>>, vector<16xf32>,
    %broadcast_in_dim3A_41 = arith.constant 1.000000e+00 : f32
    %broadcast_in_dim3A_42 = vector.broadcast %broadcast_in_dim3A_41 : f32 to vector<16xf32>
    %swap3A_43 = arith.constant 160 : index
    %swap3A_44 = tpu.vector_load %arg9[%swap3A_43] {strides = array<i32>} : memref<2048xf32, #tpu.memory_space<vmem>>, vector<16xf32>,
    tpu.vector_store %arg9[%swap3A_43], %broadcast_in_dim3A_42 {strides = array<i32>} : memref<2048xf32, #tpu.memory_space<vmem>>, vector<16xf32>,
    %broadcast_in_dim3A_45 = arith.constant 1.000000e+00 : f32
    %broadcast_in_dim3A_46 = vector.broadcast %broadcast_in_dim3A_45 : f32 to vector<16xf32>
    %swap3A_47 = arith.constant 176 : index
    %swap3A_48 = tpu.vector_load %arg9[%swap3A_47] {strides = array<i32>} : memref<2048xf32, #tpu.memory_space<vmem>>, vector<16xf32>,
    tpu.vector_store %arg9[%swap3A_47], %broadcast_in_dim3A_46 {strides = array<i32>} : memref<2048xf32, #tpu.memory_space<vmem>>, vector<16xf32>,
    %broadcast_in_dim3A_49 = arith.constant 1.000000e+00 : f32
    %broadcast_in_dim3A_50 = vector.broadcast %broadcast_in_dim3A_49 : f32 to vector<16xf32>
    %swap3A_51 = arith.constant 192 : index
    %swap3A_52 = tpu.vector_load %arg9[%swap3A_51] {strides = array<i32>} : memref<2048xf32, #tpu.memory_space<vmem>>, vector<16xf32>,
    tpu.vector_store %arg9[%swap3A_51], %broadcast_in_dim3A_50 {strides = array<i32>} : memref<2048xf32, #tpu.memory_space<vmem>>, vector<16xf32>,
    %broadcast_in_dim3A_53 = arith.constant 1.000000e+00 : f32
    %broadcast_in_dim3A_54 = vector.broadcast %broadcast_in_dim3A_53 : f32 to vector<16xf32>
    %swap3A_55 = arith.constant 208 : index
    %swap3A_56 = tpu.vector_load %arg9[%swap3A_55] {strides = array<i32>} : memref<2048xf32, #tpu.memory_space<vmem>>, vector<16xf32>,
    tpu.vector_store %arg9[%swap3A_55], %broadcast_in_dim3A_54 {strides = array<i32>} : memref<2048xf32, #tpu.memory_space<vmem>>, vector<16xf32>,
    %broadcast_in_dim3A_57 = arith.constant 1.000000e+00 : f32
    %broadcast_in_dim3A_58 = vector.broadcast %broadcast_in_dim3A_57 : f32 to vector<16xf32>
    %swap3A_59 = arith.constant 224 : index
    %swap3A_60 = tpu.vector_load %arg9[%swap3A_59] {strides = array<i32>} : memref<2048xf32, #tpu.memory_space<vmem>>, vector<16xf32>,
    tpu.vector_store %arg9[%swap3A_59], %broadcast_in_dim3A_58 {strides = array<i32>} : memref<2048xf32, #tpu.memory_space<vmem>>, vector<16xf32>,
    %broadcast_in_dim3A_61 = arith.constant 1.000000e+00 : f32
    %broadcast_in_dim3A_62 = vector.broadcast %broadcast_in_dim3A_61 : f32 to vector<16xf32>
    %swap3A_63 = arith.constant 240 : index
    %swap3A_64 = tpu.vector_load %arg9[%swap3A_63] {strides = array<i32>} : memref<2048xf32, #tpu.memory_space<vmem>>, vector<16xf32>,
    tpu.vector_store %arg9[%swap3A_63], %broadcast_in_dim3A_62 {strides = array<i32>} : memref<2048xf32, #tpu.memory_space<vmem>>, vector<16xf32>,
    %broadcast_in_dim3A_65 = arith.constant 1.000000e+00 : f32
    %broadcast_in_dim3A_66 = vector.broadcast %broadcast_in_dim3A_65 : f32 to vector<16xf32>
    %swap3A_67 = arith.constant 256 : index
    %swap3A_68 = tpu.vector_load %arg9[%swap3A_67] {strides = array<i32>} : memref<2048xf32, #tpu.memory_space<vmem>>, vector<16xf32>,
    tpu.vector_store %arg9[%swap3A_67], %broadcast_in_dim3A_66 {strides = array<i32>} : memref<2048xf32, #tpu.memory_space<vmem>>, vector<16xf32>,
    %broadcast_in_dim3A_69 = arith.constant 1.000000e+00 : f32
    %broadcast_in_dim3A_70 = vector.broadcast %broadcast_in_dim3A_69 : f32 to vector<16xf32>
    %swap3A_71 = arith.constant 272 : index
    %swap3A_72 = tpu.vector_load %arg9[%swap3A_71] {strides = array<i32>} : memref<2048xf32, #tpu.memory_space<vmem>>, vector<16xf32>,
    tpu.vector_store %arg9[%swap3A_71], %broadcast_in_dim3A_70 {strides = array<i32>} : memref<2048xf32, #tpu.memory_space<vmem>>, vector<16xf32>,
    %broadcast_in_dim3A_73 = arith.constant 1.000000e+00 : f32
    %broadcast_in_dim3A_74 = vector.broadcast %broadcast_in_dim3A_73 : f32 to vector<16xf32>
    %swap3A_75 = arith.constant 288 : index
    %swap3A_76 = tpu.vector_load %arg9[%swap3A_75] {strides = array<i32>} : memref<2048xf32, #tpu.memory_space<vmem>>, vector<16xf32>,
    tpu.vector_store %arg9[%swap3A_75], %broadcast_in_dim3A_74 {strides = array<i32>} : memref<2048xf32, #tpu.memory_space<vmem>>, vector<16xf32>,
    %broadcast_in_dim3A_77 = arith.constant 1.000000e+00 : f32
    %broadcast_in_dim3A_78 = vector.broadcast %broadcast_in_dim3A_77 : f32 to vector<16xf32>
    %swap3A_79 = arith.constant 304 : index
    %swap3A_80 = tpu.vector_load %arg9[%swap3A_79] {strides = array<i32>} : memref<2048xf32, #tpu.memory_space<vmem>>, vector<16xf32>,
    tpu.vector_store %arg9[%swap3A_79], %broadcast_in_dim3A_78 {strides = array<i32>} : memref<2048xf32, #tpu.memory_space<vmem>>, vector<16xf32>,
    %broadcast_in_dim3A_81 = arith.constant 1.000000e+00 : f32
    %broadcast_in_dim3A_82 = vector.broadcast %broadcast_in_dim3A_81 : f32 to vector<16xf32>
    %swap3A_83 = arith.constant 320 : index
    %swap3A_84 = tpu.vector_load %arg9[%swap3A_83] {strides = array<i32>} : memref<2048xf32, #tpu.memory_space<vmem>>, vector<16xf32>,
    tpu.vector_store %arg9[%swap3A_83], %broadcast_in_dim3A_82 {strides = array<i32>} : memref<2048xf32, #tpu.memory_space<vmem>>, vector<16xf32>,
    %broadcast_in_dim3A_85 = arith.constant 1.000000e+00 : f32
    %broadcast_in_dim3A_86 = vector.broadcast %broadcast_in_dim3A_85 : f32 to vector<16xf32>
    %swap3A_87 = arith.constant 336 : index
    %swap3A_88 = tpu.vector_load %arg9[%swap3A_87] {strides = array<i32>} : memref<2048xf32, #tpu.memory_space<vmem>>, vector<16xf32>,
    tpu.vector_store %arg9[%swap3A_87], %broadcast_in_dim3A_86 {strides = array<i32>} : memref<2048xf32, #tpu.memory_space<vmem>>, vector<16xf32>,
    %broadcast_in_dim3A_89 = arith.constant 1.000000e+00 : f32
    %broadcast_in_dim3A_90 = vector.broadcast %broadcast_in_dim3A_89 : f32 to vector<16xf32>
    %swap3A_91 = arith.constant 352 : index
    %swap3A_92 = tpu.vector_load %arg9[%swap3A_91] {strides = array<i32>} : memref<2048xf32, #tpu.memory_space<vmem>>, vector<16xf32>,
    tpu.vector_store %arg9[%swap3A_91], %broadcast_in_dim3A_90 {strides = array<i32>} : memref<2048xf32, #tpu.memory_space<vmem>>, vector<16xf32>,
    %broadcast_in_dim3A_93 = arith.constant 1.000000e+00 : f32
    %broadcast_in_dim3A_94 = vector.broadcast %broadcast_in_dim3A_93 : f32 to vector<16xf32>
    %swap3A_95 = arith.constant 368 : index
    %swap3A_96 = tpu.vector_load %arg9[%swap3A_95] {strides = array<i32>} : memref<2048xf32, #tpu.memory_space<vmem>>, vector<16xf32>,
    tpu.vector_store %arg9[%swap3A_95], %broadcast_in_dim3A_94 {strides = array<i32>} : memref<2048xf32, #tpu.memory_space<vmem>>, vector<16xf32>,
    %broadcast_in_dim3A_97 = arith.constant 1.000000e+00 : f32
    %broadcast_in_dim3A_98 = vector.broadcast %broadcast_in_dim3A_97 : f32 to vector<16xf32>
    %swap3A_99 = arith.constant 384 : index
    %swap3A_100 = tpu.vector_load %arg9[%swap3A_99] {strides = array<i32>} : memref<2048xf32, #tpu.memory_space<vmem>>, vector<16xf32>,
    tpu.vector_store %arg9[%swap3A_99], %broadcast_in_dim3A_98 {strides = array<i32>} : memref<2048xf32, #tpu.memory_space<vmem>>, vector<16xf32>,
    %broadcast_in_dim3A_101 = arith.constant 1.000000e+00 : f32
    %broadcast_in_dim3A_102 = vector.broadcast %broadcast_in_dim3A_101 : f32 to vector<16xf32>
    %swap3A_103 = arith.constant 400 : index
    %swap3A_104 = tpu.vector_load %arg9[%swap3A_103] {strides = array<i32>} : memref<2048xf32, #tpu.memory_space<vmem>>, vector<16xf32>,
    tpu.vector_store %arg9[%swap3A_103], %broadcast_in_dim3A_102 {strides = array<i32>} : memref<2048xf32, #tpu.memory_space<vmem>>, vector<16xf32>,
    %broadcast_in_dim3A_105 = arith.constant 1.000000e+00 : f32
    %broadcast_in_dim3A_106 = vector.broadcast %broadcast_in_dim3A_105 : f32 to vector<16xf32>
    %swap3A_107 = arith.constant 416 : index
    %swap3A_108 = tpu.vector_load %arg9[%swap3A_107] {strides = array<i32>} : memref<2048xf32, #tpu.memory_space<vmem>>, vector<16xf32>,
    tpu.vector_store %arg9[%swap3A_107], %broadcast_in_dim3A_106 {strides = array<i32>} : memref<2048xf32, #tpu.memory_space<vmem>>, vector<16xf32>,
    %broadcast_in_dim3A_109 = arith.constant 1.000000e+00 : f32
    %broadcast_in_dim3A_110 = vector.broadcast %broadcast_in_dim3A_109 : f32 to vector<16xf32>
    %swap3A_111 = arith.constant 432 : index
    %swap3A_112 = tpu.vector_load %arg9[%swap3A_111] {strides = array<i32>} : memref<2048xf32, #tpu.memory_space<vmem>>, vector<16xf32>,
    tpu.vector_store %arg9[%swap3A_111], %broadcast_in_dim3A_110 {strides = array<i32>} : memref<2048xf32, #tpu.memory_space<vmem>>, vector<16xf32>,
    %broadcast_in_dim3A_113 = arith.constant 1.000000e+00 : f32
    %broadcast_in_dim3A_114 = vector.broadcast %broadcast_in_dim3A_113 : f32 to vector<16xf32>
    %swap3A_115 = arith.constant 448 : index
    %swap3A_116 = tpu.vector_load %arg9[%swap3A_115] {strides = array<i32>} : memref<2048xf32, #tpu.memory_space<vmem>>, vector<16xf32>,
    tpu.vector_store %arg9[%swap3A_115], %broadcast_in_dim3A_114 {strides = array<i32>} : memref<2048xf32, #tpu.memory_space<vmem>>, vector<16xf32>,
    %broadcast_in_dim3A_117 = arith.constant 1.000000e+00 : f32
    %broadcast_in_dim3A_118 = vector.broadcast %broadcast_in_dim3A_117 : f32 to vector<16xf32>
    %swap3A_119 = arith.constant 464 : index
    %swap3A_120 = tpu.vector_load %arg9[%swap3A_119] {strides = array<i32>} : memref<2048xf32, #tpu.memory_space<vmem>>, vector<16xf32>,
    tpu.vector_store %arg9[%swap3A_119], %broadcast_in_dim3A_118 {strides = array<i32>} : memref<2048xf32, #tpu.memory_space<vmem>>, vector<16xf32>,
    %broadcast_in_dim3A_121 = arith.constant 1.000000e+00 : f32
    %broadcast_in_dim3A_122 = vector.broadcast %broadcast_in_dim3A_121 : f32 to vector<16xf32>
    %swap3A_123 = arith.constant 480 : index
    %swap3A_124 = tpu.vector_load %arg9[%swap3A_123] {strides = array<i32>} : memref<2048xf32, #tpu.memory_space<vmem>>, vector<16xf32>,
    tpu.vector_store %arg9[%swap3A_123], %broadcast_in_dim3A_122 {strides = array<i32>} : memref<2048xf32, #tpu.memory_space<vmem>>, vector<16xf32>,
    %broadcast_in_dim3A_125 = arith.constant 1.000000e+00 : f32
    %broadcast_in_dim3A_126 = vector.broadcast %broadcast_in_dim3A_125 : f32 to vector<16xf32>
    %swap3A_127 = arith.constant 496 : index
    %swap3A_128 = tpu.vector_load %arg9[%swap3A_127] {strides = array<i32>} : memref<2048xf32, #tpu.memory_space<vmem>>, vector<16xf32>,
    tpu.vector_store %arg9[%swap3A_127], %broadcast_in_dim3A_126 {strides = array<i32>} : memref<2048xf32, #tpu.memory_space<vmem>>, vector<16xf32>,
    %broadcast_in_dim3A_129 = arith.constant 1.000000e+00 : f32
    %broadcast_in_dim3A_130 = vector.broadcast %broadcast_in_dim3A_129 : f32 to vector<16xf32>
    %swap3A_131 = arith.constant 512 : index
    %swap3A_132 = tpu.vector_load %arg9[%swap3A_131] {strides = array<i32>} : memref<2048xf32, #tpu.memory_space<vmem>>, vector<16xf32>,
    tpu.vector_store %arg9[%swap3A_131], %broadcast_in_dim3A_130 {strides = array<i32>} : memref<2048xf32, #tpu.memory_space<vmem>>, vector<16xf32>,
    %broadcast_in_dim3A_133 = arith.constant 1.000000e+00 : f32
    %broadcast_in_dim3A_134 = vector.broadcast %broadcast_in_dim3A_133 : f32 to vector<16xf32>
    %swap3A_135 = arith.constant 528 : index
    %swap3A_136 = tpu.vector_load %arg9[%swap3A_135] {strides = array<i32>} : memref<2048xf32, #tpu.memory_space<vmem>>, vector<16xf32>,
    tpu.vector_store %arg9[%swap3A_135], %broadcast_in_dim3A_134 {strides = array<i32>} : memref<2048xf32, #tpu.memory_space<vmem>>, vector<16xf32>,
    %broadcast_in_dim3A_137 = arith.constant 1.000000e+00 : f32
    %broadcast_in_dim3A_138 = vector.broadcast %broadcast_in_dim3A_137 : f32 to vector<16xf32>
    %swap3A_139 = arith.constant 544 : index
    %swap3A_140 = tpu.vector_load %arg9[%swap3A_139] {strides = array<i32>} : memref<2048xf32, #tpu.memory_space<vmem>>, vector<16xf32>,
    tpu.vector_store %arg9[%swap3A_139], %broadcast_in_dim3A_138 {strides = array<i32>} : memref<2048xf32, #tpu.memory_space<vmem>>, vector<16xf32>,
    %broadcast_in_dim3A_141 = arith.constant 1.000000e+00 : f32
    %broadcast_in_dim3A_142 = vector.broadcast %broadcast_in_dim3A_141 : f32 to vector<16xf32>
    %swap3A_143 = arith.constant 560 : index
    %swap3A_144 = tpu.vector_load %arg9[%swap3A_143] {strides = array<i32>} : memref<2048xf32, #tpu.memory_space<vmem>>, vector<16xf32>,
    tpu.vector_store %arg9[%swap3A_143], %broadcast_in_dim3A_142 {strides = array<i32>} : memref<2048xf32, #tpu.memory_space<vmem>>, vector<16xf32>,
    %broadcast_in_dim3A_145 = arith.constant 1.000000e+00 : f32
    %broadcast_in_dim3A_146 = vector.broadcast %broadcast_in_dim3A_145 : f32 to vector<16xf32>
    %swap3A_147 = arith.constant 576 : index
    %swap3A_148 = tpu.vector_load %arg9[%swap3A_147] {strides = array<i32>} : memref<2048xf32, #tpu.memory_space<vmem>>, vector<16xf32>,
    tpu.vector_store %arg9[%swap3A_147], %broadcast_in_dim3A_146 {strides = array<i32>} : memref<2048xf32, #tpu.memory_space<vmem>>, vector<16xf32>,
    %broadcast_in_dim3A_149 = arith.constant 1.000000e+00 : f32
    %broadcast_in_dim3A_150 = vector.broadcast %broadcast_in_dim3A_149 : f32 to vector<16xf32>
    %swap3A_151 = arith.constant 592 : index
    %swap3A_152 = tpu.vector_load %arg9[%swap3A_151] {strides = array<i32>} : memref<2048xf32, #tpu.memory_space<vmem>>, vector<16xf32>,
    tpu.vector_store %arg9[%swap3A_151], %broadcast_in_dim3A_150 {strides = array<i32>} : memref<2048xf32, #tpu.memory_space<vmem>>, vector<16xf32>,
    %broadcast_in_dim3A_153 = arith.constant 1.000000e+00 : f32
    %broadcast_in_dim3A_154 = vector.broadcast %broadcast_in_dim3A_153 : f32 to vector<16xf32>
    %swap3A_155 = arith.constant 608 : index
    %swap3A_156 = tpu.vector_load %arg9[%swap3A_155] {strides = array<i32>} : memref<2048xf32, #tpu.memory_space<vmem>>, vector<16xf32>,
    tpu.vector_store %arg9[%swap3A_155], %broadcast_in_dim3A_154 {strides = array<i32>} : memref<2048xf32, #tpu.memory_space<vmem>>, vector<16xf32>,
    %broadcast_in_dim3A_157 = arith.constant 1.000000e+00 : f32
    %broadcast_in_dim3A_158 = vector.broadcast %broadcast_in_dim3A_157 : f32 to vector<16xf32>
    %swap3A_159 = arith.constant 624 : index
    %swap3A_160 = tpu.vector_load %arg9[%swap3A_159] {strides = array<i32>} : memref<2048xf32, #tpu.memory_space<vmem>>, vector<16xf32>,
    tpu.vector_store %arg9[%swap3A_159], %broadcast_in_dim3A_158 {strides = array<i32>} : memref<2048xf32, #tpu.memory_space<vmem>>, vector<16xf32>,
    %broadcast_in_dim3A_161 = arith.constant 1.000000e+00 : f32
    %broadcast_in_dim3A_162 = vector.broadcast %broadcast_in_dim3A_161 : f32 to vector<16xf32>
    %swap3A_163 = arith.constant 640 : index
    %swap3A_164 = tpu.vector_load %arg9[%swap3A_163] {strides = array<i32>} : memref<2048xf32, #tpu.memory_space<vmem>>, vector<16xf32>,
    tpu.vector_store %arg9[%swap3A_163], %broadcast_in_dim3A_162 {strides = array<i32>} : memref<2048xf32, #tpu.memory_space<vmem>>, vector<16xf32>,
    %broadcast_in_dim3A_165 = arith.constant 1.000000e+00 : f32
    %broadcast_in_dim3A_166 = vector.broadcast %broadcast_in_dim3A_165 : f32 to vector<16xf32>
    %swap3A_167 = arith.constant 656 : index
    %swap3A_168 = tpu.vector_load %arg9[%swap3A_167] {strides = array<i32>} : memref<2048xf32, #tpu.memory_space<vmem>>, vector<16xf32>,
    tpu.vector_store %arg9[%swap3A_167], %broadcast_in_dim3A_166 {strides = array<i32>} : memref<2048xf32, #tpu.memory_space<vmem>>, vector<16xf32>,
    %broadcast_in_dim3A_169 = arith.constant 1.000000e+00 : f32
    %broadcast_in_dim3A_170 = vector.broadcast %broadcast_in_dim3A_169 : f32 to vector<16xf32>
    %swap3A_171 = arith.constant 672 : index
    %swap3A_172 = tpu.vector_load %arg9[%swap3A_171] {strides = array<i32>} : memref<2048xf32, #tpu.memory_space<vmem>>, vector<16xf32>,
    tpu.vector_store %arg9[%swap3A_171], %broadcast_in_dim3A_170 {strides = array<i32>} : memref<2048xf32, #tpu.memory_space<vmem>>, vector<16xf32>,
    %broadcast_in_dim3A_173 = arith.constant 1.000000e+00 : f32
    %broadcast_in_dim3A_174 = vector.broadcast %broadcast_in_dim3A_173 : f32 to vector<16xf32>
    %swap3A_175 = arith.constant 688 : index
    %swap3A_176 = tpu.vector_load %arg9[%swap3A_175] {strides = array<i32>} : memref<2048xf32, #tpu.memory_space<vmem>>, vector<16xf32>,
    tpu.vector_store %arg9[%swap3A_175], %broadcast_in_dim3A_174 {strides = array<i32>} : memref<2048xf32, #tpu.memory_space<vmem>>, vector<16xf32>,
    %broadcast_in_dim3A_177 = arith.constant 1.000000e+00 : f32
    %broadcast_in_dim3A_178 = vector.broadcast %broadcast_in_dim3A_177 : f32 to vector<16xf32>
    %swap3A_179 = arith.constant 704 : index
    %swap3A_180 = tpu.vector_load %arg9[%swap3A_179] {strides = array<i32>} : memref<2048xf32, #tpu.memory_space<vmem>>, vector<16xf32>,
    tpu.vector_store %arg9[%swap3A_179], %broadcast_in_dim3A_178 {strides = array<i32>} : memref<2048xf32, #tpu.memory_space<vmem>>, vector<16xf32>,
    %broadcast_in_dim3A_181 = arith.constant 1.000000e+00 : f32
    %broadcast_in_dim3A_182 = vector.broadcast %broadcast_in_dim3A_181 : f32 to vector<16xf32>
    %swap3A_183 = arith.constant 720 : index
    %swap3A_184 = tpu.vector_load %arg9[%swap3A_183] {strides = array<i32>} : memref<2048xf32, #tpu.memory_space<vmem>>, vector<16xf32>,
    tpu.vector_store %arg9[%swap3A_183], %broadcast_in_dim3A_182 {strides = array<i32>} : memref<2048xf32, #tpu.memory_space<vmem>>, vector<16xf32>,
    %broadcast_in_dim3A_185 = arith.constant 1.000000e+00 : f32
    %broadcast_in_dim3A_186 = vector.broadcast %broadcast_in_dim3A_185 : f32 to vector<16xf32>
    %swap3A_187 = arith.constant 736 : index
    %swap3A_188 = tpu.vector_load %arg9[%swap3A_187] {strides = array<i32>} : memref<2048xf32, #tpu.memory_space<vmem>>, vector<16xf32>,
    tpu.vector_store %arg9[%swap3A_187], %broadcast_in_dim3A_186 {strides = array<i32>} : memref<2048xf32, #tpu.memory_space<vmem>>, vector<16xf32>,
    %broadcast_in_dim3A_189 = arith.constant 1.000000e+00 : f32
    %broadcast_in_dim3A_190 = vector.broadcast %broadcast_in_dim3A_189 : f32 to vector<16xf32>
    %swap3A_191 = arith.constant 752 : index
    %swap3A_192 = tpu.vector_load %arg9[%swap3A_191] {strides = array<i32>} : memref<2048xf32, #tpu.memory_space<vmem>>, vector<16xf32>,
    tpu.vector_store %arg9[%swap3A_191], %broadcast_in_dim3A_190 {strides = array<i32>} : memref<2048xf32, #tpu.memory_space<vmem>>, vector<16xf32>,
    %broadcast_in_dim3A_193 = arith.constant 1.000000e+00 : f32
    %broadcast_in_dim3A_194 = vector.broadcast %broadcast_in_dim3A_193 : f32 to vector<16xf32>
    %swap3A_195 = arith.constant 768 : index
    %swap3A_196 = tpu.vector_load %arg9[%swap3A_195] {strides = array<i32>} : memref<2048xf32, #tpu.memory_space<vmem>>, vector<16xf32>,
    tpu.vector_store %arg9[%swap3A_195], %broadcast_in_dim3A_194 {strides = array<i32>} : memref<2048xf32, #tpu.memory_space<vmem>>, vector<16xf32>,
    %broadcast_in_dim3A_197 = arith.constant 1.000000e+00 : f32
    %broadcast_in_dim3A_198 = vector.broadcast %broadcast_in_dim3A_197 : f32 to vector<16xf32>
    %swap3A_199 = arith.constant 784 : index
    %swap3A_200 = tpu.vector_load %arg9[%swap3A_199] {strides = array<i32>} : memref<2048xf32, #tpu.memory_space<vmem>>, vector<16xf32>,
    tpu.vector_store %arg9[%swap3A_199], %broadcast_in_dim3A_198 {strides = array<i32>} : memref<2048xf32, #tpu.memory_space<vmem>>, vector<16xf32>,
    %broadcast_in_dim3A_201 = arith.constant 1.000000e+00 : f32
    %broadcast_in_dim3A_202 = vector.broadcast %broadcast_in_dim3A_201 : f32 to vector<16xf32>
    %swap3A_203 = arith.constant 800 : index
    %swap3A_204 = tpu.vector_load %arg9[%swap3A_203] {strides = array<i32>} : memref<2048xf32, #tpu.memory_space<vmem>>, vector<16xf32>,
    tpu.vector_store %arg9[%swap3A_203], %broadcast_in_dim3A_202 {strides = array<i32>} : memref<2048xf32, #tpu.memory_space<vmem>>, vector<16xf32>,
    %broadcast_in_dim3A_205 = arith.constant 1.000000e+00 : f32
    %broadcast_in_dim3A_206 = vector.broadcast %broadcast_in_dim3A_205 : f32 to vector<16xf32>
    %swap3A_207 = arith.constant 816 : index
    %swap3A_208 = tpu.vector_load %arg9[%swap3A_207] {strides = array<i32>} : memref<2048xf32, #tpu.memory_space<vmem>>, vector<16xf32>,
    tpu.vector_store %arg9[%swap3A_207], %broadcast_in_dim3A_206 {strides = array<i32>} : memref<2048xf32, #tpu.memory_space<vmem>>, vector<16xf32>,
    %broadcast_in_dim3A_209 = arith.constant 1.000000e+00 : f32
    %broadcast_in_dim3A_210 = vector.broadcast %broadcast_in_dim3A_209 : f32 to vector<16xf32>
    %swap3A_211 = arith.constant 832 : index
    %swap3A_212 = tpu.vector_load %arg9[%swap3A_211] {strides = array<i32>} : memref<2048xf32, #tpu.memory_space<vmem>>, vector<16xf32>,
    tpu.vector_store %arg9[%swap3A_211], %broadcast_in_dim3A_210 {strides = array<i32>} : memref<2048xf32, #tpu.memory_space<vmem>>, vector<16xf32>,
    %broadcast_in_dim3A_213 = arith.constant 1.000000e+00 : f32
    %broadcast_in_dim3A_214 = vector.broadcast %broadcast_in_dim3A_213 : f32 to vector<16xf32>
    %swap3A_215 = arith.constant 848 : index
    %swap3A_216 = tpu.vector_load %arg9[%swap3A_215] {strides = array<i32>} : memref<2048xf32, #tpu.memory_space<vmem>>, vector<16xf32>,
    tpu.vector_store %arg9[%swap3A_215], %broadcast_in_dim3A_214 {strides = array<i32>} : memref<2048xf32, #tpu.memory_space<vmem>>, vector<16xf32>,
    %broadcast_in_dim3A_217 = arith.constant 1.000000e+00 : f32
    %broadcast_in_dim3A_218 = vector.broadcast %broadcast_in_dim3A_217 : f32 to vector<16xf32>
    %swap3A_219 = arith.constant 864 : index
    %swap3A_220 = tpu.vector_load %arg9[%swap3A_219] {strides = array<i32>} : memref<2048xf32, #tpu.memory_space<vmem>>, vector<16xf32>,
    tpu.vector_store %arg9[%swap3A_219], %broadcast_in_dim3A_218 {strides = array<i32>} : memref<2048xf32, #tpu.memory_space<vmem>>, vector<16xf32>,
    %broadcast_in_dim3A_221 = arith.constant 1.000000e+00 : f32
    %broadcast_in_dim3A_222 = vector.broadcast %broadcast_in_dim3A_221 : f32 to vector<16xf32>
    %swap3A_223 = arith.constant 880 : index
    %swap3A_224 = tpu.vector_load %arg9[%swap3A_223] {strides = array<i32>} : memref<2048xf32, #tpu.memory_space<vmem>>, vector<16xf32>,
    tpu.vector_store %arg9[%swap3A_223], %broadcast_in_dim3A_222 {strides = array<i32>} : memref<2048xf32, #tpu.memory_space<vmem>>, vector<16xf32>,
    %broadcast_in_dim3A_225 = arith.constant 1.000000e+00 : f32
    %broadcast_in_dim3A_226 = vector.broadcast %broadcast_in_dim3A_225 : f32 to vector<16xf32>
    %swap3A_227 = arith.constant 896 : index
    %swap3A_228 = tpu.vector_load %arg9[%swap3A_227] {strides = array<i32>} : memref<2048xf32, #tpu.memory_space<vmem>>, vector<16xf32>,
    tpu.vector_store %arg9[%swap3A_227], %broadcast_in_dim3A_226 {strides = array<i32>} : memref<2048xf32, #tpu.memory_space<vmem>>, vector<16xf32>,
    %broadcast_in_dim3A_229 = arith.constant 1.000000e+00 : f32
    %broadcast_in_dim3A_230 = vector.broadcast %broadcast_in_dim3A_229 : f32 to vector<16xf32>
    %swap3A_231 = arith.constant 912 : index
    %swap3A_232 = tpu.vector_load %arg9[%swap3A_231] {strides = array<i32>} : memref<2048xf32, #tpu.memory_space<vmem>>, vector<16xf32>,
    tpu.vector_store %arg9[%swap3A_231], %broadcast_in_dim3A_230 {strides = array<i32>} : memref<2048xf32, #tpu.memory_space<vmem>>, vector<16xf32>,
    %broadcast_in_dim3A_233 = arith.constant 1.000000e+00 : f32
    %broadcast_in_dim3A_234 = vector.broadcast %broadcast_in_dim3A_233 : f32 to vector<16xf32>
    %swap3A_235 = arith.constant 928 : index
    %swap3A_236 = tpu.vector_load %arg9[%swap3A_235] {strides = array<i32>} : memref<2048xf32, #tpu.memory_space<vmem>>, vector<16xf32>,
    tpu.vector_store %arg9[%swap3A_235], %broadcast_in_dim3A_234 {strides = array<i32>} : memref<2048xf32, #tpu.memory_space<vmem>>, vector<16xf32>,
    %broadcast_in_dim3A_237 = arith.constant 1.000000e+00 : f32
    %broadcast_in_dim3A_238 = vector.broadcast %broadcast_in_dim3A_237 : f32 to vector<16xf32>
    %swap3A_239 = arith.constant 944 : index
    %swap3A_240 = tpu.vector_load %arg9[%swap3A_239] {strides = array<i32>} : memref<2048xf32, #tpu.memory_space<vmem>>, vector<16xf32>,
    tpu.vector_store %arg9[%swap3A_239], %broadcast_in_dim3A_238 {strides = array<i32>} : memref<2048xf32, #tpu.memory_space<vmem>>, vector<16xf32>,
    %broadcast_in_dim3A_241 = arith.constant 1.000000e+00 : f32
    %broadcast_in_dim3A_242 = vector.broadcast %broadcast_in_dim3A_241 : f32 to vector<16xf32>
    %swap3A_243 = arith.constant 960 : index
    %swap3A_244 = tpu.vector_load %arg9[%swap3A_243] {strides = array<i32>} : memref<2048xf32, #tpu.memory_space<vmem>>, vector<16xf32>,
    tpu.vector_store %arg9[%swap3A_243], %broadcast_in_dim3A_242 {strides = array<i32>} : memref<2048xf32, #tpu.memory_space<vmem>>, vector<16xf32>,
    %broadcast_in_dim3A_245 = arith.constant 1.000000e+00 : f32
    %broadcast_in_dim3A_246 = vector.broadcast %broadcast_in_dim3A_245 : f32 to vector<16xf32>
    %swap3A_247 = arith.constant 976 : index
    %swap3A_248 = tpu.vector_load %arg9[%swap3A_247] {strides = array<i32>} : memref<2048xf32, #tpu.memory_space<vmem>>, vector<16xf32>,
    tpu.vector_store %arg9[%swap3A_247], %broadcast_in_dim3A_246 {strides = array<i32>} : memref<2048xf32, #tpu.memory_space<vmem>>, vector<16xf32>,
    %broadcast_in_dim3A_249 = arith.constant 1.000000e+00 : f32
    %broadcast_in_dim3A_250 = vector.broadcast %broadcast_in_dim3A_249 : f32 to vector<16xf32>
    %swap3A_251 = arith.constant 992 : index
    %swap3A_252 = tpu.vector_load %arg9[%swap3A_251] {strides = array<i32>} : memref<2048xf32, #tpu.memory_space<vmem>>, vector<16xf32>,
    tpu.vector_store %arg9[%swap3A_251], %broadcast_in_dim3A_250 {strides = array<i32>} : memref<2048xf32, #tpu.memory_space<vmem>>, vector<16xf32>,
    %broadcast_in_dim3A_253 = arith.constant 1.000000e+00 : f32
    %broadcast_in_dim3A_254 = vector.broadcast %broadcast_in_dim3A_253 : f32 to vector<16xf32>
    %swap3A_255 = arith.constant 1008 : index
    %swap3A_256 = tpu.vector_load %arg9[%swap3A_255] {strides = array<i32>} : memref<2048xf32, #tpu.memory_space<vmem>>, vector<16xf32>,
    tpu.vector_store %arg9[%swap3A_255], %broadcast_in_dim3A_254 {strides = array<i32>} : memref<2048xf32, #tpu.memory_space<vmem>>, vector<16xf32>,
    %broadcast_in_dim3A_257 = arith.constant 1.000000e+00 : f32
    %broadcast_in_dim3A_258 = vector.broadcast %broadcast_in_dim3A_257 : f32 to vector<16xf32>
    %swap3A_259 = arith.constant 1024 : index
    %swap3A_260 = tpu.vector_load %arg9[%swap3A_259] {strides = array<i32>} : memref<2048xf32, #tpu.memory_space<vmem>>, vector<16xf32>,
    tpu.vector_store %arg9[%swap3A_259], %broadcast_in_dim3A_258 {strides = array<i32>} : memref<2048xf32, #tpu.memory_space<vmem>>, vector<16xf32>,
    %broadcast_in_dim3A_261 = arith.constant 1.000000e+00 : f32
    %broadcast_in_dim3A_262 = vector.broadcast %broadcast_in_dim3A_261 : f32 to vector<16xf32>
    %swap3A_263 = arith.constant 1040 : index
    %swap3A_264 = tpu.vector_load %arg9[%swap3A_263] {strides = array<i32>} : memref<2048xf32, #tpu.memory_space<vmem>>, vector<16xf32>,
    tpu.vector_store %arg9[%swap3A_263], %broadcast_in_dim3A_262 {strides = array<i32>} : memref<2048xf32, #tpu.memory_space<vmem>>, vector<16xf32>,
    %broadcast_in_dim3A_265 = arith.constant 1.000000e+00 : f32
    %broadcast_in_dim3A_266 = vector.broadcast %broadcast_in_dim3A_265 : f32 to vector<16xf32>
    %swap3A_267 = arith.constant 1056 : index
    %swap3A_268 = tpu.vector_load %arg9[%swap3A_267] {strides = array<i32>} : memref<2048xf32, #tpu.memory_space<vmem>>, vector<16xf32>,
    tpu.vector_store %arg9[%swap3A_267], %broadcast_in_dim3A_266 {strides = array<i32>} : memref<2048xf32, #tpu.memory_space<vmem>>, vector<16xf32>,
    %broadcast_in_dim3A_269 = arith.constant 1.000000e+00 : f32
    %broadcast_in_dim3A_270 = vector.broadcast %broadcast_in_dim3A_269 : f32 to vector<16xf32>
    %swap3A_271 = arith.constant 1072 : index
    %swap3A_272 = tpu.vector_load %arg9[%swap3A_271] {strides = array<i32>} : memref<2048xf32, #tpu.memory_space<vmem>>, vector<16xf32>,
    tpu.vector_store %arg9[%swap3A_271], %broadcast_in_dim3A_270 {strides = array<i32>} : memref<2048xf32, #tpu.memory_space<vmem>>, vector<16xf32>,
    %broadcast_in_dim3A_273 = arith.constant 1.000000e+00 : f32
    %broadcast_in_dim3A_274 = vector.broadcast %broadcast_in_dim3A_273 : f32 to vector<16xf32>
    %swap3A_275 = arith.constant 1088 : index
    %swap3A_276 = tpu.vector_load %arg9[%swap3A_275] {strides = array<i32>} : memref<2048xf32, #tpu.memory_space<vmem>>, vector<16xf32>,
    tpu.vector_store %arg9[%swap3A_275], %broadcast_in_dim3A_274 {strides = array<i32>} : memref<2048xf32, #tpu.memory_space<vmem>>, vector<16xf32>,
    %broadcast_in_dim3A_277 = arith.constant 1.000000e+00 : f32
    %broadcast_in_dim3A_278 = vector.broadcast %broadcast_in_dim3A_277 : f32 to vector<16xf32>
    %swap3A_279 = arith.constant 1104 : index
    %swap3A_280 = tpu.vector_load %arg9[%swap3A_279] {strides = array<i32>} : memref<2048xf32, #tpu.memory_space<vmem>>, vector<16xf32>,
    tpu.vector_store %arg9[%swap3A_279], %broadcast_in_dim3A_278 {strides = array<i32>} : memref<2048xf32, #tpu.memory_space<vmem>>, vector<16xf32>,
    %broadcast_in_dim3A_281 = arith.constant 1.000000e+00 : f32
    %broadcast_in_dim3A_282 = vector.broadcast %broadcast_in_dim3A_281 : f32 to vector<16xf32>
    %swap3A_283 = arith.constant 1120 : index
    %swap3A_284 = tpu.vector_load %arg9[%swap3A_283] {strides = array<i32>} : memref<2048xf32, #tpu.memory_space<vmem>>, vector<16xf32>,
    tpu.vector_store %arg9[%swap3A_283], %broadcast_in_dim3A_282 {strides = array<i32>} : memref<2048xf32, #tpu.memory_space<vmem>>, vector<16xf32>,
    %broadcast_in_dim3A_285 = arith.constant 1.000000e+00 : f32
    %broadcast_in_dim3A_286 = vector.broadcast %broadcast_in_dim3A_285 : f32 to vector<16xf32>
    %swap3A_287 = arith.constant 1136 : index
    %swap3A_288 = tpu.vector_load %arg9[%swap3A_287] {strides = array<i32>} : memref<2048xf32, #tpu.memory_space<vmem>>, vector<16xf32>,
    tpu.vector_store %arg9[%swap3A_287], %broadcast_in_dim3A_286 {strides = array<i32>} : memref<2048xf32, #tpu.memory_space<vmem>>, vector<16xf32>,
    %broadcast_in_dim3A_289 = arith.constant 1.000000e+00 : f32
    %broadcast_in_dim3A_290 = vector.broadcast %broadcast_in_dim3A_289 : f32 to vector<16xf32>
    %swap3A_291 = arith.constant 1152 : index
    %swap3A_292 = tpu.vector_load %arg9[%swap3A_291] {strides = array<i32>} : memref<2048xf32, #tpu.memory_space<vmem>>, vector<16xf32>,
    tpu.vector_store %arg9[%swap3A_291], %broadcast_in_dim3A_290 {strides = array<i32>} : memref<2048xf32, #tpu.memory_space<vmem>>, vector<16xf32>,
    %broadcast_in_dim3A_293 = arith.constant 1.000000e+00 : f32
    %broadcast_in_dim3A_294 = vector.broadcast %broadcast_in_dim3A_293 : f32 to vector<16xf32>
    %swap3A_295 = arith.constant 1168 : index
    %swap3A_296 = tpu.vector_load %arg9[%swap3A_295] {strides = array<i32>} : memref<2048xf32, #tpu.memory_space<vmem>>, vector<16xf32>,
    tpu.vector_store %arg9[%swap3A_295], %broadcast_in_dim3A_294 {strides = array<i32>} : memref<2048xf32, #tpu.memory_space<vmem>>, vector<16xf32>,
    %broadcast_in_dim3A_297 = arith.constant 1.000000e+00 : f32
    %broadcast_in_dim3A_298 = vector.broadcast %broadcast_in_dim3A_297 : f32 to vector<16xf32>
    %swap3A_299 = arith.constant 1184 : index
    %swap3A_300 = tpu.vector_load %arg9[%swap3A_299] {strides = array<i32>} : memref<2048xf32, #tpu.memory_space<vmem>>, vector<16xf32>,
    tpu.vector_store %arg9[%swap3A_299], %broadcast_in_dim3A_298 {strides = array<i32>} : memref<2048xf32, #tpu.memory_space<vmem>>, vector<16xf32>,
    %broadcast_in_dim3A_301 = arith.constant 1.000000e+00 : f32
    %broadcast_in_dim3A_302 = vector.broadcast %broadcast_in_dim3A_301 : f32 to vector<16xf32>
    %swap3A_303 = arith.constant 1200 : index
    %swap3A_304 = tpu.vector_load %arg9[%swap3A_303] {strides = array<i32>} : memref<2048xf32, #tpu.memory_space<vmem>>, vector<16xf32>,
    tpu.vector_store %arg9[%swap3A_303], %broadcast_in_dim3A_302 {strides = array<i32>} : memref<2048xf32, #tpu.memory_space<vmem>>, vector<16xf32>,
    %broadcast_in_dim3A_305 = arith.constant 1.000000e+00 : f32
    %broadcast_in_dim3A_306 = vector.broadcast %broadcast_in_dim3A_305 : f32 to vector<16xf32>
    %swap3A_307 = arith.constant 1216 : index
    %swap3A_308 = tpu.vector_load %arg9[%swap3A_307] {strides = array<i32>} : memref<2048xf32, #tpu.memory_space<vmem>>, vector<16xf32>,
    tpu.vector_store %arg9[%swap3A_307], %broadcast_in_dim3A_306 {strides = array<i32>} : memref<2048xf32, #tpu.memory_space<vmem>>, vector<16xf32>,
    %broadcast_in_dim3A_309 = arith.constant 1.000000e+00 : f32
    %broadcast_in_dim3A_310 = vector.broadcast %broadcast_in_dim3A_309 : f32 to vector<16xf32>
    %swap3A_311 = arith.constant 1232 : index
    %swap3A_312 = tpu.vector_load %arg9[%swap3A_311] {strides = array<i32>} : memref<2048xf32, #tpu.memory_space<vmem>>, vector<16xf32>,
    tpu.vector_store %arg9[%swap3A_311], %broadcast_in_dim3A_310 {strides = array<i32>} : memref<2048xf32, #tpu.memory_space<vmem>>, vector<16xf32>,
    %broadcast_in_dim3A_313 = arith.constant 1.000000e+00 : f32
    %broadcast_in_dim3A_314 = vector.broadcast %broadcast_in_dim3A_313 : f32 to vector<16xf32>
    %swap3A_315 = arith.constant 1248 : index
    %swap3A_316 = tpu.vector_load %arg9[%swap3A_315] {strides = array<i32>} : memref<2048xf32, #tpu.memory_space<vmem>>, vector<16xf32>,
    tpu.vector_store %arg9[%swap3A_315], %broadcast_in_dim3A_314 {strides = array<i32>} : memref<2048xf32, #tpu.memory_space<vmem>>, vector<16xf32>,
    %broadcast_in_dim3A_317 = arith.constant 1.000000e+00 : f32
    %broadcast_in_dim3A_318 = vector.broadcast %broadcast_in_dim3A_317 : f32 to vector<16xf32>
    %swap3A_319 = arith.constant 1264 : index
    %swap3A_320 = tpu.vector_load %arg9[%swap3A_319] {strides = array<i32>} : memref<2048xf32, #tpu.memory_space<vmem>>, vector<16xf32>,
    tpu.vector_store %arg9[%swap3A_319], %broadcast_in_dim3A_318 {strides = array<i32>} : memref<2048xf32, #tpu.memory_space<vmem>>, vector<16xf32>,
    %broadcast_in_dim3A_321 = arith.constant 1.000000e+00 : f32
    %broadcast_in_dim3A_322 = vector.broadcast %broadcast_in_dim3A_321 : f32 to vector<16xf32>
    %swap3A_323 = arith.constant 1280 : index
    %swap3A_324 = tpu.vector_load %arg9[%swap3A_323] {strides = array<i32>} : memref<2048xf32, #tpu.memory_space<vmem>>, vector<16xf32>,
    tpu.vector_store %arg9[%swap3A_323], %broadcast_in_dim3A_322 {strides = array<i32>} : memref<2048xf32, #tpu.memory_space<vmem>>, vector<16xf32>,
    %broadcast_in_dim3A_325 = arith.constant 1.000000e+00 : f32
    %broadcast_in_dim3A_326 = vector.broadcast %broadcast_in_dim3A_325 : f32 to vector<16xf32>
    %swap3A_327 = arith.constant 1296 : index
    %swap3A_328 = tpu.vector_load %arg9[%swap3A_327] {strides = array<i32>} : memref<2048xf32, #tpu.memory_space<vmem>>, vector<16xf32>,
    tpu.vector_store %arg9[%swap3A_327], %broadcast_in_dim3A_326 {strides = array<i32>} : memref<2048xf32, #tpu.memory_space<vmem>>, vector<16xf32>,
    %broadcast_in_dim3A_329 = arith.constant 1.000000e+00 : f32
    %broadcast_in_dim3A_330 = vector.broadcast %broadcast_in_dim3A_329 : f32 to vector<16xf32>
    %swap3A_331 = arith.constant 1312 : index
    %swap3A_332 = tpu.vector_load %arg9[%swap3A_331] {strides = array<i32>} : memref<2048xf32, #tpu.memory_space<vmem>>, vector<16xf32>,
    tpu.vector_store %arg9[%swap3A_331], %broadcast_in_dim3A_330 {strides = array<i32>} : memref<2048xf32, #tpu.memory_space<vmem>>, vector<16xf32>,
    %broadcast_in_dim3A_333 = arith.constant 1.000000e+00 : f32
    %broadcast_in_dim3A_334 = vector.broadcast %broadcast_in_dim3A_333 : f32 to vector<16xf32>
    %swap3A_335 = arith.constant 1328 : index
    %swap3A_336 = tpu.vector_load %arg9[%swap3A_335] {strides = array<i32>} : memref<2048xf32, #tpu.memory_space<vmem>>, vector<16xf32>,
    tpu.vector_store %arg9[%swap3A_335], %broadcast_in_dim3A_334 {strides = array<i32>} : memref<2048xf32, #tpu.memory_space<vmem>>, vector<16xf32>,
    %broadcast_in_dim3A_337 = arith.constant 1.000000e+00 : f32
    %broadcast_in_dim3A_338 = vector.broadcast %broadcast_in_dim3A_337 : f32 to vector<16xf32>
    %swap3A_339 = arith.constant 1344 : index
    %swap3A_340 = tpu.vector_load %arg9[%swap3A_339] {strides = array<i32>} : memref<2048xf32, #tpu.memory_space<vmem>>, vector<16xf32>,
    tpu.vector_store %arg9[%swap3A_339], %broadcast_in_dim3A_338 {strides = array<i32>} : memref<2048xf32, #tpu.memory_space<vmem>>, vector<16xf32>,
    %broadcast_in_dim3A_341 = arith.constant 1.000000e+00 : f32
    %broadcast_in_dim3A_342 = vector.broadcast %broadcast_in_dim3A_341 : f32 to vector<16xf32>
    %swap3A_343 = arith.constant 1360 : index
    %swap3A_344 = tpu.vector_load %arg9[%swap3A_343] {strides = array<i32>} : memref<2048xf32, #tpu.memory_space<vmem>>, vector<16xf32>,
    tpu.vector_store %arg9[%swap3A_343], %broadcast_in_dim3A_342 {strides = array<i32>} : memref<2048xf32, #tpu.memory_space<vmem>>, vector<16xf32>,
    %broadcast_in_dim3A_345 = arith.constant 1.000000e+00 : f32
    %broadcast_in_dim3A_346 = vector.broadcast %broadcast_in_dim3A_345 : f32 to vector<16xf32>
    %swap3A_347 = arith.constant 1376 : index
    %swap3A_348 = tpu.vector_load %arg9[%swap3A_347] {strides = array<i32>} : memref<2048xf32, #tpu.memory_space<vmem>>, vector<16xf32>,
    tpu.vector_store %arg9[%swap3A_347], %broadcast_in_dim3A_346 {strides = array<i32>} : memref<2048xf32, #tpu.memory_space<vmem>>, vector<16xf32>,
    %broadcast_in_dim3A_349 = arith.constant 1.000000e+00 : f32
    %broadcast_in_dim3A_350 = vector.broadcast %broadcast_in_dim3A_349 : f32 to vector<16xf32>
    %swap3A_351 = arith.constant 1392 : index
    %swap3A_352 = tpu.vector_load %arg9[%swap3A_351] {strides = array<i32>} : memref<2048xf32, #tpu.memory_space<vmem>>, vector<16xf32>,
    tpu.vector_store %arg9[%swap3A_351], %broadcast_in_dim3A_350 {strides = array<i32>} : memref<2048xf32, #tpu.memory_space<vmem>>, vector<16xf32>,
    %broadcast_in_dim3A_353 = arith.constant 1.000000e+00 : f32
    %broadcast_in_dim3A_354 = vector.broadcast %broadcast_in_dim3A_353 : f32 to vector<16xf32>
    %swap3A_355 = arith.constant 1408 : index
    %swap3A_356 = tpu.vector_load %arg9[%swap3A_355] {strides = array<i32>} : memref<2048xf32, #tpu.memory_space<vmem>>, vector<16xf32>,
    tpu.vector_store %arg9[%swap3A_355], %broadcast_in_dim3A_354 {strides = array<i32>} : memref<2048xf32, #tpu.memory_space<vmem>>, vector<16xf32>,
    %broadcast_in_dim3A_357 = arith.constant 1.000000e+00 : f32
    %broadcast_in_dim3A_358 = vector.broadcast %broadcast_in_dim3A_357 : f32 to vector<16xf32>
    %swap3A_359 = arith.constant 1424 : index
    %swap3A_360 = tpu.vector_load %arg9[%swap3A_359] {strides = array<i32>} : memref<2048xf32, #tpu.memory_space<vmem>>, vector<16xf32>,
    tpu.vector_store %arg9[%swap3A_359], %broadcast_in_dim3A_358 {strides = array<i32>} : memref<2048xf32, #tpu.memory_space<vmem>>, vector<16xf32>,
    %broadcast_in_dim3A_361 = arith.constant 1.000000e+00 : f32
    %broadcast_in_dim3A_362 = vector.broadcast %broadcast_in_dim3A_361 : f32 to vector<16xf32>
    %swap3A_363 = arith.constant 1440 : index
    %swap3A_364 = tpu.vector_load %arg9[%swap3A_363] {strides = array<i32>} : memref<2048xf32, #tpu.memory_space<vmem>>, vector<16xf32>,
    tpu.vector_store %arg9[%swap3A_363], %broadcast_in_dim3A_362 {strides = array<i32>} : memref<2048xf32, #tpu.memory_space<vmem>>, vector<16xf32>,
    %broadcast_in_dim3A_365 = arith.constant 1.000000e+00 : f32
    %broadcast_in_dim3A_366 = vector.broadcast %broadcast_in_dim3A_365 : f32 to vector<16xf32>
    %swap3A_367 = arith.constant 1456 : index
    %swap3A_368 = tpu.vector_load %arg9[%swap3A_367] {strides = array<i32>} : memref<2048xf32, #tpu.memory_space<vmem>>, vector<16xf32>,
    tpu.vector_store %arg9[%swap3A_367], %broadcast_in_dim3A_366 {strides = array<i32>} : memref<2048xf32, #tpu.memory_space<vmem>>, vector<16xf32>,
    %broadcast_in_dim3A_369 = arith.constant 1.000000e+00 : f32
    %broadcast_in_dim3A_370 = vector.broadcast %broadcast_in_dim3A_369 : f32 to vector<16xf32>
    %swap3A_371 = arith.constant 1472 : index
    %swap3A_372 = tpu.vector_load %arg9[%swap3A_371] {strides = array<i32>} : memref<2048xf32, #tpu.memory_space<vmem>>, vector<16xf32>,
    tpu.vector_store %arg9[%swap3A_371], %broadcast_in_dim3A_370 {strides = array<i32>} : memref<2048xf32, #tpu.memory_space<vmem>>, vector<16xf32>,
    %broadcast_in_dim3A_373 = arith.constant 1.000000e+00 : f32
    %broadcast_in_dim3A_374 = vector.broadcast %broadcast_in_dim3A_373 : f32 to vector<16xf32>
    %swap3A_375 = arith.constant 1488 : index
    %swap3A_376 = tpu.vector_load %arg9[%swap3A_375] {strides = array<i32>} : memref<2048xf32, #tpu.memory_space<vmem>>, vector<16xf32>,
    tpu.vector_store %arg9[%swap3A_375], %broadcast_in_dim3A_374 {strides = array<i32>} : memref<2048xf32, #tpu.memory_space<vmem>>, vector<16xf32>,
    %broadcast_in_dim3A_377 = arith.constant 1.000000e+00 : f32
    %broadcast_in_dim3A_378 = vector.broadcast %broadcast_in_dim3A_377 : f32 to vector<16xf32>
    %swap3A_379 = arith.constant 1504 : index
    %swap3A_380 = tpu.vector_load %arg9[%swap3A_379] {strides = array<i32>} : memref<2048xf32, #tpu.memory_space<vmem>>, vector<16xf32>,
    tpu.vector_store %arg9[%swap3A_379], %broadcast_in_dim3A_378 {strides = array<i32>} : memref<2048xf32, #tpu.memory_space<vmem>>, vector<16xf32>,
    %broadcast_in_dim3A_381 = arith.constant 1.000000e+00 : f32
    %broadcast_in_dim3A_382 = vector.broadcast %broadcast_in_dim3A_381 : f32 to vector<16xf32>
    %swap3A_383 = arith.constant 1520 : index
    %swap3A_384 = tpu.vector_load %arg9[%swap3A_383] {strides = array<i32>} : memref<2048xf32, #tpu.memory_space<vmem>>, vector<16xf32>,
    tpu.vector_store %arg9[%swap3A_383], %broadcast_in_dim3A_382 {strides = array<i32>} : memref<2048xf32, #tpu.memory_space<vmem>>, vector<16xf32>,
    %broadcast_in_dim3A_385 = arith.constant 1.000000e+00 : f32
    %broadcast_in_dim3A_386 = vector.broadcast %broadcast_in_dim3A_385 : f32 to vector<16xf32>
    %swap3A_387 = arith.constant 1536 : index
    %swap3A_388 = tpu.vector_load %arg9[%swap3A_387] {strides = array<i32>} : memref<2048xf32, #tpu.memory_space<vmem>>, vector<16xf32>,
    tpu.vector_store %arg9[%swap3A_387], %broadcast_in_dim3A_386 {strides = array<i32>} : memref<2048xf32, #tpu.memory_space<vmem>>, vector<16xf32>,
    %broadcast_in_dim3A_389 = arith.constant 1.000000e+00 : f32
    %broadcast_in_dim3A_390 = vector.broadcast %broadcast_in_dim3A_389 : f32 to vector<16xf32>
    %swap3A_391 = arith.constant 1552 : index
    %swap3A_392 = tpu.vector_load %arg9[%swap3A_391] {strides = array<i32>} : memref<2048xf32, #tpu.memory_space<vmem>>, vector<16xf32>,
    tpu.vector_store %arg9[%swap3A_391], %broadcast_in_dim3A_390 {strides = array<i32>} : memref<2048xf32, #tpu.memory_space<vmem>>, vector<16xf32>,
    %broadcast_in_dim3A_393 = arith.constant 1.000000e+00 : f32
    %broadcast_in_dim3A_394 = vector.broadcast %broadcast_in_dim3A_393 : f32 to vector<16xf32>
    %swap3A_395 = arith.constant 1568 : index
    %swap3A_396 = tpu.vector_load %arg9[%swap3A_395] {strides = array<i32>} : memref<2048xf32, #tpu.memory_space<vmem>>, vector<16xf32>,
    tpu.vector_store %arg9[%swap3A_395], %broadcast_in_dim3A_394 {strides = array<i32>} : memref<2048xf32, #tpu.memory_space<vmem>>, vector<16xf32>,
    %broadcast_in_dim3A_397 = arith.constant 1.000000e+00 : f32
    %broadcast_in_dim3A_398 = vector.broadcast %broadcast_in_dim3A_397 : f32 to vector<16xf32>
    %swap3A_399 = arith.constant 1584 : index
    %swap3A_400 = tpu.vector_load %arg9[%swap3A_399] {strides = array<i32>} : memref<2048xf32, #tpu.memory_space<vmem>>, vector<16xf32>,
    tpu.vector_store %arg9[%swap3A_399], %broadcast_in_dim3A_398 {strides = array<i32>} : memref<2048xf32, #tpu.memory_space<vmem>>, vector<16xf32>,
    %broadcast_in_dim3A_401 = arith.constant 1.000000e+00 : f32
    %broadcast_in_dim3A_402 = vector.broadcast %broadcast_in_dim3A_401 : f32 to vector<16xf32>
    %swap3A_403 = arith.constant 1600 : index
    %swap3A_404 = tpu.vector_load %arg9[%swap3A_403] {strides = array<i32>} : memref<2048xf32, #tpu.memory_space<vmem>>, vector<16xf32>,
    tpu.vector_store %arg9[%swap3A_403], %broadcast_in_dim3A_402 {strides = array<i32>} : memref<2048xf32, #tpu.memory_space<vmem>>, vector<16xf32>,
    %broadcast_in_dim3A_405 = arith.constant 1.000000e+00 : f32
    %broadcast_in_dim3A_406 = vector.broadcast %broadcast_in_dim3A_405 : f32 to vector<16xf32>
    %swap3A_407 = arith.constant 1616 : index
    %swap3A_408 = tpu.vector_load %arg9[%swap3A_407] {strides = array<i32>} : memref<2048xf32, #tpu.memory_space<vmem>>, vector<16xf32>,
    tpu.vector_store %arg9[%swap3A_407], %broadcast_in_dim3A_406 {strides = array<i32>} : memref<2048xf32, #tpu.memory_space<vmem>>, vector<16xf32>,
    %broadcast_in_dim3A_409 = arith.constant 1.000000e+00 : f32
    %broadcast_in_dim3A_410 = vector.broadcast %broadcast_in_dim3A_409 : f32 to vector<16xf32>
    %swap3A_411 = arith.constant 1632 : index
    %swap3A_412 = tpu.vector_load %arg9[%swap3A_411] {strides = array<i32>} : memref<2048xf32, #tpu.memory_space<vmem>>, vector<16xf32>,
    tpu.vector_store %arg9[%swap3A_411], %broadcast_in_dim3A_410 {strides = array<i32>} : memref<2048xf32, #tpu.memory_space<vmem>>, vector<16xf32>,
    %broadcast_in_dim3A_413 = arith.constant 1.000000e+00 : f32
    %broadcast_in_dim3A_414 = vector.broadcast %broadcast_in_dim3A_413 : f32 to vector<16xf32>
    %swap3A_415 = arith.constant 1648 : index
    %swap3A_416 = tpu.vector_load %arg9[%swap3A_415] {strides = array<i32>} : memref<2048xf32, #tpu.memory_space<vmem>>, vector<16xf32>,
    tpu.vector_store %arg9[%swap3A_415], %broadcast_in_dim3A_414 {strides = array<i32>} : memref<2048xf32, #tpu.memory_space<vmem>>, vector<16xf32>,
    %broadcast_in_dim3A_417 = arith.constant 1.000000e+00 : f32
    %broadcast_in_dim3A_418 = vector.broadcast %broadcast_in_dim3A_417 : f32 to vector<16xf32>
    %swap3A_419 = arith.constant 1664 : index
    %swap3A_420 = tpu.vector_load %arg9[%swap3A_419] {strides = array<i32>} : memref<2048xf32, #tpu.memory_space<vmem>>, vector<16xf32>,
    tpu.vector_store %arg9[%swap3A_419], %broadcast_in_dim3A_418 {strides = array<i32>} : memref<2048xf32, #tpu.memory_space<vmem>>, vector<16xf32>,
    %broadcast_in_dim3A_421 = arith.constant 1.000000e+00 : f32
    %broadcast_in_dim3A_422 = vector.broadcast %broadcast_in_dim3A_421 : f32 to vector<16xf32>
    %swap3A_423 = arith.constant 1680 : index
    %swap3A_424 = tpu.vector_load %arg9[%swap3A_423] {strides = array<i32>} : memref<2048xf32, #tpu.memory_space<vmem>>, vector<16xf32>,
    tpu.vector_store %arg9[%swap3A_423], %broadcast_in_dim3A_422 {strides = array<i32>} : memref<2048xf32, #tpu.memory_space<vmem>>, vector<16xf32>,
    %broadcast_in_dim3A_425 = arith.constant 1.000000e+00 : f32
    %broadcast_in_dim3A_426 = vector.broadcast %broadcast_in_dim3A_425 : f32 to vector<16xf32>
    %swap3A_427 = arith.constant 1696 : index
    %swap3A_428 = tpu.vector_load %arg9[%swap3A_427] {strides = array<i32>} : memref<2048xf32, #tpu.memory_space<vmem>>, vector<16xf32>,
    tpu.vector_store %arg9[%swap3A_427], %broadcast_in_dim3A_426 {strides = array<i32>} : memref<2048xf32, #tpu.memory_space<vmem>>, vector<16xf32>,
    %broadcast_in_dim3A_429 = arith.constant 1.000000e+00 : f32
    %broadcast_in_dim3A_430 = vector.broadcast %broadcast_in_dim3A_429 : f32 to vector<16xf32>
    %swap3A_431 = arith.constant 1712 : index
    %swap3A_432 = tpu.vector_load %arg9[%swap3A_431] {strides = array<i32>} : memref<2048xf32, #tpu.memory_space<vmem>>, vector<16xf32>,
    tpu.vector_store %arg9[%swap3A_431], %broadcast_in_dim3A_430 {strides = array<i32>} : memref<2048xf32, #tpu.memory_space<vmem>>, vector<16xf32>,
    %broadcast_in_dim3A_433 = arith.constant 1.000000e+00 : f32
    %broadcast_in_dim3A_434 = vector.broadcast %broadcast_in_dim3A_433 : f32 to vector<16xf32>
    %swap3A_435 = arith.constant 1728 : index
    %swap3A_436 = tpu.vector_load %arg9[%swap3A_435] {strides = array<i32>} : memref<2048xf32, #tpu.memory_space<vmem>>, vector<16xf32>,
    tpu.vector_store %arg9[%swap3A_435], %broadcast_in_dim3A_434 {strides = array<i32>} : memref<2048xf32, #tpu.memory_space<vmem>>, vector<16xf32>,
    %broadcast_in_dim3A_437 = arith.constant 1.000000e+00 : f32
    %broadcast_in_dim3A_438 = vector.broadcast %broadcast_in_dim3A_437 : f32 to vector<16xf32>
    %swap3A_439 = arith.constant 1744 : index
    %swap3A_440 = tpu.vector_load %arg9[%swap3A_439] {strides = array<i32>} : memref<2048xf32, #tpu.memory_space<vmem>>, vector<16xf32>,
    tpu.vector_store %arg9[%swap3A_439], %broadcast_in_dim3A_438 {strides = array<i32>} : memref<2048xf32, #tpu.memory_space<vmem>>, vector<16xf32>,
    %broadcast_in_dim3A_441 = arith.constant 1.000000e+00 : f32
    %broadcast_in_dim3A_442 = vector.broadcast %broadcast_in_dim3A_441 : f32 to vector<16xf32>
    %swap3A_443 = arith.constant 1760 : index
    %swap3A_444 = tpu.vector_load %arg9[%swap3A_443] {strides = array<i32>} : memref<2048xf32, #tpu.memory_space<vmem>>, vector<16xf32>,
    tpu.vector_store %arg9[%swap3A_443], %broadcast_in_dim3A_442 {strides = array<i32>} : memref<2048xf32, #tpu.memory_space<vmem>>, vector<16xf32>,
    %broadcast_in_dim3A_445 = arith.constant 1.000000e+00 : f32
    %broadcast_in_dim3A_446 = vector.broadcast %broadcast_in_dim3A_445 : f32 to vector<16xf32>
    %swap3A_447 = arith.constant 1776 : index
    %swap3A_448 = tpu.vector_load %arg9[%swap3A_447] {strides = array<i32>} : memref<2048xf32, #tpu.memory_space<vmem>>, vector<16xf32>,
    tpu.vector_store %arg9[%swap3A_447], %broadcast_in_dim3A_446 {strides = array<i32>} : memref<2048xf32, #tpu.memory_space<vmem>>, vector<16xf32>,
    %broadcast_in_dim3A_449 = arith.constant 1.000000e+00 : f32
    %broadcast_in_dim3A_450 = vector.broadcast %broadcast_in_dim3A_449 : f32 to vector<16xf32>
    %swap3A_451 = arith.constant 1792 : index
    %swap3A_452 = tpu.vector_load %arg9[%swap3A_451] {strides = array<i32>} : memref<2048xf32, #tpu.memory_space<vmem>>, vector<16xf32>,
    tpu.vector_store %arg9[%swap3A_451], %broadcast_in_dim3A_450 {strides = array<i32>} : memref<2048xf32, #tpu.memory_space<vmem>>, vector<16xf32>,
    %broadcast_in_dim3A_453 = arith.constant 1.000000e+00 : f32
    %broadcast_in_dim3A_454 = vector.broadcast %broadcast_in_dim3A_453 : f32 to vector<16xf32>
    %swap3A_455 = arith.constant 1808 : index
    %swap3A_456 = tpu.vector_load %arg9[%swap3A_455] {strides = array<i32>} : memref<2048xf32, #tpu.memory_space<vmem>>, vector<16xf32>,
    tpu.vector_store %arg9[%swap3A_455], %broadcast_in_dim3A_454 {strides = array<i32>} : memref<2048xf32, #tpu.memory_space<vmem>>, vector<16xf32>,
    %broadcast_in_dim3A_457 = arith.constant 1.000000e+00 : f32
    %broadcast_in_dim3A_458 = vector.broadcast %broadcast_in_dim3A_457 : f32 to vector<16xf32>
    %swap3A_459 = arith.constant 1824 : index
    %swap3A_460 = tpu.vector_load %arg9[%swap3A_459] {strides = array<i32>} : memref<2048xf32, #tpu.memory_space<vmem>>, vector<16xf32>,
    tpu.vector_store %arg9[%swap3A_459], %broadcast_in_dim3A_458 {strides = array<i32>} : memref<2048xf32, #tpu.memory_space<vmem>>, vector<16xf32>,
    %broadcast_in_dim3A_461 = arith.constant 1.000000e+00 : f32
    %broadcast_in_dim3A_462 = vector.broadcast %broadcast_in_dim3A_461 : f32 to vector<16xf32>
    %swap3A_463 = arith.constant 1840 : index
    %swap3A_464 = tpu.vector_load %arg9[%swap3A_463] {strides = array<i32>} : memref<2048xf32, #tpu.memory_space<vmem>>, vector<16xf32>,
    tpu.vector_store %arg9[%swap3A_463], %broadcast_in_dim3A_462 {strides = array<i32>} : memref<2048xf32, #tpu.memory_space<vmem>>, vector<16xf32>,
    %broadcast_in_dim3A_465 = arith.constant 1.000000e+00 : f32
    %broadcast_in_dim3A_466 = vector.broadcast %broadcast_in_dim3A_465 : f32 to vector<16xf32>
    %swap3A_467 = arith.constant 1856 : index
    %swap3A_468 = tpu.vector_load %arg9[%swap3A_467] {strides = array<i32>} : memref<2048xf32, #tpu.memory_space<vmem>>, vector<16xf32>,
    tpu.vector_store %arg9[%swap3A_467], %broadcast_in_dim3A_466 {strides = array<i32>} : memref<2048xf32, #tpu.memory_space<vmem>>, vector<16xf32>,
    %broadcast_in_dim3A_469 = arith.constant 1.000000e+00 : f32
    %broadcast_in_dim3A_470 = vector.broadcast %broadcast_in_dim3A_469 : f32 to vector<16xf32>
    %swap3A_471 = arith.constant 1872 : index
    %swap3A_472 = tpu.vector_load %arg9[%swap3A_471] {strides = array<i32>} : memref<2048xf32, #tpu.memory_space<vmem>>, vector<16xf32>,
    tpu.vector_store %arg9[%swap3A_471], %broadcast_in_dim3A_470 {strides = array<i32>} : memref<2048xf32, #tpu.memory_space<vmem>>, vector<16xf32>,
    %broadcast_in_dim3A_473 = arith.constant 1.000000e+00 : f32
    %broadcast_in_dim3A_474 = vector.broadcast %broadcast_in_dim3A_473 : f32 to vector<16xf32>
    %swap3A_475 = arith.constant 1888 : index
    %swap3A_476 = tpu.vector_load %arg9[%swap3A_475] {strides = array<i32>} : memref<2048xf32, #tpu.memory_space<vmem>>, vector<16xf32>,
    tpu.vector_store %arg9[%swap3A_475], %broadcast_in_dim3A_474 {strides = array<i32>} : memref<2048xf32, #tpu.memory_space<vmem>>, vector<16xf32>,
    %broadcast_in_dim3A_477 = arith.constant 1.000000e+00 : f32
    %broadcast_in_dim3A_478 = vector.broadcast %broadcast_in_dim3A_477 : f32 to vector<16xf32>
    %swap3A_479 = arith.constant 1904 : index
    %swap3A_480 = tpu.vector_load %arg9[%swap3A_479] {strides = array<i32>} : memref<2048xf32, #tpu.memory_space<vmem>>, vector<16xf32>,
    tpu.vector_store %arg9[%swap3A_479], %broadcast_in_dim3A_478 {strides = array<i32>} : memref<2048xf32, #tpu.memory_space<vmem>>, vector<16xf32>,
    %broadcast_in_dim3A_481 = arith.constant 1.000000e+00 : f32
    %broadcast_in_dim3A_482 = vector.broadcast %broadcast_in_dim3A_481 : f32 to vector<16xf32>
    %swap3A_483 = arith.constant 1920 : index
    %swap3A_484 = tpu.vector_load %arg9[%swap3A_483] {strides = array<i32>} : memref<2048xf32, #tpu.memory_space<vmem>>, vector<16xf32>,
    tpu.vector_store %arg9[%swap3A_483], %broadcast_in_dim3A_482 {strides = array<i32>} : memref<2048xf32, #tpu.memory_space<vmem>>, vector<16xf32>,
    %broadcast_in_dim3A_485 = arith.constant 1.000000e+00 : f32
    %broadcast_in_dim3A_486 = vector.broadcast %broadcast_in_dim3A_485 : f32 to vector<16xf32>
    %swap3A_487 = arith.constant 1936 : index
    %swap3A_488 = tpu.vector_load %arg9[%swap3A_487] {strides = array<i32>} : memref<2048xf32, #tpu.memory_space<vmem>>, vector<16xf32>,
    tpu.vector_store %arg9[%swap3A_487], %broadcast_in_dim3A_486 {strides = array<i32>} : memref<2048xf32, #tpu.memory_space<vmem>>, vector<16xf32>,
    %broadcast_in_dim3A_489 = arith.constant 1.000000e+00 : f32
    %broadcast_in_dim3A_490 = vector.broadcast %broadcast_in_dim3A_489 : f32 to vector<16xf32>
    %swap3A_491 = arith.constant 1952 : index
    %swap3A_492 = tpu.vector_load %arg9[%swap3A_491] {strides = array<i32>} : memref<2048xf32, #tpu.memory_space<vmem>>, vector<16xf32>,
    tpu.vector_store %arg9[%swap3A_491], %broadcast_in_dim3A_490 {strides = array<i32>} : memref<2048xf32, #tpu.memory_space<vmem>>, vector<16xf32>,
    %broadcast_in_dim3A_493 = arith.constant 1.000000e+00 : f32
    %broadcast_in_dim3A_494 = vector.broadcast %broadcast_in_dim3A_493 : f32 to vector<16xf32>
    %swap3A_495 = arith.constant 1968 : index
    %swap3A_496 = tpu.vector_load %arg9[%swap3A_495] {strides = array<i32>} : memref<2048xf32, #tpu.memory_space<vmem>>, vector<16xf32>,
    tpu.vector_store %arg9[%swap3A_495], %broadcast_in_dim3A_494 {strides = array<i32>} : memref<2048xf32, #tpu.memory_space<vmem>>, vector<16xf32>,
    %broadcast_in_dim3A_497 = arith.constant 1.000000e+00 : f32
    %broadcast_in_dim3A_498 = vector.broadcast %broadcast_in_dim3A_497 : f32 to vector<16xf32>
    %swap3A_499 = arith.constant 1984 : index
    %swap3A_500 = tpu.vector_load %arg9[%swap3A_499] {strides = array<i32>} : memref<2048xf32, #tpu.memory_space<vmem>>, vector<16xf32>,
    tpu.vector_store %arg9[%swap3A_499], %broadcast_in_dim3A_498 {strides = array<i32>} : memref<2048xf32, #tpu.memory_space<vmem>>, vector<16xf32>,
    %broadcast_in_dim3A_501 = arith.constant 1.000000e+00 : f32
    %broadcast_in_dim3A_502 = vector.broadcast %broadcast_in_dim3A_501 : f32 to vector<16xf32>
    %swap3A_503 = arith.constant 2000 : index
    %swap3A_504 = tpu.vector_load %arg9[%swap3A_503] {strides = array<i32>} : memref<2048xf32, #tpu.memory_space<vmem>>, vector<16xf32>,
    tpu.vector_store %arg9[%swap3A_503], %broadcast_in_dim3A_502 {strides = array<i32>} : memref<2048xf32, #tpu.memory_space<vmem>>, vector<16xf32>,
    %broadcast_in_dim3A_505 = arith.constant 1.000000e+00 : f32
    %broadcast_in_dim3A_506 = vector.broadcast %broadcast_in_dim3A_505 : f32 to vector<16xf32>
    %swap3A_507 = arith.constant 2016 : index
    %swap3A_508 = tpu.vector_load %arg9[%swap3A_507] {strides = array<i32>} : memref<2048xf32, #tpu.memory_space<vmem>>, vector<16xf32>,
    tpu.vector_store %arg9[%swap3A_507], %broadcast_in_dim3A_506 {strides = array<i32>} : memref<2048xf32, #tpu.memory_space<vmem>>, vector<16xf32>,
    %broadcast_in_dim3A_509 = arith.constant 1.000000e+00 : f32
    %broadcast_in_dim3A_510 = vector.broadcast %broadcast_in_dim3A_509 : f32 to vector<16xf32>
    %swap3A_511 = arith.constant 2032 : index
    %swap3A_512 = tpu.vector_load %arg9[%swap3A_511] {strides = array<i32>} : memref<2048xf32, #tpu.memory_space<vmem>>, vector<16xf32>,
    tpu.vector_store %arg9[%swap3A_511], %broadcast_in_dim3A_510 {strides = array<i32>} : memref<2048xf32, #tpu.memory_space<vmem>>, vector<16xf32>,
    %eq3A = arith.constant 0 : i32
    %eq3A_513 = arith.cmpi eq, %arg1, %eq3A : i32
    %convert_element_type3A = arith.extui %eq3A_513 : i1 to i32
    %cond3A = arith.constant 0 : i32
    %cond3A_514 = arith.cmpi ne, %convert_element_type3A, %cond3A : i32
    scf.if %cond3A_514 {
      %broadcast_in_dim3A_529 = arith.constant 0.000000e+00 : f32
      %broadcast_in_dim3A_530 = vector.broadcast %broadcast_in_dim3A_529 : f32 to vector<16xf32>
      %swap3A_531 = arith.constant 0 : index
      %swap3A_532 = tpu.vector_load %arg10[%swap3A_531] {strides = array<i32>} : memref<1024xf32, #tpu.memory_space<vmem>>, vector<16xf32>,
      tpu.vector_store %arg10[%swap3A_531], %broadcast_in_dim3A_530 {strides = array<i32>} : memref<1024xf32, #tpu.memory_space<vmem>>, vector<16xf32>,
      %broadcast_in_dim3A_533 = arith.constant 0.000000e+00 : f32
      %broadcast_in_dim3A_534 = vector.broadcast %broadcast_in_dim3A_533 : f32 to vector<16xf32>
      %swap3A_535 = arith.constant 16 : index
      %swap3A_536 = tpu.vector_load %arg10[%swap3A_535] {strides = array<i32>} : memref<1024xf32, #tpu.memory_space<vmem>>, vector<16xf32>,
      tpu.vector_store %arg10[%swap3A_535], %broadcast_in_dim3A_534 {strides = array<i32>} : memref<1024xf32, #tpu.memory_space<vmem>>, vector<16xf32>,
      %broadcast_in_dim3A_537 = arith.constant 0.000000e+00 : f32
      %broadcast_in_dim3A_538 = vector.broadcast %broadcast_in_dim3A_537 : f32 to vector<16xf32>
      %swap3A_539 = arith.constant 32 : index
      %swap3A_540 = tpu.vector_load %arg10[%swap3A_539] {strides = array<i32>} : memref<1024xf32, #tpu.memory_space<vmem>>, vector<16xf32>,
      tpu.vector_store %arg10[%swap3A_539], %broadcast_in_dim3A_538 {strides = array<i32>} : memref<1024xf32, #tpu.memory_space<vmem>>, vector<16xf32>,
      %broadcast_in_dim3A_541 = arith.constant 0.000000e+00 : f32
      %broadcast_in_dim3A_542 = vector.broadcast %broadcast_in_dim3A_541 : f32 to vector<16xf32>
      %swap3A_543 = arith.constant 48 : index
      %swap3A_544 = tpu.vector_load %arg10[%swap3A_543] {strides = array<i32>} : memref<1024xf32, #tpu.memory_space<vmem>>, vector<16xf32>,
      tpu.vector_store %arg10[%swap3A_543], %broadcast_in_dim3A_542 {strides = array<i32>} : memref<1024xf32, #tpu.memory_space<vmem>>, vector<16xf32>,
      %broadcast_in_dim3A_545 = arith.constant 0.000000e+00 : f32
      %broadcast_in_dim3A_546 = vector.broadcast %broadcast_in_dim3A_545 : f32 to vector<16xf32>
      %swap3A_547 = arith.constant 64 : index
      %swap3A_548 = tpu.vector_load %arg10[%swap3A_547] {strides = array<i32>} : memref<1024xf32, #tpu.memory_space<vmem>>, vector<16xf32>,
      tpu.vector_store %arg10[%swap3A_547], %broadcast_in_dim3A_546 {strides = array<i32>} : memref<1024xf32, #tpu.memory_space<vmem>>, vector<16xf32>,
      %broadcast_in_dim3A_549 = arith.constant 0.000000e+00 : f32
      %broadcast_in_dim3A_550 = vector.broadcast %broadcast_in_dim3A_549 : f32 to vector<16xf32>
      %swap3A_551 = arith.constant 80 : index
      %swap3A_552 = tpu.vector_load %arg10[%swap3A_551] {strides = array<i32>} : memref<1024xf32, #tpu.memory_space<vmem>>, vector<16xf32>,
      tpu.vector_store %arg10[%swap3A_551], %broadcast_in_dim3A_550 {strides = array<i32>} : memref<1024xf32, #tpu.memory_space<vmem>>, vector<16xf32>,
      %broadcast_in_dim3A_553 = arith.constant 0.000000e+00 : f32
      %broadcast_in_dim3A_554 = vector.broadcast %broadcast_in_dim3A_553 : f32 to vector<16xf32>
      %swap3A_555 = arith.constant 96 : index
      %swap3A_556 = tpu.vector_load %arg10[%swap3A_555] {strides = array<i32>} : memref<1024xf32, #tpu.memory_space<vmem>>, vector<16xf32>,
      tpu.vector_store %arg10[%swap3A_555], %broadcast_in_dim3A_554 {strides = array<i32>} : memref<1024xf32, #tpu.memory_space<vmem>>, vector<16xf32>,
      %broadcast_in_dim3A_557 = arith.constant 0.000000e+00 : f32
      %broadcast_in_dim3A_558 = vector.broadcast %broadcast_in_dim3A_557 : f32 to vector<16xf32>
      %swap3A_559 = arith.constant 112 : index
      %swap3A_560 = tpu.vector_load %arg10[%swap3A_559] {strides = array<i32>} : memref<1024xf32, #tpu.memory_space<vmem>>, vector<16xf32>,
      tpu.vector_store %arg10[%swap3A_559], %broadcast_in_dim3A_558 {strides = array<i32>} : memref<1024xf32, #tpu.memory_space<vmem>>, vector<16xf32>,
      %broadcast_in_dim3A_561 = arith.constant 0.000000e+00 : f32
      %broadcast_in_dim3A_562 = vector.broadcast %broadcast_in_dim3A_561 : f32 to vector<16xf32>
      %swap3A_563 = arith.constant 128 : index
      %swap3A_564 = tpu.vector_load %arg10[%swap3A_563] {strides = array<i32>} : memref<1024xf32, #tpu.memory_space<vmem>>, vector<16xf32>,
      tpu.vector_store %arg10[%swap3A_563], %broadcast_in_dim3A_562 {strides = array<i32>} : memref<1024xf32, #tpu.memory_space<vmem>>, vector<16xf32>,
      %broadcast_in_dim3A_565 = arith.constant 0.000000e+00 : f32
      %broadcast_in_dim3A_566 = vector.broadcast %broadcast_in_dim3A_565 : f32 to vector<16xf32>
      %swap3A_567 = arith.constant 144 : index
      %swap3A_568 = tpu.vector_load %arg10[%swap3A_567] {strides = array<i32>} : memref<1024xf32, #tpu.memory_space<vmem>>, vector<16xf32>,
      tpu.vector_store %arg10[%swap3A_567], %broadcast_in_dim3A_566 {strides = array<i32>} : memref<1024xf32, #tpu.memory_space<vmem>>, vector<16xf32>,
      %broadcast_in_dim3A_569 = arith.constant 0.000000e+00 : f32
      %broadcast_in_dim3A_570 = vector.broadcast %broadcast_in_dim3A_569 : f32 to vector<16xf32>
      %swap3A_571 = arith.constant 160 : index
      %swap3A_572 = tpu.vector_load %arg10[%swap3A_571] {strides = array<i32>} : memref<1024xf32, #tpu.memory_space<vmem>>, vector<16xf32>,
      tpu.vector_store %arg10[%swap3A_571], %broadcast_in_dim3A_570 {strides = array<i32>} : memref<1024xf32, #tpu.memory_space<vmem>>, vector<16xf32>,
      %broadcast_in_dim3A_573 = arith.constant 0.000000e+00 : f32
      %broadcast_in_dim3A_574 = vector.broadcast %broadcast_in_dim3A_573 : f32 to vector<16xf32>
      %swap3A_575 = arith.constant 176 : index
      %swap3A_576 = tpu.vector_load %arg10[%swap3A_575] {strides = array<i32>} : memref<1024xf32, #tpu.memory_space<vmem>>, vector<16xf32>,
      tpu.vector_store %arg10[%swap3A_575], %broadcast_in_dim3A_574 {strides = array<i32>} : memref<1024xf32, #tpu.memory_space<vmem>>, vector<16xf32>,
      %broadcast_in_dim3A_577 = arith.constant 0.000000e+00 : f32
      %broadcast_in_dim3A_578 = vector.broadcast %broadcast_in_dim3A_577 : f32 to vector<16xf32>
      %swap3A_579 = arith.constant 192 : index
      %swap3A_580 = tpu.vector_load %arg10[%swap3A_579] {strides = array<i32>} : memref<1024xf32, #tpu.memory_space<vmem>>, vector<16xf32>,
      tpu.vector_store %arg10[%swap3A_579], %broadcast_in_dim3A_578 {strides = array<i32>} : memref<1024xf32, #tpu.memory_space<vmem>>, vector<16xf32>,
      %broadcast_in_dim3A_581 = arith.constant 0.000000e+00 : f32
      %broadcast_in_dim3A_582 = vector.broadcast %broadcast_in_dim3A_581 : f32 to vector<16xf32>
      %swap3A_583 = arith.constant 208 : index
      %swap3A_584 = tpu.vector_load %arg10[%swap3A_583] {strides = array<i32>} : memref<1024xf32, #tpu.memory_space<vmem>>, vector<16xf32>,
      tpu.vector_store %arg10[%swap3A_583], %broadcast_in_dim3A_582 {strides = array<i32>} : memref<1024xf32, #tpu.memory_space<vmem>>, vector<16xf32>,
      %broadcast_in_dim3A_585 = arith.constant 0.000000e+00 : f32
      %broadcast_in_dim3A_586 = vector.broadcast %broadcast_in_dim3A_585 : f32 to vector<16xf32>
      %swap3A_587 = arith.constant 224 : index
      %swap3A_588 = tpu.vector_load %arg10[%swap3A_587] {strides = array<i32>} : memref<1024xf32, #tpu.memory_space<vmem>>, vector<16xf32>,
      tpu.vector_store %arg10[%swap3A_587], %broadcast_in_dim3A_586 {strides = array<i32>} : memref<1024xf32, #tpu.memory_space<vmem>>, vector<16xf32>,
      %broadcast_in_dim3A_589 = arith.constant 0.000000e+00 : f32
      %broadcast_in_dim3A_590 = vector.broadcast %broadcast_in_dim3A_589 : f32 to vector<16xf32>
      %swap3A_591 = arith.constant 240 : index
      %swap3A_592 = tpu.vector_load %arg10[%swap3A_591] {strides = array<i32>} : memref<1024xf32, #tpu.memory_space<vmem>>, vector<16xf32>,
      tpu.vector_store %arg10[%swap3A_591], %broadcast_in_dim3A_590 {strides = array<i32>} : memref<1024xf32, #tpu.memory_space<vmem>>, vector<16xf32>,
      %broadcast_in_dim3A_593 = arith.constant 0.000000e+00 : f32
      %broadcast_in_dim3A_594 = vector.broadcast %broadcast_in_dim3A_593 : f32 to vector<16xf32>
      %swap3A_595 = arith.constant 256 : index
      %swap3A_596 = tpu.vector_load %arg10[%swap3A_595] {strides = array<i32>} : memref<1024xf32, #tpu.memory_space<vmem>>, vector<16xf32>,
      tpu.vector_store %arg10[%swap3A_595], %broadcast_in_dim3A_594 {strides = array<i32>} : memref<1024xf32, #tpu.memory_space<vmem>>, vector<16xf32>,
      %broadcast_in_dim3A_597 = arith.constant 0.000000e+00 : f32
      %broadcast_in_dim3A_598 = vector.broadcast %broadcast_in_dim3A_597 : f32 to vector<16xf32>
      %swap3A_599 = arith.constant 272 : index
      %swap3A_600 = tpu.vector_load %arg10[%swap3A_599] {strides = array<i32>} : memref<1024xf32, #tpu.memory_space<vmem>>, vector<16xf32>,
      tpu.vector_store %arg10[%swap3A_599], %broadcast_in_dim3A_598 {strides = array<i32>} : memref<1024xf32, #tpu.memory_space<vmem>>, vector<16xf32>,
      %broadcast_in_dim3A_601 = arith.constant 0.000000e+00 : f32
      %broadcast_in_dim3A_602 = vector.broadcast %broadcast_in_dim3A_601 : f32 to vector<16xf32>
      %swap3A_603 = arith.constant 288 : index
      %swap3A_604 = tpu.vector_load %arg10[%swap3A_603] {strides = array<i32>} : memref<1024xf32, #tpu.memory_space<vmem>>, vector<16xf32>,
      tpu.vector_store %arg10[%swap3A_603], %broadcast_in_dim3A_602 {strides = array<i32>} : memref<1024xf32, #tpu.memory_space<vmem>>, vector<16xf32>,
      %broadcast_in_dim3A_605 = arith.constant 0.000000e+00 : f32
      %broadcast_in_dim3A_606 = vector.broadcast %broadcast_in_dim3A_605 : f32 to vector<16xf32>
      %swap3A_607 = arith.constant 304 : index
      %swap3A_608 = tpu.vector_load %arg10[%swap3A_607] {strides = array<i32>} : memref<1024xf32, #tpu.memory_space<vmem>>, vector<16xf32>,
      tpu.vector_store %arg10[%swap3A_607], %broadcast_in_dim3A_606 {strides = array<i32>} : memref<1024xf32, #tpu.memory_space<vmem>>, vector<16xf32>,
      %broadcast_in_dim3A_609 = arith.constant 0.000000e+00 : f32
      %broadcast_in_dim3A_610 = vector.broadcast %broadcast_in_dim3A_609 : f32 to vector<16xf32>
      %swap3A_611 = arith.constant 320 : index
      %swap3A_612 = tpu.vector_load %arg10[%swap3A_611] {strides = array<i32>} : memref<1024xf32, #tpu.memory_space<vmem>>, vector<16xf32>,
      tpu.vector_store %arg10[%swap3A_611], %broadcast_in_dim3A_610 {strides = array<i32>} : memref<1024xf32, #tpu.memory_space<vmem>>, vector<16xf32>,
      %broadcast_in_dim3A_613 = arith.constant 0.000000e+00 : f32
      %broadcast_in_dim3A_614 = vector.broadcast %broadcast_in_dim3A_613 : f32 to vector<16xf32>
      %swap3A_615 = arith.constant 336 : index
      %swap3A_616 = tpu.vector_load %arg10[%swap3A_615] {strides = array<i32>} : memref<1024xf32, #tpu.memory_space<vmem>>, vector<16xf32>,
      tpu.vector_store %arg10[%swap3A_615], %broadcast_in_dim3A_614 {strides = array<i32>} : memref<1024xf32, #tpu.memory_space<vmem>>, vector<16xf32>,
      %broadcast_in_dim3A_617 = arith.constant 0.000000e+00 : f32
      %broadcast_in_dim3A_618 = vector.broadcast %broadcast_in_dim3A_617 : f32 to vector<16xf32>
      %swap3A_619 = arith.constant 352 : index
      %swap3A_620 = tpu.vector_load %arg10[%swap3A_619] {strides = array<i32>} : memref<1024xf32, #tpu.memory_space<vmem>>, vector<16xf32>,
      tpu.vector_store %arg10[%swap3A_619], %broadcast_in_dim3A_618 {strides = array<i32>} : memref<1024xf32, #tpu.memory_space<vmem>>, vector<16xf32>,
      %broadcast_in_dim3A_621 = arith.constant 0.000000e+00 : f32
      %broadcast_in_dim3A_622 = vector.broadcast %broadcast_in_dim3A_621 : f32 to vector<16xf32>
      %swap3A_623 = arith.constant 368 : index
      %swap3A_624 = tpu.vector_load %arg10[%swap3A_623] {strides = array<i32>} : memref<1024xf32, #tpu.memory_space<vmem>>, vector<16xf32>,
      tpu.vector_store %arg10[%swap3A_623], %broadcast_in_dim3A_622 {strides = array<i32>} : memref<1024xf32, #tpu.memory_space<vmem>>, vector<16xf32>,
      %broadcast_in_dim3A_625 = arith.constant 0.000000e+00 : f32
      %broadcast_in_dim3A_626 = vector.broadcast %broadcast_in_dim3A_625 : f32 to vector<16xf32>
      %swap3A_627 = arith.constant 384 : index
      %swap3A_628 = tpu.vector_load %arg10[%swap3A_627] {strides = array<i32>} : memref<1024xf32, #tpu.memory_space<vmem>>, vector<16xf32>,
      tpu.vector_store %arg10[%swap3A_627], %broadcast_in_dim3A_626 {strides = array<i32>} : memref<1024xf32, #tpu.memory_space<vmem>>, vector<16xf32>,
      %broadcast_in_dim3A_629 = arith.constant 0.000000e+00 : f32
      %broadcast_in_dim3A_630 = vector.broadcast %broadcast_in_dim3A_629 : f32 to vector<16xf32>
      %swap3A_631 = arith.constant 400 : index
      %swap3A_632 = tpu.vector_load %arg10[%swap3A_631] {strides = array<i32>} : memref<1024xf32, #tpu.memory_space<vmem>>, vector<16xf32>,
      tpu.vector_store %arg10[%swap3A_631], %broadcast_in_dim3A_630 {strides = array<i32>} : memref<1024xf32, #tpu.memory_space<vmem>>, vector<16xf32>,
      %broadcast_in_dim3A_633 = arith.constant 0.000000e+00 : f32
      %broadcast_in_dim3A_634 = vector.broadcast %broadcast_in_dim3A_633 : f32 to vector<16xf32>
      %swap3A_635 = arith.constant 416 : index
      %swap3A_636 = tpu.vector_load %arg10[%swap3A_635] {strides = array<i32>} : memref<1024xf32, #tpu.memory_space<vmem>>, vector<16xf32>,
      tpu.vector_store %arg10[%swap3A_635], %broadcast_in_dim3A_634 {strides = array<i32>} : memref<1024xf32, #tpu.memory_space<vmem>>, vector<16xf32>,
      %broadcast_in_dim3A_637 = arith.constant 0.000000e+00 : f32
      %broadcast_in_dim3A_638 = vector.broadcast %broadcast_in_dim3A_637 : f32 to vector<16xf32>
      %swap3A_639 = arith.constant 432 : index
      %swap3A_640 = tpu.vector_load %arg10[%swap3A_639] {strides = array<i32>} : memref<1024xf32, #tpu.memory_space<vmem>>, vector<16xf32>,
      tpu.vector_store %arg10[%swap3A_639], %broadcast_in_dim3A_638 {strides = array<i32>} : memref<1024xf32, #tpu.memory_space<vmem>>, vector<16xf32>,
      %broadcast_in_dim3A_641 = arith.constant 0.000000e+00 : f32
      %broadcast_in_dim3A_642 = vector.broadcast %broadcast_in_dim3A_641 : f32 to vector<16xf32>
      %swap3A_643 = arith.constant 448 : index
      %swap3A_644 = tpu.vector_load %arg10[%swap3A_643] {strides = array<i32>} : memref<1024xf32, #tpu.memory_space<vmem>>, vector<16xf32>,
      tpu.vector_store %arg10[%swap3A_643], %broadcast_in_dim3A_642 {strides = array<i32>} : memref<1024xf32, #tpu.memory_space<vmem>>, vector<16xf32>,
      %broadcast_in_dim3A_645 = arith.constant 0.000000e+00 : f32
      %broadcast_in_dim3A_646 = vector.broadcast %broadcast_in_dim3A_645 : f32 to vector<16xf32>
      %swap3A_647 = arith.constant 464 : index
      %swap3A_648 = tpu.vector_load %arg10[%swap3A_647] {strides = array<i32>} : memref<1024xf32, #tpu.memory_space<vmem>>, vector<16xf32>,
      tpu.vector_store %arg10[%swap3A_647], %broadcast_in_dim3A_646 {strides = array<i32>} : memref<1024xf32, #tpu.memory_space<vmem>>, vector<16xf32>,
      %broadcast_in_dim3A_649 = arith.constant 0.000000e+00 : f32
      %broadcast_in_dim3A_650 = vector.broadcast %broadcast_in_dim3A_649 : f32 to vector<16xf32>
      %swap3A_651 = arith.constant 480 : index
      %swap3A_652 = tpu.vector_load %arg10[%swap3A_651] {strides = array<i32>} : memref<1024xf32, #tpu.memory_space<vmem>>, vector<16xf32>,
      tpu.vector_store %arg10[%swap3A_651], %broadcast_in_dim3A_650 {strides = array<i32>} : memref<1024xf32, #tpu.memory_space<vmem>>, vector<16xf32>,
      %broadcast_in_dim3A_653 = arith.constant 0.000000e+00 : f32
      %broadcast_in_dim3A_654 = vector.broadcast %broadcast_in_dim3A_653 : f32 to vector<16xf32>
      %swap3A_655 = arith.constant 496 : index
      %swap3A_656 = tpu.vector_load %arg10[%swap3A_655] {strides = array<i32>} : memref<1024xf32, #tpu.memory_space<vmem>>, vector<16xf32>,
      tpu.vector_store %arg10[%swap3A_655], %broadcast_in_dim3A_654 {strides = array<i32>} : memref<1024xf32, #tpu.memory_space<vmem>>, vector<16xf32>,
      %broadcast_in_dim3A_657 = arith.constant 0.000000e+00 : f32
      %broadcast_in_dim3A_658 = vector.broadcast %broadcast_in_dim3A_657 : f32 to vector<16xf32>
      %swap3A_659 = arith.constant 512 : index
      %swap3A_660 = tpu.vector_load %arg10[%swap3A_659] {strides = array<i32>} : memref<1024xf32, #tpu.memory_space<vmem>>, vector<16xf32>,
      tpu.vector_store %arg10[%swap3A_659], %broadcast_in_dim3A_658 {strides = array<i32>} : memref<1024xf32, #tpu.memory_space<vmem>>, vector<16xf32>,
      %broadcast_in_dim3A_661 = arith.constant 0.000000e+00 : f32
      %broadcast_in_dim3A_662 = vector.broadcast %broadcast_in_dim3A_661 : f32 to vector<16xf32>
      %swap3A_663 = arith.constant 528 : index
      %swap3A_664 = tpu.vector_load %arg10[%swap3A_663] {strides = array<i32>} : memref<1024xf32, #tpu.memory_space<vmem>>, vector<16xf32>,
      tpu.vector_store %arg10[%swap3A_663], %broadcast_in_dim3A_662 {strides = array<i32>} : memref<1024xf32, #tpu.memory_space<vmem>>, vector<16xf32>,
      %broadcast_in_dim3A_665 = arith.constant 0.000000e+00 : f32
      %broadcast_in_dim3A_666 = vector.broadcast %broadcast_in_dim3A_665 : f32 to vector<16xf32>
      %swap3A_667 = arith.constant 544 : index
      %swap3A_668 = tpu.vector_load %arg10[%swap3A_667] {strides = array<i32>} : memref<1024xf32, #tpu.memory_space<vmem>>, vector<16xf32>,
      tpu.vector_store %arg10[%swap3A_667], %broadcast_in_dim3A_666 {strides = array<i32>} : memref<1024xf32, #tpu.memory_space<vmem>>, vector<16xf32>,
      %broadcast_in_dim3A_669 = arith.constant 0.000000e+00 : f32
      %broadcast_in_dim3A_670 = vector.broadcast %broadcast_in_dim3A_669 : f32 to vector<16xf32>
      %swap3A_671 = arith.constant 560 : index
      %swap3A_672 = tpu.vector_load %arg10[%swap3A_671] {strides = array<i32>} : memref<1024xf32, #tpu.memory_space<vmem>>, vector<16xf32>,
      tpu.vector_store %arg10[%swap3A_671], %broadcast_in_dim3A_670 {strides = array<i32>} : memref<1024xf32, #tpu.memory_space<vmem>>, vector<16xf32>,
      %broadcast_in_dim3A_673 = arith.constant 0.000000e+00 : f32
      %broadcast_in_dim3A_674 = vector.broadcast %broadcast_in_dim3A_673 : f32 to vector<16xf32>
      %swap3A_675 = arith.constant 576 : index
      %swap3A_676 = tpu.vector_load %arg10[%swap3A_675] {strides = array<i32>} : memref<1024xf32, #tpu.memory_space<vmem>>, vector<16xf32>,
      tpu.vector_store %arg10[%swap3A_675], %broadcast_in_dim3A_674 {strides = array<i32>} : memref<1024xf32, #tpu.memory_space<vmem>>, vector<16xf32>,
      %broadcast_in_dim3A_677 = arith.constant 0.000000e+00 : f32
      %broadcast_in_dim3A_678 = vector.broadcast %broadcast_in_dim3A_677 : f32 to vector<16xf32>
      %swap3A_679 = arith.constant 592 : index
      %swap3A_680 = tpu.vector_load %arg10[%swap3A_679] {strides = array<i32>} : memref<1024xf32, #tpu.memory_space<vmem>>, vector<16xf32>,
      tpu.vector_store %arg10[%swap3A_679], %broadcast_in_dim3A_678 {strides = array<i32>} : memref<1024xf32, #tpu.memory_space<vmem>>, vector<16xf32>,
      %broadcast_in_dim3A_681 = arith.constant 0.000000e+00 : f32
      %broadcast_in_dim3A_682 = vector.broadcast %broadcast_in_dim3A_681 : f32 to vector<16xf32>
      %swap3A_683 = arith.constant 608 : index
      %swap3A_684 = tpu.vector_load %arg10[%swap3A_683] {strides = array<i32>} : memref<1024xf32, #tpu.memory_space<vmem>>, vector<16xf32>,
      tpu.vector_store %arg10[%swap3A_683], %broadcast_in_dim3A_682 {strides = array<i32>} : memref<1024xf32, #tpu.memory_space<vmem>>, vector<16xf32>,
      %broadcast_in_dim3A_685 = arith.constant 0.000000e+00 : f32
      %broadcast_in_dim3A_686 = vector.broadcast %broadcast_in_dim3A_685 : f32 to vector<16xf32>
      %swap3A_687 = arith.constant 624 : index
      %swap3A_688 = tpu.vector_load %arg10[%swap3A_687] {strides = array<i32>} : memref<1024xf32, #tpu.memory_space<vmem>>, vector<16xf32>,
      tpu.vector_store %arg10[%swap3A_687], %broadcast_in_dim3A_686 {strides = array<i32>} : memref<1024xf32, #tpu.memory_space<vmem>>, vector<16xf32>,
      %broadcast_in_dim3A_689 = arith.constant 0.000000e+00 : f32
      %broadcast_in_dim3A_690 = vector.broadcast %broadcast_in_dim3A_689 : f32 to vector<16xf32>
      %swap3A_691 = arith.constant 640 : index
      %swap3A_692 = tpu.vector_load %arg10[%swap3A_691] {strides = array<i32>} : memref<1024xf32, #tpu.memory_space<vmem>>, vector<16xf32>,
      tpu.vector_store %arg10[%swap3A_691], %broadcast_in_dim3A_690 {strides = array<i32>} : memref<1024xf32, #tpu.memory_space<vmem>>, vector<16xf32>,
      %broadcast_in_dim3A_693 = arith.constant 0.000000e+00 : f32
      %broadcast_in_dim3A_694 = vector.broadcast %broadcast_in_dim3A_693 : f32 to vector<16xf32>
      %swap3A_695 = arith.constant 656 : index
      %swap3A_696 = tpu.vector_load %arg10[%swap3A_695] {strides = array<i32>} : memref<1024xf32, #tpu.memory_space<vmem>>, vector<16xf32>,
      tpu.vector_store %arg10[%swap3A_695], %broadcast_in_dim3A_694 {strides = array<i32>} : memref<1024xf32, #tpu.memory_space<vmem>>, vector<16xf32>,
      %broadcast_in_dim3A_697 = arith.constant 0.000000e+00 : f32
      %broadcast_in_dim3A_698 = vector.broadcast %broadcast_in_dim3A_697 : f32 to vector<16xf32>
      %swap3A_699 = arith.constant 672 : index
      %swap3A_700 = tpu.vector_load %arg10[%swap3A_699] {strides = array<i32>} : memref<1024xf32, #tpu.memory_space<vmem>>, vector<16xf32>,
      tpu.vector_store %arg10[%swap3A_699], %broadcast_in_dim3A_698 {strides = array<i32>} : memref<1024xf32, #tpu.memory_space<vmem>>, vector<16xf32>,
      %broadcast_in_dim3A_701 = arith.constant 0.000000e+00 : f32
      %broadcast_in_dim3A_702 = vector.broadcast %broadcast_in_dim3A_701 : f32 to vector<16xf32>
      %swap3A_703 = arith.constant 688 : index
      %swap3A_704 = tpu.vector_load %arg10[%swap3A_703] {strides = array<i32>} : memref<1024xf32, #tpu.memory_space<vmem>>, vector<16xf32>,
      tpu.vector_store %arg10[%swap3A_703], %broadcast_in_dim3A_702 {strides = array<i32>} : memref<1024xf32, #tpu.memory_space<vmem>>, vector<16xf32>,
      %broadcast_in_dim3A_705 = arith.constant 0.000000e+00 : f32
      %broadcast_in_dim3A_706 = vector.broadcast %broadcast_in_dim3A_705 : f32 to vector<16xf32>
      %swap3A_707 = arith.constant 704 : index
      %swap3A_708 = tpu.vector_load %arg10[%swap3A_707] {strides = array<i32>} : memref<1024xf32, #tpu.memory_space<vmem>>, vector<16xf32>,
      tpu.vector_store %arg10[%swap3A_707], %broadcast_in_dim3A_706 {strides = array<i32>} : memref<1024xf32, #tpu.memory_space<vmem>>, vector<16xf32>,
      %broadcast_in_dim3A_709 = arith.constant 0.000000e+00 : f32
      %broadcast_in_dim3A_710 = vector.broadcast %broadcast_in_dim3A_709 : f32 to vector<16xf32>
      %swap3A_711 = arith.constant 720 : index
      %swap3A_712 = tpu.vector_load %arg10[%swap3A_711] {strides = array<i32>} : memref<1024xf32, #tpu.memory_space<vmem>>, vector<16xf32>,
      tpu.vector_store %arg10[%swap3A_711], %broadcast_in_dim3A_710 {strides = array<i32>} : memref<1024xf32, #tpu.memory_space<vmem>>, vector<16xf32>,
      %broadcast_in_dim3A_713 = arith.constant 0.000000e+00 : f32
      %broadcast_in_dim3A_714 = vector.broadcast %broadcast_in_dim3A_713 : f32 to vector<16xf32>
      %swap3A_715 = arith.constant 736 : index
      %swap3A_716 = tpu.vector_load %arg10[%swap3A_715] {strides = array<i32>} : memref<1024xf32, #tpu.memory_space<vmem>>, vector<16xf32>,
      tpu.vector_store %arg10[%swap3A_715], %broadcast_in_dim3A_714 {strides = array<i32>} : memref<1024xf32, #tpu.memory_space<vmem>>, vector<16xf32>,
      %broadcast_in_dim3A_717 = arith.constant 0.000000e+00 : f32
      %broadcast_in_dim3A_718 = vector.broadcast %broadcast_in_dim3A_717 : f32 to vector<16xf32>
      %swap3A_719 = arith.constant 752 : index
      %swap3A_720 = tpu.vector_load %arg10[%swap3A_719] {strides = array<i32>} : memref<1024xf32, #tpu.memory_space<vmem>>, vector<16xf32>,
      tpu.vector_store %arg10[%swap3A_719], %broadcast_in_dim3A_718 {strides = array<i32>} : memref<1024xf32, #tpu.memory_space<vmem>>, vector<16xf32>,
      %broadcast_in_dim3A_721 = arith.constant 0.000000e+00 : f32
      %broadcast_in_dim3A_722 = vector.broadcast %broadcast_in_dim3A_721 : f32 to vector<16xf32>
      %swap3A_723 = arith.constant 768 : index
      %swap3A_724 = tpu.vector_load %arg10[%swap3A_723] {strides = array<i32>} : memref<1024xf32, #tpu.memory_space<vmem>>, vector<16xf32>,
      tpu.vector_store %arg10[%swap3A_723], %broadcast_in_dim3A_722 {strides = array<i32>} : memref<1024xf32, #tpu.memory_space<vmem>>, vector<16xf32>,
      %broadcast_in_dim3A_725 = arith.constant 0.000000e+00 : f32
      %broadcast_in_dim3A_726 = vector.broadcast %broadcast_in_dim3A_725 : f32 to vector<16xf32>
      %swap3A_727 = arith.constant 784 : index
      %swap3A_728 = tpu.vector_load %arg10[%swap3A_727] {strides = array<i32>} : memref<1024xf32, #tpu.memory_space<vmem>>, vector<16xf32>,
      tpu.vector_store %arg10[%swap3A_727], %broadcast_in_dim3A_726 {strides = array<i32>} : memref<1024xf32, #tpu.memory_space<vmem>>, vector<16xf32>,
      %broadcast_in_dim3A_729 = arith.constant 0.000000e+00 : f32
      %broadcast_in_dim3A_730 = vector.broadcast %broadcast_in_dim3A_729 : f32 to vector<16xf32>
      %swap3A_731 = arith.constant 800 : index
      %swap3A_732 = tpu.vector_load %arg10[%swap3A_731] {strides = array<i32>} : memref<1024xf32, #tpu.memory_space<vmem>>, vector<16xf32>,
      tpu.vector_store %arg10[%swap3A_731], %broadcast_in_dim3A_730 {strides = array<i32>} : memref<1024xf32, #tpu.memory_space<vmem>>, vector<16xf32>,
      %broadcast_in_dim3A_733 = arith.constant 0.000000e+00 : f32
      %broadcast_in_dim3A_734 = vector.broadcast %broadcast_in_dim3A_733 : f32 to vector<16xf32>
      %swap3A_735 = arith.constant 816 : index
      %swap3A_736 = tpu.vector_load %arg10[%swap3A_735] {strides = array<i32>} : memref<1024xf32, #tpu.memory_space<vmem>>, vector<16xf32>,
      tpu.vector_store %arg10[%swap3A_735], %broadcast_in_dim3A_734 {strides = array<i32>} : memref<1024xf32, #tpu.memory_space<vmem>>, vector<16xf32>,
      %broadcast_in_dim3A_737 = arith.constant 0.000000e+00 : f32
      %broadcast_in_dim3A_738 = vector.broadcast %broadcast_in_dim3A_737 : f32 to vector<16xf32>
      %swap3A_739 = arith.constant 832 : index
      %swap3A_740 = tpu.vector_load %arg10[%swap3A_739] {strides = array<i32>} : memref<1024xf32, #tpu.memory_space<vmem>>, vector<16xf32>,
      tpu.vector_store %arg10[%swap3A_739], %broadcast_in_dim3A_738 {strides = array<i32>} : memref<1024xf32, #tpu.memory_space<vmem>>, vector<16xf32>,
      %broadcast_in_dim3A_741 = arith.constant 0.000000e+00 : f32
      %broadcast_in_dim3A_742 = vector.broadcast %broadcast_in_dim3A_741 : f32 to vector<16xf32>
      %swap3A_743 = arith.constant 848 : index
      %swap3A_744 = tpu.vector_load %arg10[%swap3A_743] {strides = array<i32>} : memref<1024xf32, #tpu.memory_space<vmem>>, vector<16xf32>,
      tpu.vector_store %arg10[%swap3A_743], %broadcast_in_dim3A_742 {strides = array<i32>} : memref<1024xf32, #tpu.memory_space<vmem>>, vector<16xf32>,
      %broadcast_in_dim3A_745 = arith.constant 0.000000e+00 : f32
      %broadcast_in_dim3A_746 = vector.broadcast %broadcast_in_dim3A_745 : f32 to vector<16xf32>
      %swap3A_747 = arith.constant 864 : index
      %swap3A_748 = tpu.vector_load %arg10[%swap3A_747] {strides = array<i32>} : memref<1024xf32, #tpu.memory_space<vmem>>, vector<16xf32>,
      tpu.vector_store %arg10[%swap3A_747], %broadcast_in_dim3A_746 {strides = array<i32>} : memref<1024xf32, #tpu.memory_space<vmem>>, vector<16xf32>,
      %broadcast_in_dim3A_749 = arith.constant 0.000000e+00 : f32
      %broadcast_in_dim3A_750 = vector.broadcast %broadcast_in_dim3A_749 : f32 to vector<16xf32>
      %swap3A_751 = arith.constant 880 : index
      %swap3A_752 = tpu.vector_load %arg10[%swap3A_751] {strides = array<i32>} : memref<1024xf32, #tpu.memory_space<vmem>>, vector<16xf32>,
      tpu.vector_store %arg10[%swap3A_751], %broadcast_in_dim3A_750 {strides = array<i32>} : memref<1024xf32, #tpu.memory_space<vmem>>, vector<16xf32>,
      %broadcast_in_dim3A_753 = arith.constant 0.000000e+00 : f32
      %broadcast_in_dim3A_754 = vector.broadcast %broadcast_in_dim3A_753 : f32 to vector<16xf32>
      %swap3A_755 = arith.constant 896 : index
      %swap3A_756 = tpu.vector_load %arg10[%swap3A_755] {strides = array<i32>} : memref<1024xf32, #tpu.memory_space<vmem>>, vector<16xf32>,
      tpu.vector_store %arg10[%swap3A_755], %broadcast_in_dim3A_754 {strides = array<i32>} : memref<1024xf32, #tpu.memory_space<vmem>>, vector<16xf32>,
      %broadcast_in_dim3A_757 = arith.constant 0.000000e+00 : f32
      %broadcast_in_dim3A_758 = vector.broadcast %broadcast_in_dim3A_757 : f32 to vector<16xf32>
      %swap3A_759 = arith.constant 912 : index
      %swap3A_760 = tpu.vector_load %arg10[%swap3A_759] {strides = array<i32>} : memref<1024xf32, #tpu.memory_space<vmem>>, vector<16xf32>,
      tpu.vector_store %arg10[%swap3A_759], %broadcast_in_dim3A_758 {strides = array<i32>} : memref<1024xf32, #tpu.memory_space<vmem>>, vector<16xf32>,
      %broadcast_in_dim3A_761 = arith.constant 0.000000e+00 : f32
      %broadcast_in_dim3A_762 = vector.broadcast %broadcast_in_dim3A_761 : f32 to vector<16xf32>
      %swap3A_763 = arith.constant 928 : index
      %swap3A_764 = tpu.vector_load %arg10[%swap3A_763] {strides = array<i32>} : memref<1024xf32, #tpu.memory_space<vmem>>, vector<16xf32>,
      tpu.vector_store %arg10[%swap3A_763], %broadcast_in_dim3A_762 {strides = array<i32>} : memref<1024xf32, #tpu.memory_space<vmem>>, vector<16xf32>,
      %broadcast_in_dim3A_765 = arith.constant 0.000000e+00 : f32
      %broadcast_in_dim3A_766 = vector.broadcast %broadcast_in_dim3A_765 : f32 to vector<16xf32>
      %swap3A_767 = arith.constant 944 : index
      %swap3A_768 = tpu.vector_load %arg10[%swap3A_767] {strides = array<i32>} : memref<1024xf32, #tpu.memory_space<vmem>>, vector<16xf32>,
      tpu.vector_store %arg10[%swap3A_767], %broadcast_in_dim3A_766 {strides = array<i32>} : memref<1024xf32, #tpu.memory_space<vmem>>, vector<16xf32>,
      %broadcast_in_dim3A_769 = arith.constant 0.000000e+00 : f32
      %broadcast_in_dim3A_770 = vector.broadcast %broadcast_in_dim3A_769 : f32 to vector<16xf32>
      %swap3A_771 = arith.constant 960 : index
      %swap3A_772 = tpu.vector_load %arg10[%swap3A_771] {strides = array<i32>} : memref<1024xf32, #tpu.memory_space<vmem>>, vector<16xf32>,
      tpu.vector_store %arg10[%swap3A_771], %broadcast_in_dim3A_770 {strides = array<i32>} : memref<1024xf32, #tpu.memory_space<vmem>>, vector<16xf32>,
      %broadcast_in_dim3A_773 = arith.constant 0.000000e+00 : f32
      %broadcast_in_dim3A_774 = vector.broadcast %broadcast_in_dim3A_773 : f32 to vector<16xf32>
      %swap3A_775 = arith.constant 976 : index
      %swap3A_776 = tpu.vector_load %arg10[%swap3A_775] {strides = array<i32>} : memref<1024xf32, #tpu.memory_space<vmem>>, vector<16xf32>,
      tpu.vector_store %arg10[%swap3A_775], %broadcast_in_dim3A_774 {strides = array<i32>} : memref<1024xf32, #tpu.memory_space<vmem>>, vector<16xf32>,
      %broadcast_in_dim3A_777 = arith.constant 0.000000e+00 : f32
      %broadcast_in_dim3A_778 = vector.broadcast %broadcast_in_dim3A_777 : f32 to vector<16xf32>
      %swap3A_779 = arith.constant 992 : index
      %swap3A_780 = tpu.vector_load %arg10[%swap3A_779] {strides = array<i32>} : memref<1024xf32, #tpu.memory_space<vmem>>, vector<16xf32>,
      tpu.vector_store %arg10[%swap3A_779], %broadcast_in_dim3A_778 {strides = array<i32>} : memref<1024xf32, #tpu.memory_space<vmem>>, vector<16xf32>,
      %broadcast_in_dim3A_781 = arith.constant 0.000000e+00 : f32
      %broadcast_in_dim3A_782 = vector.broadcast %broadcast_in_dim3A_781 : f32 to vector<16xf32>
      %swap3A_783 = arith.constant 1008 : index
      %swap3A_784 = tpu.vector_load %arg10[%swap3A_783] {strides = array<i32>} : memref<1024xf32, #tpu.memory_space<vmem>>, vector<16xf32>,
      tpu.vector_store %arg10[%swap3A_783], %broadcast_in_dim3A_782 {strides = array<i32>} : memref<1024xf32, #tpu.memory_space<vmem>>, vector<16xf32>,
      "tpu.region"() ({
        %run_scoped3A = tpu.sem_alloc : memref<!tpu.dma_semaphore, #tpu.memory_space<semaphore_mem>>
        tpu.enqueue_dma source(%arg10 : memref<1024xf32, #tpu.memory_space<vmem>>) target(%arg11 : memref<1024xf32, #tpu.memory_space<vmem_shared>>) target_semaphore(%run_scoped3A : memref<!tpu.dma_semaphore, #tpu.memory_space<semaphore_mem>>)
        tpu.wait_dma2 semaphore(%run_scoped3A : memref<!tpu.dma_semaphore, #tpu.memory_space<semaphore_mem>>) src(%arg10 : memref<1024xf32, #tpu.memory_space<vmem>>) dst(%arg11 : memref<1024xf32, #tpu.memory_space<vmem_shared>>)
        tpu.yield
      }) : () -> ()
    } else {
    }
    %mul3A_515 = arith.constant 1024 : i32
    %mul3A_516 = arith.muli %add3A, %mul3A_515 : i32
    "tpu.region"() ({
      %run_scoped3A = tpu.sem_alloc : memref<!tpu.dma_semaphore, #tpu.memory_space<semaphore_mem>>
      %dma_start3A_529 = tpu.memref_slice %arg3[%mul3A_516] : memref<32768xi32, #tpu.memory_space<hbm>> -> memref<1024xi32, #tpu.memory_space<hbm>>
      %dma_start3A_530 = tpu.memref_slice %arg3[%mul3A_516] : memref<32768xi32, #tpu.memory_space<hbm>> -> memref<1024xi32, #tpu.memory_space<hbm>>
      tpu.enqueue_dma source(%dma_start3A_530 : memref<1024xi32, #tpu.memory_space<hbm>>) target(%arg6 : memref<1024xi32, #tpu.memory_space<vmem>>) target_semaphore(%run_scoped3A : memref<!tpu.dma_semaphore, #tpu.memory_space<semaphore_mem>>)
      %dma_wait3A_531 = tpu.memref_slice %arg3[%mul3A_516] : memref<32768xi32, #tpu.memory_space<hbm>> -> memref<1024xi32, #tpu.memory_space<hbm>>
      %dma_wait3A_532 = tpu.memref_slice %arg3[%mul3A_516] : memref<32768xi32, #tpu.memory_space<hbm>> -> memref<1024xi32, #tpu.memory_space<hbm>>
      tpu.wait_dma2 semaphore(%run_scoped3A : memref<!tpu.dma_semaphore, #tpu.memory_space<semaphore_mem>>) src(%dma_wait3A_532 : memref<1024xi32, #tpu.memory_space<hbm>>) dst(%arg6 : memref<1024xi32, #tpu.memory_space<vmem>>)
      tpu.yield
    }) : () -> ()
    %dma_start3A = arith.constant 0 : i32
    %dma_start3A_517 = arith.constant 0 : i32
    %dma_start3A_518 = tpu.memref_slice %arg2[%dma_start3A, %dma_start3A_517] : memref<1024x32xf32, #tpu.memory_space<hbm>> -> memref<1024x32xf32, #tpu.memory_space<hbm>>
    tpu.enqueue_indirect_dma source(%dma_start3A_518 : memref<1024x32xf32, #tpu.memory_space<hbm>>) target(%arg7 : memref<1024x32xf32, #tpu.memory_space<vmem>>) offsets(%arg6 : memref<1024xi32, #tpu.memory_space<vmem>>) semaphore(%arg13 : memref<!tpu.dma_semaphore, #tpu.memory_space<semaphore_mem>>)
    %dma_wait3A = arith.constant 0 : i32
    %dma_wait3A_519 = arith.constant 0 : i32
    %dma_wait3A_520 = tpu.memref_slice %arg2[%dma_wait3A, %dma_wait3A_519] : memref<1024x32xf32, #tpu.memory_space<hbm>> -> memref<1024x32xf32, #tpu.memory_space<hbm>>
    tpu.wait_indirect_dma semaphore(%arg13 : memref<!tpu.dma_semaphore, #tpu.memory_space<semaphore_mem>>) src(%dma_wait3A_520 : memref<1024x32xf32, #tpu.memory_space<hbm>>) dst(%arg7 : memref<1024x32xf32, #tpu.memory_space<vmem>>)
    "tpu.region"() ({
      %run_scoped3A = tpu.sem_alloc : memref<!tpu.dma_semaphore, #tpu.memory_space<semaphore_mem>>
      %dma_start3A_529 = arith.constant 0 : i32
      %dma_start3A_530 = tpu.memref_slice %arg4[%mul3A_516, %dma_start3A_529] : memref<32768x32xf32, #tpu.memory_space<hbm>> -> memref<1024x32xf32, #tpu.memory_space<hbm>>
      %dma_start3A_531 = arith.constant 0 : i32
      %dma_start3A_532 = tpu.memref_slice %arg4[%mul3A_516, %dma_start3A_531] : memref<32768x32xf32, #tpu.memory_space<hbm>> -> memref<1024x32xf32, #tpu.memory_space<hbm>>
      tpu.enqueue_dma source(%arg7 : memref<1024x32xf32, #tpu.memory_space<vmem>>) target(%dma_start3A_532 : memref<1024x32xf32, #tpu.memory_space<hbm>>) target_semaphore(%run_scoped3A : memref<!tpu.dma_semaphore, #tpu.memory_space<semaphore_mem>>)
      %dma_wait3A_533 = arith.constant 0 : i32
      %dma_wait3A_534 = tpu.memref_slice %arg4[%mul3A_516, %dma_wait3A_533] : memref<32768x32xf32, #tpu.memory_space<hbm>> -> memref<1024x32xf32, #tpu.memory_space<hbm>>
      %dma_wait3A_535 = arith.constant 0 : i32
      %dma_wait3A_536 = tpu.memref_slice %arg4[%mul3A_516, %dma_wait3A_535] : memref<32768x32xf32, #tpu.memory_space<hbm>> -> memref<1024x32xf32, #tpu.memory_space<hbm>>
      tpu.wait_dma2 semaphore(%run_scoped3A : memref<!tpu.dma_semaphore, #tpu.memory_space<semaphore_mem>>) src(%arg7 : memref<1024x32xf32, #tpu.memory_space<vmem>>) dst(%dma_wait3A_536 : memref<1024x32xf32, #tpu.memory_space<hbm>>)
      tpu.yield
    }) : () -> ()
    %barrier3A = arith.constant 0 : index
    tpu.barrier barrier_id(%barrier3A)
    "tpu.region"() ({
      %run_scoped3A = tpu.sem_alloc : memref<!tpu.dma_semaphore, #tpu.memory_space<semaphore_mem>>
      %dma_start3A_529 = arith.constant 0 : i32
      %dma_start3A_530 = tpu.memref_slice %arg11[%dma_start3A_529] : memref<1024xf32, #tpu.memory_space<vmem_shared>> -> memref<1024xf32, #tpu.memory_space<vmem_shared>>
      tpu.enqueue_indirect_dma source(%arg9 : memref<2048xf32, #tpu.memory_space<vmem>>) target(%dma_start3A_530 : memref<1024xf32, #tpu.memory_space<vmem_shared>>) offsets(%arg8 : memref<2048xi32, #tpu.memory_space<vmem>>) semaphore(%run_scoped3A : memref<!tpu.dma_semaphore, #tpu.memory_space<semaphore_mem>>) {add = true}
      %dma_wait3A_531 = arith.constant 0 : i32
      %dma_wait3A_532 = tpu.memref_slice %arg11[%dma_wait3A_531] : memref<1024xf32, #tpu.memory_space<vmem_shared>> -> memref<1024xf32, #tpu.memory_space<vmem_shared>>
      tpu.wait_indirect_dma semaphore(%run_scoped3A : memref<!tpu.dma_semaphore, #tpu.memory_space<semaphore_mem>>) src(%arg9 : memref<2048xf32, #tpu.memory_space<vmem>>) dst(%dma_wait3A_532 : memref<1024xf32, #tpu.memory_space<vmem_shared>>)
      tpu.yield
    }) : () -> ()
    %barrier3A_521 = arith.constant 0 : index
    tpu.barrier barrier_id(%barrier3A_521)
    %eq3A_522 = arith.constant 0 : i32
    %eq3A_523 = arith.cmpi eq, %arg1, %eq3A_522 : i32
    %eq3A_524 = arith.constant 0 : i32
    %eq3A_525 = arith.cmpi eq, %arg0, %eq3A_524 : i32
    %and3A = arith.andi %eq3A_523, %eq3A_525 : i1
    %convert_element_type3A_526 = arith.extui %and3A : i1 to i32
    %cond3A_527 = arith.constant 0 : i32
    %cond3A_528 = arith.cmpi ne, %convert_element_type3A_526, %cond3A_527 : i32
    scf.if %cond3A_528 {
      "tpu.region"() ({
        %run_scoped3A = tpu.sem_alloc : memref<!tpu.dma_semaphore, #tpu.memory_space<semaphore_mem>>
        tpu.enqueue_dma source(%arg11 : memref<1024xf32, #tpu.memory_space<vmem_shared>>) target(%arg10 : memref<1024xf32, #tpu.memory_space<vmem>>) target_semaphore(%run_scoped3A : memref<!tpu.dma_semaphore, #tpu.memory_space<semaphore_mem>>)
        tpu.wait_dma2 semaphore(%run_scoped3A : memref<!tpu.dma_semaphore, #tpu.memory_space<semaphore_mem>>) src(%arg11 : memref<1024xf32, #tpu.memory_space<vmem_shared>>) dst(%arg10 : memref<1024xf32, #tpu.memory_space<vmem>>)
        tpu.yield
      }) : () -> ()
      %broadcast_in_dim3A_529 = arith.constant 0.000000e+00 : f32
      %broadcast_in_dim3A_530 = vector.broadcast %broadcast_in_dim3A_529 : f32 to vector<16xf32>
      %get3A = arith.constant 0 : index
      %get3A_531 = tpu.vector_load %arg10[%get3A] {strides = array<i32>} : memref<1024xf32, #tpu.memory_space<vmem>>, vector<16xf32>,
      %mul3A_532 = arith.constant 3.05175781E-5 : f32
      %mul3A_533 = vector.broadcast %mul3A_532 : f32 to vector<16xf32>
      %mul3A_534 = arith.mulf %get3A_531, %mul3A_533 : vector<16xf32>
      %add3A_535 = arith.constant 9.99999974E-6 : f32
      %add3A_536 = vector.broadcast %add3A_535 : f32 to vector<16xf32>
      %add3A_537 = arith.addf %mul3A_534, %add3A_536 : vector<16xf32>
      %bitcast_convert_type3A = tpu.bitcast %add3A_537 : vector<16xf32> -> vector<16xi32>
      %shift_right_arithmetic3A = arith.constant 23 : i32
      %shift_right_arithmetic3A_538 = vector.broadcast %shift_right_arithmetic3A : i32 to vector<16xi32>
      %shift_right_arithmetic3A_539 = arith.shrsi %bitcast_convert_type3A, %shift_right_arithmetic3A_538 : vector<16xi32>
      %and3A_540 = arith.constant 255 : i32
      %and3A_541 = vector.broadcast %and3A_540 : i32 to vector<16xi32>
      %and3A_542 = arith.andi %shift_right_arithmetic3A_539, %and3A_541 : vector<16xi32>
      %sub3A = arith.constant 127 : i32
      %sub3A_543 = vector.broadcast %sub3A : i32 to vector<16xi32>
      %sub3A_544 = arith.subi %and3A_542, %sub3A_543 : vector<16xi32>
      %and3A_545 = arith.constant 8388607 : i32
      %and3A_546 = vector.broadcast %and3A_545 : i32 to vector<16xi32>
      %and3A_547 = arith.andi %bitcast_convert_type3A, %and3A_546 : vector<16xi32>
      %or3A = arith.constant 1065353216 : i32
      %or3A_548 = vector.broadcast %or3A : i32 to vector<16xi32>
      %or3A_549 = arith.ori %and3A_547, %or3A_548 : vector<16xi32>
      %bitcast_convert_type3A_550 = tpu.bitcast %or3A_549 : vector<16xi32> -> vector<16xf32>
      %sub3A_551 = arith.constant 1.000000e+00 : f32
      %sub3A_552 = vector.broadcast %sub3A_551 : f32 to vector<16xf32>
      %sub3A_553 = arith.subf %bitcast_convert_type3A_550, %sub3A_552 : vector<16xf32>
      %add3A_554 = arith.constant 1.000000e+00 : f32
      %add3A_555 = vector.broadcast %add3A_554 : f32 to vector<16xf32>
      %add3A_556 = arith.addf %bitcast_convert_type3A_550, %add3A_555 : vector<16xf32>
      %div3A = arith.divf %sub3A_553, %add3A_556 : vector<16xf32>
      %mul3A_557 = arith.mulf %div3A, %div3A : vector<16xf32>
      %mul3A_558 = arith.constant 0.285714298 : f32
      %mul3A_559 = vector.broadcast %mul3A_558 : f32 to vector<16xf32>
      %mul3A_560 = arith.mulf %mul3A_557, %mul3A_559 : vector<16xf32>
      %add3A_561 = arith.constant 4.000000e-01 : f32
      %add3A_562 = vector.broadcast %add3A_561 : f32 to vector<16xf32>
      %add3A_563 = arith.addf %add3A_562, %mul3A_560 : vector<16xf32>
      %mul3A_564 = arith.mulf %mul3A_557, %add3A_563 : vector<16xf32>
      %add3A_565 = arith.constant 0.666666686 : f32
      %add3A_566 = vector.broadcast %add3A_565 : f32 to vector<16xf32>
      %add3A_567 = arith.addf %add3A_566, %mul3A_564 : vector<16xf32>
      %mul3A_568 = arith.mulf %mul3A_557, %add3A_567 : vector<16xf32>
      %add3A_569 = arith.constant 2.000000e+00 : f32
      %add3A_570 = vector.broadcast %add3A_569 : f32 to vector<16xf32>
      %add3A_571 = arith.addf %add3A_570, %mul3A_568 : vector<16xf32>
      %mul3A_572 = arith.mulf %div3A, %add3A_571 : vector<16xf32>
      %convert_element_type3A_573 = arith.sitofp %sub3A_544 : vector<16xi32> to vector<16xf32>
      %mul3A_574 = arith.constant 0.693147182 : f32
      %mul3A_575 = vector.broadcast %mul3A_574 : f32 to vector<16xf32>
      %mul3A_576 = arith.mulf %convert_element_type3A_573, %mul3A_575 : vector<16xf32>
      %add3A_577 = arith.addf %mul3A_576, %mul3A_572 : vector<16xf32>
      %mul3A_578 = arith.mulf %mul3A_534, %add3A_577 : vector<16xf32>
      %add3A_579 = arith.addf %broadcast_in_dim3A_530, %mul3A_578 : vector<16xf32>
      %get3A_580 = arith.constant 16 : index
      %get3A_581 = tpu.vector_load %arg10[%get3A_580] {strides = array<i32>} : memref<1024xf32, #tpu.memory_space<vmem>>, vector<16xf32>,
      %mul3A_582 = arith.constant 3.05175781E-5 : f32
      %mul3A_583 = vector.broadcast %mul3A_582 : f32 to vector<16xf32>
      %mul3A_584 = arith.mulf %get3A_581, %mul3A_583 : vector<16xf32>
      %add3A_585 = arith.constant 9.99999974E-6 : f32
      %add3A_586 = vector.broadcast %add3A_585 : f32 to vector<16xf32>
      %add3A_587 = arith.addf %mul3A_584, %add3A_586 : vector<16xf32>
      %bitcast_convert_type3A_588 = tpu.bitcast %add3A_587 : vector<16xf32> -> vector<16xi32>
      %shift_right_arithmetic3A_589 = arith.constant 23 : i32
      %shift_right_arithmetic3A_590 = vector.broadcast %shift_right_arithmetic3A_589 : i32 to vector<16xi32>
      %shift_right_arithmetic3A_591 = arith.shrsi %bitcast_convert_type3A_588, %shift_right_arithmetic3A_590 : vector<16xi32>
      %and3A_592 = arith.constant 255 : i32
      %and3A_593 = vector.broadcast %and3A_592 : i32 to vector<16xi32>
      %and3A_594 = arith.andi %shift_right_arithmetic3A_591, %and3A_593 : vector<16xi32>
      %sub3A_595 = arith.constant 127 : i32
      %sub3A_596 = vector.broadcast %sub3A_595 : i32 to vector<16xi32>
      %sub3A_597 = arith.subi %and3A_594, %sub3A_596 : vector<16xi32>
      %and3A_598 = arith.constant 8388607 : i32
      %and3A_599 = vector.broadcast %and3A_598 : i32 to vector<16xi32>
      %and3A_600 = arith.andi %bitcast_convert_type3A_588, %and3A_599 : vector<16xi32>
      %or3A_601 = arith.constant 1065353216 : i32
      %or3A_602 = vector.broadcast %or3A_601 : i32 to vector<16xi32>
      %or3A_603 = arith.ori %and3A_600, %or3A_602 : vector<16xi32>
      %bitcast_convert_type3A_604 = tpu.bitcast %or3A_603 : vector<16xi32> -> vector<16xf32>
      %sub3A_605 = arith.constant 1.000000e+00 : f32
      %sub3A_606 = vector.broadcast %sub3A_605 : f32 to vector<16xf32>
      %sub3A_607 = arith.subf %bitcast_convert_type3A_604, %sub3A_606 : vector<16xf32>
      %add3A_608 = arith.constant 1.000000e+00 : f32
      %add3A_609 = vector.broadcast %add3A_608 : f32 to vector<16xf32>
      %add3A_610 = arith.addf %bitcast_convert_type3A_604, %add3A_609 : vector<16xf32>
      %div3A_611 = arith.divf %sub3A_607, %add3A_610 : vector<16xf32>
      %mul3A_612 = arith.mulf %div3A_611, %div3A_611 : vector<16xf32>
      %mul3A_613 = arith.constant 0.285714298 : f32
      %mul3A_614 = vector.broadcast %mul3A_613 : f32 to vector<16xf32>
      %mul3A_615 = arith.mulf %mul3A_612, %mul3A_614 : vector<16xf32>
      %add3A_616 = arith.constant 4.000000e-01 : f32
      %add3A_617 = vector.broadcast %add3A_616 : f32 to vector<16xf32>
      %add3A_618 = arith.addf %add3A_617, %mul3A_615 : vector<16xf32>
      %mul3A_619 = arith.mulf %mul3A_612, %add3A_618 : vector<16xf32>
      %add3A_620 = arith.constant 0.666666686 : f32
      %add3A_621 = vector.broadcast %add3A_620 : f32 to vector<16xf32>
      %add3A_622 = arith.addf %add3A_621, %mul3A_619 : vector<16xf32>
      %mul3A_623 = arith.mulf %mul3A_612, %add3A_622 : vector<16xf32>
      %add3A_624 = arith.constant 2.000000e+00 : f32
      %add3A_625 = vector.broadcast %add3A_624 : f32 to vector<16xf32>
      %add3A_626 = arith.addf %add3A_625, %mul3A_623 : vector<16xf32>
      %mul3A_627 = arith.mulf %div3A_611, %add3A_626 : vector<16xf32>
      %convert_element_type3A_628 = arith.sitofp %sub3A_597 : vector<16xi32> to vector<16xf32>
      %mul3A_629 = arith.constant 0.693147182 : f32
      %mul3A_630 = vector.broadcast %mul3A_629 : f32 to vector<16xf32>
      %mul3A_631 = arith.mulf %convert_element_type3A_628, %mul3A_630 : vector<16xf32>
      %add3A_632 = arith.addf %mul3A_631, %mul3A_627 : vector<16xf32>
      %mul3A_633 = arith.mulf %mul3A_584, %add3A_632 : vector<16xf32>
      %add3A_634 = arith.addf %add3A_579, %mul3A_633 : vector<16xf32>
      %get3A_635 = arith.constant 32 : index
      %get3A_636 = tpu.vector_load %arg10[%get3A_635] {strides = array<i32>} : memref<1024xf32, #tpu.memory_space<vmem>>, vector<16xf32>,
      %mul3A_637 = arith.constant 3.05175781E-5 : f32
      %mul3A_638 = vector.broadcast %mul3A_637 : f32 to vector<16xf32>
      %mul3A_639 = arith.mulf %get3A_636, %mul3A_638 : vector<16xf32>
      %add3A_640 = arith.constant 9.99999974E-6 : f32
      %add3A_641 = vector.broadcast %add3A_640 : f32 to vector<16xf32>
      %add3A_642 = arith.addf %mul3A_639, %add3A_641 : vector<16xf32>
      %bitcast_convert_type3A_643 = tpu.bitcast %add3A_642 : vector<16xf32> -> vector<16xi32>
      %shift_right_arithmetic3A_644 = arith.constant 23 : i32
      %shift_right_arithmetic3A_645 = vector.broadcast %shift_right_arithmetic3A_644 : i32 to vector<16xi32>
      %shift_right_arithmetic3A_646 = arith.shrsi %bitcast_convert_type3A_643, %shift_right_arithmetic3A_645 : vector<16xi32>
      %and3A_647 = arith.constant 255 : i32
      %and3A_648 = vector.broadcast %and3A_647 : i32 to vector<16xi32>
      %and3A_649 = arith.andi %shift_right_arithmetic3A_646, %and3A_648 : vector<16xi32>
      %sub3A_650 = arith.constant 127 : i32
      %sub3A_651 = vector.broadcast %sub3A_650 : i32 to vector<16xi32>
      %sub3A_652 = arith.subi %and3A_649, %sub3A_651 : vector<16xi32>
      %and3A_653 = arith.constant 8388607 : i32
      %and3A_654 = vector.broadcast %and3A_653 : i32 to vector<16xi32>
      %and3A_655 = arith.andi %bitcast_convert_type3A_643, %and3A_654 : vector<16xi32>
      %or3A_656 = arith.constant 1065353216 : i32
      %or3A_657 = vector.broadcast %or3A_656 : i32 to vector<16xi32>
      %or3A_658 = arith.ori %and3A_655, %or3A_657 : vector<16xi32>
      %bitcast_convert_type3A_659 = tpu.bitcast %or3A_658 : vector<16xi32> -> vector<16xf32>
      %sub3A_660 = arith.constant 1.000000e+00 : f32
      %sub3A_661 = vector.broadcast %sub3A_660 : f32 to vector<16xf32>
      %sub3A_662 = arith.subf %bitcast_convert_type3A_659, %sub3A_661 : vector<16xf32>
      %add3A_663 = arith.constant 1.000000e+00 : f32
      %add3A_664 = vector.broadcast %add3A_663 : f32 to vector<16xf32>
      %add3A_665 = arith.addf %bitcast_convert_type3A_659, %add3A_664 : vector<16xf32>
      %div3A_666 = arith.divf %sub3A_662, %add3A_665 : vector<16xf32>
      %mul3A_667 = arith.mulf %div3A_666, %div3A_666 : vector<16xf32>
      %mul3A_668 = arith.constant 0.285714298 : f32
      %mul3A_669 = vector.broadcast %mul3A_668 : f32 to vector<16xf32>
      %mul3A_670 = arith.mulf %mul3A_667, %mul3A_669 : vector<16xf32>
      %add3A_671 = arith.constant 4.000000e-01 : f32
      %add3A_672 = vector.broadcast %add3A_671 : f32 to vector<16xf32>
      %add3A_673 = arith.addf %add3A_672, %mul3A_670 : vector<16xf32>
      %mul3A_674 = arith.mulf %mul3A_667, %add3A_673 : vector<16xf32>
      %add3A_675 = arith.constant 0.666666686 : f32
      %add3A_676 = vector.broadcast %add3A_675 : f32 to vector<16xf32>
      %add3A_677 = arith.addf %add3A_676, %mul3A_674 : vector<16xf32>
      %mul3A_678 = arith.mulf %mul3A_667, %add3A_677 : vector<16xf32>
      %add3A_679 = arith.constant 2.000000e+00 : f32
      %add3A_680 = vector.broadcast %add3A_679 : f32 to vector<16xf32>
      %add3A_681 = arith.addf %add3A_680, %mul3A_678 : vector<16xf32>
      %mul3A_682 = arith.mulf %div3A_666, %add3A_681 : vector<16xf32>
      %convert_element_type3A_683 = arith.sitofp %sub3A_652 : vector<16xi32> to vector<16xf32>
      %mul3A_684 = arith.constant 0.693147182 : f32
      %mul3A_685 = vector.broadcast %mul3A_684 : f32 to vector<16xf32>
      %mul3A_686 = arith.mulf %convert_element_type3A_683, %mul3A_685 : vector<16xf32>
      %add3A_687 = arith.addf %mul3A_686, %mul3A_682 : vector<16xf32>
      %mul3A_688 = arith.mulf %mul3A_639, %add3A_687 : vector<16xf32>
      %add3A_689 = arith.addf %add3A_634, %mul3A_688 : vector<16xf32>
      %get3A_690 = arith.constant 48 : index
      %get3A_691 = tpu.vector_load %arg10[%get3A_690] {strides = array<i32>} : memref<1024xf32, #tpu.memory_space<vmem>>, vector<16xf32>,
      %mul3A_692 = arith.constant 3.05175781E-5 : f32
      %mul3A_693 = vector.broadcast %mul3A_692 : f32 to vector<16xf32>
      %mul3A_694 = arith.mulf %get3A_691, %mul3A_693 : vector<16xf32>
      %add3A_695 = arith.constant 9.99999974E-6 : f32
      %add3A_696 = vector.broadcast %add3A_695 : f32 to vector<16xf32>
      %add3A_697 = arith.addf %mul3A_694, %add3A_696 : vector<16xf32>
      %bitcast_convert_type3A_698 = tpu.bitcast %add3A_697 : vector<16xf32> -> vector<16xi32>
      %shift_right_arithmetic3A_699 = arith.constant 23 : i32
      %shift_right_arithmetic3A_700 = vector.broadcast %shift_right_arithmetic3A_699 : i32 to vector<16xi32>
      %shift_right_arithmetic3A_701 = arith.shrsi %bitcast_convert_type3A_698, %shift_right_arithmetic3A_700 : vector<16xi32>
      %and3A_702 = arith.constant 255 : i32
      %and3A_703 = vector.broadcast %and3A_702 : i32 to vector<16xi32>
      %and3A_704 = arith.andi %shift_right_arithmetic3A_701, %and3A_703 : vector<16xi32>
      %sub3A_705 = arith.constant 127 : i32
      %sub3A_706 = vector.broadcast %sub3A_705 : i32 to vector<16xi32>
      %sub3A_707 = arith.subi %and3A_704, %sub3A_706 : vector<16xi32>
      %and3A_708 = arith.constant 8388607 : i32
      %and3A_709 = vector.broadcast %and3A_708 : i32 to vector<16xi32>
      %and3A_710 = arith.andi %bitcast_convert_type3A_698, %and3A_709 : vector<16xi32>
      %or3A_711 = arith.constant 1065353216 : i32
      %or3A_712 = vector.broadcast %or3A_711 : i32 to vector<16xi32>
      %or3A_713 = arith.ori %and3A_710, %or3A_712 : vector<16xi32>
      %bitcast_convert_type3A_714 = tpu.bitcast %or3A_713 : vector<16xi32> -> vector<16xf32>
      %sub3A_715 = arith.constant 1.000000e+00 : f32
      %sub3A_716 = vector.broadcast %sub3A_715 : f32 to vector<16xf32>
      %sub3A_717 = arith.subf %bitcast_convert_type3A_714, %sub3A_716 : vector<16xf32>
      %add3A_718 = arith.constant 1.000000e+00 : f32
      %add3A_719 = vector.broadcast %add3A_718 : f32 to vector<16xf32>
      %add3A_720 = arith.addf %bitcast_convert_type3A_714, %add3A_719 : vector<16xf32>
      %div3A_721 = arith.divf %sub3A_717, %add3A_720 : vector<16xf32>
      %mul3A_722 = arith.mulf %div3A_721, %div3A_721 : vector<16xf32>
      %mul3A_723 = arith.constant 0.285714298 : f32
      %mul3A_724 = vector.broadcast %mul3A_723 : f32 to vector<16xf32>
      %mul3A_725 = arith.mulf %mul3A_722, %mul3A_724 : vector<16xf32>
      %add3A_726 = arith.constant 4.000000e-01 : f32
      %add3A_727 = vector.broadcast %add3A_726 : f32 to vector<16xf32>
      %add3A_728 = arith.addf %add3A_727, %mul3A_725 : vector<16xf32>
      %mul3A_729 = arith.mulf %mul3A_722, %add3A_728 : vector<16xf32>
      %add3A_730 = arith.constant 0.666666686 : f32
      %add3A_731 = vector.broadcast %add3A_730 : f32 to vector<16xf32>
      %add3A_732 = arith.addf %add3A_731, %mul3A_729 : vector<16xf32>
      %mul3A_733 = arith.mulf %mul3A_722, %add3A_732 : vector<16xf32>
      %add3A_734 = arith.constant 2.000000e+00 : f32
      %add3A_735 = vector.broadcast %add3A_734 : f32 to vector<16xf32>
      %add3A_736 = arith.addf %add3A_735, %mul3A_733 : vector<16xf32>
      %mul3A_737 = arith.mulf %div3A_721, %add3A_736 : vector<16xf32>
      %convert_element_type3A_738 = arith.sitofp %sub3A_707 : vector<16xi32> to vector<16xf32>
      %mul3A_739 = arith.constant 0.693147182 : f32
      %mul3A_740 = vector.broadcast %mul3A_739 : f32 to vector<16xf32>
      %mul3A_741 = arith.mulf %convert_element_type3A_738, %mul3A_740 : vector<16xf32>
      %add3A_742 = arith.addf %mul3A_741, %mul3A_737 : vector<16xf32>
      %mul3A_743 = arith.mulf %mul3A_694, %add3A_742 : vector<16xf32>
      %add3A_744 = arith.addf %add3A_689, %mul3A_743 : vector<16xf32>
      %get3A_745 = arith.constant 64 : index
      %get3A_746 = tpu.vector_load %arg10[%get3A_745] {strides = array<i32>} : memref<1024xf32, #tpu.memory_space<vmem>>, vector<16xf32>,
      %mul3A_747 = arith.constant 3.05175781E-5 : f32
      %mul3A_748 = vector.broadcast %mul3A_747 : f32 to vector<16xf32>
      %mul3A_749 = arith.mulf %get3A_746, %mul3A_748 : vector<16xf32>
      %add3A_750 = arith.constant 9.99999974E-6 : f32
      %add3A_751 = vector.broadcast %add3A_750 : f32 to vector<16xf32>
      %add3A_752 = arith.addf %mul3A_749, %add3A_751 : vector<16xf32>
      %bitcast_convert_type3A_753 = tpu.bitcast %add3A_752 : vector<16xf32> -> vector<16xi32>
      %shift_right_arithmetic3A_754 = arith.constant 23 : i32
      %shift_right_arithmetic3A_755 = vector.broadcast %shift_right_arithmetic3A_754 : i32 to vector<16xi32>
      %shift_right_arithmetic3A_756 = arith.shrsi %bitcast_convert_type3A_753, %shift_right_arithmetic3A_755 : vector<16xi32>
      %and3A_757 = arith.constant 255 : i32
      %and3A_758 = vector.broadcast %and3A_757 : i32 to vector<16xi32>
      %and3A_759 = arith.andi %shift_right_arithmetic3A_756, %and3A_758 : vector<16xi32>
      %sub3A_760 = arith.constant 127 : i32
      %sub3A_761 = vector.broadcast %sub3A_760 : i32 to vector<16xi32>
      %sub3A_762 = arith.subi %and3A_759, %sub3A_761 : vector<16xi32>
      %and3A_763 = arith.constant 8388607 : i32
      %and3A_764 = vector.broadcast %and3A_763 : i32 to vector<16xi32>
      %and3A_765 = arith.andi %bitcast_convert_type3A_753, %and3A_764 : vector<16xi32>
      %or3A_766 = arith.constant 1065353216 : i32
      %or3A_767 = vector.broadcast %or3A_766 : i32 to vector<16xi32>
      %or3A_768 = arith.ori %and3A_765, %or3A_767 : vector<16xi32>
      %bitcast_convert_type3A_769 = tpu.bitcast %or3A_768 : vector<16xi32> -> vector<16xf32>
      %sub3A_770 = arith.constant 1.000000e+00 : f32
      %sub3A_771 = vector.broadcast %sub3A_770 : f32 to vector<16xf32>
      %sub3A_772 = arith.subf %bitcast_convert_type3A_769, %sub3A_771 : vector<16xf32>
      %add3A_773 = arith.constant 1.000000e+00 : f32
      %add3A_774 = vector.broadcast %add3A_773 : f32 to vector<16xf32>
      %add3A_775 = arith.addf %bitcast_convert_type3A_769, %add3A_774 : vector<16xf32>
      %div3A_776 = arith.divf %sub3A_772, %add3A_775 : vector<16xf32>
      %mul3A_777 = arith.mulf %div3A_776, %div3A_776 : vector<16xf32>
      %mul3A_778 = arith.constant 0.285714298 : f32
      %mul3A_779 = vector.broadcast %mul3A_778 : f32 to vector<16xf32>
      %mul3A_780 = arith.mulf %mul3A_777, %mul3A_779 : vector<16xf32>
      %add3A_781 = arith.constant 4.000000e-01 : f32
      %add3A_782 = vector.broadcast %add3A_781 : f32 to vector<16xf32>
      %add3A_783 = arith.addf %add3A_782, %mul3A_780 : vector<16xf32>
      %mul3A_784 = arith.mulf %mul3A_777, %add3A_783 : vector<16xf32>
      %add3A_785 = arith.constant 0.666666686 : f32
      %add3A_786 = vector.broadcast %add3A_785 : f32 to vector<16xf32>
      %add3A_787 = arith.addf %add3A_786, %mul3A_784 : vector<16xf32>
      %mul3A_788 = arith.mulf %mul3A_777, %add3A_787 : vector<16xf32>
      %add3A_789 = arith.constant 2.000000e+00 : f32
      %add3A_790 = vector.broadcast %add3A_789 : f32 to vector<16xf32>
      %add3A_791 = arith.addf %add3A_790, %mul3A_788 : vector<16xf32>
      %mul3A_792 = arith.mulf %div3A_776, %add3A_791 : vector<16xf32>
      %convert_element_type3A_793 = arith.sitofp %sub3A_762 : vector<16xi32> to vector<16xf32>
      %mul3A_794 = arith.constant 0.693147182 : f32
      %mul3A_795 = vector.broadcast %mul3A_794 : f32 to vector<16xf32>
      %mul3A_796 = arith.mulf %convert_element_type3A_793, %mul3A_795 : vector<16xf32>
      %add3A_797 = arith.addf %mul3A_796, %mul3A_792 : vector<16xf32>
      %mul3A_798 = arith.mulf %mul3A_749, %add3A_797 : vector<16xf32>
      %add3A_799 = arith.addf %add3A_744, %mul3A_798 : vector<16xf32>
      %get3A_800 = arith.constant 80 : index
      %get3A_801 = tpu.vector_load %arg10[%get3A_800] {strides = array<i32>} : memref<1024xf32, #tpu.memory_space<vmem>>, vector<16xf32>,
      %mul3A_802 = arith.constant 3.05175781E-5 : f32
      %mul3A_803 = vector.broadcast %mul3A_802 : f32 to vector<16xf32>
      %mul3A_804 = arith.mulf %get3A_801, %mul3A_803 : vector<16xf32>
      %add3A_805 = arith.constant 9.99999974E-6 : f32
      %add3A_806 = vector.broadcast %add3A_805 : f32 to vector<16xf32>
      %add3A_807 = arith.addf %mul3A_804, %add3A_806 : vector<16xf32>
      %bitcast_convert_type3A_808 = tpu.bitcast %add3A_807 : vector<16xf32> -> vector<16xi32>
      %shift_right_arithmetic3A_809 = arith.constant 23 : i32
      %shift_right_arithmetic3A_810 = vector.broadcast %shift_right_arithmetic3A_809 : i32 to vector<16xi32>
      %shift_right_arithmetic3A_811 = arith.shrsi %bitcast_convert_type3A_808, %shift_right_arithmetic3A_810 : vector<16xi32>
      %and3A_812 = arith.constant 255 : i32
      %and3A_813 = vector.broadcast %and3A_812 : i32 to vector<16xi32>
      %and3A_814 = arith.andi %shift_right_arithmetic3A_811, %and3A_813 : vector<16xi32>
      %sub3A_815 = arith.constant 127 : i32
      %sub3A_816 = vector.broadcast %sub3A_815 : i32 to vector<16xi32>
      %sub3A_817 = arith.subi %and3A_814, %sub3A_816 : vector<16xi32>
      %and3A_818 = arith.constant 8388607 : i32
      %and3A_819 = vector.broadcast %and3A_818 : i32 to vector<16xi32>
      %and3A_820 = arith.andi %bitcast_convert_type3A_808, %and3A_819 : vector<16xi32>
      %or3A_821 = arith.constant 1065353216 : i32
      %or3A_822 = vector.broadcast %or3A_821 : i32 to vector<16xi32>
      %or3A_823 = arith.ori %and3A_820, %or3A_822 : vector<16xi32>
      %bitcast_convert_type3A_824 = tpu.bitcast %or3A_823 : vector<16xi32> -> vector<16xf32>
      %sub3A_825 = arith.constant 1.000000e+00 : f32
      %sub3A_826 = vector.broadcast %sub3A_825 : f32 to vector<16xf32>
      %sub3A_827 = arith.subf %bitcast_convert_type3A_824, %sub3A_826 : vector<16xf32>
      %add3A_828 = arith.constant 1.000000e+00 : f32
      %add3A_829 = vector.broadcast %add3A_828 : f32 to vector<16xf32>
      %add3A_830 = arith.addf %bitcast_convert_type3A_824, %add3A_829 : vector<16xf32>
      %div3A_831 = arith.divf %sub3A_827, %add3A_830 : vector<16xf32>
      %mul3A_832 = arith.mulf %div3A_831, %div3A_831 : vector<16xf32>
      %mul3A_833 = arith.constant 0.285714298 : f32
      %mul3A_834 = vector.broadcast %mul3A_833 : f32 to vector<16xf32>
      %mul3A_835 = arith.mulf %mul3A_832, %mul3A_834 : vector<16xf32>
      %add3A_836 = arith.constant 4.000000e-01 : f32
      %add3A_837 = vector.broadcast %add3A_836 : f32 to vector<16xf32>
      %add3A_838 = arith.addf %add3A_837, %mul3A_835 : vector<16xf32>
      %mul3A_839 = arith.mulf %mul3A_832, %add3A_838 : vector<16xf32>
      %add3A_840 = arith.constant 0.666666686 : f32
      %add3A_841 = vector.broadcast %add3A_840 : f32 to vector<16xf32>
      %add3A_842 = arith.addf %add3A_841, %mul3A_839 : vector<16xf32>
      %mul3A_843 = arith.mulf %mul3A_832, %add3A_842 : vector<16xf32>
      %add3A_844 = arith.constant 2.000000e+00 : f32
      %add3A_845 = vector.broadcast %add3A_844 : f32 to vector<16xf32>
      %add3A_846 = arith.addf %add3A_845, %mul3A_843 : vector<16xf32>
      %mul3A_847 = arith.mulf %div3A_831, %add3A_846 : vector<16xf32>
      %convert_element_type3A_848 = arith.sitofp %sub3A_817 : vector<16xi32> to vector<16xf32>
      %mul3A_849 = arith.constant 0.693147182 : f32
      %mul3A_850 = vector.broadcast %mul3A_849 : f32 to vector<16xf32>
      %mul3A_851 = arith.mulf %convert_element_type3A_848, %mul3A_850 : vector<16xf32>
      %add3A_852 = arith.addf %mul3A_851, %mul3A_847 : vector<16xf32>
      %mul3A_853 = arith.mulf %mul3A_804, %add3A_852 : vector<16xf32>
      %add3A_854 = arith.addf %add3A_799, %mul3A_853 : vector<16xf32>
      %get3A_855 = arith.constant 96 : index
      %get3A_856 = tpu.vector_load %arg10[%get3A_855] {strides = array<i32>} : memref<1024xf32, #tpu.memory_space<vmem>>, vector<16xf32>,
      %mul3A_857 = arith.constant 3.05175781E-5 : f32
      %mul3A_858 = vector.broadcast %mul3A_857 : f32 to vector<16xf32>
      %mul3A_859 = arith.mulf %get3A_856, %mul3A_858 : vector<16xf32>
      %add3A_860 = arith.constant 9.99999974E-6 : f32
      %add3A_861 = vector.broadcast %add3A_860 : f32 to vector<16xf32>
      %add3A_862 = arith.addf %mul3A_859, %add3A_861 : vector<16xf32>
      %bitcast_convert_type3A_863 = tpu.bitcast %add3A_862 : vector<16xf32> -> vector<16xi32>
      %shift_right_arithmetic3A_864 = arith.constant 23 : i32
      %shift_right_arithmetic3A_865 = vector.broadcast %shift_right_arithmetic3A_864 : i32 to vector<16xi32>
      %shift_right_arithmetic3A_866 = arith.shrsi %bitcast_convert_type3A_863, %shift_right_arithmetic3A_865 : vector<16xi32>
      %and3A_867 = arith.constant 255 : i32
      %and3A_868 = vector.broadcast %and3A_867 : i32 to vector<16xi32>
      %and3A_869 = arith.andi %shift_right_arithmetic3A_866, %and3A_868 : vector<16xi32>
      %sub3A_870 = arith.constant 127 : i32
      %sub3A_871 = vector.broadcast %sub3A_870 : i32 to vector<16xi32>
      %sub3A_872 = arith.subi %and3A_869, %sub3A_871 : vector<16xi32>
      %and3A_873 = arith.constant 8388607 : i32
      %and3A_874 = vector.broadcast %and3A_873 : i32 to vector<16xi32>
      %and3A_875 = arith.andi %bitcast_convert_type3A_863, %and3A_874 : vector<16xi32>
      %or3A_876 = arith.constant 1065353216 : i32
      %or3A_877 = vector.broadcast %or3A_876 : i32 to vector<16xi32>
      %or3A_878 = arith.ori %and3A_875, %or3A_877 : vector<16xi32>
      %bitcast_convert_type3A_879 = tpu.bitcast %or3A_878 : vector<16xi32> -> vector<16xf32>
      %sub3A_880 = arith.constant 1.000000e+00 : f32
      %sub3A_881 = vector.broadcast %sub3A_880 : f32 to vector<16xf32>
      %sub3A_882 = arith.subf %bitcast_convert_type3A_879, %sub3A_881 : vector<16xf32>
      %add3A_883 = arith.constant 1.000000e+00 : f32
      %add3A_884 = vector.broadcast %add3A_883 : f32 to vector<16xf32>
      %add3A_885 = arith.addf %bitcast_convert_type3A_879, %add3A_884 : vector<16xf32>
      %div3A_886 = arith.divf %sub3A_882, %add3A_885 : vector<16xf32>
      %mul3A_887 = arith.mulf %div3A_886, %div3A_886 : vector<16xf32>
      %mul3A_888 = arith.constant 0.285714298 : f32
      %mul3A_889 = vector.broadcast %mul3A_888 : f32 to vector<16xf32>
      %mul3A_890 = arith.mulf %mul3A_887, %mul3A_889 : vector<16xf32>
      %add3A_891 = arith.constant 4.000000e-01 : f32
      %add3A_892 = vector.broadcast %add3A_891 : f32 to vector<16xf32>
      %add3A_893 = arith.addf %add3A_892, %mul3A_890 : vector<16xf32>
      %mul3A_894 = arith.mulf %mul3A_887, %add3A_893 : vector<16xf32>
      %add3A_895 = arith.constant 0.666666686 : f32
      %add3A_896 = vector.broadcast %add3A_895 : f32 to vector<16xf32>
      %add3A_897 = arith.addf %add3A_896, %mul3A_894 : vector<16xf32>
      %mul3A_898 = arith.mulf %mul3A_887, %add3A_897 : vector<16xf32>
      %add3A_899 = arith.constant 2.000000e+00 : f32
      %add3A_900 = vector.broadcast %add3A_899 : f32 to vector<16xf32>
      %add3A_901 = arith.addf %add3A_900, %mul3A_898 : vector<16xf32>
      %mul3A_902 = arith.mulf %div3A_886, %add3A_901 : vector<16xf32>
      %convert_element_type3A_903 = arith.sitofp %sub3A_872 : vector<16xi32> to vector<16xf32>
      %mul3A_904 = arith.constant 0.693147182 : f32
      %mul3A_905 = vector.broadcast %mul3A_904 : f32 to vector<16xf32>
      %mul3A_906 = arith.mulf %convert_element_type3A_903, %mul3A_905 : vector<16xf32>
      %add3A_907 = arith.addf %mul3A_906, %mul3A_902 : vector<16xf32>
      %mul3A_908 = arith.mulf %mul3A_859, %add3A_907 : vector<16xf32>
      %add3A_909 = arith.addf %add3A_854, %mul3A_908 : vector<16xf32>
      %get3A_910 = arith.constant 112 : index
      %get3A_911 = tpu.vector_load %arg10[%get3A_910] {strides = array<i32>} : memref<1024xf32, #tpu.memory_space<vmem>>, vector<16xf32>,
      %mul3A_912 = arith.constant 3.05175781E-5 : f32
      %mul3A_913 = vector.broadcast %mul3A_912 : f32 to vector<16xf32>
      %mul3A_914 = arith.mulf %get3A_911, %mul3A_913 : vector<16xf32>
      %add3A_915 = arith.constant 9.99999974E-6 : f32
      %add3A_916 = vector.broadcast %add3A_915 : f32 to vector<16xf32>
      %add3A_917 = arith.addf %mul3A_914, %add3A_916 : vector<16xf32>
      %bitcast_convert_type3A_918 = tpu.bitcast %add3A_917 : vector<16xf32> -> vector<16xi32>
      %shift_right_arithmetic3A_919 = arith.constant 23 : i32
      %shift_right_arithmetic3A_920 = vector.broadcast %shift_right_arithmetic3A_919 : i32 to vector<16xi32>
      %shift_right_arithmetic3A_921 = arith.shrsi %bitcast_convert_type3A_918, %shift_right_arithmetic3A_920 : vector<16xi32>
      %and3A_922 = arith.constant 255 : i32
      %and3A_923 = vector.broadcast %and3A_922 : i32 to vector<16xi32>
      %and3A_924 = arith.andi %shift_right_arithmetic3A_921, %and3A_923 : vector<16xi32>
      %sub3A_925 = arith.constant 127 : i32
      %sub3A_926 = vector.broadcast %sub3A_925 : i32 to vector<16xi32>
      %sub3A_927 = arith.subi %and3A_924, %sub3A_926 : vector<16xi32>
      %and3A_928 = arith.constant 8388607 : i32
      %and3A_929 = vector.broadcast %and3A_928 : i32 to vector<16xi32>
      %and3A_930 = arith.andi %bitcast_convert_type3A_918, %and3A_929 : vector<16xi32>
      %or3A_931 = arith.constant 1065353216 : i32
      %or3A_932 = vector.broadcast %or3A_931 : i32 to vector<16xi32>
      %or3A_933 = arith.ori %and3A_930, %or3A_932 : vector<16xi32>
      %bitcast_convert_type3A_934 = tpu.bitcast %or3A_933 : vector<16xi32> -> vector<16xf32>
      %sub3A_935 = arith.constant 1.000000e+00 : f32
      %sub3A_936 = vector.broadcast %sub3A_935 : f32 to vector<16xf32>
      %sub3A_937 = arith.subf %bitcast_convert_type3A_934, %sub3A_936 : vector<16xf32>
      %add3A_938 = arith.constant 1.000000e+00 : f32
      %add3A_939 = vector.broadcast %add3A_938 : f32 to vector<16xf32>
      %add3A_940 = arith.addf %bitcast_convert_type3A_934, %add3A_939 : vector<16xf32>
      %div3A_941 = arith.divf %sub3A_937, %add3A_940 : vector<16xf32>
      %mul3A_942 = arith.mulf %div3A_941, %div3A_941 : vector<16xf32>
      %mul3A_943 = arith.constant 0.285714298 : f32
      %mul3A_944 = vector.broadcast %mul3A_943 : f32 to vector<16xf32>
      %mul3A_945 = arith.mulf %mul3A_942, %mul3A_944 : vector<16xf32>
      %add3A_946 = arith.constant 4.000000e-01 : f32
      %add3A_947 = vector.broadcast %add3A_946 : f32 to vector<16xf32>
      %add3A_948 = arith.addf %add3A_947, %mul3A_945 : vector<16xf32>
      %mul3A_949 = arith.mulf %mul3A_942, %add3A_948 : vector<16xf32>
      %add3A_950 = arith.constant 0.666666686 : f32
      %add3A_951 = vector.broadcast %add3A_950 : f32 to vector<16xf32>
      %add3A_952 = arith.addf %add3A_951, %mul3A_949 : vector<16xf32>
      %mul3A_953 = arith.mulf %mul3A_942, %add3A_952 : vector<16xf32>
      %add3A_954 = arith.constant 2.000000e+00 : f32
      %add3A_955 = vector.broadcast %add3A_954 : f32 to vector<16xf32>
      %add3A_956 = arith.addf %add3A_955, %mul3A_953 : vector<16xf32>
      %mul3A_957 = arith.mulf %div3A_941, %add3A_956 : vector<16xf32>
      %convert_element_type3A_958 = arith.sitofp %sub3A_927 : vector<16xi32> to vector<16xf32>
      %mul3A_959 = arith.constant 0.693147182 : f32
      %mul3A_960 = vector.broadcast %mul3A_959 : f32 to vector<16xf32>
      %mul3A_961 = arith.mulf %convert_element_type3A_958, %mul3A_960 : vector<16xf32>
      %add3A_962 = arith.addf %mul3A_961, %mul3A_957 : vector<16xf32>
      %mul3A_963 = arith.mulf %mul3A_914, %add3A_962 : vector<16xf32>
      %add3A_964 = arith.addf %add3A_909, %mul3A_963 : vector<16xf32>
      %get3A_965 = arith.constant 128 : index
      %get3A_966 = tpu.vector_load %arg10[%get3A_965] {strides = array<i32>} : memref<1024xf32, #tpu.memory_space<vmem>>, vector<16xf32>,
      %mul3A_967 = arith.constant 3.05175781E-5 : f32
      %mul3A_968 = vector.broadcast %mul3A_967 : f32 to vector<16xf32>
      %mul3A_969 = arith.mulf %get3A_966, %mul3A_968 : vector<16xf32>
      %add3A_970 = arith.constant 9.99999974E-6 : f32
      %add3A_971 = vector.broadcast %add3A_970 : f32 to vector<16xf32>
      %add3A_972 = arith.addf %mul3A_969, %add3A_971 : vector<16xf32>
      %bitcast_convert_type3A_973 = tpu.bitcast %add3A_972 : vector<16xf32> -> vector<16xi32>
      %shift_right_arithmetic3A_974 = arith.constant 23 : i32
      %shift_right_arithmetic3A_975 = vector.broadcast %shift_right_arithmetic3A_974 : i32 to vector<16xi32>
      %shift_right_arithmetic3A_976 = arith.shrsi %bitcast_convert_type3A_973, %shift_right_arithmetic3A_975 : vector<16xi32>
      %and3A_977 = arith.constant 255 : i32
      %and3A_978 = vector.broadcast %and3A_977 : i32 to vector<16xi32>
      %and3A_979 = arith.andi %shift_right_arithmetic3A_976, %and3A_978 : vector<16xi32>
      %sub3A_980 = arith.constant 127 : i32
      %sub3A_981 = vector.broadcast %sub3A_980 : i32 to vector<16xi32>
      %sub3A_982 = arith.subi %and3A_979, %sub3A_981 : vector<16xi32>
      %and3A_983 = arith.constant 8388607 : i32
      %and3A_984 = vector.broadcast %and3A_983 : i32 to vector<16xi32>
      %and3A_985 = arith.andi %bitcast_convert_type3A_973, %and3A_984 : vector<16xi32>
      %or3A_986 = arith.constant 1065353216 : i32
      %or3A_987 = vector.broadcast %or3A_986 : i32 to vector<16xi32>
      %or3A_988 = arith.ori %and3A_985, %or3A_987 : vector<16xi32>
      %bitcast_convert_type3A_989 = tpu.bitcast %or3A_988 : vector<16xi32> -> vector<16xf32>
      %sub3A_990 = arith.constant 1.000000e+00 : f32
      %sub3A_991 = vector.broadcast %sub3A_990 : f32 to vector<16xf32>
      %sub3A_992 = arith.subf %bitcast_convert_type3A_989, %sub3A_991 : vector<16xf32>
      %add3A_993 = arith.constant 1.000000e+00 : f32
      %add3A_994 = vector.broadcast %add3A_993 : f32 to vector<16xf32>
      %add3A_995 = arith.addf %bitcast_convert_type3A_989, %add3A_994 : vector<16xf32>
      %div3A_996 = arith.divf %sub3A_992, %add3A_995 : vector<16xf32>
      %mul3A_997 = arith.mulf %div3A_996, %div3A_996 : vector<16xf32>
      %mul3A_998 = arith.constant 0.285714298 : f32
      %mul3A_999 = vector.broadcast %mul3A_998 : f32 to vector<16xf32>
      %mul3A_1000 = arith.mulf %mul3A_997, %mul3A_999 : vector<16xf32>
      %add3A_1001 = arith.constant 4.000000e-01 : f32
      %add3A_1002 = vector.broadcast %add3A_1001 : f32 to vector<16xf32>
      %add3A_1003 = arith.addf %add3A_1002, %mul3A_1000 : vector<16xf32>
      %mul3A_1004 = arith.mulf %mul3A_997, %add3A_1003 : vector<16xf32>
      %add3A_1005 = arith.constant 0.666666686 : f32
      %add3A_1006 = vector.broadcast %add3A_1005 : f32 to vector<16xf32>
      %add3A_1007 = arith.addf %add3A_1006, %mul3A_1004 : vector<16xf32>
      %mul3A_1008 = arith.mulf %mul3A_997, %add3A_1007 : vector<16xf32>
      %add3A_1009 = arith.constant 2.000000e+00 : f32
      %add3A_1010 = vector.broadcast %add3A_1009 : f32 to vector<16xf32>
      %add3A_1011 = arith.addf %add3A_1010, %mul3A_1008 : vector<16xf32>
      %mul3A_1012 = arith.mulf %div3A_996, %add3A_1011 : vector<16xf32>
      %convert_element_type3A_1013 = arith.sitofp %sub3A_982 : vector<16xi32> to vector<16xf32>
      %mul3A_1014 = arith.constant 0.693147182 : f32
      %mul3A_1015 = vector.broadcast %mul3A_1014 : f32 to vector<16xf32>
      %mul3A_1016 = arith.mulf %convert_element_type3A_1013, %mul3A_1015 : vector<16xf32>
      %add3A_1017 = arith.addf %mul3A_1016, %mul3A_1012 : vector<16xf32>
      %mul3A_1018 = arith.mulf %mul3A_969, %add3A_1017 : vector<16xf32>
      %add3A_1019 = arith.addf %add3A_964, %mul3A_1018 : vector<16xf32>
      %get3A_1020 = arith.constant 144 : index
      %get3A_1021 = tpu.vector_load %arg10[%get3A_1020] {strides = array<i32>} : memref<1024xf32, #tpu.memory_space<vmem>>, vector<16xf32>,
      %mul3A_1022 = arith.constant 3.05175781E-5 : f32
      %mul3A_1023 = vector.broadcast %mul3A_1022 : f32 to vector<16xf32>
      %mul3A_1024 = arith.mulf %get3A_1021, %mul3A_1023 : vector<16xf32>
      %add3A_1025 = arith.constant 9.99999974E-6 : f32
      %add3A_1026 = vector.broadcast %add3A_1025 : f32 to vector<16xf32>
      %add3A_1027 = arith.addf %mul3A_1024, %add3A_1026 : vector<16xf32>
      %bitcast_convert_type3A_1028 = tpu.bitcast %add3A_1027 : vector<16xf32> -> vector<16xi32>
      %shift_right_arithmetic3A_1029 = arith.constant 23 : i32
      %shift_right_arithmetic3A_1030 = vector.broadcast %shift_right_arithmetic3A_1029 : i32 to vector<16xi32>
      %shift_right_arithmetic3A_1031 = arith.shrsi %bitcast_convert_type3A_1028, %shift_right_arithmetic3A_1030 : vector<16xi32>
      %and3A_1032 = arith.constant 255 : i32
      %and3A_1033 = vector.broadcast %and3A_1032 : i32 to vector<16xi32>
      %and3A_1034 = arith.andi %shift_right_arithmetic3A_1031, %and3A_1033 : vector<16xi32>
      %sub3A_1035 = arith.constant 127 : i32
      %sub3A_1036 = vector.broadcast %sub3A_1035 : i32 to vector<16xi32>
      %sub3A_1037 = arith.subi %and3A_1034, %sub3A_1036 : vector<16xi32>
      %and3A_1038 = arith.constant 8388607 : i32
      %and3A_1039 = vector.broadcast %and3A_1038 : i32 to vector<16xi32>
      %and3A_1040 = arith.andi %bitcast_convert_type3A_1028, %and3A_1039 : vector<16xi32>
      %or3A_1041 = arith.constant 1065353216 : i32
      %or3A_1042 = vector.broadcast %or3A_1041 : i32 to vector<16xi32>
      %or3A_1043 = arith.ori %and3A_1040, %or3A_1042 : vector<16xi32>
      %bitcast_convert_type3A_1044 = tpu.bitcast %or3A_1043 : vector<16xi32> -> vector<16xf32>
      %sub3A_1045 = arith.constant 1.000000e+00 : f32
      %sub3A_1046 = vector.broadcast %sub3A_1045 : f32 to vector<16xf32>
      %sub3A_1047 = arith.subf %bitcast_convert_type3A_1044, %sub3A_1046 : vector<16xf32>
      %add3A_1048 = arith.constant 1.000000e+00 : f32
      %add3A_1049 = vector.broadcast %add3A_1048 : f32 to vector<16xf32>
      %add3A_1050 = arith.addf %bitcast_convert_type3A_1044, %add3A_1049 : vector<16xf32>
      %div3A_1051 = arith.divf %sub3A_1047, %add3A_1050 : vector<16xf32>
      %mul3A_1052 = arith.mulf %div3A_1051, %div3A_1051 : vector<16xf32>
      %mul3A_1053 = arith.constant 0.285714298 : f32
      %mul3A_1054 = vector.broadcast %mul3A_1053 : f32 to vector<16xf32>
      %mul3A_1055 = arith.mulf %mul3A_1052, %mul3A_1054 : vector<16xf32>
      %add3A_1056 = arith.constant 4.000000e-01 : f32
      %add3A_1057 = vector.broadcast %add3A_1056 : f32 to vector<16xf32>
      %add3A_1058 = arith.addf %add3A_1057, %mul3A_1055 : vector<16xf32>
      %mul3A_1059 = arith.mulf %mul3A_1052, %add3A_1058 : vector<16xf32>
      %add3A_1060 = arith.constant 0.666666686 : f32
      %add3A_1061 = vector.broadcast %add3A_1060 : f32 to vector<16xf32>
      %add3A_1062 = arith.addf %add3A_1061, %mul3A_1059 : vector<16xf32>
      %mul3A_1063 = arith.mulf %mul3A_1052, %add3A_1062 : vector<16xf32>
      %add3A_1064 = arith.constant 2.000000e+00 : f32
      %add3A_1065 = vector.broadcast %add3A_1064 : f32 to vector<16xf32>
      %add3A_1066 = arith.addf %add3A_1065, %mul3A_1063 : vector<16xf32>
      %mul3A_1067 = arith.mulf %div3A_1051, %add3A_1066 : vector<16xf32>
      %convert_element_type3A_1068 = arith.sitofp %sub3A_1037 : vector<16xi32> to vector<16xf32>
      %mul3A_1069 = arith.constant 0.693147182 : f32
      %mul3A_1070 = vector.broadcast %mul3A_1069 : f32 to vector<16xf32>
      %mul3A_1071 = arith.mulf %convert_element_type3A_1068, %mul3A_1070 : vector<16xf32>
      %add3A_1072 = arith.addf %mul3A_1071, %mul3A_1067 : vector<16xf32>
      %mul3A_1073 = arith.mulf %mul3A_1024, %add3A_1072 : vector<16xf32>
      %add3A_1074 = arith.addf %add3A_1019, %mul3A_1073 : vector<16xf32>
      %get3A_1075 = arith.constant 160 : index
      %get3A_1076 = tpu.vector_load %arg10[%get3A_1075] {strides = array<i32>} : memref<1024xf32, #tpu.memory_space<vmem>>, vector<16xf32>,
      %mul3A_1077 = arith.constant 3.05175781E-5 : f32
      %mul3A_1078 = vector.broadcast %mul3A_1077 : f32 to vector<16xf32>
      %mul3A_1079 = arith.mulf %get3A_1076, %mul3A_1078 : vector<16xf32>
      %add3A_1080 = arith.constant 9.99999974E-6 : f32
      %add3A_1081 = vector.broadcast %add3A_1080 : f32 to vector<16xf32>
      %add3A_1082 = arith.addf %mul3A_1079, %add3A_1081 : vector<16xf32>
      %bitcast_convert_type3A_1083 = tpu.bitcast %add3A_1082 : vector<16xf32> -> vector<16xi32>
      %shift_right_arithmetic3A_1084 = arith.constant 23 : i32
      %shift_right_arithmetic3A_1085 = vector.broadcast %shift_right_arithmetic3A_1084 : i32 to vector<16xi32>
      %shift_right_arithmetic3A_1086 = arith.shrsi %bitcast_convert_type3A_1083, %shift_right_arithmetic3A_1085 : vector<16xi32>
      %and3A_1087 = arith.constant 255 : i32
      %and3A_1088 = vector.broadcast %and3A_1087 : i32 to vector<16xi32>
      %and3A_1089 = arith.andi %shift_right_arithmetic3A_1086, %and3A_1088 : vector<16xi32>
      %sub3A_1090 = arith.constant 127 : i32
      %sub3A_1091 = vector.broadcast %sub3A_1090 : i32 to vector<16xi32>
      %sub3A_1092 = arith.subi %and3A_1089, %sub3A_1091 : vector<16xi32>
      %and3A_1093 = arith.constant 8388607 : i32
      %and3A_1094 = vector.broadcast %and3A_1093 : i32 to vector<16xi32>
      %and3A_1095 = arith.andi %bitcast_convert_type3A_1083, %and3A_1094 : vector<16xi32>
      %or3A_1096 = arith.constant 1065353216 : i32
      %or3A_1097 = vector.broadcast %or3A_1096 : i32 to vector<16xi32>
      %or3A_1098 = arith.ori %and3A_1095, %or3A_1097 : vector<16xi32>
      %bitcast_convert_type3A_1099 = tpu.bitcast %or3A_1098 : vector<16xi32> -> vector<16xf32>
      %sub3A_1100 = arith.constant 1.000000e+00 : f32
      %sub3A_1101 = vector.broadcast %sub3A_1100 : f32 to vector<16xf32>
      %sub3A_1102 = arith.subf %bitcast_convert_type3A_1099, %sub3A_1101 : vector<16xf32>
      %add3A_1103 = arith.constant 1.000000e+00 : f32
      %add3A_1104 = vector.broadcast %add3A_1103 : f32 to vector<16xf32>
      %add3A_1105 = arith.addf %bitcast_convert_type3A_1099, %add3A_1104 : vector<16xf32>
      %div3A_1106 = arith.divf %sub3A_1102, %add3A_1105 : vector<16xf32>
      %mul3A_1107 = arith.mulf %div3A_1106, %div3A_1106 : vector<16xf32>
      %mul3A_1108 = arith.constant 0.285714298 : f32
      %mul3A_1109 = vector.broadcast %mul3A_1108 : f32 to vector<16xf32>
      %mul3A_1110 = arith.mulf %mul3A_1107, %mul3A_1109 : vector<16xf32>
      %add3A_1111 = arith.constant 4.000000e-01 : f32
      %add3A_1112 = vector.broadcast %add3A_1111 : f32 to vector<16xf32>
      %add3A_1113 = arith.addf %add3A_1112, %mul3A_1110 : vector<16xf32>
      %mul3A_1114 = arith.mulf %mul3A_1107, %add3A_1113 : vector<16xf32>
      %add3A_1115 = arith.constant 0.666666686 : f32
      %add3A_1116 = vector.broadcast %add3A_1115 : f32 to vector<16xf32>
      %add3A_1117 = arith.addf %add3A_1116, %mul3A_1114 : vector<16xf32>
      %mul3A_1118 = arith.mulf %mul3A_1107, %add3A_1117 : vector<16xf32>
      %add3A_1119 = arith.constant 2.000000e+00 : f32
      %add3A_1120 = vector.broadcast %add3A_1119 : f32 to vector<16xf32>
      %add3A_1121 = arith.addf %add3A_1120, %mul3A_1118 : vector<16xf32>
      %mul3A_1122 = arith.mulf %div3A_1106, %add3A_1121 : vector<16xf32>
      %convert_element_type3A_1123 = arith.sitofp %sub3A_1092 : vector<16xi32> to vector<16xf32>
      %mul3A_1124 = arith.constant 0.693147182 : f32
      %mul3A_1125 = vector.broadcast %mul3A_1124 : f32 to vector<16xf32>
      %mul3A_1126 = arith.mulf %convert_element_type3A_1123, %mul3A_1125 : vector<16xf32>
      %add3A_1127 = arith.addf %mul3A_1126, %mul3A_1122 : vector<16xf32>
      %mul3A_1128 = arith.mulf %mul3A_1079, %add3A_1127 : vector<16xf32>
      %add3A_1129 = arith.addf %add3A_1074, %mul3A_1128 : vector<16xf32>
      %get3A_1130 = arith.constant 176 : index
      %get3A_1131 = tpu.vector_load %arg10[%get3A_1130] {strides = array<i32>} : memref<1024xf32, #tpu.memory_space<vmem>>, vector<16xf32>,
      %mul3A_1132 = arith.constant 3.05175781E-5 : f32
      %mul3A_1133 = vector.broadcast %mul3A_1132 : f32 to vector<16xf32>
      %mul3A_1134 = arith.mulf %get3A_1131, %mul3A_1133 : vector<16xf32>
      %add3A_1135 = arith.constant 9.99999974E-6 : f32
      %add3A_1136 = vector.broadcast %add3A_1135 : f32 to vector<16xf32>
      %add3A_1137 = arith.addf %mul3A_1134, %add3A_1136 : vector<16xf32>
      %bitcast_convert_type3A_1138 = tpu.bitcast %add3A_1137 : vector<16xf32> -> vector<16xi32>
      %shift_right_arithmetic3A_1139 = arith.constant 23 : i32
      %shift_right_arithmetic3A_1140 = vector.broadcast %shift_right_arithmetic3A_1139 : i32 to vector<16xi32>
      %shift_right_arithmetic3A_1141 = arith.shrsi %bitcast_convert_type3A_1138, %shift_right_arithmetic3A_1140 : vector<16xi32>
      %and3A_1142 = arith.constant 255 : i32
      %and3A_1143 = vector.broadcast %and3A_1142 : i32 to vector<16xi32>
      %and3A_1144 = arith.andi %shift_right_arithmetic3A_1141, %and3A_1143 : vector<16xi32>
      %sub3A_1145 = arith.constant 127 : i32
      %sub3A_1146 = vector.broadcast %sub3A_1145 : i32 to vector<16xi32>
      %sub3A_1147 = arith.subi %and3A_1144, %sub3A_1146 : vector<16xi32>
      %and3A_1148 = arith.constant 8388607 : i32
      %and3A_1149 = vector.broadcast %and3A_1148 : i32 to vector<16xi32>
      %and3A_1150 = arith.andi %bitcast_convert_type3A_1138, %and3A_1149 : vector<16xi32>
      %or3A_1151 = arith.constant 1065353216 : i32
      %or3A_1152 = vector.broadcast %or3A_1151 : i32 to vector<16xi32>
      %or3A_1153 = arith.ori %and3A_1150, %or3A_1152 : vector<16xi32>
      %bitcast_convert_type3A_1154 = tpu.bitcast %or3A_1153 : vector<16xi32> -> vector<16xf32>
      %sub3A_1155 = arith.constant 1.000000e+00 : f32
      %sub3A_1156 = vector.broadcast %sub3A_1155 : f32 to vector<16xf32>
      %sub3A_1157 = arith.subf %bitcast_convert_type3A_1154, %sub3A_1156 : vector<16xf32>
      %add3A_1158 = arith.constant 1.000000e+00 : f32
      %add3A_1159 = vector.broadcast %add3A_1158 : f32 to vector<16xf32>
      %add3A_1160 = arith.addf %bitcast_convert_type3A_1154, %add3A_1159 : vector<16xf32>
      %div3A_1161 = arith.divf %sub3A_1157, %add3A_1160 : vector<16xf32>
      %mul3A_1162 = arith.mulf %div3A_1161, %div3A_1161 : vector<16xf32>
      %mul3A_1163 = arith.constant 0.285714298 : f32
      %mul3A_1164 = vector.broadcast %mul3A_1163 : f32 to vector<16xf32>
      %mul3A_1165 = arith.mulf %mul3A_1162, %mul3A_1164 : vector<16xf32>
      %add3A_1166 = arith.constant 4.000000e-01 : f32
      %add3A_1167 = vector.broadcast %add3A_1166 : f32 to vector<16xf32>
      %add3A_1168 = arith.addf %add3A_1167, %mul3A_1165 : vector<16xf32>
      %mul3A_1169 = arith.mulf %mul3A_1162, %add3A_1168 : vector<16xf32>
      %add3A_1170 = arith.constant 0.666666686 : f32
      %add3A_1171 = vector.broadcast %add3A_1170 : f32 to vector<16xf32>
      %add3A_1172 = arith.addf %add3A_1171, %mul3A_1169 : vector<16xf32>
      %mul3A_1173 = arith.mulf %mul3A_1162, %add3A_1172 : vector<16xf32>
      %add3A_1174 = arith.constant 2.000000e+00 : f32
      %add3A_1175 = vector.broadcast %add3A_1174 : f32 to vector<16xf32>
      %add3A_1176 = arith.addf %add3A_1175, %mul3A_1173 : vector<16xf32>
      %mul3A_1177 = arith.mulf %div3A_1161, %add3A_1176 : vector<16xf32>
      %convert_element_type3A_1178 = arith.sitofp %sub3A_1147 : vector<16xi32> to vector<16xf32>
      %mul3A_1179 = arith.constant 0.693147182 : f32
      %mul3A_1180 = vector.broadcast %mul3A_1179 : f32 to vector<16xf32>
      %mul3A_1181 = arith.mulf %convert_element_type3A_1178, %mul3A_1180 : vector<16xf32>
      %add3A_1182 = arith.addf %mul3A_1181, %mul3A_1177 : vector<16xf32>
      %mul3A_1183 = arith.mulf %mul3A_1134, %add3A_1182 : vector<16xf32>
      %add3A_1184 = arith.addf %add3A_1129, %mul3A_1183 : vector<16xf32>
      %get3A_1185 = arith.constant 192 : index
      %get3A_1186 = tpu.vector_load %arg10[%get3A_1185] {strides = array<i32>} : memref<1024xf32, #tpu.memory_space<vmem>>, vector<16xf32>,
      %mul3A_1187 = arith.constant 3.05175781E-5 : f32
      %mul3A_1188 = vector.broadcast %mul3A_1187 : f32 to vector<16xf32>
      %mul3A_1189 = arith.mulf %get3A_1186, %mul3A_1188 : vector<16xf32>
      %add3A_1190 = arith.constant 9.99999974E-6 : f32
      %add3A_1191 = vector.broadcast %add3A_1190 : f32 to vector<16xf32>
      %add3A_1192 = arith.addf %mul3A_1189, %add3A_1191 : vector<16xf32>
      %bitcast_convert_type3A_1193 = tpu.bitcast %add3A_1192 : vector<16xf32> -> vector<16xi32>
      %shift_right_arithmetic3A_1194 = arith.constant 23 : i32
      %shift_right_arithmetic3A_1195 = vector.broadcast %shift_right_arithmetic3A_1194 : i32 to vector<16xi32>
      %shift_right_arithmetic3A_1196 = arith.shrsi %bitcast_convert_type3A_1193, %shift_right_arithmetic3A_1195 : vector<16xi32>
      %and3A_1197 = arith.constant 255 : i32
      %and3A_1198 = vector.broadcast %and3A_1197 : i32 to vector<16xi32>
      %and3A_1199 = arith.andi %shift_right_arithmetic3A_1196, %and3A_1198 : vector<16xi32>
      %sub3A_1200 = arith.constant 127 : i32
      %sub3A_1201 = vector.broadcast %sub3A_1200 : i32 to vector<16xi32>
      %sub3A_1202 = arith.subi %and3A_1199, %sub3A_1201 : vector<16xi32>
      %and3A_1203 = arith.constant 8388607 : i32
      %and3A_1204 = vector.broadcast %and3A_1203 : i32 to vector<16xi32>
      %and3A_1205 = arith.andi %bitcast_convert_type3A_1193, %and3A_1204 : vector<16xi32>
      %or3A_1206 = arith.constant 1065353216 : i32
      %or3A_1207 = vector.broadcast %or3A_1206 : i32 to vector<16xi32>
      %or3A_1208 = arith.ori %and3A_1205, %or3A_1207 : vector<16xi32>
      %bitcast_convert_type3A_1209 = tpu.bitcast %or3A_1208 : vector<16xi32> -> vector<16xf32>
      %sub3A_1210 = arith.constant 1.000000e+00 : f32
      %sub3A_1211 = vector.broadcast %sub3A_1210 : f32 to vector<16xf32>
      %sub3A_1212 = arith.subf %bitcast_convert_type3A_1209, %sub3A_1211 : vector<16xf32>
      %add3A_1213 = arith.constant 1.000000e+00 : f32
      %add3A_1214 = vector.broadcast %add3A_1213 : f32 to vector<16xf32>
      %add3A_1215 = arith.addf %bitcast_convert_type3A_1209, %add3A_1214 : vector<16xf32>
      %div3A_1216 = arith.divf %sub3A_1212, %add3A_1215 : vector<16xf32>
      %mul3A_1217 = arith.mulf %div3A_1216, %div3A_1216 : vector<16xf32>
      %mul3A_1218 = arith.constant 0.285714298 : f32
      %mul3A_1219 = vector.broadcast %mul3A_1218 : f32 to vector<16xf32>
      %mul3A_1220 = arith.mulf %mul3A_1217, %mul3A_1219 : vector<16xf32>
      %add3A_1221 = arith.constant 4.000000e-01 : f32
      %add3A_1222 = vector.broadcast %add3A_1221 : f32 to vector<16xf32>
      %add3A_1223 = arith.addf %add3A_1222, %mul3A_1220 : vector<16xf32>
      %mul3A_1224 = arith.mulf %mul3A_1217, %add3A_1223 : vector<16xf32>
      %add3A_1225 = arith.constant 0.666666686 : f32
      %add3A_1226 = vector.broadcast %add3A_1225 : f32 to vector<16xf32>
      %add3A_1227 = arith.addf %add3A_1226, %mul3A_1224 : vector<16xf32>
      %mul3A_1228 = arith.mulf %mul3A_1217, %add3A_1227 : vector<16xf32>
      %add3A_1229 = arith.constant 2.000000e+00 : f32
      %add3A_1230 = vector.broadcast %add3A_1229 : f32 to vector<16xf32>
      %add3A_1231 = arith.addf %add3A_1230, %mul3A_1228 : vector<16xf32>
      %mul3A_1232 = arith.mulf %div3A_1216, %add3A_1231 : vector<16xf32>
      %convert_element_type3A_1233 = arith.sitofp %sub3A_1202 : vector<16xi32> to vector<16xf32>
      %mul3A_1234 = arith.constant 0.693147182 : f32
      %mul3A_1235 = vector.broadcast %mul3A_1234 : f32 to vector<16xf32>
      %mul3A_1236 = arith.mulf %convert_element_type3A_1233, %mul3A_1235 : vector<16xf32>
      %add3A_1237 = arith.addf %mul3A_1236, %mul3A_1232 : vector<16xf32>
      %mul3A_1238 = arith.mulf %mul3A_1189, %add3A_1237 : vector<16xf32>
      %add3A_1239 = arith.addf %add3A_1184, %mul3A_1238 : vector<16xf32>
      %get3A_1240 = arith.constant 208 : index
      %get3A_1241 = tpu.vector_load %arg10[%get3A_1240] {strides = array<i32>} : memref<1024xf32, #tpu.memory_space<vmem>>, vector<16xf32>,
      %mul3A_1242 = arith.constant 3.05175781E-5 : f32
      %mul3A_1243 = vector.broadcast %mul3A_1242 : f32 to vector<16xf32>
      %mul3A_1244 = arith.mulf %get3A_1241, %mul3A_1243 : vector<16xf32>
      %add3A_1245 = arith.constant 9.99999974E-6 : f32
      %add3A_1246 = vector.broadcast %add3A_1245 : f32 to vector<16xf32>
      %add3A_1247 = arith.addf %mul3A_1244, %add3A_1246 : vector<16xf32>
      %bitcast_convert_type3A_1248 = tpu.bitcast %add3A_1247 : vector<16xf32> -> vector<16xi32>
      %shift_right_arithmetic3A_1249 = arith.constant 23 : i32
      %shift_right_arithmetic3A_1250 = vector.broadcast %shift_right_arithmetic3A_1249 : i32 to vector<16xi32>
      %shift_right_arithmetic3A_1251 = arith.shrsi %bitcast_convert_type3A_1248, %shift_right_arithmetic3A_1250 : vector<16xi32>
      %and3A_1252 = arith.constant 255 : i32
      %and3A_1253 = vector.broadcast %and3A_1252 : i32 to vector<16xi32>
      %and3A_1254 = arith.andi %shift_right_arithmetic3A_1251, %and3A_1253 : vector<16xi32>
      %sub3A_1255 = arith.constant 127 : i32
      %sub3A_1256 = vector.broadcast %sub3A_1255 : i32 to vector<16xi32>
      %sub3A_1257 = arith.subi %and3A_1254, %sub3A_1256 : vector<16xi32>
      %and3A_1258 = arith.constant 8388607 : i32
      %and3A_1259 = vector.broadcast %and3A_1258 : i32 to vector<16xi32>
      %and3A_1260 = arith.andi %bitcast_convert_type3A_1248, %and3A_1259 : vector<16xi32>
      %or3A_1261 = arith.constant 1065353216 : i32
      %or3A_1262 = vector.broadcast %or3A_1261 : i32 to vector<16xi32>
      %or3A_1263 = arith.ori %and3A_1260, %or3A_1262 : vector<16xi32>
      %bitcast_convert_type3A_1264 = tpu.bitcast %or3A_1263 : vector<16xi32> -> vector<16xf32>
      %sub3A_1265 = arith.constant 1.000000e+00 : f32
      %sub3A_1266 = vector.broadcast %sub3A_1265 : f32 to vector<16xf32>
      %sub3A_1267 = arith.subf %bitcast_convert_type3A_1264, %sub3A_1266 : vector<16xf32>
      %add3A_1268 = arith.constant 1.000000e+00 : f32
      %add3A_1269 = vector.broadcast %add3A_1268 : f32 to vector<16xf32>
      %add3A_1270 = arith.addf %bitcast_convert_type3A_1264, %add3A_1269 : vector<16xf32>
      %div3A_1271 = arith.divf %sub3A_1267, %add3A_1270 : vector<16xf32>
      %mul3A_1272 = arith.mulf %div3A_1271, %div3A_1271 : vector<16xf32>
      %mul3A_1273 = arith.constant 0.285714298 : f32
      %mul3A_1274 = vector.broadcast %mul3A_1273 : f32 to vector<16xf32>
      %mul3A_1275 = arith.mulf %mul3A_1272, %mul3A_1274 : vector<16xf32>
      %add3A_1276 = arith.constant 4.000000e-01 : f32
      %add3A_1277 = vector.broadcast %add3A_1276 : f32 to vector<16xf32>
      %add3A_1278 = arith.addf %add3A_1277, %mul3A_1275 : vector<16xf32>
      %mul3A_1279 = arith.mulf %mul3A_1272, %add3A_1278 : vector<16xf32>
      %add3A_1280 = arith.constant 0.666666686 : f32
      %add3A_1281 = vector.broadcast %add3A_1280 : f32 to vector<16xf32>
      %add3A_1282 = arith.addf %add3A_1281, %mul3A_1279 : vector<16xf32>
      %mul3A_1283 = arith.mulf %mul3A_1272, %add3A_1282 : vector<16xf32>
      %add3A_1284 = arith.constant 2.000000e+00 : f32
      %add3A_1285 = vector.broadcast %add3A_1284 : f32 to vector<16xf32>
      %add3A_1286 = arith.addf %add3A_1285, %mul3A_1283 : vector<16xf32>
      %mul3A_1287 = arith.mulf %div3A_1271, %add3A_1286 : vector<16xf32>
      %convert_element_type3A_1288 = arith.sitofp %sub3A_1257 : vector<16xi32> to vector<16xf32>
      %mul3A_1289 = arith.constant 0.693147182 : f32
      %mul3A_1290 = vector.broadcast %mul3A_1289 : f32 to vector<16xf32>
      %mul3A_1291 = arith.mulf %convert_element_type3A_1288, %mul3A_1290 : vector<16xf32>
      %add3A_1292 = arith.addf %mul3A_1291, %mul3A_1287 : vector<16xf32>
      %mul3A_1293 = arith.mulf %mul3A_1244, %add3A_1292 : vector<16xf32>
      %add3A_1294 = arith.addf %add3A_1239, %mul3A_1293 : vector<16xf32>
      %get3A_1295 = arith.constant 224 : index
      %get3A_1296 = tpu.vector_load %arg10[%get3A_1295] {strides = array<i32>} : memref<1024xf32, #tpu.memory_space<vmem>>, vector<16xf32>,
      %mul3A_1297 = arith.constant 3.05175781E-5 : f32
      %mul3A_1298 = vector.broadcast %mul3A_1297 : f32 to vector<16xf32>
      %mul3A_1299 = arith.mulf %get3A_1296, %mul3A_1298 : vector<16xf32>
      %add3A_1300 = arith.constant 9.99999974E-6 : f32
      %add3A_1301 = vector.broadcast %add3A_1300 : f32 to vector<16xf32>
      %add3A_1302 = arith.addf %mul3A_1299, %add3A_1301 : vector<16xf32>
      %bitcast_convert_type3A_1303 = tpu.bitcast %add3A_1302 : vector<16xf32> -> vector<16xi32>
      %shift_right_arithmetic3A_1304 = arith.constant 23 : i32
      %shift_right_arithmetic3A_1305 = vector.broadcast %shift_right_arithmetic3A_1304 : i32 to vector<16xi32>
      %shift_right_arithmetic3A_1306 = arith.shrsi %bitcast_convert_type3A_1303, %shift_right_arithmetic3A_1305 : vector<16xi32>
      %and3A_1307 = arith.constant 255 : i32
      %and3A_1308 = vector.broadcast %and3A_1307 : i32 to vector<16xi32>
      %and3A_1309 = arith.andi %shift_right_arithmetic3A_1306, %and3A_1308 : vector<16xi32>
      %sub3A_1310 = arith.constant 127 : i32
      %sub3A_1311 = vector.broadcast %sub3A_1310 : i32 to vector<16xi32>
      %sub3A_1312 = arith.subi %and3A_1309, %sub3A_1311 : vector<16xi32>
      %and3A_1313 = arith.constant 8388607 : i32
      %and3A_1314 = vector.broadcast %and3A_1313 : i32 to vector<16xi32>
      %and3A_1315 = arith.andi %bitcast_convert_type3A_1303, %and3A_1314 : vector<16xi32>
      %or3A_1316 = arith.constant 1065353216 : i32
      %or3A_1317 = vector.broadcast %or3A_1316 : i32 to vector<16xi32>
      %or3A_1318 = arith.ori %and3A_1315, %or3A_1317 : vector<16xi32>
      %bitcast_convert_type3A_1319 = tpu.bitcast %or3A_1318 : vector<16xi32> -> vector<16xf32>
      %sub3A_1320 = arith.constant 1.000000e+00 : f32
      %sub3A_1321 = vector.broadcast %sub3A_1320 : f32 to vector<16xf32>
      %sub3A_1322 = arith.subf %bitcast_convert_type3A_1319, %sub3A_1321 : vector<16xf32>
      %add3A_1323 = arith.constant 1.000000e+00 : f32
      %add3A_1324 = vector.broadcast %add3A_1323 : f32 to vector<16xf32>
      %add3A_1325 = arith.addf %bitcast_convert_type3A_1319, %add3A_1324 : vector<16xf32>
      %div3A_1326 = arith.divf %sub3A_1322, %add3A_1325 : vector<16xf32>
      %mul3A_1327 = arith.mulf %div3A_1326, %div3A_1326 : vector<16xf32>
      %mul3A_1328 = arith.constant 0.285714298 : f32
      %mul3A_1329 = vector.broadcast %mul3A_1328 : f32 to vector<16xf32>
      %mul3A_1330 = arith.mulf %mul3A_1327, %mul3A_1329 : vector<16xf32>
      %add3A_1331 = arith.constant 4.000000e-01 : f32
      %add3A_1332 = vector.broadcast %add3A_1331 : f32 to vector<16xf32>
      %add3A_1333 = arith.addf %add3A_1332, %mul3A_1330 : vector<16xf32>
      %mul3A_1334 = arith.mulf %mul3A_1327, %add3A_1333 : vector<16xf32>
      %add3A_1335 = arith.constant 0.666666686 : f32
      %add3A_1336 = vector.broadcast %add3A_1335 : f32 to vector<16xf32>
      %add3A_1337 = arith.addf %add3A_1336, %mul3A_1334 : vector<16xf32>
      %mul3A_1338 = arith.mulf %mul3A_1327, %add3A_1337 : vector<16xf32>
      %add3A_1339 = arith.constant 2.000000e+00 : f32
      %add3A_1340 = vector.broadcast %add3A_1339 : f32 to vector<16xf32>
      %add3A_1341 = arith.addf %add3A_1340, %mul3A_1338 : vector<16xf32>
      %mul3A_1342 = arith.mulf %div3A_1326, %add3A_1341 : vector<16xf32>
      %convert_element_type3A_1343 = arith.sitofp %sub3A_1312 : vector<16xi32> to vector<16xf32>
      %mul3A_1344 = arith.constant 0.693147182 : f32
      %mul3A_1345 = vector.broadcast %mul3A_1344 : f32 to vector<16xf32>
      %mul3A_1346 = arith.mulf %convert_element_type3A_1343, %mul3A_1345 : vector<16xf32>
      %add3A_1347 = arith.addf %mul3A_1346, %mul3A_1342 : vector<16xf32>
      %mul3A_1348 = arith.mulf %mul3A_1299, %add3A_1347 : vector<16xf32>
      %add3A_1349 = arith.addf %add3A_1294, %mul3A_1348 : vector<16xf32>
      %get3A_1350 = arith.constant 240 : index
      %get3A_1351 = tpu.vector_load %arg10[%get3A_1350] {strides = array<i32>} : memref<1024xf32, #tpu.memory_space<vmem>>, vector<16xf32>,
      %mul3A_1352 = arith.constant 3.05175781E-5 : f32
      %mul3A_1353 = vector.broadcast %mul3A_1352 : f32 to vector<16xf32>
      %mul3A_1354 = arith.mulf %get3A_1351, %mul3A_1353 : vector<16xf32>
      %add3A_1355 = arith.constant 9.99999974E-6 : f32
      %add3A_1356 = vector.broadcast %add3A_1355 : f32 to vector<16xf32>
      %add3A_1357 = arith.addf %mul3A_1354, %add3A_1356 : vector<16xf32>
      %bitcast_convert_type3A_1358 = tpu.bitcast %add3A_1357 : vector<16xf32> -> vector<16xi32>
      %shift_right_arithmetic3A_1359 = arith.constant 23 : i32
      %shift_right_arithmetic3A_1360 = vector.broadcast %shift_right_arithmetic3A_1359 : i32 to vector<16xi32>
      %shift_right_arithmetic3A_1361 = arith.shrsi %bitcast_convert_type3A_1358, %shift_right_arithmetic3A_1360 : vector<16xi32>
      %and3A_1362 = arith.constant 255 : i32
      %and3A_1363 = vector.broadcast %and3A_1362 : i32 to vector<16xi32>
      %and3A_1364 = arith.andi %shift_right_arithmetic3A_1361, %and3A_1363 : vector<16xi32>
      %sub3A_1365 = arith.constant 127 : i32
      %sub3A_1366 = vector.broadcast %sub3A_1365 : i32 to vector<16xi32>
      %sub3A_1367 = arith.subi %and3A_1364, %sub3A_1366 : vector<16xi32>
      %and3A_1368 = arith.constant 8388607 : i32
      %and3A_1369 = vector.broadcast %and3A_1368 : i32 to vector<16xi32>
      %and3A_1370 = arith.andi %bitcast_convert_type3A_1358, %and3A_1369 : vector<16xi32>
      %or3A_1371 = arith.constant 1065353216 : i32
      %or3A_1372 = vector.broadcast %or3A_1371 : i32 to vector<16xi32>
      %or3A_1373 = arith.ori %and3A_1370, %or3A_1372 : vector<16xi32>
      %bitcast_convert_type3A_1374 = tpu.bitcast %or3A_1373 : vector<16xi32> -> vector<16xf32>
      %sub3A_1375 = arith.constant 1.000000e+00 : f32
      %sub3A_1376 = vector.broadcast %sub3A_1375 : f32 to vector<16xf32>
      %sub3A_1377 = arith.subf %bitcast_convert_type3A_1374, %sub3A_1376 : vector<16xf32>
      %add3A_1378 = arith.constant 1.000000e+00 : f32
      %add3A_1379 = vector.broadcast %add3A_1378 : f32 to vector<16xf32>
      %add3A_1380 = arith.addf %bitcast_convert_type3A_1374, %add3A_1379 : vector<16xf32>
      %div3A_1381 = arith.divf %sub3A_1377, %add3A_1380 : vector<16xf32>
      %mul3A_1382 = arith.mulf %div3A_1381, %div3A_1381 : vector<16xf32>
      %mul3A_1383 = arith.constant 0.285714298 : f32
      %mul3A_1384 = vector.broadcast %mul3A_1383 : f32 to vector<16xf32>
      %mul3A_1385 = arith.mulf %mul3A_1382, %mul3A_1384 : vector<16xf32>
      %add3A_1386 = arith.constant 4.000000e-01 : f32
      %add3A_1387 = vector.broadcast %add3A_1386 : f32 to vector<16xf32>
      %add3A_1388 = arith.addf %add3A_1387, %mul3A_1385 : vector<16xf32>
      %mul3A_1389 = arith.mulf %mul3A_1382, %add3A_1388 : vector<16xf32>
      %add3A_1390 = arith.constant 0.666666686 : f32
      %add3A_1391 = vector.broadcast %add3A_1390 : f32 to vector<16xf32>
      %add3A_1392 = arith.addf %add3A_1391, %mul3A_1389 : vector<16xf32>
      %mul3A_1393 = arith.mulf %mul3A_1382, %add3A_1392 : vector<16xf32>
      %add3A_1394 = arith.constant 2.000000e+00 : f32
      %add3A_1395 = vector.broadcast %add3A_1394 : f32 to vector<16xf32>
      %add3A_1396 = arith.addf %add3A_1395, %mul3A_1393 : vector<16xf32>
      %mul3A_1397 = arith.mulf %div3A_1381, %add3A_1396 : vector<16xf32>
      %convert_element_type3A_1398 = arith.sitofp %sub3A_1367 : vector<16xi32> to vector<16xf32>
      %mul3A_1399 = arith.constant 0.693147182 : f32
      %mul3A_1400 = vector.broadcast %mul3A_1399 : f32 to vector<16xf32>
      %mul3A_1401 = arith.mulf %convert_element_type3A_1398, %mul3A_1400 : vector<16xf32>
      %add3A_1402 = arith.addf %mul3A_1401, %mul3A_1397 : vector<16xf32>
      %mul3A_1403 = arith.mulf %mul3A_1354, %add3A_1402 : vector<16xf32>
      %add3A_1404 = arith.addf %add3A_1349, %mul3A_1403 : vector<16xf32>
      %get3A_1405 = arith.constant 256 : index
      %get3A_1406 = tpu.vector_load %arg10[%get3A_1405] {strides = array<i32>} : memref<1024xf32, #tpu.memory_space<vmem>>, vector<16xf32>,
      %mul3A_1407 = arith.constant 3.05175781E-5 : f32
      %mul3A_1408 = vector.broadcast %mul3A_1407 : f32 to vector<16xf32>
      %mul3A_1409 = arith.mulf %get3A_1406, %mul3A_1408 : vector<16xf32>
      %add3A_1410 = arith.constant 9.99999974E-6 : f32
      %add3A_1411 = vector.broadcast %add3A_1410 : f32 to vector<16xf32>
      %add3A_1412 = arith.addf %mul3A_1409, %add3A_1411 : vector<16xf32>
      %bitcast_convert_type3A_1413 = tpu.bitcast %add3A_1412 : vector<16xf32> -> vector<16xi32>
      %shift_right_arithmetic3A_1414 = arith.constant 23 : i32
      %shift_right_arithmetic3A_1415 = vector.broadcast %shift_right_arithmetic3A_1414 : i32 to vector<16xi32>
      %shift_right_arithmetic3A_1416 = arith.shrsi %bitcast_convert_type3A_1413, %shift_right_arithmetic3A_1415 : vector<16xi32>
      %and3A_1417 = arith.constant 255 : i32
      %and3A_1418 = vector.broadcast %and3A_1417 : i32 to vector<16xi32>
      %and3A_1419 = arith.andi %shift_right_arithmetic3A_1416, %and3A_1418 : vector<16xi32>
      %sub3A_1420 = arith.constant 127 : i32
      %sub3A_1421 = vector.broadcast %sub3A_1420 : i32 to vector<16xi32>
      %sub3A_1422 = arith.subi %and3A_1419, %sub3A_1421 : vector<16xi32>
      %and3A_1423 = arith.constant 8388607 : i32
      %and3A_1424 = vector.broadcast %and3A_1423 : i32 to vector<16xi32>
      %and3A_1425 = arith.andi %bitcast_convert_type3A_1413, %and3A_1424 : vector<16xi32>
      %or3A_1426 = arith.constant 1065353216 : i32
      %or3A_1427 = vector.broadcast %or3A_1426 : i32 to vector<16xi32>
      %or3A_1428 = arith.ori %and3A_1425, %or3A_1427 : vector<16xi32>
      %bitcast_convert_type3A_1429 = tpu.bitcast %or3A_1428 : vector<16xi32> -> vector<16xf32>
      %sub3A_1430 = arith.constant 1.000000e+00 : f32
      %sub3A_1431 = vector.broadcast %sub3A_1430 : f32 to vector<16xf32>
      %sub3A_1432 = arith.subf %bitcast_convert_type3A_1429, %sub3A_1431 : vector<16xf32>
      %add3A_1433 = arith.constant 1.000000e+00 : f32
      %add3A_1434 = vector.broadcast %add3A_1433 : f32 to vector<16xf32>
      %add3A_1435 = arith.addf %bitcast_convert_type3A_1429, %add3A_1434 : vector<16xf32>
      %div3A_1436 = arith.divf %sub3A_1432, %add3A_1435 : vector<16xf32>
      %mul3A_1437 = arith.mulf %div3A_1436, %div3A_1436 : vector<16xf32>
      %mul3A_1438 = arith.constant 0.285714298 : f32
      %mul3A_1439 = vector.broadcast %mul3A_1438 : f32 to vector<16xf32>
      %mul3A_1440 = arith.mulf %mul3A_1437, %mul3A_1439 : vector<16xf32>
      %add3A_1441 = arith.constant 4.000000e-01 : f32
      %add3A_1442 = vector.broadcast %add3A_1441 : f32 to vector<16xf32>
      %add3A_1443 = arith.addf %add3A_1442, %mul3A_1440 : vector<16xf32>
      %mul3A_1444 = arith.mulf %mul3A_1437, %add3A_1443 : vector<16xf32>
      %add3A_1445 = arith.constant 0.666666686 : f32
      %add3A_1446 = vector.broadcast %add3A_1445 : f32 to vector<16xf32>
      %add3A_1447 = arith.addf %add3A_1446, %mul3A_1444 : vector<16xf32>
      %mul3A_1448 = arith.mulf %mul3A_1437, %add3A_1447 : vector<16xf32>
      %add3A_1449 = arith.constant 2.000000e+00 : f32
      %add3A_1450 = vector.broadcast %add3A_1449 : f32 to vector<16xf32>
      %add3A_1451 = arith.addf %add3A_1450, %mul3A_1448 : vector<16xf32>
      %mul3A_1452 = arith.mulf %div3A_1436, %add3A_1451 : vector<16xf32>
      %convert_element_type3A_1453 = arith.sitofp %sub3A_1422 : vector<16xi32> to vector<16xf32>
      %mul3A_1454 = arith.constant 0.693147182 : f32
      %mul3A_1455 = vector.broadcast %mul3A_1454 : f32 to vector<16xf32>
      %mul3A_1456 = arith.mulf %convert_element_type3A_1453, %mul3A_1455 : vector<16xf32>
      %add3A_1457 = arith.addf %mul3A_1456, %mul3A_1452 : vector<16xf32>
      %mul3A_1458 = arith.mulf %mul3A_1409, %add3A_1457 : vector<16xf32>
      %add3A_1459 = arith.addf %add3A_1404, %mul3A_1458 : vector<16xf32>
      %get3A_1460 = arith.constant 272 : index
      %get3A_1461 = tpu.vector_load %arg10[%get3A_1460] {strides = array<i32>} : memref<1024xf32, #tpu.memory_space<vmem>>, vector<16xf32>,
      %mul3A_1462 = arith.constant 3.05175781E-5 : f32
      %mul3A_1463 = vector.broadcast %mul3A_1462 : f32 to vector<16xf32>
      %mul3A_1464 = arith.mulf %get3A_1461, %mul3A_1463 : vector<16xf32>
      %add3A_1465 = arith.constant 9.99999974E-6 : f32
      %add3A_1466 = vector.broadcast %add3A_1465 : f32 to vector<16xf32>
      %add3A_1467 = arith.addf %mul3A_1464, %add3A_1466 : vector<16xf32>
      %bitcast_convert_type3A_1468 = tpu.bitcast %add3A_1467 : vector<16xf32> -> vector<16xi32>
      %shift_right_arithmetic3A_1469 = arith.constant 23 : i32
      %shift_right_arithmetic3A_1470 = vector.broadcast %shift_right_arithmetic3A_1469 : i32 to vector<16xi32>
      %shift_right_arithmetic3A_1471 = arith.shrsi %bitcast_convert_type3A_1468, %shift_right_arithmetic3A_1470 : vector<16xi32>
      %and3A_1472 = arith.constant 255 : i32
      %and3A_1473 = vector.broadcast %and3A_1472 : i32 to vector<16xi32>
      %and3A_1474 = arith.andi %shift_right_arithmetic3A_1471, %and3A_1473 : vector<16xi32>
      %sub3A_1475 = arith.constant 127 : i32
      %sub3A_1476 = vector.broadcast %sub3A_1475 : i32 to vector<16xi32>
      %sub3A_1477 = arith.subi %and3A_1474, %sub3A_1476 : vector<16xi32>
      %and3A_1478 = arith.constant 8388607 : i32
      %and3A_1479 = vector.broadcast %and3A_1478 : i32 to vector<16xi32>
      %and3A_1480 = arith.andi %bitcast_convert_type3A_1468, %and3A_1479 : vector<16xi32>
      %or3A_1481 = arith.constant 1065353216 : i32
      %or3A_1482 = vector.broadcast %or3A_1481 : i32 to vector<16xi32>
      %or3A_1483 = arith.ori %and3A_1480, %or3A_1482 : vector<16xi32>
      %bitcast_convert_type3A_1484 = tpu.bitcast %or3A_1483 : vector<16xi32> -> vector<16xf32>
      %sub3A_1485 = arith.constant 1.000000e+00 : f32
      %sub3A_1486 = vector.broadcast %sub3A_1485 : f32 to vector<16xf32>
      %sub3A_1487 = arith.subf %bitcast_convert_type3A_1484, %sub3A_1486 : vector<16xf32>
      %add3A_1488 = arith.constant 1.000000e+00 : f32
      %add3A_1489 = vector.broadcast %add3A_1488 : f32 to vector<16xf32>
      %add3A_1490 = arith.addf %bitcast_convert_type3A_1484, %add3A_1489 : vector<16xf32>
      %div3A_1491 = arith.divf %sub3A_1487, %add3A_1490 : vector<16xf32>
      %mul3A_1492 = arith.mulf %div3A_1491, %div3A_1491 : vector<16xf32>
      %mul3A_1493 = arith.constant 0.285714298 : f32
      %mul3A_1494 = vector.broadcast %mul3A_1493 : f32 to vector<16xf32>
      %mul3A_1495 = arith.mulf %mul3A_1492, %mul3A_1494 : vector<16xf32>
      %add3A_1496 = arith.constant 4.000000e-01 : f32
      %add3A_1497 = vector.broadcast %add3A_1496 : f32 to vector<16xf32>
      %add3A_1498 = arith.addf %add3A_1497, %mul3A_1495 : vector<16xf32>
      %mul3A_1499 = arith.mulf %mul3A_1492, %add3A_1498 : vector<16xf32>
      %add3A_1500 = arith.constant 0.666666686 : f32
      %add3A_1501 = vector.broadcast %add3A_1500 : f32 to vector<16xf32>
      %add3A_1502 = arith.addf %add3A_1501, %mul3A_1499 : vector<16xf32>
      %mul3A_1503 = arith.mulf %mul3A_1492, %add3A_1502 : vector<16xf32>
      %add3A_1504 = arith.constant 2.000000e+00 : f32
      %add3A_1505 = vector.broadcast %add3A_1504 : f32 to vector<16xf32>
      %add3A_1506 = arith.addf %add3A_1505, %mul3A_1503 : vector<16xf32>
      %mul3A_1507 = arith.mulf %div3A_1491, %add3A_1506 : vector<16xf32>
      %convert_element_type3A_1508 = arith.sitofp %sub3A_1477 : vector<16xi32> to vector<16xf32>
      %mul3A_1509 = arith.constant 0.693147182 : f32
      %mul3A_1510 = vector.broadcast %mul3A_1509 : f32 to vector<16xf32>
      %mul3A_1511 = arith.mulf %convert_element_type3A_1508, %mul3A_1510 : vector<16xf32>
      %add3A_1512 = arith.addf %mul3A_1511, %mul3A_1507 : vector<16xf32>
      %mul3A_1513 = arith.mulf %mul3A_1464, %add3A_1512 : vector<16xf32>
      %add3A_1514 = arith.addf %add3A_1459, %mul3A_1513 : vector<16xf32>
      %get3A_1515 = arith.constant 288 : index
      %get3A_1516 = tpu.vector_load %arg10[%get3A_1515] {strides = array<i32>} : memref<1024xf32, #tpu.memory_space<vmem>>, vector<16xf32>,
      %mul3A_1517 = arith.constant 3.05175781E-5 : f32
      %mul3A_1518 = vector.broadcast %mul3A_1517 : f32 to vector<16xf32>
      %mul3A_1519 = arith.mulf %get3A_1516, %mul3A_1518 : vector<16xf32>
      %add3A_1520 = arith.constant 9.99999974E-6 : f32
      %add3A_1521 = vector.broadcast %add3A_1520 : f32 to vector<16xf32>
      %add3A_1522 = arith.addf %mul3A_1519, %add3A_1521 : vector<16xf32>
      %bitcast_convert_type3A_1523 = tpu.bitcast %add3A_1522 : vector<16xf32> -> vector<16xi32>
      %shift_right_arithmetic3A_1524 = arith.constant 23 : i32
      %shift_right_arithmetic3A_1525 = vector.broadcast %shift_right_arithmetic3A_1524 : i32 to vector<16xi32>
      %shift_right_arithmetic3A_1526 = arith.shrsi %bitcast_convert_type3A_1523, %shift_right_arithmetic3A_1525 : vector<16xi32>
      %and3A_1527 = arith.constant 255 : i32
      %and3A_1528 = vector.broadcast %and3A_1527 : i32 to vector<16xi32>
      %and3A_1529 = arith.andi %shift_right_arithmetic3A_1526, %and3A_1528 : vector<16xi32>
      %sub3A_1530 = arith.constant 127 : i32
      %sub3A_1531 = vector.broadcast %sub3A_1530 : i32 to vector<16xi32>
      %sub3A_1532 = arith.subi %and3A_1529, %sub3A_1531 : vector<16xi32>
      %and3A_1533 = arith.constant 8388607 : i32
      %and3A_1534 = vector.broadcast %and3A_1533 : i32 to vector<16xi32>
      %and3A_1535 = arith.andi %bitcast_convert_type3A_1523, %and3A_1534 : vector<16xi32>
      %or3A_1536 = arith.constant 1065353216 : i32
      %or3A_1537 = vector.broadcast %or3A_1536 : i32 to vector<16xi32>
      %or3A_1538 = arith.ori %and3A_1535, %or3A_1537 : vector<16xi32>
      %bitcast_convert_type3A_1539 = tpu.bitcast %or3A_1538 : vector<16xi32> -> vector<16xf32>
      %sub3A_1540 = arith.constant 1.000000e+00 : f32
      %sub3A_1541 = vector.broadcast %sub3A_1540 : f32 to vector<16xf32>
      %sub3A_1542 = arith.subf %bitcast_convert_type3A_1539, %sub3A_1541 : vector<16xf32>
      %add3A_1543 = arith.constant 1.000000e+00 : f32
      %add3A_1544 = vector.broadcast %add3A_1543 : f32 to vector<16xf32>
      %add3A_1545 = arith.addf %bitcast_convert_type3A_1539, %add3A_1544 : vector<16xf32>
      %div3A_1546 = arith.divf %sub3A_1542, %add3A_1545 : vector<16xf32>
      %mul3A_1547 = arith.mulf %div3A_1546, %div3A_1546 : vector<16xf32>
      %mul3A_1548 = arith.constant 0.285714298 : f32
      %mul3A_1549 = vector.broadcast %mul3A_1548 : f32 to vector<16xf32>
      %mul3A_1550 = arith.mulf %mul3A_1547, %mul3A_1549 : vector<16xf32>
      %add3A_1551 = arith.constant 4.000000e-01 : f32
      %add3A_1552 = vector.broadcast %add3A_1551 : f32 to vector<16xf32>
      %add3A_1553 = arith.addf %add3A_1552, %mul3A_1550 : vector<16xf32>
      %mul3A_1554 = arith.mulf %mul3A_1547, %add3A_1553 : vector<16xf32>
      %add3A_1555 = arith.constant 0.666666686 : f32
      %add3A_1556 = vector.broadcast %add3A_1555 : f32 to vector<16xf32>
      %add3A_1557 = arith.addf %add3A_1556, %mul3A_1554 : vector<16xf32>
      %mul3A_1558 = arith.mulf %mul3A_1547, %add3A_1557 : vector<16xf32>
      %add3A_1559 = arith.constant 2.000000e+00 : f32
      %add3A_1560 = vector.broadcast %add3A_1559 : f32 to vector<16xf32>
      %add3A_1561 = arith.addf %add3A_1560, %mul3A_1558 : vector<16xf32>
      %mul3A_1562 = arith.mulf %div3A_1546, %add3A_1561 : vector<16xf32>
      %convert_element_type3A_1563 = arith.sitofp %sub3A_1532 : vector<16xi32> to vector<16xf32>
      %mul3A_1564 = arith.constant 0.693147182 : f32
      %mul3A_1565 = vector.broadcast %mul3A_1564 : f32 to vector<16xf32>
      %mul3A_1566 = arith.mulf %convert_element_type3A_1563, %mul3A_1565 : vector<16xf32>
      %add3A_1567 = arith.addf %mul3A_1566, %mul3A_1562 : vector<16xf32>
      %mul3A_1568 = arith.mulf %mul3A_1519, %add3A_1567 : vector<16xf32>
      %add3A_1569 = arith.addf %add3A_1514, %mul3A_1568 : vector<16xf32>
      %get3A_1570 = arith.constant 304 : index
      %get3A_1571 = tpu.vector_load %arg10[%get3A_1570] {strides = array<i32>} : memref<1024xf32, #tpu.memory_space<vmem>>, vector<16xf32>,
      %mul3A_1572 = arith.constant 3.05175781E-5 : f32
      %mul3A_1573 = vector.broadcast %mul3A_1572 : f32 to vector<16xf32>
      %mul3A_1574 = arith.mulf %get3A_1571, %mul3A_1573 : vector<16xf32>
      %add3A_1575 = arith.constant 9.99999974E-6 : f32
      %add3A_1576 = vector.broadcast %add3A_1575 : f32 to vector<16xf32>
      %add3A_1577 = arith.addf %mul3A_1574, %add3A_1576 : vector<16xf32>
      %bitcast_convert_type3A_1578 = tpu.bitcast %add3A_1577 : vector<16xf32> -> vector<16xi32>
      %shift_right_arithmetic3A_1579 = arith.constant 23 : i32
      %shift_right_arithmetic3A_1580 = vector.broadcast %shift_right_arithmetic3A_1579 : i32 to vector<16xi32>
      %shift_right_arithmetic3A_1581 = arith.shrsi %bitcast_convert_type3A_1578, %shift_right_arithmetic3A_1580 : vector<16xi32>
      %and3A_1582 = arith.constant 255 : i32
      %and3A_1583 = vector.broadcast %and3A_1582 : i32 to vector<16xi32>
      %and3A_1584 = arith.andi %shift_right_arithmetic3A_1581, %and3A_1583 : vector<16xi32>
      %sub3A_1585 = arith.constant 127 : i32
      %sub3A_1586 = vector.broadcast %sub3A_1585 : i32 to vector<16xi32>
      %sub3A_1587 = arith.subi %and3A_1584, %sub3A_1586 : vector<16xi32>
      %and3A_1588 = arith.constant 8388607 : i32
      %and3A_1589 = vector.broadcast %and3A_1588 : i32 to vector<16xi32>
      %and3A_1590 = arith.andi %bitcast_convert_type3A_1578, %and3A_1589 : vector<16xi32>
      %or3A_1591 = arith.constant 1065353216 : i32
      %or3A_1592 = vector.broadcast %or3A_1591 : i32 to vector<16xi32>
      %or3A_1593 = arith.ori %and3A_1590, %or3A_1592 : vector<16xi32>
      %bitcast_convert_type3A_1594 = tpu.bitcast %or3A_1593 : vector<16xi32> -> vector<16xf32>
      %sub3A_1595 = arith.constant 1.000000e+00 : f32
      %sub3A_1596 = vector.broadcast %sub3A_1595 : f32 to vector<16xf32>
      %sub3A_1597 = arith.subf %bitcast_convert_type3A_1594, %sub3A_1596 : vector<16xf32>
      %add3A_1598 = arith.constant 1.000000e+00 : f32
      %add3A_1599 = vector.broadcast %add3A_1598 : f32 to vector<16xf32>
      %add3A_1600 = arith.addf %bitcast_convert_type3A_1594, %add3A_1599 : vector<16xf32>
      %div3A_1601 = arith.divf %sub3A_1597, %add3A_1600 : vector<16xf32>
      %mul3A_1602 = arith.mulf %div3A_1601, %div3A_1601 : vector<16xf32>
      %mul3A_1603 = arith.constant 0.285714298 : f32
      %mul3A_1604 = vector.broadcast %mul3A_1603 : f32 to vector<16xf32>
      %mul3A_1605 = arith.mulf %mul3A_1602, %mul3A_1604 : vector<16xf32>
      %add3A_1606 = arith.constant 4.000000e-01 : f32
      %add3A_1607 = vector.broadcast %add3A_1606 : f32 to vector<16xf32>
      %add3A_1608 = arith.addf %add3A_1607, %mul3A_1605 : vector<16xf32>
      %mul3A_1609 = arith.mulf %mul3A_1602, %add3A_1608 : vector<16xf32>
      %add3A_1610 = arith.constant 0.666666686 : f32
      %add3A_1611 = vector.broadcast %add3A_1610 : f32 to vector<16xf32>
      %add3A_1612 = arith.addf %add3A_1611, %mul3A_1609 : vector<16xf32>
      %mul3A_1613 = arith.mulf %mul3A_1602, %add3A_1612 : vector<16xf32>
      %add3A_1614 = arith.constant 2.000000e+00 : f32
      %add3A_1615 = vector.broadcast %add3A_1614 : f32 to vector<16xf32>
      %add3A_1616 = arith.addf %add3A_1615, %mul3A_1613 : vector<16xf32>
      %mul3A_1617 = arith.mulf %div3A_1601, %add3A_1616 : vector<16xf32>
      %convert_element_type3A_1618 = arith.sitofp %sub3A_1587 : vector<16xi32> to vector<16xf32>
      %mul3A_1619 = arith.constant 0.693147182 : f32
      %mul3A_1620 = vector.broadcast %mul3A_1619 : f32 to vector<16xf32>
      %mul3A_1621 = arith.mulf %convert_element_type3A_1618, %mul3A_1620 : vector<16xf32>
      %add3A_1622 = arith.addf %mul3A_1621, %mul3A_1617 : vector<16xf32>
      %mul3A_1623 = arith.mulf %mul3A_1574, %add3A_1622 : vector<16xf32>
      %add3A_1624 = arith.addf %add3A_1569, %mul3A_1623 : vector<16xf32>
      %get3A_1625 = arith.constant 320 : index
      %get3A_1626 = tpu.vector_load %arg10[%get3A_1625] {strides = array<i32>} : memref<1024xf32, #tpu.memory_space<vmem>>, vector<16xf32>,
      %mul3A_1627 = arith.constant 3.05175781E-5 : f32
      %mul3A_1628 = vector.broadcast %mul3A_1627 : f32 to vector<16xf32>
      %mul3A_1629 = arith.mulf %get3A_1626, %mul3A_1628 : vector<16xf32>
      %add3A_1630 = arith.constant 9.99999974E-6 : f32
      %add3A_1631 = vector.broadcast %add3A_1630 : f32 to vector<16xf32>
      %add3A_1632 = arith.addf %mul3A_1629, %add3A_1631 : vector<16xf32>
      %bitcast_convert_type3A_1633 = tpu.bitcast %add3A_1632 : vector<16xf32> -> vector<16xi32>
      %shift_right_arithmetic3A_1634 = arith.constant 23 : i32
      %shift_right_arithmetic3A_1635 = vector.broadcast %shift_right_arithmetic3A_1634 : i32 to vector<16xi32>
      %shift_right_arithmetic3A_1636 = arith.shrsi %bitcast_convert_type3A_1633, %shift_right_arithmetic3A_1635 : vector<16xi32>
      %and3A_1637 = arith.constant 255 : i32
      %and3A_1638 = vector.broadcast %and3A_1637 : i32 to vector<16xi32>
      %and3A_1639 = arith.andi %shift_right_arithmetic3A_1636, %and3A_1638 : vector<16xi32>
      %sub3A_1640 = arith.constant 127 : i32
      %sub3A_1641 = vector.broadcast %sub3A_1640 : i32 to vector<16xi32>
      %sub3A_1642 = arith.subi %and3A_1639, %sub3A_1641 : vector<16xi32>
      %and3A_1643 = arith.constant 8388607 : i32
      %and3A_1644 = vector.broadcast %and3A_1643 : i32 to vector<16xi32>
      %and3A_1645 = arith.andi %bitcast_convert_type3A_1633, %and3A_1644 : vector<16xi32>
      %or3A_1646 = arith.constant 1065353216 : i32
      %or3A_1647 = vector.broadcast %or3A_1646 : i32 to vector<16xi32>
      %or3A_1648 = arith.ori %and3A_1645, %or3A_1647 : vector<16xi32>
      %bitcast_convert_type3A_1649 = tpu.bitcast %or3A_1648 : vector<16xi32> -> vector<16xf32>
      %sub3A_1650 = arith.constant 1.000000e+00 : f32
      %sub3A_1651 = vector.broadcast %sub3A_1650 : f32 to vector<16xf32>
      %sub3A_1652 = arith.subf %bitcast_convert_type3A_1649, %sub3A_1651 : vector<16xf32>
      %add3A_1653 = arith.constant 1.000000e+00 : f32
      %add3A_1654 = vector.broadcast %add3A_1653 : f32 to vector<16xf32>
      %add3A_1655 = arith.addf %bitcast_convert_type3A_1649, %add3A_1654 : vector<16xf32>
      %div3A_1656 = arith.divf %sub3A_1652, %add3A_1655 : vector<16xf32>
      %mul3A_1657 = arith.mulf %div3A_1656, %div3A_1656 : vector<16xf32>
      %mul3A_1658 = arith.constant 0.285714298 : f32
      %mul3A_1659 = vector.broadcast %mul3A_1658 : f32 to vector<16xf32>
      %mul3A_1660 = arith.mulf %mul3A_1657, %mul3A_1659 : vector<16xf32>
      %add3A_1661 = arith.constant 4.000000e-01 : f32
      %add3A_1662 = vector.broadcast %add3A_1661 : f32 to vector<16xf32>
      %add3A_1663 = arith.addf %add3A_1662, %mul3A_1660 : vector<16xf32>
      %mul3A_1664 = arith.mulf %mul3A_1657, %add3A_1663 : vector<16xf32>
      %add3A_1665 = arith.constant 0.666666686 : f32
      %add3A_1666 = vector.broadcast %add3A_1665 : f32 to vector<16xf32>
      %add3A_1667 = arith.addf %add3A_1666, %mul3A_1664 : vector<16xf32>
      %mul3A_1668 = arith.mulf %mul3A_1657, %add3A_1667 : vector<16xf32>
      %add3A_1669 = arith.constant 2.000000e+00 : f32
      %add3A_1670 = vector.broadcast %add3A_1669 : f32 to vector<16xf32>
      %add3A_1671 = arith.addf %add3A_1670, %mul3A_1668 : vector<16xf32>
      %mul3A_1672 = arith.mulf %div3A_1656, %add3A_1671 : vector<16xf32>
      %convert_element_type3A_1673 = arith.sitofp %sub3A_1642 : vector<16xi32> to vector<16xf32>
      %mul3A_1674 = arith.constant 0.693147182 : f32
      %mul3A_1675 = vector.broadcast %mul3A_1674 : f32 to vector<16xf32>
      %mul3A_1676 = arith.mulf %convert_element_type3A_1673, %mul3A_1675 : vector<16xf32>
      %add3A_1677 = arith.addf %mul3A_1676, %mul3A_1672 : vector<16xf32>
      %mul3A_1678 = arith.mulf %mul3A_1629, %add3A_1677 : vector<16xf32>
      %add3A_1679 = arith.addf %add3A_1624, %mul3A_1678 : vector<16xf32>
      %get3A_1680 = arith.constant 336 : index
      %get3A_1681 = tpu.vector_load %arg10[%get3A_1680] {strides = array<i32>} : memref<1024xf32, #tpu.memory_space<vmem>>, vector<16xf32>,
      %mul3A_1682 = arith.constant 3.05175781E-5 : f32
      %mul3A_1683 = vector.broadcast %mul3A_1682 : f32 to vector<16xf32>
      %mul3A_1684 = arith.mulf %get3A_1681, %mul3A_1683 : vector<16xf32>
      %add3A_1685 = arith.constant 9.99999974E-6 : f32
      %add3A_1686 = vector.broadcast %add3A_1685 : f32 to vector<16xf32>
      %add3A_1687 = arith.addf %mul3A_1684, %add3A_1686 : vector<16xf32>
      %bitcast_convert_type3A_1688 = tpu.bitcast %add3A_1687 : vector<16xf32> -> vector<16xi32>
      %shift_right_arithmetic3A_1689 = arith.constant 23 : i32
      %shift_right_arithmetic3A_1690 = vector.broadcast %shift_right_arithmetic3A_1689 : i32 to vector<16xi32>
      %shift_right_arithmetic3A_1691 = arith.shrsi %bitcast_convert_type3A_1688, %shift_right_arithmetic3A_1690 : vector<16xi32>
      %and3A_1692 = arith.constant 255 : i32
      %and3A_1693 = vector.broadcast %and3A_1692 : i32 to vector<16xi32>
      %and3A_1694 = arith.andi %shift_right_arithmetic3A_1691, %and3A_1693 : vector<16xi32>
      %sub3A_1695 = arith.constant 127 : i32
      %sub3A_1696 = vector.broadcast %sub3A_1695 : i32 to vector<16xi32>
      %sub3A_1697 = arith.subi %and3A_1694, %sub3A_1696 : vector<16xi32>
      %and3A_1698 = arith.constant 8388607 : i32
      %and3A_1699 = vector.broadcast %and3A_1698 : i32 to vector<16xi32>
      %and3A_1700 = arith.andi %bitcast_convert_type3A_1688, %and3A_1699 : vector<16xi32>
      %or3A_1701 = arith.constant 1065353216 : i32
      %or3A_1702 = vector.broadcast %or3A_1701 : i32 to vector<16xi32>
      %or3A_1703 = arith.ori %and3A_1700, %or3A_1702 : vector<16xi32>
      %bitcast_convert_type3A_1704 = tpu.bitcast %or3A_1703 : vector<16xi32> -> vector<16xf32>
      %sub3A_1705 = arith.constant 1.000000e+00 : f32
      %sub3A_1706 = vector.broadcast %sub3A_1705 : f32 to vector<16xf32>
      %sub3A_1707 = arith.subf %bitcast_convert_type3A_1704, %sub3A_1706 : vector<16xf32>
      %add3A_1708 = arith.constant 1.000000e+00 : f32
      %add3A_1709 = vector.broadcast %add3A_1708 : f32 to vector<16xf32>
      %add3A_1710 = arith.addf %bitcast_convert_type3A_1704, %add3A_1709 : vector<16xf32>
      %div3A_1711 = arith.divf %sub3A_1707, %add3A_1710 : vector<16xf32>
      %mul3A_1712 = arith.mulf %div3A_1711, %div3A_1711 : vector<16xf32>
      %mul3A_1713 = arith.constant 0.285714298 : f32
      %mul3A_1714 = vector.broadcast %mul3A_1713 : f32 to vector<16xf32>
      %mul3A_1715 = arith.mulf %mul3A_1712, %mul3A_1714 : vector<16xf32>
      %add3A_1716 = arith.constant 4.000000e-01 : f32
      %add3A_1717 = vector.broadcast %add3A_1716 : f32 to vector<16xf32>
      %add3A_1718 = arith.addf %add3A_1717, %mul3A_1715 : vector<16xf32>
      %mul3A_1719 = arith.mulf %mul3A_1712, %add3A_1718 : vector<16xf32>
      %add3A_1720 = arith.constant 0.666666686 : f32
      %add3A_1721 = vector.broadcast %add3A_1720 : f32 to vector<16xf32>
      %add3A_1722 = arith.addf %add3A_1721, %mul3A_1719 : vector<16xf32>
      %mul3A_1723 = arith.mulf %mul3A_1712, %add3A_1722 : vector<16xf32>
      %add3A_1724 = arith.constant 2.000000e+00 : f32
      %add3A_1725 = vector.broadcast %add3A_1724 : f32 to vector<16xf32>
      %add3A_1726 = arith.addf %add3A_1725, %mul3A_1723 : vector<16xf32>
      %mul3A_1727 = arith.mulf %div3A_1711, %add3A_1726 : vector<16xf32>
      %convert_element_type3A_1728 = arith.sitofp %sub3A_1697 : vector<16xi32> to vector<16xf32>
      %mul3A_1729 = arith.constant 0.693147182 : f32
      %mul3A_1730 = vector.broadcast %mul3A_1729 : f32 to vector<16xf32>
      %mul3A_1731 = arith.mulf %convert_element_type3A_1728, %mul3A_1730 : vector<16xf32>
      %add3A_1732 = arith.addf %mul3A_1731, %mul3A_1727 : vector<16xf32>
      %mul3A_1733 = arith.mulf %mul3A_1684, %add3A_1732 : vector<16xf32>
      %add3A_1734 = arith.addf %add3A_1679, %mul3A_1733 : vector<16xf32>
      %get3A_1735 = arith.constant 352 : index
      %get3A_1736 = tpu.vector_load %arg10[%get3A_1735] {strides = array<i32>} : memref<1024xf32, #tpu.memory_space<vmem>>, vector<16xf32>,
      %mul3A_1737 = arith.constant 3.05175781E-5 : f32
      %mul3A_1738 = vector.broadcast %mul3A_1737 : f32 to vector<16xf32>
      %mul3A_1739 = arith.mulf %get3A_1736, %mul3A_1738 : vector<16xf32>
      %add3A_1740 = arith.constant 9.99999974E-6 : f32
      %add3A_1741 = vector.broadcast %add3A_1740 : f32 to vector<16xf32>
      %add3A_1742 = arith.addf %mul3A_1739, %add3A_1741 : vector<16xf32>
      %bitcast_convert_type3A_1743 = tpu.bitcast %add3A_1742 : vector<16xf32> -> vector<16xi32>
      %shift_right_arithmetic3A_1744 = arith.constant 23 : i32
      %shift_right_arithmetic3A_1745 = vector.broadcast %shift_right_arithmetic3A_1744 : i32 to vector<16xi32>
      %shift_right_arithmetic3A_1746 = arith.shrsi %bitcast_convert_type3A_1743, %shift_right_arithmetic3A_1745 : vector<16xi32>
      %and3A_1747 = arith.constant 255 : i32
      %and3A_1748 = vector.broadcast %and3A_1747 : i32 to vector<16xi32>
      %and3A_1749 = arith.andi %shift_right_arithmetic3A_1746, %and3A_1748 : vector<16xi32>
      %sub3A_1750 = arith.constant 127 : i32
      %sub3A_1751 = vector.broadcast %sub3A_1750 : i32 to vector<16xi32>
      %sub3A_1752 = arith.subi %and3A_1749, %sub3A_1751 : vector<16xi32>
      %and3A_1753 = arith.constant 8388607 : i32
      %and3A_1754 = vector.broadcast %and3A_1753 : i32 to vector<16xi32>
      %and3A_1755 = arith.andi %bitcast_convert_type3A_1743, %and3A_1754 : vector<16xi32>
      %or3A_1756 = arith.constant 1065353216 : i32
      %or3A_1757 = vector.broadcast %or3A_1756 : i32 to vector<16xi32>
      %or3A_1758 = arith.ori %and3A_1755, %or3A_1757 : vector<16xi32>
      %bitcast_convert_type3A_1759 = tpu.bitcast %or3A_1758 : vector<16xi32> -> vector<16xf32>
      %sub3A_1760 = arith.constant 1.000000e+00 : f32
      %sub3A_1761 = vector.broadcast %sub3A_1760 : f32 to vector<16xf32>
      %sub3A_1762 = arith.subf %bitcast_convert_type3A_1759, %sub3A_1761 : vector<16xf32>
      %add3A_1763 = arith.constant 1.000000e+00 : f32
      %add3A_1764 = vector.broadcast %add3A_1763 : f32 to vector<16xf32>
      %add3A_1765 = arith.addf %bitcast_convert_type3A_1759, %add3A_1764 : vector<16xf32>
      %div3A_1766 = arith.divf %sub3A_1762, %add3A_1765 : vector<16xf32>
      %mul3A_1767 = arith.mulf %div3A_1766, %div3A_1766 : vector<16xf32>
      %mul3A_1768 = arith.constant 0.285714298 : f32
      %mul3A_1769 = vector.broadcast %mul3A_1768 : f32 to vector<16xf32>
      %mul3A_1770 = arith.mulf %mul3A_1767, %mul3A_1769 : vector<16xf32>
      %add3A_1771 = arith.constant 4.000000e-01 : f32
      %add3A_1772 = vector.broadcast %add3A_1771 : f32 to vector<16xf32>
      %add3A_1773 = arith.addf %add3A_1772, %mul3A_1770 : vector<16xf32>
      %mul3A_1774 = arith.mulf %mul3A_1767, %add3A_1773 : vector<16xf32>
      %add3A_1775 = arith.constant 0.666666686 : f32
      %add3A_1776 = vector.broadcast %add3A_1775 : f32 to vector<16xf32>
      %add3A_1777 = arith.addf %add3A_1776, %mul3A_1774 : vector<16xf32>
      %mul3A_1778 = arith.mulf %mul3A_1767, %add3A_1777 : vector<16xf32>
      %add3A_1779 = arith.constant 2.000000e+00 : f32
      %add3A_1780 = vector.broadcast %add3A_1779 : f32 to vector<16xf32>
      %add3A_1781 = arith.addf %add3A_1780, %mul3A_1778 : vector<16xf32>
      %mul3A_1782 = arith.mulf %div3A_1766, %add3A_1781 : vector<16xf32>
      %convert_element_type3A_1783 = arith.sitofp %sub3A_1752 : vector<16xi32> to vector<16xf32>
      %mul3A_1784 = arith.constant 0.693147182 : f32
      %mul3A_1785 = vector.broadcast %mul3A_1784 : f32 to vector<16xf32>
      %mul3A_1786 = arith.mulf %convert_element_type3A_1783, %mul3A_1785 : vector<16xf32>
      %add3A_1787 = arith.addf %mul3A_1786, %mul3A_1782 : vector<16xf32>
      %mul3A_1788 = arith.mulf %mul3A_1739, %add3A_1787 : vector<16xf32>
      %add3A_1789 = arith.addf %add3A_1734, %mul3A_1788 : vector<16xf32>
      %get3A_1790 = arith.constant 368 : index
      %get3A_1791 = tpu.vector_load %arg10[%get3A_1790] {strides = array<i32>} : memref<1024xf32, #tpu.memory_space<vmem>>, vector<16xf32>,
      %mul3A_1792 = arith.constant 3.05175781E-5 : f32
      %mul3A_1793 = vector.broadcast %mul3A_1792 : f32 to vector<16xf32>
      %mul3A_1794 = arith.mulf %get3A_1791, %mul3A_1793 : vector<16xf32>
      %add3A_1795 = arith.constant 9.99999974E-6 : f32
      %add3A_1796 = vector.broadcast %add3A_1795 : f32 to vector<16xf32>
      %add3A_1797 = arith.addf %mul3A_1794, %add3A_1796 : vector<16xf32>
      %bitcast_convert_type3A_1798 = tpu.bitcast %add3A_1797 : vector<16xf32> -> vector<16xi32>
      %shift_right_arithmetic3A_1799 = arith.constant 23 : i32
      %shift_right_arithmetic3A_1800 = vector.broadcast %shift_right_arithmetic3A_1799 : i32 to vector<16xi32>
      %shift_right_arithmetic3A_1801 = arith.shrsi %bitcast_convert_type3A_1798, %shift_right_arithmetic3A_1800 : vector<16xi32>
      %and3A_1802 = arith.constant 255 : i32
      %and3A_1803 = vector.broadcast %and3A_1802 : i32 to vector<16xi32>
      %and3A_1804 = arith.andi %shift_right_arithmetic3A_1801, %and3A_1803 : vector<16xi32>
      %sub3A_1805 = arith.constant 127 : i32
      %sub3A_1806 = vector.broadcast %sub3A_1805 : i32 to vector<16xi32>
      %sub3A_1807 = arith.subi %and3A_1804, %sub3A_1806 : vector<16xi32>
      %and3A_1808 = arith.constant 8388607 : i32
      %and3A_1809 = vector.broadcast %and3A_1808 : i32 to vector<16xi32>
      %and3A_1810 = arith.andi %bitcast_convert_type3A_1798, %and3A_1809 : vector<16xi32>
      %or3A_1811 = arith.constant 1065353216 : i32
      %or3A_1812 = vector.broadcast %or3A_1811 : i32 to vector<16xi32>
      %or3A_1813 = arith.ori %and3A_1810, %or3A_1812 : vector<16xi32>
      %bitcast_convert_type3A_1814 = tpu.bitcast %or3A_1813 : vector<16xi32> -> vector<16xf32>
      %sub3A_1815 = arith.constant 1.000000e+00 : f32
      %sub3A_1816 = vector.broadcast %sub3A_1815 : f32 to vector<16xf32>
      %sub3A_1817 = arith.subf %bitcast_convert_type3A_1814, %sub3A_1816 : vector<16xf32>
      %add3A_1818 = arith.constant 1.000000e+00 : f32
      %add3A_1819 = vector.broadcast %add3A_1818 : f32 to vector<16xf32>
      %add3A_1820 = arith.addf %bitcast_convert_type3A_1814, %add3A_1819 : vector<16xf32>
      %div3A_1821 = arith.divf %sub3A_1817, %add3A_1820 : vector<16xf32>
      %mul3A_1822 = arith.mulf %div3A_1821, %div3A_1821 : vector<16xf32>
      %mul3A_1823 = arith.constant 0.285714298 : f32
      %mul3A_1824 = vector.broadcast %mul3A_1823 : f32 to vector<16xf32>
      %mul3A_1825 = arith.mulf %mul3A_1822, %mul3A_1824 : vector<16xf32>
      %add3A_1826 = arith.constant 4.000000e-01 : f32
      %add3A_1827 = vector.broadcast %add3A_1826 : f32 to vector<16xf32>
      %add3A_1828 = arith.addf %add3A_1827, %mul3A_1825 : vector<16xf32>
      %mul3A_1829 = arith.mulf %mul3A_1822, %add3A_1828 : vector<16xf32>
      %add3A_1830 = arith.constant 0.666666686 : f32
      %add3A_1831 = vector.broadcast %add3A_1830 : f32 to vector<16xf32>
      %add3A_1832 = arith.addf %add3A_1831, %mul3A_1829 : vector<16xf32>
      %mul3A_1833 = arith.mulf %mul3A_1822, %add3A_1832 : vector<16xf32>
      %add3A_1834 = arith.constant 2.000000e+00 : f32
      %add3A_1835 = vector.broadcast %add3A_1834 : f32 to vector<16xf32>
      %add3A_1836 = arith.addf %add3A_1835, %mul3A_1833 : vector<16xf32>
      %mul3A_1837 = arith.mulf %div3A_1821, %add3A_1836 : vector<16xf32>
      %convert_element_type3A_1838 = arith.sitofp %sub3A_1807 : vector<16xi32> to vector<16xf32>
      %mul3A_1839 = arith.constant 0.693147182 : f32
      %mul3A_1840 = vector.broadcast %mul3A_1839 : f32 to vector<16xf32>
      %mul3A_1841 = arith.mulf %convert_element_type3A_1838, %mul3A_1840 : vector<16xf32>
      %add3A_1842 = arith.addf %mul3A_1841, %mul3A_1837 : vector<16xf32>
      %mul3A_1843 = arith.mulf %mul3A_1794, %add3A_1842 : vector<16xf32>
      %add3A_1844 = arith.addf %add3A_1789, %mul3A_1843 : vector<16xf32>
      %get3A_1845 = arith.constant 384 : index
      %get3A_1846 = tpu.vector_load %arg10[%get3A_1845] {strides = array<i32>} : memref<1024xf32, #tpu.memory_space<vmem>>, vector<16xf32>,
      %mul3A_1847 = arith.constant 3.05175781E-5 : f32
      %mul3A_1848 = vector.broadcast %mul3A_1847 : f32 to vector<16xf32>
      %mul3A_1849 = arith.mulf %get3A_1846, %mul3A_1848 : vector<16xf32>
      %add3A_1850 = arith.constant 9.99999974E-6 : f32
      %add3A_1851 = vector.broadcast %add3A_1850 : f32 to vector<16xf32>
      %add3A_1852 = arith.addf %mul3A_1849, %add3A_1851 : vector<16xf32>
      %bitcast_convert_type3A_1853 = tpu.bitcast %add3A_1852 : vector<16xf32> -> vector<16xi32>
      %shift_right_arithmetic3A_1854 = arith.constant 23 : i32
      %shift_right_arithmetic3A_1855 = vector.broadcast %shift_right_arithmetic3A_1854 : i32 to vector<16xi32>
      %shift_right_arithmetic3A_1856 = arith.shrsi %bitcast_convert_type3A_1853, %shift_right_arithmetic3A_1855 : vector<16xi32>
      %and3A_1857 = arith.constant 255 : i32
      %and3A_1858 = vector.broadcast %and3A_1857 : i32 to vector<16xi32>
      %and3A_1859 = arith.andi %shift_right_arithmetic3A_1856, %and3A_1858 : vector<16xi32>
      %sub3A_1860 = arith.constant 127 : i32
      %sub3A_1861 = vector.broadcast %sub3A_1860 : i32 to vector<16xi32>
      %sub3A_1862 = arith.subi %and3A_1859, %sub3A_1861 : vector<16xi32>
      %and3A_1863 = arith.constant 8388607 : i32
      %and3A_1864 = vector.broadcast %and3A_1863 : i32 to vector<16xi32>
      %and3A_1865 = arith.andi %bitcast_convert_type3A_1853, %and3A_1864 : vector<16xi32>
      %or3A_1866 = arith.constant 1065353216 : i32
      %or3A_1867 = vector.broadcast %or3A_1866 : i32 to vector<16xi32>
      %or3A_1868 = arith.ori %and3A_1865, %or3A_1867 : vector<16xi32>
      %bitcast_convert_type3A_1869 = tpu.bitcast %or3A_1868 : vector<16xi32> -> vector<16xf32>
      %sub3A_1870 = arith.constant 1.000000e+00 : f32
      %sub3A_1871 = vector.broadcast %sub3A_1870 : f32 to vector<16xf32>
      %sub3A_1872 = arith.subf %bitcast_convert_type3A_1869, %sub3A_1871 : vector<16xf32>
      %add3A_1873 = arith.constant 1.000000e+00 : f32
      %add3A_1874 = vector.broadcast %add3A_1873 : f32 to vector<16xf32>
      %add3A_1875 = arith.addf %bitcast_convert_type3A_1869, %add3A_1874 : vector<16xf32>
      %div3A_1876 = arith.divf %sub3A_1872, %add3A_1875 : vector<16xf32>
      %mul3A_1877 = arith.mulf %div3A_1876, %div3A_1876 : vector<16xf32>
      %mul3A_1878 = arith.constant 0.285714298 : f32
      %mul3A_1879 = vector.broadcast %mul3A_1878 : f32 to vector<16xf32>
      %mul3A_1880 = arith.mulf %mul3A_1877, %mul3A_1879 : vector<16xf32>
      %add3A_1881 = arith.constant 4.000000e-01 : f32
      %add3A_1882 = vector.broadcast %add3A_1881 : f32 to vector<16xf32>
      %add3A_1883 = arith.addf %add3A_1882, %mul3A_1880 : vector<16xf32>
      %mul3A_1884 = arith.mulf %mul3A_1877, %add3A_1883 : vector<16xf32>
      %add3A_1885 = arith.constant 0.666666686 : f32
      %add3A_1886 = vector.broadcast %add3A_1885 : f32 to vector<16xf32>
      %add3A_1887 = arith.addf %add3A_1886, %mul3A_1884 : vector<16xf32>
      %mul3A_1888 = arith.mulf %mul3A_1877, %add3A_1887 : vector<16xf32>
      %add3A_1889 = arith.constant 2.000000e+00 : f32
      %add3A_1890 = vector.broadcast %add3A_1889 : f32 to vector<16xf32>
      %add3A_1891 = arith.addf %add3A_1890, %mul3A_1888 : vector<16xf32>
      %mul3A_1892 = arith.mulf %div3A_1876, %add3A_1891 : vector<16xf32>
      %convert_element_type3A_1893 = arith.sitofp %sub3A_1862 : vector<16xi32> to vector<16xf32>
      %mul3A_1894 = arith.constant 0.693147182 : f32
      %mul3A_1895 = vector.broadcast %mul3A_1894 : f32 to vector<16xf32>
      %mul3A_1896 = arith.mulf %convert_element_type3A_1893, %mul3A_1895 : vector<16xf32>
      %add3A_1897 = arith.addf %mul3A_1896, %mul3A_1892 : vector<16xf32>
      %mul3A_1898 = arith.mulf %mul3A_1849, %add3A_1897 : vector<16xf32>
      %add3A_1899 = arith.addf %add3A_1844, %mul3A_1898 : vector<16xf32>
      %get3A_1900 = arith.constant 400 : index
      %get3A_1901 = tpu.vector_load %arg10[%get3A_1900] {strides = array<i32>} : memref<1024xf32, #tpu.memory_space<vmem>>, vector<16xf32>,
      %mul3A_1902 = arith.constant 3.05175781E-5 : f32
      %mul3A_1903 = vector.broadcast %mul3A_1902 : f32 to vector<16xf32>
      %mul3A_1904 = arith.mulf %get3A_1901, %mul3A_1903 : vector<16xf32>
      %add3A_1905 = arith.constant 9.99999974E-6 : f32
      %add3A_1906 = vector.broadcast %add3A_1905 : f32 to vector<16xf32>
      %add3A_1907 = arith.addf %mul3A_1904, %add3A_1906 : vector<16xf32>
      %bitcast_convert_type3A_1908 = tpu.bitcast %add3A_1907 : vector<16xf32> -> vector<16xi32>
      %shift_right_arithmetic3A_1909 = arith.constant 23 : i32
      %shift_right_arithmetic3A_1910 = vector.broadcast %shift_right_arithmetic3A_1909 : i32 to vector<16xi32>
      %shift_right_arithmetic3A_1911 = arith.shrsi %bitcast_convert_type3A_1908, %shift_right_arithmetic3A_1910 : vector<16xi32>
      %and3A_1912 = arith.constant 255 : i32
      %and3A_1913 = vector.broadcast %and3A_1912 : i32 to vector<16xi32>
      %and3A_1914 = arith.andi %shift_right_arithmetic3A_1911, %and3A_1913 : vector<16xi32>
      %sub3A_1915 = arith.constant 127 : i32
      %sub3A_1916 = vector.broadcast %sub3A_1915 : i32 to vector<16xi32>
      %sub3A_1917 = arith.subi %and3A_1914, %sub3A_1916 : vector<16xi32>
      %and3A_1918 = arith.constant 8388607 : i32
      %and3A_1919 = vector.broadcast %and3A_1918 : i32 to vector<16xi32>
      %and3A_1920 = arith.andi %bitcast_convert_type3A_1908, %and3A_1919 : vector<16xi32>
      %or3A_1921 = arith.constant 1065353216 : i32
      %or3A_1922 = vector.broadcast %or3A_1921 : i32 to vector<16xi32>
      %or3A_1923 = arith.ori %and3A_1920, %or3A_1922 : vector<16xi32>
      %bitcast_convert_type3A_1924 = tpu.bitcast %or3A_1923 : vector<16xi32> -> vector<16xf32>
      %sub3A_1925 = arith.constant 1.000000e+00 : f32
      %sub3A_1926 = vector.broadcast %sub3A_1925 : f32 to vector<16xf32>
      %sub3A_1927 = arith.subf %bitcast_convert_type3A_1924, %sub3A_1926 : vector<16xf32>
      %add3A_1928 = arith.constant 1.000000e+00 : f32
      %add3A_1929 = vector.broadcast %add3A_1928 : f32 to vector<16xf32>
      %add3A_1930 = arith.addf %bitcast_convert_type3A_1924, %add3A_1929 : vector<16xf32>
      %div3A_1931 = arith.divf %sub3A_1927, %add3A_1930 : vector<16xf32>
      %mul3A_1932 = arith.mulf %div3A_1931, %div3A_1931 : vector<16xf32>
      %mul3A_1933 = arith.constant 0.285714298 : f32
      %mul3A_1934 = vector.broadcast %mul3A_1933 : f32 to vector<16xf32>
      %mul3A_1935 = arith.mulf %mul3A_1932, %mul3A_1934 : vector<16xf32>
      %add3A_1936 = arith.constant 4.000000e-01 : f32
      %add3A_1937 = vector.broadcast %add3A_1936 : f32 to vector<16xf32>
      %add3A_1938 = arith.addf %add3A_1937, %mul3A_1935 : vector<16xf32>
      %mul3A_1939 = arith.mulf %mul3A_1932, %add3A_1938 : vector<16xf32>
      %add3A_1940 = arith.constant 0.666666686 : f32
      %add3A_1941 = vector.broadcast %add3A_1940 : f32 to vector<16xf32>
      %add3A_1942 = arith.addf %add3A_1941, %mul3A_1939 : vector<16xf32>
      %mul3A_1943 = arith.mulf %mul3A_1932, %add3A_1942 : vector<16xf32>
      %add3A_1944 = arith.constant 2.000000e+00 : f32
      %add3A_1945 = vector.broadcast %add3A_1944 : f32 to vector<16xf32>
      %add3A_1946 = arith.addf %add3A_1945, %mul3A_1943 : vector<16xf32>
      %mul3A_1947 = arith.mulf %div3A_1931, %add3A_1946 : vector<16xf32>
      %convert_element_type3A_1948 = arith.sitofp %sub3A_1917 : vector<16xi32> to vector<16xf32>
      %mul3A_1949 = arith.constant 0.693147182 : f32
      %mul3A_1950 = vector.broadcast %mul3A_1949 : f32 to vector<16xf32>
      %mul3A_1951 = arith.mulf %convert_element_type3A_1948, %mul3A_1950 : vector<16xf32>
      %add3A_1952 = arith.addf %mul3A_1951, %mul3A_1947 : vector<16xf32>
      %mul3A_1953 = arith.mulf %mul3A_1904, %add3A_1952 : vector<16xf32>
      %add3A_1954 = arith.addf %add3A_1899, %mul3A_1953 : vector<16xf32>
      %get3A_1955 = arith.constant 416 : index
      %get3A_1956 = tpu.vector_load %arg10[%get3A_1955] {strides = array<i32>} : memref<1024xf32, #tpu.memory_space<vmem>>, vector<16xf32>,
      %mul3A_1957 = arith.constant 3.05175781E-5 : f32
      %mul3A_1958 = vector.broadcast %mul3A_1957 : f32 to vector<16xf32>
      %mul3A_1959 = arith.mulf %get3A_1956, %mul3A_1958 : vector<16xf32>
      %add3A_1960 = arith.constant 9.99999974E-6 : f32
      %add3A_1961 = vector.broadcast %add3A_1960 : f32 to vector<16xf32>
      %add3A_1962 = arith.addf %mul3A_1959, %add3A_1961 : vector<16xf32>
      %bitcast_convert_type3A_1963 = tpu.bitcast %add3A_1962 : vector<16xf32> -> vector<16xi32>
      %shift_right_arithmetic3A_1964 = arith.constant 23 : i32
      %shift_right_arithmetic3A_1965 = vector.broadcast %shift_right_arithmetic3A_1964 : i32 to vector<16xi32>
      %shift_right_arithmetic3A_1966 = arith.shrsi %bitcast_convert_type3A_1963, %shift_right_arithmetic3A_1965 : vector<16xi32>
      %and3A_1967 = arith.constant 255 : i32
      %and3A_1968 = vector.broadcast %and3A_1967 : i32 to vector<16xi32>
      %and3A_1969 = arith.andi %shift_right_arithmetic3A_1966, %and3A_1968 : vector<16xi32>
      %sub3A_1970 = arith.constant 127 : i32
      %sub3A_1971 = vector.broadcast %sub3A_1970 : i32 to vector<16xi32>
      %sub3A_1972 = arith.subi %and3A_1969, %sub3A_1971 : vector<16xi32>
      %and3A_1973 = arith.constant 8388607 : i32
      %and3A_1974 = vector.broadcast %and3A_1973 : i32 to vector<16xi32>
      %and3A_1975 = arith.andi %bitcast_convert_type3A_1963, %and3A_1974 : vector<16xi32>
      %or3A_1976 = arith.constant 1065353216 : i32
      %or3A_1977 = vector.broadcast %or3A_1976 : i32 to vector<16xi32>
      %or3A_1978 = arith.ori %and3A_1975, %or3A_1977 : vector<16xi32>
      %bitcast_convert_type3A_1979 = tpu.bitcast %or3A_1978 : vector<16xi32> -> vector<16xf32>
      %sub3A_1980 = arith.constant 1.000000e+00 : f32
      %sub3A_1981 = vector.broadcast %sub3A_1980 : f32 to vector<16xf32>
      %sub3A_1982 = arith.subf %bitcast_convert_type3A_1979, %sub3A_1981 : vector<16xf32>
      %add3A_1983 = arith.constant 1.000000e+00 : f32
      %add3A_1984 = vector.broadcast %add3A_1983 : f32 to vector<16xf32>
      %add3A_1985 = arith.addf %bitcast_convert_type3A_1979, %add3A_1984 : vector<16xf32>
      %div3A_1986 = arith.divf %sub3A_1982, %add3A_1985 : vector<16xf32>
      %mul3A_1987 = arith.mulf %div3A_1986, %div3A_1986 : vector<16xf32>
      %mul3A_1988 = arith.constant 0.285714298 : f32
      %mul3A_1989 = vector.broadcast %mul3A_1988 : f32 to vector<16xf32>
      %mul3A_1990 = arith.mulf %mul3A_1987, %mul3A_1989 : vector<16xf32>
      %add3A_1991 = arith.constant 4.000000e-01 : f32
      %add3A_1992 = vector.broadcast %add3A_1991 : f32 to vector<16xf32>
      %add3A_1993 = arith.addf %add3A_1992, %mul3A_1990 : vector<16xf32>
      %mul3A_1994 = arith.mulf %mul3A_1987, %add3A_1993 : vector<16xf32>
      %add3A_1995 = arith.constant 0.666666686 : f32
      %add3A_1996 = vector.broadcast %add3A_1995 : f32 to vector<16xf32>
      %add3A_1997 = arith.addf %add3A_1996, %mul3A_1994 : vector<16xf32>
      %mul3A_1998 = arith.mulf %mul3A_1987, %add3A_1997 : vector<16xf32>
      %add3A_1999 = arith.constant 2.000000e+00 : f32
      %add3A_2000 = vector.broadcast %add3A_1999 : f32 to vector<16xf32>
      %add3A_2001 = arith.addf %add3A_2000, %mul3A_1998 : vector<16xf32>
      %mul3A_2002 = arith.mulf %div3A_1986, %add3A_2001 : vector<16xf32>
      %convert_element_type3A_2003 = arith.sitofp %sub3A_1972 : vector<16xi32> to vector<16xf32>
      %mul3A_2004 = arith.constant 0.693147182 : f32
      %mul3A_2005 = vector.broadcast %mul3A_2004 : f32 to vector<16xf32>
      %mul3A_2006 = arith.mulf %convert_element_type3A_2003, %mul3A_2005 : vector<16xf32>
      %add3A_2007 = arith.addf %mul3A_2006, %mul3A_2002 : vector<16xf32>
      %mul3A_2008 = arith.mulf %mul3A_1959, %add3A_2007 : vector<16xf32>
      %add3A_2009 = arith.addf %add3A_1954, %mul3A_2008 : vector<16xf32>
      %get3A_2010 = arith.constant 432 : index
      %get3A_2011 = tpu.vector_load %arg10[%get3A_2010] {strides = array<i32>} : memref<1024xf32, #tpu.memory_space<vmem>>, vector<16xf32>,
      %mul3A_2012 = arith.constant 3.05175781E-5 : f32
      %mul3A_2013 = vector.broadcast %mul3A_2012 : f32 to vector<16xf32>
      %mul3A_2014 = arith.mulf %get3A_2011, %mul3A_2013 : vector<16xf32>
      %add3A_2015 = arith.constant 9.99999974E-6 : f32
      %add3A_2016 = vector.broadcast %add3A_2015 : f32 to vector<16xf32>
      %add3A_2017 = arith.addf %mul3A_2014, %add3A_2016 : vector<16xf32>
      %bitcast_convert_type3A_2018 = tpu.bitcast %add3A_2017 : vector<16xf32> -> vector<16xi32>
      %shift_right_arithmetic3A_2019 = arith.constant 23 : i32
      %shift_right_arithmetic3A_2020 = vector.broadcast %shift_right_arithmetic3A_2019 : i32 to vector<16xi32>
      %shift_right_arithmetic3A_2021 = arith.shrsi %bitcast_convert_type3A_2018, %shift_right_arithmetic3A_2020 : vector<16xi32>
      %and3A_2022 = arith.constant 255 : i32
      %and3A_2023 = vector.broadcast %and3A_2022 : i32 to vector<16xi32>
      %and3A_2024 = arith.andi %shift_right_arithmetic3A_2021, %and3A_2023 : vector<16xi32>
      %sub3A_2025 = arith.constant 127 : i32
      %sub3A_2026 = vector.broadcast %sub3A_2025 : i32 to vector<16xi32>
      %sub3A_2027 = arith.subi %and3A_2024, %sub3A_2026 : vector<16xi32>
      %and3A_2028 = arith.constant 8388607 : i32
      %and3A_2029 = vector.broadcast %and3A_2028 : i32 to vector<16xi32>
      %and3A_2030 = arith.andi %bitcast_convert_type3A_2018, %and3A_2029 : vector<16xi32>
      %or3A_2031 = arith.constant 1065353216 : i32
      %or3A_2032 = vector.broadcast %or3A_2031 : i32 to vector<16xi32>
      %or3A_2033 = arith.ori %and3A_2030, %or3A_2032 : vector<16xi32>
      %bitcast_convert_type3A_2034 = tpu.bitcast %or3A_2033 : vector<16xi32> -> vector<16xf32>
      %sub3A_2035 = arith.constant 1.000000e+00 : f32
      %sub3A_2036 = vector.broadcast %sub3A_2035 : f32 to vector<16xf32>
      %sub3A_2037 = arith.subf %bitcast_convert_type3A_2034, %sub3A_2036 : vector<16xf32>
      %add3A_2038 = arith.constant 1.000000e+00 : f32
      %add3A_2039 = vector.broadcast %add3A_2038 : f32 to vector<16xf32>
      %add3A_2040 = arith.addf %bitcast_convert_type3A_2034, %add3A_2039 : vector<16xf32>
      %div3A_2041 = arith.divf %sub3A_2037, %add3A_2040 : vector<16xf32>
      %mul3A_2042 = arith.mulf %div3A_2041, %div3A_2041 : vector<16xf32>
      %mul3A_2043 = arith.constant 0.285714298 : f32
      %mul3A_2044 = vector.broadcast %mul3A_2043 : f32 to vector<16xf32>
      %mul3A_2045 = arith.mulf %mul3A_2042, %mul3A_2044 : vector<16xf32>
      %add3A_2046 = arith.constant 4.000000e-01 : f32
      %add3A_2047 = vector.broadcast %add3A_2046 : f32 to vector<16xf32>
      %add3A_2048 = arith.addf %add3A_2047, %mul3A_2045 : vector<16xf32>
      %mul3A_2049 = arith.mulf %mul3A_2042, %add3A_2048 : vector<16xf32>
      %add3A_2050 = arith.constant 0.666666686 : f32
      %add3A_2051 = vector.broadcast %add3A_2050 : f32 to vector<16xf32>
      %add3A_2052 = arith.addf %add3A_2051, %mul3A_2049 : vector<16xf32>
      %mul3A_2053 = arith.mulf %mul3A_2042, %add3A_2052 : vector<16xf32>
      %add3A_2054 = arith.constant 2.000000e+00 : f32
      %add3A_2055 = vector.broadcast %add3A_2054 : f32 to vector<16xf32>
      %add3A_2056 = arith.addf %add3A_2055, %mul3A_2053 : vector<16xf32>
      %mul3A_2057 = arith.mulf %div3A_2041, %add3A_2056 : vector<16xf32>
      %convert_element_type3A_2058 = arith.sitofp %sub3A_2027 : vector<16xi32> to vector<16xf32>
      %mul3A_2059 = arith.constant 0.693147182 : f32
      %mul3A_2060 = vector.broadcast %mul3A_2059 : f32 to vector<16xf32>
      %mul3A_2061 = arith.mulf %convert_element_type3A_2058, %mul3A_2060 : vector<16xf32>
      %add3A_2062 = arith.addf %mul3A_2061, %mul3A_2057 : vector<16xf32>
      %mul3A_2063 = arith.mulf %mul3A_2014, %add3A_2062 : vector<16xf32>
      %add3A_2064 = arith.addf %add3A_2009, %mul3A_2063 : vector<16xf32>
      %get3A_2065 = arith.constant 448 : index
      %get3A_2066 = tpu.vector_load %arg10[%get3A_2065] {strides = array<i32>} : memref<1024xf32, #tpu.memory_space<vmem>>, vector<16xf32>,
      %mul3A_2067 = arith.constant 3.05175781E-5 : f32
      %mul3A_2068 = vector.broadcast %mul3A_2067 : f32 to vector<16xf32>
      %mul3A_2069 = arith.mulf %get3A_2066, %mul3A_2068 : vector<16xf32>
      %add3A_2070 = arith.constant 9.99999974E-6 : f32
      %add3A_2071 = vector.broadcast %add3A_2070 : f32 to vector<16xf32>
      %add3A_2072 = arith.addf %mul3A_2069, %add3A_2071 : vector<16xf32>
      %bitcast_convert_type3A_2073 = tpu.bitcast %add3A_2072 : vector<16xf32> -> vector<16xi32>
      %shift_right_arithmetic3A_2074 = arith.constant 23 : i32
      %shift_right_arithmetic3A_2075 = vector.broadcast %shift_right_arithmetic3A_2074 : i32 to vector<16xi32>
      %shift_right_arithmetic3A_2076 = arith.shrsi %bitcast_convert_type3A_2073, %shift_right_arithmetic3A_2075 : vector<16xi32>
      %and3A_2077 = arith.constant 255 : i32
      %and3A_2078 = vector.broadcast %and3A_2077 : i32 to vector<16xi32>
      %and3A_2079 = arith.andi %shift_right_arithmetic3A_2076, %and3A_2078 : vector<16xi32>
      %sub3A_2080 = arith.constant 127 : i32
      %sub3A_2081 = vector.broadcast %sub3A_2080 : i32 to vector<16xi32>
      %sub3A_2082 = arith.subi %and3A_2079, %sub3A_2081 : vector<16xi32>
      %and3A_2083 = arith.constant 8388607 : i32
      %and3A_2084 = vector.broadcast %and3A_2083 : i32 to vector<16xi32>
      %and3A_2085 = arith.andi %bitcast_convert_type3A_2073, %and3A_2084 : vector<16xi32>
      %or3A_2086 = arith.constant 1065353216 : i32
      %or3A_2087 = vector.broadcast %or3A_2086 : i32 to vector<16xi32>
      %or3A_2088 = arith.ori %and3A_2085, %or3A_2087 : vector<16xi32>
      %bitcast_convert_type3A_2089 = tpu.bitcast %or3A_2088 : vector<16xi32> -> vector<16xf32>
      %sub3A_2090 = arith.constant 1.000000e+00 : f32
      %sub3A_2091 = vector.broadcast %sub3A_2090 : f32 to vector<16xf32>
      %sub3A_2092 = arith.subf %bitcast_convert_type3A_2089, %sub3A_2091 : vector<16xf32>
      %add3A_2093 = arith.constant 1.000000e+00 : f32
      %add3A_2094 = vector.broadcast %add3A_2093 : f32 to vector<16xf32>
      %add3A_2095 = arith.addf %bitcast_convert_type3A_2089, %add3A_2094 : vector<16xf32>
      %div3A_2096 = arith.divf %sub3A_2092, %add3A_2095 : vector<16xf32>
      %mul3A_2097 = arith.mulf %div3A_2096, %div3A_2096 : vector<16xf32>
      %mul3A_2098 = arith.constant 0.285714298 : f32
      %mul3A_2099 = vector.broadcast %mul3A_2098 : f32 to vector<16xf32>
      %mul3A_2100 = arith.mulf %mul3A_2097, %mul3A_2099 : vector<16xf32>
      %add3A_2101 = arith.constant 4.000000e-01 : f32
      %add3A_2102 = vector.broadcast %add3A_2101 : f32 to vector<16xf32>
      %add3A_2103 = arith.addf %add3A_2102, %mul3A_2100 : vector<16xf32>
      %mul3A_2104 = arith.mulf %mul3A_2097, %add3A_2103 : vector<16xf32>
      %add3A_2105 = arith.constant 0.666666686 : f32
      %add3A_2106 = vector.broadcast %add3A_2105 : f32 to vector<16xf32>
      %add3A_2107 = arith.addf %add3A_2106, %mul3A_2104 : vector<16xf32>
      %mul3A_2108 = arith.mulf %mul3A_2097, %add3A_2107 : vector<16xf32>
      %add3A_2109 = arith.constant 2.000000e+00 : f32
      %add3A_2110 = vector.broadcast %add3A_2109 : f32 to vector<16xf32>
      %add3A_2111 = arith.addf %add3A_2110, %mul3A_2108 : vector<16xf32>
      %mul3A_2112 = arith.mulf %div3A_2096, %add3A_2111 : vector<16xf32>
      %convert_element_type3A_2113 = arith.sitofp %sub3A_2082 : vector<16xi32> to vector<16xf32>
      %mul3A_2114 = arith.constant 0.693147182 : f32
      %mul3A_2115 = vector.broadcast %mul3A_2114 : f32 to vector<16xf32>
      %mul3A_2116 = arith.mulf %convert_element_type3A_2113, %mul3A_2115 : vector<16xf32>
      %add3A_2117 = arith.addf %mul3A_2116, %mul3A_2112 : vector<16xf32>
      %mul3A_2118 = arith.mulf %mul3A_2069, %add3A_2117 : vector<16xf32>
      %add3A_2119 = arith.addf %add3A_2064, %mul3A_2118 : vector<16xf32>
      %get3A_2120 = arith.constant 464 : index
      %get3A_2121 = tpu.vector_load %arg10[%get3A_2120] {strides = array<i32>} : memref<1024xf32, #tpu.memory_space<vmem>>, vector<16xf32>,
      %mul3A_2122 = arith.constant 3.05175781E-5 : f32
      %mul3A_2123 = vector.broadcast %mul3A_2122 : f32 to vector<16xf32>
      %mul3A_2124 = arith.mulf %get3A_2121, %mul3A_2123 : vector<16xf32>
      %add3A_2125 = arith.constant 9.99999974E-6 : f32
      %add3A_2126 = vector.broadcast %add3A_2125 : f32 to vector<16xf32>
      %add3A_2127 = arith.addf %mul3A_2124, %add3A_2126 : vector<16xf32>
      %bitcast_convert_type3A_2128 = tpu.bitcast %add3A_2127 : vector<16xf32> -> vector<16xi32>
      %shift_right_arithmetic3A_2129 = arith.constant 23 : i32
      %shift_right_arithmetic3A_2130 = vector.broadcast %shift_right_arithmetic3A_2129 : i32 to vector<16xi32>
      %shift_right_arithmetic3A_2131 = arith.shrsi %bitcast_convert_type3A_2128, %shift_right_arithmetic3A_2130 : vector<16xi32>
      %and3A_2132 = arith.constant 255 : i32
      %and3A_2133 = vector.broadcast %and3A_2132 : i32 to vector<16xi32>
      %and3A_2134 = arith.andi %shift_right_arithmetic3A_2131, %and3A_2133 : vector<16xi32>
      %sub3A_2135 = arith.constant 127 : i32
      %sub3A_2136 = vector.broadcast %sub3A_2135 : i32 to vector<16xi32>
      %sub3A_2137 = arith.subi %and3A_2134, %sub3A_2136 : vector<16xi32>
      %and3A_2138 = arith.constant 8388607 : i32
      %and3A_2139 = vector.broadcast %and3A_2138 : i32 to vector<16xi32>
      %and3A_2140 = arith.andi %bitcast_convert_type3A_2128, %and3A_2139 : vector<16xi32>
      %or3A_2141 = arith.constant 1065353216 : i32
      %or3A_2142 = vector.broadcast %or3A_2141 : i32 to vector<16xi32>
      %or3A_2143 = arith.ori %and3A_2140, %or3A_2142 : vector<16xi32>
      %bitcast_convert_type3A_2144 = tpu.bitcast %or3A_2143 : vector<16xi32> -> vector<16xf32>
      %sub3A_2145 = arith.constant 1.000000e+00 : f32
      %sub3A_2146 = vector.broadcast %sub3A_2145 : f32 to vector<16xf32>
      %sub3A_2147 = arith.subf %bitcast_convert_type3A_2144, %sub3A_2146 : vector<16xf32>
      %add3A_2148 = arith.constant 1.000000e+00 : f32
      %add3A_2149 = vector.broadcast %add3A_2148 : f32 to vector<16xf32>
      %add3A_2150 = arith.addf %bitcast_convert_type3A_2144, %add3A_2149 : vector<16xf32>
      %div3A_2151 = arith.divf %sub3A_2147, %add3A_2150 : vector<16xf32>
      %mul3A_2152 = arith.mulf %div3A_2151, %div3A_2151 : vector<16xf32>
      %mul3A_2153 = arith.constant 0.285714298 : f32
      %mul3A_2154 = vector.broadcast %mul3A_2153 : f32 to vector<16xf32>
      %mul3A_2155 = arith.mulf %mul3A_2152, %mul3A_2154 : vector<16xf32>
      %add3A_2156 = arith.constant 4.000000e-01 : f32
      %add3A_2157 = vector.broadcast %add3A_2156 : f32 to vector<16xf32>
      %add3A_2158 = arith.addf %add3A_2157, %mul3A_2155 : vector<16xf32>
      %mul3A_2159 = arith.mulf %mul3A_2152, %add3A_2158 : vector<16xf32>
      %add3A_2160 = arith.constant 0.666666686 : f32
      %add3A_2161 = vector.broadcast %add3A_2160 : f32 to vector<16xf32>
      %add3A_2162 = arith.addf %add3A_2161, %mul3A_2159 : vector<16xf32>
      %mul3A_2163 = arith.mulf %mul3A_2152, %add3A_2162 : vector<16xf32>
      %add3A_2164 = arith.constant 2.000000e+00 : f32
      %add3A_2165 = vector.broadcast %add3A_2164 : f32 to vector<16xf32>
      %add3A_2166 = arith.addf %add3A_2165, %mul3A_2163 : vector<16xf32>
      %mul3A_2167 = arith.mulf %div3A_2151, %add3A_2166 : vector<16xf32>
      %convert_element_type3A_2168 = arith.sitofp %sub3A_2137 : vector<16xi32> to vector<16xf32>
      %mul3A_2169 = arith.constant 0.693147182 : f32
      %mul3A_2170 = vector.broadcast %mul3A_2169 : f32 to vector<16xf32>
      %mul3A_2171 = arith.mulf %convert_element_type3A_2168, %mul3A_2170 : vector<16xf32>
      %add3A_2172 = arith.addf %mul3A_2171, %mul3A_2167 : vector<16xf32>
      %mul3A_2173 = arith.mulf %mul3A_2124, %add3A_2172 : vector<16xf32>
      %add3A_2174 = arith.addf %add3A_2119, %mul3A_2173 : vector<16xf32>
      %get3A_2175 = arith.constant 480 : index
      %get3A_2176 = tpu.vector_load %arg10[%get3A_2175] {strides = array<i32>} : memref<1024xf32, #tpu.memory_space<vmem>>, vector<16xf32>,
      %mul3A_2177 = arith.constant 3.05175781E-5 : f32
      %mul3A_2178 = vector.broadcast %mul3A_2177 : f32 to vector<16xf32>
      %mul3A_2179 = arith.mulf %get3A_2176, %mul3A_2178 : vector<16xf32>
      %add3A_2180 = arith.constant 9.99999974E-6 : f32
      %add3A_2181 = vector.broadcast %add3A_2180 : f32 to vector<16xf32>
      %add3A_2182 = arith.addf %mul3A_2179, %add3A_2181 : vector<16xf32>
      %bitcast_convert_type3A_2183 = tpu.bitcast %add3A_2182 : vector<16xf32> -> vector<16xi32>
      %shift_right_arithmetic3A_2184 = arith.constant 23 : i32
      %shift_right_arithmetic3A_2185 = vector.broadcast %shift_right_arithmetic3A_2184 : i32 to vector<16xi32>
      %shift_right_arithmetic3A_2186 = arith.shrsi %bitcast_convert_type3A_2183, %shift_right_arithmetic3A_2185 : vector<16xi32>
      %and3A_2187 = arith.constant 255 : i32
      %and3A_2188 = vector.broadcast %and3A_2187 : i32 to vector<16xi32>
      %and3A_2189 = arith.andi %shift_right_arithmetic3A_2186, %and3A_2188 : vector<16xi32>
      %sub3A_2190 = arith.constant 127 : i32
      %sub3A_2191 = vector.broadcast %sub3A_2190 : i32 to vector<16xi32>
      %sub3A_2192 = arith.subi %and3A_2189, %sub3A_2191 : vector<16xi32>
      %and3A_2193 = arith.constant 8388607 : i32
      %and3A_2194 = vector.broadcast %and3A_2193 : i32 to vector<16xi32>
      %and3A_2195 = arith.andi %bitcast_convert_type3A_2183, %and3A_2194 : vector<16xi32>
      %or3A_2196 = arith.constant 1065353216 : i32
      %or3A_2197 = vector.broadcast %or3A_2196 : i32 to vector<16xi32>
      %or3A_2198 = arith.ori %and3A_2195, %or3A_2197 : vector<16xi32>
      %bitcast_convert_type3A_2199 = tpu.bitcast %or3A_2198 : vector<16xi32> -> vector<16xf32>
      %sub3A_2200 = arith.constant 1.000000e+00 : f32
      %sub3A_2201 = vector.broadcast %sub3A_2200 : f32 to vector<16xf32>
      %sub3A_2202 = arith.subf %bitcast_convert_type3A_2199, %sub3A_2201 : vector<16xf32>
      %add3A_2203 = arith.constant 1.000000e+00 : f32
      %add3A_2204 = vector.broadcast %add3A_2203 : f32 to vector<16xf32>
      %add3A_2205 = arith.addf %bitcast_convert_type3A_2199, %add3A_2204 : vector<16xf32>
      %div3A_2206 = arith.divf %sub3A_2202, %add3A_2205 : vector<16xf32>
      %mul3A_2207 = arith.mulf %div3A_2206, %div3A_2206 : vector<16xf32>
      %mul3A_2208 = arith.constant 0.285714298 : f32
      %mul3A_2209 = vector.broadcast %mul3A_2208 : f32 to vector<16xf32>
      %mul3A_2210 = arith.mulf %mul3A_2207, %mul3A_2209 : vector<16xf32>
      %add3A_2211 = arith.constant 4.000000e-01 : f32
      %add3A_2212 = vector.broadcast %add3A_2211 : f32 to vector<16xf32>
      %add3A_2213 = arith.addf %add3A_2212, %mul3A_2210 : vector<16xf32>
      %mul3A_2214 = arith.mulf %mul3A_2207, %add3A_2213 : vector<16xf32>
      %add3A_2215 = arith.constant 0.666666686 : f32
      %add3A_2216 = vector.broadcast %add3A_2215 : f32 to vector<16xf32>
      %add3A_2217 = arith.addf %add3A_2216, %mul3A_2214 : vector<16xf32>
      %mul3A_2218 = arith.mulf %mul3A_2207, %add3A_2217 : vector<16xf32>
      %add3A_2219 = arith.constant 2.000000e+00 : f32
      %add3A_2220 = vector.broadcast %add3A_2219 : f32 to vector<16xf32>
      %add3A_2221 = arith.addf %add3A_2220, %mul3A_2218 : vector<16xf32>
      %mul3A_2222 = arith.mulf %div3A_2206, %add3A_2221 : vector<16xf32>
      %convert_element_type3A_2223 = arith.sitofp %sub3A_2192 : vector<16xi32> to vector<16xf32>
      %mul3A_2224 = arith.constant 0.693147182 : f32
      %mul3A_2225 = vector.broadcast %mul3A_2224 : f32 to vector<16xf32>
      %mul3A_2226 = arith.mulf %convert_element_type3A_2223, %mul3A_2225 : vector<16xf32>
      %add3A_2227 = arith.addf %mul3A_2226, %mul3A_2222 : vector<16xf32>
      %mul3A_2228 = arith.mulf %mul3A_2179, %add3A_2227 : vector<16xf32>
      %add3A_2229 = arith.addf %add3A_2174, %mul3A_2228 : vector<16xf32>
      %get3A_2230 = arith.constant 496 : index
      %get3A_2231 = tpu.vector_load %arg10[%get3A_2230] {strides = array<i32>} : memref<1024xf32, #tpu.memory_space<vmem>>, vector<16xf32>,
      %mul3A_2232 = arith.constant 3.05175781E-5 : f32
      %mul3A_2233 = vector.broadcast %mul3A_2232 : f32 to vector<16xf32>
      %mul3A_2234 = arith.mulf %get3A_2231, %mul3A_2233 : vector<16xf32>
      %add3A_2235 = arith.constant 9.99999974E-6 : f32
      %add3A_2236 = vector.broadcast %add3A_2235 : f32 to vector<16xf32>
      %add3A_2237 = arith.addf %mul3A_2234, %add3A_2236 : vector<16xf32>
      %bitcast_convert_type3A_2238 = tpu.bitcast %add3A_2237 : vector<16xf32> -> vector<16xi32>
      %shift_right_arithmetic3A_2239 = arith.constant 23 : i32
      %shift_right_arithmetic3A_2240 = vector.broadcast %shift_right_arithmetic3A_2239 : i32 to vector<16xi32>
      %shift_right_arithmetic3A_2241 = arith.shrsi %bitcast_convert_type3A_2238, %shift_right_arithmetic3A_2240 : vector<16xi32>
      %and3A_2242 = arith.constant 255 : i32
      %and3A_2243 = vector.broadcast %and3A_2242 : i32 to vector<16xi32>
      %and3A_2244 = arith.andi %shift_right_arithmetic3A_2241, %and3A_2243 : vector<16xi32>
      %sub3A_2245 = arith.constant 127 : i32
      %sub3A_2246 = vector.broadcast %sub3A_2245 : i32 to vector<16xi32>
      %sub3A_2247 = arith.subi %and3A_2244, %sub3A_2246 : vector<16xi32>
      %and3A_2248 = arith.constant 8388607 : i32
      %and3A_2249 = vector.broadcast %and3A_2248 : i32 to vector<16xi32>
      %and3A_2250 = arith.andi %bitcast_convert_type3A_2238, %and3A_2249 : vector<16xi32>
      %or3A_2251 = arith.constant 1065353216 : i32
      %or3A_2252 = vector.broadcast %or3A_2251 : i32 to vector<16xi32>
      %or3A_2253 = arith.ori %and3A_2250, %or3A_2252 : vector<16xi32>
      %bitcast_convert_type3A_2254 = tpu.bitcast %or3A_2253 : vector<16xi32> -> vector<16xf32>
      %sub3A_2255 = arith.constant 1.000000e+00 : f32
      %sub3A_2256 = vector.broadcast %sub3A_2255 : f32 to vector<16xf32>
      %sub3A_2257 = arith.subf %bitcast_convert_type3A_2254, %sub3A_2256 : vector<16xf32>
      %add3A_2258 = arith.constant 1.000000e+00 : f32
      %add3A_2259 = vector.broadcast %add3A_2258 : f32 to vector<16xf32>
      %add3A_2260 = arith.addf %bitcast_convert_type3A_2254, %add3A_2259 : vector<16xf32>
      %div3A_2261 = arith.divf %sub3A_2257, %add3A_2260 : vector<16xf32>
      %mul3A_2262 = arith.mulf %div3A_2261, %div3A_2261 : vector<16xf32>
      %mul3A_2263 = arith.constant 0.285714298 : f32
      %mul3A_2264 = vector.broadcast %mul3A_2263 : f32 to vector<16xf32>
      %mul3A_2265 = arith.mulf %mul3A_2262, %mul3A_2264 : vector<16xf32>
      %add3A_2266 = arith.constant 4.000000e-01 : f32
      %add3A_2267 = vector.broadcast %add3A_2266 : f32 to vector<16xf32>
      %add3A_2268 = arith.addf %add3A_2267, %mul3A_2265 : vector<16xf32>
      %mul3A_2269 = arith.mulf %mul3A_2262, %add3A_2268 : vector<16xf32>
      %add3A_2270 = arith.constant 0.666666686 : f32
      %add3A_2271 = vector.broadcast %add3A_2270 : f32 to vector<16xf32>
      %add3A_2272 = arith.addf %add3A_2271, %mul3A_2269 : vector<16xf32>
      %mul3A_2273 = arith.mulf %mul3A_2262, %add3A_2272 : vector<16xf32>
      %add3A_2274 = arith.constant 2.000000e+00 : f32
      %add3A_2275 = vector.broadcast %add3A_2274 : f32 to vector<16xf32>
      %add3A_2276 = arith.addf %add3A_2275, %mul3A_2273 : vector<16xf32>
      %mul3A_2277 = arith.mulf %div3A_2261, %add3A_2276 : vector<16xf32>
      %convert_element_type3A_2278 = arith.sitofp %sub3A_2247 : vector<16xi32> to vector<16xf32>
      %mul3A_2279 = arith.constant 0.693147182 : f32
      %mul3A_2280 = vector.broadcast %mul3A_2279 : f32 to vector<16xf32>
      %mul3A_2281 = arith.mulf %convert_element_type3A_2278, %mul3A_2280 : vector<16xf32>
      %add3A_2282 = arith.addf %mul3A_2281, %mul3A_2277 : vector<16xf32>
      %mul3A_2283 = arith.mulf %mul3A_2234, %add3A_2282 : vector<16xf32>
      %add3A_2284 = arith.addf %add3A_2229, %mul3A_2283 : vector<16xf32>
      %get3A_2285 = arith.constant 512 : index
      %get3A_2286 = tpu.vector_load %arg10[%get3A_2285] {strides = array<i32>} : memref<1024xf32, #tpu.memory_space<vmem>>, vector<16xf32>,
      %mul3A_2287 = arith.constant 3.05175781E-5 : f32
      %mul3A_2288 = vector.broadcast %mul3A_2287 : f32 to vector<16xf32>
      %mul3A_2289 = arith.mulf %get3A_2286, %mul3A_2288 : vector<16xf32>
      %add3A_2290 = arith.constant 9.99999974E-6 : f32
      %add3A_2291 = vector.broadcast %add3A_2290 : f32 to vector<16xf32>
      %add3A_2292 = arith.addf %mul3A_2289, %add3A_2291 : vector<16xf32>
      %bitcast_convert_type3A_2293 = tpu.bitcast %add3A_2292 : vector<16xf32> -> vector<16xi32>
      %shift_right_arithmetic3A_2294 = arith.constant 23 : i32
      %shift_right_arithmetic3A_2295 = vector.broadcast %shift_right_arithmetic3A_2294 : i32 to vector<16xi32>
      %shift_right_arithmetic3A_2296 = arith.shrsi %bitcast_convert_type3A_2293, %shift_right_arithmetic3A_2295 : vector<16xi32>
      %and3A_2297 = arith.constant 255 : i32
      %and3A_2298 = vector.broadcast %and3A_2297 : i32 to vector<16xi32>
      %and3A_2299 = arith.andi %shift_right_arithmetic3A_2296, %and3A_2298 : vector<16xi32>
      %sub3A_2300 = arith.constant 127 : i32
      %sub3A_2301 = vector.broadcast %sub3A_2300 : i32 to vector<16xi32>
      %sub3A_2302 = arith.subi %and3A_2299, %sub3A_2301 : vector<16xi32>
      %and3A_2303 = arith.constant 8388607 : i32
      %and3A_2304 = vector.broadcast %and3A_2303 : i32 to vector<16xi32>
      %and3A_2305 = arith.andi %bitcast_convert_type3A_2293, %and3A_2304 : vector<16xi32>
      %or3A_2306 = arith.constant 1065353216 : i32
      %or3A_2307 = vector.broadcast %or3A_2306 : i32 to vector<16xi32>
      %or3A_2308 = arith.ori %and3A_2305, %or3A_2307 : vector<16xi32>
      %bitcast_convert_type3A_2309 = tpu.bitcast %or3A_2308 : vector<16xi32> -> vector<16xf32>
      %sub3A_2310 = arith.constant 1.000000e+00 : f32
      %sub3A_2311 = vector.broadcast %sub3A_2310 : f32 to vector<16xf32>
      %sub3A_2312 = arith.subf %bitcast_convert_type3A_2309, %sub3A_2311 : vector<16xf32>
      %add3A_2313 = arith.constant 1.000000e+00 : f32
      %add3A_2314 = vector.broadcast %add3A_2313 : f32 to vector<16xf32>
      %add3A_2315 = arith.addf %bitcast_convert_type3A_2309, %add3A_2314 : vector<16xf32>
      %div3A_2316 = arith.divf %sub3A_2312, %add3A_2315 : vector<16xf32>
      %mul3A_2317 = arith.mulf %div3A_2316, %div3A_2316 : vector<16xf32>
      %mul3A_2318 = arith.constant 0.285714298 : f32
      %mul3A_2319 = vector.broadcast %mul3A_2318 : f32 to vector<16xf32>
      %mul3A_2320 = arith.mulf %mul3A_2317, %mul3A_2319 : vector<16xf32>
      %add3A_2321 = arith.constant 4.000000e-01 : f32
      %add3A_2322 = vector.broadcast %add3A_2321 : f32 to vector<16xf32>
      %add3A_2323 = arith.addf %add3A_2322, %mul3A_2320 : vector<16xf32>
      %mul3A_2324 = arith.mulf %mul3A_2317, %add3A_2323 : vector<16xf32>
      %add3A_2325 = arith.constant 0.666666686 : f32
      %add3A_2326 = vector.broadcast %add3A_2325 : f32 to vector<16xf32>
      %add3A_2327 = arith.addf %add3A_2326, %mul3A_2324 : vector<16xf32>
      %mul3A_2328 = arith.mulf %mul3A_2317, %add3A_2327 : vector<16xf32>
      %add3A_2329 = arith.constant 2.000000e+00 : f32
      %add3A_2330 = vector.broadcast %add3A_2329 : f32 to vector<16xf32>
      %add3A_2331 = arith.addf %add3A_2330, %mul3A_2328 : vector<16xf32>
      %mul3A_2332 = arith.mulf %div3A_2316, %add3A_2331 : vector<16xf32>
      %convert_element_type3A_2333 = arith.sitofp %sub3A_2302 : vector<16xi32> to vector<16xf32>
      %mul3A_2334 = arith.constant 0.693147182 : f32
      %mul3A_2335 = vector.broadcast %mul3A_2334 : f32 to vector<16xf32>
      %mul3A_2336 = arith.mulf %convert_element_type3A_2333, %mul3A_2335 : vector<16xf32>
      %add3A_2337 = arith.addf %mul3A_2336, %mul3A_2332 : vector<16xf32>
      %mul3A_2338 = arith.mulf %mul3A_2289, %add3A_2337 : vector<16xf32>
      %add3A_2339 = arith.addf %add3A_2284, %mul3A_2338 : vector<16xf32>
      %get3A_2340 = arith.constant 528 : index
      %get3A_2341 = tpu.vector_load %arg10[%get3A_2340] {strides = array<i32>} : memref<1024xf32, #tpu.memory_space<vmem>>, vector<16xf32>,
      %mul3A_2342 = arith.constant 3.05175781E-5 : f32
      %mul3A_2343 = vector.broadcast %mul3A_2342 : f32 to vector<16xf32>
      %mul3A_2344 = arith.mulf %get3A_2341, %mul3A_2343 : vector<16xf32>
      %add3A_2345 = arith.constant 9.99999974E-6 : f32
      %add3A_2346 = vector.broadcast %add3A_2345 : f32 to vector<16xf32>
      %add3A_2347 = arith.addf %mul3A_2344, %add3A_2346 : vector<16xf32>
      %bitcast_convert_type3A_2348 = tpu.bitcast %add3A_2347 : vector<16xf32> -> vector<16xi32>
      %shift_right_arithmetic3A_2349 = arith.constant 23 : i32
      %shift_right_arithmetic3A_2350 = vector.broadcast %shift_right_arithmetic3A_2349 : i32 to vector<16xi32>
      %shift_right_arithmetic3A_2351 = arith.shrsi %bitcast_convert_type3A_2348, %shift_right_arithmetic3A_2350 : vector<16xi32>
      %and3A_2352 = arith.constant 255 : i32
      %and3A_2353 = vector.broadcast %and3A_2352 : i32 to vector<16xi32>
      %and3A_2354 = arith.andi %shift_right_arithmetic3A_2351, %and3A_2353 : vector<16xi32>
      %sub3A_2355 = arith.constant 127 : i32
      %sub3A_2356 = vector.broadcast %sub3A_2355 : i32 to vector<16xi32>
      %sub3A_2357 = arith.subi %and3A_2354, %sub3A_2356 : vector<16xi32>
      %and3A_2358 = arith.constant 8388607 : i32
      %and3A_2359 = vector.broadcast %and3A_2358 : i32 to vector<16xi32>
      %and3A_2360 = arith.andi %bitcast_convert_type3A_2348, %and3A_2359 : vector<16xi32>
      %or3A_2361 = arith.constant 1065353216 : i32
      %or3A_2362 = vector.broadcast %or3A_2361 : i32 to vector<16xi32>
      %or3A_2363 = arith.ori %and3A_2360, %or3A_2362 : vector<16xi32>
      %bitcast_convert_type3A_2364 = tpu.bitcast %or3A_2363 : vector<16xi32> -> vector<16xf32>
      %sub3A_2365 = arith.constant 1.000000e+00 : f32
      %sub3A_2366 = vector.broadcast %sub3A_2365 : f32 to vector<16xf32>
      %sub3A_2367 = arith.subf %bitcast_convert_type3A_2364, %sub3A_2366 : vector<16xf32>
      %add3A_2368 = arith.constant 1.000000e+00 : f32
      %add3A_2369 = vector.broadcast %add3A_2368 : f32 to vector<16xf32>
      %add3A_2370 = arith.addf %bitcast_convert_type3A_2364, %add3A_2369 : vector<16xf32>
      %div3A_2371 = arith.divf %sub3A_2367, %add3A_2370 : vector<16xf32>
      %mul3A_2372 = arith.mulf %div3A_2371, %div3A_2371 : vector<16xf32>
      %mul3A_2373 = arith.constant 0.285714298 : f32
      %mul3A_2374 = vector.broadcast %mul3A_2373 : f32 to vector<16xf32>
      %mul3A_2375 = arith.mulf %mul3A_2372, %mul3A_2374 : vector<16xf32>
      %add3A_2376 = arith.constant 4.000000e-01 : f32
      %add3A_2377 = vector.broadcast %add3A_2376 : f32 to vector<16xf32>
      %add3A_2378 = arith.addf %add3A_2377, %mul3A_2375 : vector<16xf32>
      %mul3A_2379 = arith.mulf %mul3A_2372, %add3A_2378 : vector<16xf32>
      %add3A_2380 = arith.constant 0.666666686 : f32
      %add3A_2381 = vector.broadcast %add3A_2380 : f32 to vector<16xf32>
      %add3A_2382 = arith.addf %add3A_2381, %mul3A_2379 : vector<16xf32>
      %mul3A_2383 = arith.mulf %mul3A_2372, %add3A_2382 : vector<16xf32>
      %add3A_2384 = arith.constant 2.000000e+00 : f32
      %add3A_2385 = vector.broadcast %add3A_2384 : f32 to vector<16xf32>
      %add3A_2386 = arith.addf %add3A_2385, %mul3A_2383 : vector<16xf32>
      %mul3A_2387 = arith.mulf %div3A_2371, %add3A_2386 : vector<16xf32>
      %convert_element_type3A_2388 = arith.sitofp %sub3A_2357 : vector<16xi32> to vector<16xf32>
      %mul3A_2389 = arith.constant 0.693147182 : f32
      %mul3A_2390 = vector.broadcast %mul3A_2389 : f32 to vector<16xf32>
      %mul3A_2391 = arith.mulf %convert_element_type3A_2388, %mul3A_2390 : vector<16xf32>
      %add3A_2392 = arith.addf %mul3A_2391, %mul3A_2387 : vector<16xf32>
      %mul3A_2393 = arith.mulf %mul3A_2344, %add3A_2392 : vector<16xf32>
      %add3A_2394 = arith.addf %add3A_2339, %mul3A_2393 : vector<16xf32>
      %get3A_2395 = arith.constant 544 : index
      %get3A_2396 = tpu.vector_load %arg10[%get3A_2395] {strides = array<i32>} : memref<1024xf32, #tpu.memory_space<vmem>>, vector<16xf32>,
      %mul3A_2397 = arith.constant 3.05175781E-5 : f32
      %mul3A_2398 = vector.broadcast %mul3A_2397 : f32 to vector<16xf32>
      %mul3A_2399 = arith.mulf %get3A_2396, %mul3A_2398 : vector<16xf32>
      %add3A_2400 = arith.constant 9.99999974E-6 : f32
      %add3A_2401 = vector.broadcast %add3A_2400 : f32 to vector<16xf32>
      %add3A_2402 = arith.addf %mul3A_2399, %add3A_2401 : vector<16xf32>
      %bitcast_convert_type3A_2403 = tpu.bitcast %add3A_2402 : vector<16xf32> -> vector<16xi32>
      %shift_right_arithmetic3A_2404 = arith.constant 23 : i32
      %shift_right_arithmetic3A_2405 = vector.broadcast %shift_right_arithmetic3A_2404 : i32 to vector<16xi32>
      %shift_right_arithmetic3A_2406 = arith.shrsi %bitcast_convert_type3A_2403, %shift_right_arithmetic3A_2405 : vector<16xi32>
      %and3A_2407 = arith.constant 255 : i32
      %and3A_2408 = vector.broadcast %and3A_2407 : i32 to vector<16xi32>
      %and3A_2409 = arith.andi %shift_right_arithmetic3A_2406, %and3A_2408 : vector<16xi32>
      %sub3A_2410 = arith.constant 127 : i32
      %sub3A_2411 = vector.broadcast %sub3A_2410 : i32 to vector<16xi32>
      %sub3A_2412 = arith.subi %and3A_2409, %sub3A_2411 : vector<16xi32>
      %and3A_2413 = arith.constant 8388607 : i32
      %and3A_2414 = vector.broadcast %and3A_2413 : i32 to vector<16xi32>
      %and3A_2415 = arith.andi %bitcast_convert_type3A_2403, %and3A_2414 : vector<16xi32>
      %or3A_2416 = arith.constant 1065353216 : i32
      %or3A_2417 = vector.broadcast %or3A_2416 : i32 to vector<16xi32>
      %or3A_2418 = arith.ori %and3A_2415, %or3A_2417 : vector<16xi32>
      %bitcast_convert_type3A_2419 = tpu.bitcast %or3A_2418 : vector<16xi32> -> vector<16xf32>
      %sub3A_2420 = arith.constant 1.000000e+00 : f32
      %sub3A_2421 = vector.broadcast %sub3A_2420 : f32 to vector<16xf32>
      %sub3A_2422 = arith.subf %bitcast_convert_type3A_2419, %sub3A_2421 : vector<16xf32>
      %add3A_2423 = arith.constant 1.000000e+00 : f32
      %add3A_2424 = vector.broadcast %add3A_2423 : f32 to vector<16xf32>
      %add3A_2425 = arith.addf %bitcast_convert_type3A_2419, %add3A_2424 : vector<16xf32>
      %div3A_2426 = arith.divf %sub3A_2422, %add3A_2425 : vector<16xf32>
      %mul3A_2427 = arith.mulf %div3A_2426, %div3A_2426 : vector<16xf32>
      %mul3A_2428 = arith.constant 0.285714298 : f32
      %mul3A_2429 = vector.broadcast %mul3A_2428 : f32 to vector<16xf32>
      %mul3A_2430 = arith.mulf %mul3A_2427, %mul3A_2429 : vector<16xf32>
      %add3A_2431 = arith.constant 4.000000e-01 : f32
      %add3A_2432 = vector.broadcast %add3A_2431 : f32 to vector<16xf32>
      %add3A_2433 = arith.addf %add3A_2432, %mul3A_2430 : vector<16xf32>
      %mul3A_2434 = arith.mulf %mul3A_2427, %add3A_2433 : vector<16xf32>
      %add3A_2435 = arith.constant 0.666666686 : f32
      %add3A_2436 = vector.broadcast %add3A_2435 : f32 to vector<16xf32>
      %add3A_2437 = arith.addf %add3A_2436, %mul3A_2434 : vector<16xf32>
      %mul3A_2438 = arith.mulf %mul3A_2427, %add3A_2437 : vector<16xf32>
      %add3A_2439 = arith.constant 2.000000e+00 : f32
      %add3A_2440 = vector.broadcast %add3A_2439 : f32 to vector<16xf32>
      %add3A_2441 = arith.addf %add3A_2440, %mul3A_2438 : vector<16xf32>
      %mul3A_2442 = arith.mulf %div3A_2426, %add3A_2441 : vector<16xf32>
      %convert_element_type3A_2443 = arith.sitofp %sub3A_2412 : vector<16xi32> to vector<16xf32>
      %mul3A_2444 = arith.constant 0.693147182 : f32
      %mul3A_2445 = vector.broadcast %mul3A_2444 : f32 to vector<16xf32>
      %mul3A_2446 = arith.mulf %convert_element_type3A_2443, %mul3A_2445 : vector<16xf32>
      %add3A_2447 = arith.addf %mul3A_2446, %mul3A_2442 : vector<16xf32>
      %mul3A_2448 = arith.mulf %mul3A_2399, %add3A_2447 : vector<16xf32>
      %add3A_2449 = arith.addf %add3A_2394, %mul3A_2448 : vector<16xf32>
      %get3A_2450 = arith.constant 560 : index
      %get3A_2451 = tpu.vector_load %arg10[%get3A_2450] {strides = array<i32>} : memref<1024xf32, #tpu.memory_space<vmem>>, vector<16xf32>,
      %mul3A_2452 = arith.constant 3.05175781E-5 : f32
      %mul3A_2453 = vector.broadcast %mul3A_2452 : f32 to vector<16xf32>
      %mul3A_2454 = arith.mulf %get3A_2451, %mul3A_2453 : vector<16xf32>
      %add3A_2455 = arith.constant 9.99999974E-6 : f32
      %add3A_2456 = vector.broadcast %add3A_2455 : f32 to vector<16xf32>
      %add3A_2457 = arith.addf %mul3A_2454, %add3A_2456 : vector<16xf32>
      %bitcast_convert_type3A_2458 = tpu.bitcast %add3A_2457 : vector<16xf32> -> vector<16xi32>
      %shift_right_arithmetic3A_2459 = arith.constant 23 : i32
      %shift_right_arithmetic3A_2460 = vector.broadcast %shift_right_arithmetic3A_2459 : i32 to vector<16xi32>
      %shift_right_arithmetic3A_2461 = arith.shrsi %bitcast_convert_type3A_2458, %shift_right_arithmetic3A_2460 : vector<16xi32>
      %and3A_2462 = arith.constant 255 : i32
      %and3A_2463 = vector.broadcast %and3A_2462 : i32 to vector<16xi32>
      %and3A_2464 = arith.andi %shift_right_arithmetic3A_2461, %and3A_2463 : vector<16xi32>
      %sub3A_2465 = arith.constant 127 : i32
      %sub3A_2466 = vector.broadcast %sub3A_2465 : i32 to vector<16xi32>
      %sub3A_2467 = arith.subi %and3A_2464, %sub3A_2466 : vector<16xi32>
      %and3A_2468 = arith.constant 8388607 : i32
      %and3A_2469 = vector.broadcast %and3A_2468 : i32 to vector<16xi32>
      %and3A_2470 = arith.andi %bitcast_convert_type3A_2458, %and3A_2469 : vector<16xi32>
      %or3A_2471 = arith.constant 1065353216 : i32
      %or3A_2472 = vector.broadcast %or3A_2471 : i32 to vector<16xi32>
      %or3A_2473 = arith.ori %and3A_2470, %or3A_2472 : vector<16xi32>
      %bitcast_convert_type3A_2474 = tpu.bitcast %or3A_2473 : vector<16xi32> -> vector<16xf32>
      %sub3A_2475 = arith.constant 1.000000e+00 : f32
      %sub3A_2476 = vector.broadcast %sub3A_2475 : f32 to vector<16xf32>
      %sub3A_2477 = arith.subf %bitcast_convert_type3A_2474, %sub3A_2476 : vector<16xf32>
      %add3A_2478 = arith.constant 1.000000e+00 : f32
      %add3A_2479 = vector.broadcast %add3A_2478 : f32 to vector<16xf32>
      %add3A_2480 = arith.addf %bitcast_convert_type3A_2474, %add3A_2479 : vector<16xf32>
      %div3A_2481 = arith.divf %sub3A_2477, %add3A_2480 : vector<16xf32>
      %mul3A_2482 = arith.mulf %div3A_2481, %div3A_2481 : vector<16xf32>
      %mul3A_2483 = arith.constant 0.285714298 : f32
      %mul3A_2484 = vector.broadcast %mul3A_2483 : f32 to vector<16xf32>
      %mul3A_2485 = arith.mulf %mul3A_2482, %mul3A_2484 : vector<16xf32>
      %add3A_2486 = arith.constant 4.000000e-01 : f32
      %add3A_2487 = vector.broadcast %add3A_2486 : f32 to vector<16xf32>
      %add3A_2488 = arith.addf %add3A_2487, %mul3A_2485 : vector<16xf32>
      %mul3A_2489 = arith.mulf %mul3A_2482, %add3A_2488 : vector<16xf32>
      %add3A_2490 = arith.constant 0.666666686 : f32
      %add3A_2491 = vector.broadcast %add3A_2490 : f32 to vector<16xf32>
      %add3A_2492 = arith.addf %add3A_2491, %mul3A_2489 : vector<16xf32>
      %mul3A_2493 = arith.mulf %mul3A_2482, %add3A_2492 : vector<16xf32>
      %add3A_2494 = arith.constant 2.000000e+00 : f32
      %add3A_2495 = vector.broadcast %add3A_2494 : f32 to vector<16xf32>
      %add3A_2496 = arith.addf %add3A_2495, %mul3A_2493 : vector<16xf32>
      %mul3A_2497 = arith.mulf %div3A_2481, %add3A_2496 : vector<16xf32>
      %convert_element_type3A_2498 = arith.sitofp %sub3A_2467 : vector<16xi32> to vector<16xf32>
      %mul3A_2499 = arith.constant 0.693147182 : f32
      %mul3A_2500 = vector.broadcast %mul3A_2499 : f32 to vector<16xf32>
      %mul3A_2501 = arith.mulf %convert_element_type3A_2498, %mul3A_2500 : vector<16xf32>
      %add3A_2502 = arith.addf %mul3A_2501, %mul3A_2497 : vector<16xf32>
      %mul3A_2503 = arith.mulf %mul3A_2454, %add3A_2502 : vector<16xf32>
      %add3A_2504 = arith.addf %add3A_2449, %mul3A_2503 : vector<16xf32>
      %get3A_2505 = arith.constant 576 : index
      %get3A_2506 = tpu.vector_load %arg10[%get3A_2505] {strides = array<i32>} : memref<1024xf32, #tpu.memory_space<vmem>>, vector<16xf32>,
      %mul3A_2507 = arith.constant 3.05175781E-5 : f32
      %mul3A_2508 = vector.broadcast %mul3A_2507 : f32 to vector<16xf32>
      %mul3A_2509 = arith.mulf %get3A_2506, %mul3A_2508 : vector<16xf32>
      %add3A_2510 = arith.constant 9.99999974E-6 : f32
      %add3A_2511 = vector.broadcast %add3A_2510 : f32 to vector<16xf32>
      %add3A_2512 = arith.addf %mul3A_2509, %add3A_2511 : vector<16xf32>
      %bitcast_convert_type3A_2513 = tpu.bitcast %add3A_2512 : vector<16xf32> -> vector<16xi32>
      %shift_right_arithmetic3A_2514 = arith.constant 23 : i32
      %shift_right_arithmetic3A_2515 = vector.broadcast %shift_right_arithmetic3A_2514 : i32 to vector<16xi32>
      %shift_right_arithmetic3A_2516 = arith.shrsi %bitcast_convert_type3A_2513, %shift_right_arithmetic3A_2515 : vector<16xi32>
      %and3A_2517 = arith.constant 255 : i32
      %and3A_2518 = vector.broadcast %and3A_2517 : i32 to vector<16xi32>
      %and3A_2519 = arith.andi %shift_right_arithmetic3A_2516, %and3A_2518 : vector<16xi32>
      %sub3A_2520 = arith.constant 127 : i32
      %sub3A_2521 = vector.broadcast %sub3A_2520 : i32 to vector<16xi32>
      %sub3A_2522 = arith.subi %and3A_2519, %sub3A_2521 : vector<16xi32>
      %and3A_2523 = arith.constant 8388607 : i32
      %and3A_2524 = vector.broadcast %and3A_2523 : i32 to vector<16xi32>
      %and3A_2525 = arith.andi %bitcast_convert_type3A_2513, %and3A_2524 : vector<16xi32>
      %or3A_2526 = arith.constant 1065353216 : i32
      %or3A_2527 = vector.broadcast %or3A_2526 : i32 to vector<16xi32>
      %or3A_2528 = arith.ori %and3A_2525, %or3A_2527 : vector<16xi32>
      %bitcast_convert_type3A_2529 = tpu.bitcast %or3A_2528 : vector<16xi32> -> vector<16xf32>
      %sub3A_2530 = arith.constant 1.000000e+00 : f32
      %sub3A_2531 = vector.broadcast %sub3A_2530 : f32 to vector<16xf32>
      %sub3A_2532 = arith.subf %bitcast_convert_type3A_2529, %sub3A_2531 : vector<16xf32>
      %add3A_2533 = arith.constant 1.000000e+00 : f32
      %add3A_2534 = vector.broadcast %add3A_2533 : f32 to vector<16xf32>
      %add3A_2535 = arith.addf %bitcast_convert_type3A_2529, %add3A_2534 : vector<16xf32>
      %div3A_2536 = arith.divf %sub3A_2532, %add3A_2535 : vector<16xf32>
      %mul3A_2537 = arith.mulf %div3A_2536, %div3A_2536 : vector<16xf32>
      %mul3A_2538 = arith.constant 0.285714298 : f32
      %mul3A_2539 = vector.broadcast %mul3A_2538 : f32 to vector<16xf32>
      %mul3A_2540 = arith.mulf %mul3A_2537, %mul3A_2539 : vector<16xf32>
      %add3A_2541 = arith.constant 4.000000e-01 : f32
      %add3A_2542 = vector.broadcast %add3A_2541 : f32 to vector<16xf32>
      %add3A_2543 = arith.addf %add3A_2542, %mul3A_2540 : vector<16xf32>
      %mul3A_2544 = arith.mulf %mul3A_2537, %add3A_2543 : vector<16xf32>
      %add3A_2545 = arith.constant 0.666666686 : f32
      %add3A_2546 = vector.broadcast %add3A_2545 : f32 to vector<16xf32>
      %add3A_2547 = arith.addf %add3A_2546, %mul3A_2544 : vector<16xf32>
      %mul3A_2548 = arith.mulf %mul3A_2537, %add3A_2547 : vector<16xf32>
      %add3A_2549 = arith.constant 2.000000e+00 : f32
      %add3A_2550 = vector.broadcast %add3A_2549 : f32 to vector<16xf32>
      %add3A_2551 = arith.addf %add3A_2550, %mul3A_2548 : vector<16xf32>
      %mul3A_2552 = arith.mulf %div3A_2536, %add3A_2551 : vector<16xf32>
      %convert_element_type3A_2553 = arith.sitofp %sub3A_2522 : vector<16xi32> to vector<16xf32>
      %mul3A_2554 = arith.constant 0.693147182 : f32
      %mul3A_2555 = vector.broadcast %mul3A_2554 : f32 to vector<16xf32>
      %mul3A_2556 = arith.mulf %convert_element_type3A_2553, %mul3A_2555 : vector<16xf32>
      %add3A_2557 = arith.addf %mul3A_2556, %mul3A_2552 : vector<16xf32>
      %mul3A_2558 = arith.mulf %mul3A_2509, %add3A_2557 : vector<16xf32>
      %add3A_2559 = arith.addf %add3A_2504, %mul3A_2558 : vector<16xf32>
      %get3A_2560 = arith.constant 592 : index
      %get3A_2561 = tpu.vector_load %arg10[%get3A_2560] {strides = array<i32>} : memref<1024xf32, #tpu.memory_space<vmem>>, vector<16xf32>,
      %mul3A_2562 = arith.constant 3.05175781E-5 : f32
      %mul3A_2563 = vector.broadcast %mul3A_2562 : f32 to vector<16xf32>
      %mul3A_2564 = arith.mulf %get3A_2561, %mul3A_2563 : vector<16xf32>
      %add3A_2565 = arith.constant 9.99999974E-6 : f32
      %add3A_2566 = vector.broadcast %add3A_2565 : f32 to vector<16xf32>
      %add3A_2567 = arith.addf %mul3A_2564, %add3A_2566 : vector<16xf32>
      %bitcast_convert_type3A_2568 = tpu.bitcast %add3A_2567 : vector<16xf32> -> vector<16xi32>
      %shift_right_arithmetic3A_2569 = arith.constant 23 : i32
      %shift_right_arithmetic3A_2570 = vector.broadcast %shift_right_arithmetic3A_2569 : i32 to vector<16xi32>
      %shift_right_arithmetic3A_2571 = arith.shrsi %bitcast_convert_type3A_2568, %shift_right_arithmetic3A_2570 : vector<16xi32>
      %and3A_2572 = arith.constant 255 : i32
      %and3A_2573 = vector.broadcast %and3A_2572 : i32 to vector<16xi32>
      %and3A_2574 = arith.andi %shift_right_arithmetic3A_2571, %and3A_2573 : vector<16xi32>
      %sub3A_2575 = arith.constant 127 : i32
      %sub3A_2576 = vector.broadcast %sub3A_2575 : i32 to vector<16xi32>
      %sub3A_2577 = arith.subi %and3A_2574, %sub3A_2576 : vector<16xi32>
      %and3A_2578 = arith.constant 8388607 : i32
      %and3A_2579 = vector.broadcast %and3A_2578 : i32 to vector<16xi32>
      %and3A_2580 = arith.andi %bitcast_convert_type3A_2568, %and3A_2579 : vector<16xi32>
      %or3A_2581 = arith.constant 1065353216 : i32
      %or3A_2582 = vector.broadcast %or3A_2581 : i32 to vector<16xi32>
      %or3A_2583 = arith.ori %and3A_2580, %or3A_2582 : vector<16xi32>
      %bitcast_convert_type3A_2584 = tpu.bitcast %or3A_2583 : vector<16xi32> -> vector<16xf32>
      %sub3A_2585 = arith.constant 1.000000e+00 : f32
      %sub3A_2586 = vector.broadcast %sub3A_2585 : f32 to vector<16xf32>
      %sub3A_2587 = arith.subf %bitcast_convert_type3A_2584, %sub3A_2586 : vector<16xf32>
      %add3A_2588 = arith.constant 1.000000e+00 : f32
      %add3A_2589 = vector.broadcast %add3A_2588 : f32 to vector<16xf32>
      %add3A_2590 = arith.addf %bitcast_convert_type3A_2584, %add3A_2589 : vector<16xf32>
      %div3A_2591 = arith.divf %sub3A_2587, %add3A_2590 : vector<16xf32>
      %mul3A_2592 = arith.mulf %div3A_2591, %div3A_2591 : vector<16xf32>
      %mul3A_2593 = arith.constant 0.285714298 : f32
      %mul3A_2594 = vector.broadcast %mul3A_2593 : f32 to vector<16xf32>
      %mul3A_2595 = arith.mulf %mul3A_2592, %mul3A_2594 : vector<16xf32>
      %add3A_2596 = arith.constant 4.000000e-01 : f32
      %add3A_2597 = vector.broadcast %add3A_2596 : f32 to vector<16xf32>
      %add3A_2598 = arith.addf %add3A_2597, %mul3A_2595 : vector<16xf32>
      %mul3A_2599 = arith.mulf %mul3A_2592, %add3A_2598 : vector<16xf32>
      %add3A_2600 = arith.constant 0.666666686 : f32
      %add3A_2601 = vector.broadcast %add3A_2600 : f32 to vector<16xf32>
      %add3A_2602 = arith.addf %add3A_2601, %mul3A_2599 : vector<16xf32>
      %mul3A_2603 = arith.mulf %mul3A_2592, %add3A_2602 : vector<16xf32>
      %add3A_2604 = arith.constant 2.000000e+00 : f32
      %add3A_2605 = vector.broadcast %add3A_2604 : f32 to vector<16xf32>
      %add3A_2606 = arith.addf %add3A_2605, %mul3A_2603 : vector<16xf32>
      %mul3A_2607 = arith.mulf %div3A_2591, %add3A_2606 : vector<16xf32>
      %convert_element_type3A_2608 = arith.sitofp %sub3A_2577 : vector<16xi32> to vector<16xf32>
      %mul3A_2609 = arith.constant 0.693147182 : f32
      %mul3A_2610 = vector.broadcast %mul3A_2609 : f32 to vector<16xf32>
      %mul3A_2611 = arith.mulf %convert_element_type3A_2608, %mul3A_2610 : vector<16xf32>
      %add3A_2612 = arith.addf %mul3A_2611, %mul3A_2607 : vector<16xf32>
      %mul3A_2613 = arith.mulf %mul3A_2564, %add3A_2612 : vector<16xf32>
      %add3A_2614 = arith.addf %add3A_2559, %mul3A_2613 : vector<16xf32>
      %get3A_2615 = arith.constant 608 : index
      %get3A_2616 = tpu.vector_load %arg10[%get3A_2615] {strides = array<i32>} : memref<1024xf32, #tpu.memory_space<vmem>>, vector<16xf32>,
      %mul3A_2617 = arith.constant 3.05175781E-5 : f32
      %mul3A_2618 = vector.broadcast %mul3A_2617 : f32 to vector<16xf32>
      %mul3A_2619 = arith.mulf %get3A_2616, %mul3A_2618 : vector<16xf32>
      %add3A_2620 = arith.constant 9.99999974E-6 : f32
      %add3A_2621 = vector.broadcast %add3A_2620 : f32 to vector<16xf32>
      %add3A_2622 = arith.addf %mul3A_2619, %add3A_2621 : vector<16xf32>
      %bitcast_convert_type3A_2623 = tpu.bitcast %add3A_2622 : vector<16xf32> -> vector<16xi32>
      %shift_right_arithmetic3A_2624 = arith.constant 23 : i32
      %shift_right_arithmetic3A_2625 = vector.broadcast %shift_right_arithmetic3A_2624 : i32 to vector<16xi32>
      %shift_right_arithmetic3A_2626 = arith.shrsi %bitcast_convert_type3A_2623, %shift_right_arithmetic3A_2625 : vector<16xi32>
      %and3A_2627 = arith.constant 255 : i32
      %and3A_2628 = vector.broadcast %and3A_2627 : i32 to vector<16xi32>
      %and3A_2629 = arith.andi %shift_right_arithmetic3A_2626, %and3A_2628 : vector<16xi32>
      %sub3A_2630 = arith.constant 127 : i32
      %sub3A_2631 = vector.broadcast %sub3A_2630 : i32 to vector<16xi32>
      %sub3A_2632 = arith.subi %and3A_2629, %sub3A_2631 : vector<16xi32>
      %and3A_2633 = arith.constant 8388607 : i32
      %and3A_2634 = vector.broadcast %and3A_2633 : i32 to vector<16xi32>
      %and3A_2635 = arith.andi %bitcast_convert_type3A_2623, %and3A_2634 : vector<16xi32>
      %or3A_2636 = arith.constant 1065353216 : i32
      %or3A_2637 = vector.broadcast %or3A_2636 : i32 to vector<16xi32>
      %or3A_2638 = arith.ori %and3A_2635, %or3A_2637 : vector<16xi32>
      %bitcast_convert_type3A_2639 = tpu.bitcast %or3A_2638 : vector<16xi32> -> vector<16xf32>
      %sub3A_2640 = arith.constant 1.000000e+00 : f32
      %sub3A_2641 = vector.broadcast %sub3A_2640 : f32 to vector<16xf32>
      %sub3A_2642 = arith.subf %bitcast_convert_type3A_2639, %sub3A_2641 : vector<16xf32>
      %add3A_2643 = arith.constant 1.000000e+00 : f32
      %add3A_2644 = vector.broadcast %add3A_2643 : f32 to vector<16xf32>
      %add3A_2645 = arith.addf %bitcast_convert_type3A_2639, %add3A_2644 : vector<16xf32>
      %div3A_2646 = arith.divf %sub3A_2642, %add3A_2645 : vector<16xf32>
      %mul3A_2647 = arith.mulf %div3A_2646, %div3A_2646 : vector<16xf32>
      %mul3A_2648 = arith.constant 0.285714298 : f32
      %mul3A_2649 = vector.broadcast %mul3A_2648 : f32 to vector<16xf32>
      %mul3A_2650 = arith.mulf %mul3A_2647, %mul3A_2649 : vector<16xf32>
      %add3A_2651 = arith.constant 4.000000e-01 : f32
      %add3A_2652 = vector.broadcast %add3A_2651 : f32 to vector<16xf32>
      %add3A_2653 = arith.addf %add3A_2652, %mul3A_2650 : vector<16xf32>
      %mul3A_2654 = arith.mulf %mul3A_2647, %add3A_2653 : vector<16xf32>
      %add3A_2655 = arith.constant 0.666666686 : f32
      %add3A_2656 = vector.broadcast %add3A_2655 : f32 to vector<16xf32>
      %add3A_2657 = arith.addf %add3A_2656, %mul3A_2654 : vector<16xf32>
      %mul3A_2658 = arith.mulf %mul3A_2647, %add3A_2657 : vector<16xf32>
      %add3A_2659 = arith.constant 2.000000e+00 : f32
      %add3A_2660 = vector.broadcast %add3A_2659 : f32 to vector<16xf32>
      %add3A_2661 = arith.addf %add3A_2660, %mul3A_2658 : vector<16xf32>
      %mul3A_2662 = arith.mulf %div3A_2646, %add3A_2661 : vector<16xf32>
      %convert_element_type3A_2663 = arith.sitofp %sub3A_2632 : vector<16xi32> to vector<16xf32>
      %mul3A_2664 = arith.constant 0.693147182 : f32
      %mul3A_2665 = vector.broadcast %mul3A_2664 : f32 to vector<16xf32>
      %mul3A_2666 = arith.mulf %convert_element_type3A_2663, %mul3A_2665 : vector<16xf32>
      %add3A_2667 = arith.addf %mul3A_2666, %mul3A_2662 : vector<16xf32>
      %mul3A_2668 = arith.mulf %mul3A_2619, %add3A_2667 : vector<16xf32>
      %add3A_2669 = arith.addf %add3A_2614, %mul3A_2668 : vector<16xf32>
      %get3A_2670 = arith.constant 624 : index
      %get3A_2671 = tpu.vector_load %arg10[%get3A_2670] {strides = array<i32>} : memref<1024xf32, #tpu.memory_space<vmem>>, vector<16xf32>,
      %mul3A_2672 = arith.constant 3.05175781E-5 : f32
      %mul3A_2673 = vector.broadcast %mul3A_2672 : f32 to vector<16xf32>
      %mul3A_2674 = arith.mulf %get3A_2671, %mul3A_2673 : vector<16xf32>
      %add3A_2675 = arith.constant 9.99999974E-6 : f32
      %add3A_2676 = vector.broadcast %add3A_2675 : f32 to vector<16xf32>
      %add3A_2677 = arith.addf %mul3A_2674, %add3A_2676 : vector<16xf32>
      %bitcast_convert_type3A_2678 = tpu.bitcast %add3A_2677 : vector<16xf32> -> vector<16xi32>
      %shift_right_arithmetic3A_2679 = arith.constant 23 : i32
      %shift_right_arithmetic3A_2680 = vector.broadcast %shift_right_arithmetic3A_2679 : i32 to vector<16xi32>
      %shift_right_arithmetic3A_2681 = arith.shrsi %bitcast_convert_type3A_2678, %shift_right_arithmetic3A_2680 : vector<16xi32>
      %and3A_2682 = arith.constant 255 : i32
      %and3A_2683 = vector.broadcast %and3A_2682 : i32 to vector<16xi32>
      %and3A_2684 = arith.andi %shift_right_arithmetic3A_2681, %and3A_2683 : vector<16xi32>
      %sub3A_2685 = arith.constant 127 : i32
      %sub3A_2686 = vector.broadcast %sub3A_2685 : i32 to vector<16xi32>
      %sub3A_2687 = arith.subi %and3A_2684, %sub3A_2686 : vector<16xi32>
      %and3A_2688 = arith.constant 8388607 : i32
      %and3A_2689 = vector.broadcast %and3A_2688 : i32 to vector<16xi32>
      %and3A_2690 = arith.andi %bitcast_convert_type3A_2678, %and3A_2689 : vector<16xi32>
      %or3A_2691 = arith.constant 1065353216 : i32
      %or3A_2692 = vector.broadcast %or3A_2691 : i32 to vector<16xi32>
      %or3A_2693 = arith.ori %and3A_2690, %or3A_2692 : vector<16xi32>
      %bitcast_convert_type3A_2694 = tpu.bitcast %or3A_2693 : vector<16xi32> -> vector<16xf32>
      %sub3A_2695 = arith.constant 1.000000e+00 : f32
      %sub3A_2696 = vector.broadcast %sub3A_2695 : f32 to vector<16xf32>
      %sub3A_2697 = arith.subf %bitcast_convert_type3A_2694, %sub3A_2696 : vector<16xf32>
      %add3A_2698 = arith.constant 1.000000e+00 : f32
      %add3A_2699 = vector.broadcast %add3A_2698 : f32 to vector<16xf32>
      %add3A_2700 = arith.addf %bitcast_convert_type3A_2694, %add3A_2699 : vector<16xf32>
      %div3A_2701 = arith.divf %sub3A_2697, %add3A_2700 : vector<16xf32>
      %mul3A_2702 = arith.mulf %div3A_2701, %div3A_2701 : vector<16xf32>
      %mul3A_2703 = arith.constant 0.285714298 : f32
      %mul3A_2704 = vector.broadcast %mul3A_2703 : f32 to vector<16xf32>
      %mul3A_2705 = arith.mulf %mul3A_2702, %mul3A_2704 : vector<16xf32>
      %add3A_2706 = arith.constant 4.000000e-01 : f32
      %add3A_2707 = vector.broadcast %add3A_2706 : f32 to vector<16xf32>
      %add3A_2708 = arith.addf %add3A_2707, %mul3A_2705 : vector<16xf32>
      %mul3A_2709 = arith.mulf %mul3A_2702, %add3A_2708 : vector<16xf32>
      %add3A_2710 = arith.constant 0.666666686 : f32
      %add3A_2711 = vector.broadcast %add3A_2710 : f32 to vector<16xf32>
      %add3A_2712 = arith.addf %add3A_2711, %mul3A_2709 : vector<16xf32>
      %mul3A_2713 = arith.mulf %mul3A_2702, %add3A_2712 : vector<16xf32>
      %add3A_2714 = arith.constant 2.000000e+00 : f32
      %add3A_2715 = vector.broadcast %add3A_2714 : f32 to vector<16xf32>
      %add3A_2716 = arith.addf %add3A_2715, %mul3A_2713 : vector<16xf32>
      %mul3A_2717 = arith.mulf %div3A_2701, %add3A_2716 : vector<16xf32>
      %convert_element_type3A_2718 = arith.sitofp %sub3A_2687 : vector<16xi32> to vector<16xf32>
      %mul3A_2719 = arith.constant 0.693147182 : f32
      %mul3A_2720 = vector.broadcast %mul3A_2719 : f32 to vector<16xf32>
      %mul3A_2721 = arith.mulf %convert_element_type3A_2718, %mul3A_2720 : vector<16xf32>
      %add3A_2722 = arith.addf %mul3A_2721, %mul3A_2717 : vector<16xf32>
      %mul3A_2723 = arith.mulf %mul3A_2674, %add3A_2722 : vector<16xf32>
      %add3A_2724 = arith.addf %add3A_2669, %mul3A_2723 : vector<16xf32>
      %get3A_2725 = arith.constant 640 : index
      %get3A_2726 = tpu.vector_load %arg10[%get3A_2725] {strides = array<i32>} : memref<1024xf32, #tpu.memory_space<vmem>>, vector<16xf32>,
      %mul3A_2727 = arith.constant 3.05175781E-5 : f32
      %mul3A_2728 = vector.broadcast %mul3A_2727 : f32 to vector<16xf32>
      %mul3A_2729 = arith.mulf %get3A_2726, %mul3A_2728 : vector<16xf32>
      %add3A_2730 = arith.constant 9.99999974E-6 : f32
      %add3A_2731 = vector.broadcast %add3A_2730 : f32 to vector<16xf32>
      %add3A_2732 = arith.addf %mul3A_2729, %add3A_2731 : vector<16xf32>
      %bitcast_convert_type3A_2733 = tpu.bitcast %add3A_2732 : vector<16xf32> -> vector<16xi32>
      %shift_right_arithmetic3A_2734 = arith.constant 23 : i32
      %shift_right_arithmetic3A_2735 = vector.broadcast %shift_right_arithmetic3A_2734 : i32 to vector<16xi32>
      %shift_right_arithmetic3A_2736 = arith.shrsi %bitcast_convert_type3A_2733, %shift_right_arithmetic3A_2735 : vector<16xi32>
      %and3A_2737 = arith.constant 255 : i32
      %and3A_2738 = vector.broadcast %and3A_2737 : i32 to vector<16xi32>
      %and3A_2739 = arith.andi %shift_right_arithmetic3A_2736, %and3A_2738 : vector<16xi32>
      %sub3A_2740 = arith.constant 127 : i32
      %sub3A_2741 = vector.broadcast %sub3A_2740 : i32 to vector<16xi32>
      %sub3A_2742 = arith.subi %and3A_2739, %sub3A_2741 : vector<16xi32>
      %and3A_2743 = arith.constant 8388607 : i32
      %and3A_2744 = vector.broadcast %and3A_2743 : i32 to vector<16xi32>
      %and3A_2745 = arith.andi %bitcast_convert_type3A_2733, %and3A_2744 : vector<16xi32>
      %or3A_2746 = arith.constant 1065353216 : i32
      %or3A_2747 = vector.broadcast %or3A_2746 : i32 to vector<16xi32>
      %or3A_2748 = arith.ori %and3A_2745, %or3A_2747 : vector<16xi32>
      %bitcast_convert_type3A_2749 = tpu.bitcast %or3A_2748 : vector<16xi32> -> vector<16xf32>
      %sub3A_2750 = arith.constant 1.000000e+00 : f32
      %sub3A_2751 = vector.broadcast %sub3A_2750 : f32 to vector<16xf32>
      %sub3A_2752 = arith.subf %bitcast_convert_type3A_2749, %sub3A_2751 : vector<16xf32>
      %add3A_2753 = arith.constant 1.000000e+00 : f32
      %add3A_2754 = vector.broadcast %add3A_2753 : f32 to vector<16xf32>
      %add3A_2755 = arith.addf %bitcast_convert_type3A_2749, %add3A_2754 : vector<16xf32>
      %div3A_2756 = arith.divf %sub3A_2752, %add3A_2755 : vector<16xf32>
      %mul3A_2757 = arith.mulf %div3A_2756, %div3A_2756 : vector<16xf32>
      %mul3A_2758 = arith.constant 0.285714298 : f32
      %mul3A_2759 = vector.broadcast %mul3A_2758 : f32 to vector<16xf32>
      %mul3A_2760 = arith.mulf %mul3A_2757, %mul3A_2759 : vector<16xf32>
      %add3A_2761 = arith.constant 4.000000e-01 : f32
      %add3A_2762 = vector.broadcast %add3A_2761 : f32 to vector<16xf32>
      %add3A_2763 = arith.addf %add3A_2762, %mul3A_2760 : vector<16xf32>
      %mul3A_2764 = arith.mulf %mul3A_2757, %add3A_2763 : vector<16xf32>
      %add3A_2765 = arith.constant 0.666666686 : f32
      %add3A_2766 = vector.broadcast %add3A_2765 : f32 to vector<16xf32>
      %add3A_2767 = arith.addf %add3A_2766, %mul3A_2764 : vector<16xf32>
      %mul3A_2768 = arith.mulf %mul3A_2757, %add3A_2767 : vector<16xf32>
      %add3A_2769 = arith.constant 2.000000e+00 : f32
      %add3A_2770 = vector.broadcast %add3A_2769 : f32 to vector<16xf32>
      %add3A_2771 = arith.addf %add3A_2770, %mul3A_2768 : vector<16xf32>
      %mul3A_2772 = arith.mulf %div3A_2756, %add3A_2771 : vector<16xf32>
      %convert_element_type3A_2773 = arith.sitofp %sub3A_2742 : vector<16xi32> to vector<16xf32>
      %mul3A_2774 = arith.constant 0.693147182 : f32
      %mul3A_2775 = vector.broadcast %mul3A_2774 : f32 to vector<16xf32>
      %mul3A_2776 = arith.mulf %convert_element_type3A_2773, %mul3A_2775 : vector<16xf32>
      %add3A_2777 = arith.addf %mul3A_2776, %mul3A_2772 : vector<16xf32>
      %mul3A_2778 = arith.mulf %mul3A_2729, %add3A_2777 : vector<16xf32>
      %add3A_2779 = arith.addf %add3A_2724, %mul3A_2778 : vector<16xf32>
      %get3A_2780 = arith.constant 656 : index
      %get3A_2781 = tpu.vector_load %arg10[%get3A_2780] {strides = array<i32>} : memref<1024xf32, #tpu.memory_space<vmem>>, vector<16xf32>,
      %mul3A_2782 = arith.constant 3.05175781E-5 : f32
      %mul3A_2783 = vector.broadcast %mul3A_2782 : f32 to vector<16xf32>
      %mul3A_2784 = arith.mulf %get3A_2781, %mul3A_2783 : vector<16xf32>
      %add3A_2785 = arith.constant 9.99999974E-6 : f32
      %add3A_2786 = vector.broadcast %add3A_2785 : f32 to vector<16xf32>
      %add3A_2787 = arith.addf %mul3A_2784, %add3A_2786 : vector<16xf32>
      %bitcast_convert_type3A_2788 = tpu.bitcast %add3A_2787 : vector<16xf32> -> vector<16xi32>
      %shift_right_arithmetic3A_2789 = arith.constant 23 : i32
      %shift_right_arithmetic3A_2790 = vector.broadcast %shift_right_arithmetic3A_2789 : i32 to vector<16xi32>
      %shift_right_arithmetic3A_2791 = arith.shrsi %bitcast_convert_type3A_2788, %shift_right_arithmetic3A_2790 : vector<16xi32>
      %and3A_2792 = arith.constant 255 : i32
      %and3A_2793 = vector.broadcast %and3A_2792 : i32 to vector<16xi32>
      %and3A_2794 = arith.andi %shift_right_arithmetic3A_2791, %and3A_2793 : vector<16xi32>
      %sub3A_2795 = arith.constant 127 : i32
      %sub3A_2796 = vector.broadcast %sub3A_2795 : i32 to vector<16xi32>
      %sub3A_2797 = arith.subi %and3A_2794, %sub3A_2796 : vector<16xi32>
      %and3A_2798 = arith.constant 8388607 : i32
      %and3A_2799 = vector.broadcast %and3A_2798 : i32 to vector<16xi32>
      %and3A_2800 = arith.andi %bitcast_convert_type3A_2788, %and3A_2799 : vector<16xi32>
      %or3A_2801 = arith.constant 1065353216 : i32
      %or3A_2802 = vector.broadcast %or3A_2801 : i32 to vector<16xi32>
      %or3A_2803 = arith.ori %and3A_2800, %or3A_2802 : vector<16xi32>
      %bitcast_convert_type3A_2804 = tpu.bitcast %or3A_2803 : vector<16xi32> -> vector<16xf32>
      %sub3A_2805 = arith.constant 1.000000e+00 : f32
      %sub3A_2806 = vector.broadcast %sub3A_2805 : f32 to vector<16xf32>
      %sub3A_2807 = arith.subf %bitcast_convert_type3A_2804, %sub3A_2806 : vector<16xf32>
      %add3A_2808 = arith.constant 1.000000e+00 : f32
      %add3A_2809 = vector.broadcast %add3A_2808 : f32 to vector<16xf32>
      %add3A_2810 = arith.addf %bitcast_convert_type3A_2804, %add3A_2809 : vector<16xf32>
      %div3A_2811 = arith.divf %sub3A_2807, %add3A_2810 : vector<16xf32>
      %mul3A_2812 = arith.mulf %div3A_2811, %div3A_2811 : vector<16xf32>
      %mul3A_2813 = arith.constant 0.285714298 : f32
      %mul3A_2814 = vector.broadcast %mul3A_2813 : f32 to vector<16xf32>
      %mul3A_2815 = arith.mulf %mul3A_2812, %mul3A_2814 : vector<16xf32>
      %add3A_2816 = arith.constant 4.000000e-01 : f32
      %add3A_2817 = vector.broadcast %add3A_2816 : f32 to vector<16xf32>
      %add3A_2818 = arith.addf %add3A_2817, %mul3A_2815 : vector<16xf32>
      %mul3A_2819 = arith.mulf %mul3A_2812, %add3A_2818 : vector<16xf32>
      %add3A_2820 = arith.constant 0.666666686 : f32
      %add3A_2821 = vector.broadcast %add3A_2820 : f32 to vector<16xf32>
      %add3A_2822 = arith.addf %add3A_2821, %mul3A_2819 : vector<16xf32>
      %mul3A_2823 = arith.mulf %mul3A_2812, %add3A_2822 : vector<16xf32>
      %add3A_2824 = arith.constant 2.000000e+00 : f32
      %add3A_2825 = vector.broadcast %add3A_2824 : f32 to vector<16xf32>
      %add3A_2826 = arith.addf %add3A_2825, %mul3A_2823 : vector<16xf32>
      %mul3A_2827 = arith.mulf %div3A_2811, %add3A_2826 : vector<16xf32>
      %convert_element_type3A_2828 = arith.sitofp %sub3A_2797 : vector<16xi32> to vector<16xf32>
      %mul3A_2829 = arith.constant 0.693147182 : f32
      %mul3A_2830 = vector.broadcast %mul3A_2829 : f32 to vector<16xf32>
      %mul3A_2831 = arith.mulf %convert_element_type3A_2828, %mul3A_2830 : vector<16xf32>
      %add3A_2832 = arith.addf %mul3A_2831, %mul3A_2827 : vector<16xf32>
      %mul3A_2833 = arith.mulf %mul3A_2784, %add3A_2832 : vector<16xf32>
      %add3A_2834 = arith.addf %add3A_2779, %mul3A_2833 : vector<16xf32>
      %get3A_2835 = arith.constant 672 : index
      %get3A_2836 = tpu.vector_load %arg10[%get3A_2835] {strides = array<i32>} : memref<1024xf32, #tpu.memory_space<vmem>>, vector<16xf32>,
      %mul3A_2837 = arith.constant 3.05175781E-5 : f32
      %mul3A_2838 = vector.broadcast %mul3A_2837 : f32 to vector<16xf32>
      %mul3A_2839 = arith.mulf %get3A_2836, %mul3A_2838 : vector<16xf32>
      %add3A_2840 = arith.constant 9.99999974E-6 : f32
      %add3A_2841 = vector.broadcast %add3A_2840 : f32 to vector<16xf32>
      %add3A_2842 = arith.addf %mul3A_2839, %add3A_2841 : vector<16xf32>
      %bitcast_convert_type3A_2843 = tpu.bitcast %add3A_2842 : vector<16xf32> -> vector<16xi32>
      %shift_right_arithmetic3A_2844 = arith.constant 23 : i32
      %shift_right_arithmetic3A_2845 = vector.broadcast %shift_right_arithmetic3A_2844 : i32 to vector<16xi32>
      %shift_right_arithmetic3A_2846 = arith.shrsi %bitcast_convert_type3A_2843, %shift_right_arithmetic3A_2845 : vector<16xi32>
      %and3A_2847 = arith.constant 255 : i32
      %and3A_2848 = vector.broadcast %and3A_2847 : i32 to vector<16xi32>
      %and3A_2849 = arith.andi %shift_right_arithmetic3A_2846, %and3A_2848 : vector<16xi32>
      %sub3A_2850 = arith.constant 127 : i32
      %sub3A_2851 = vector.broadcast %sub3A_2850 : i32 to vector<16xi32>
      %sub3A_2852 = arith.subi %and3A_2849, %sub3A_2851 : vector<16xi32>
      %and3A_2853 = arith.constant 8388607 : i32
      %and3A_2854 = vector.broadcast %and3A_2853 : i32 to vector<16xi32>
      %and3A_2855 = arith.andi %bitcast_convert_type3A_2843, %and3A_2854 : vector<16xi32>
      %or3A_2856 = arith.constant 1065353216 : i32
      %or3A_2857 = vector.broadcast %or3A_2856 : i32 to vector<16xi32>
      %or3A_2858 = arith.ori %and3A_2855, %or3A_2857 : vector<16xi32>
      %bitcast_convert_type3A_2859 = tpu.bitcast %or3A_2858 : vector<16xi32> -> vector<16xf32>
      %sub3A_2860 = arith.constant 1.000000e+00 : f32
      %sub3A_2861 = vector.broadcast %sub3A_2860 : f32 to vector<16xf32>
      %sub3A_2862 = arith.subf %bitcast_convert_type3A_2859, %sub3A_2861 : vector<16xf32>
      %add3A_2863 = arith.constant 1.000000e+00 : f32
      %add3A_2864 = vector.broadcast %add3A_2863 : f32 to vector<16xf32>
      %add3A_2865 = arith.addf %bitcast_convert_type3A_2859, %add3A_2864 : vector<16xf32>
      %div3A_2866 = arith.divf %sub3A_2862, %add3A_2865 : vector<16xf32>
      %mul3A_2867 = arith.mulf %div3A_2866, %div3A_2866 : vector<16xf32>
      %mul3A_2868 = arith.constant 0.285714298 : f32
      %mul3A_2869 = vector.broadcast %mul3A_2868 : f32 to vector<16xf32>
      %mul3A_2870 = arith.mulf %mul3A_2867, %mul3A_2869 : vector<16xf32>
      %add3A_2871 = arith.constant 4.000000e-01 : f32
      %add3A_2872 = vector.broadcast %add3A_2871 : f32 to vector<16xf32>
      %add3A_2873 = arith.addf %add3A_2872, %mul3A_2870 : vector<16xf32>
      %mul3A_2874 = arith.mulf %mul3A_2867, %add3A_2873 : vector<16xf32>
      %add3A_2875 = arith.constant 0.666666686 : f32
      %add3A_2876 = vector.broadcast %add3A_2875 : f32 to vector<16xf32>
      %add3A_2877 = arith.addf %add3A_2876, %mul3A_2874 : vector<16xf32>
      %mul3A_2878 = arith.mulf %mul3A_2867, %add3A_2877 : vector<16xf32>
      %add3A_2879 = arith.constant 2.000000e+00 : f32
      %add3A_2880 = vector.broadcast %add3A_2879 : f32 to vector<16xf32>
      %add3A_2881 = arith.addf %add3A_2880, %mul3A_2878 : vector<16xf32>
      %mul3A_2882 = arith.mulf %div3A_2866, %add3A_2881 : vector<16xf32>
      %convert_element_type3A_2883 = arith.sitofp %sub3A_2852 : vector<16xi32> to vector<16xf32>
      %mul3A_2884 = arith.constant 0.693147182 : f32
      %mul3A_2885 = vector.broadcast %mul3A_2884 : f32 to vector<16xf32>
      %mul3A_2886 = arith.mulf %convert_element_type3A_2883, %mul3A_2885 : vector<16xf32>
      %add3A_2887 = arith.addf %mul3A_2886, %mul3A_2882 : vector<16xf32>
      %mul3A_2888 = arith.mulf %mul3A_2839, %add3A_2887 : vector<16xf32>
      %add3A_2889 = arith.addf %add3A_2834, %mul3A_2888 : vector<16xf32>
      %get3A_2890 = arith.constant 688 : index
      %get3A_2891 = tpu.vector_load %arg10[%get3A_2890] {strides = array<i32>} : memref<1024xf32, #tpu.memory_space<vmem>>, vector<16xf32>,
      %mul3A_2892 = arith.constant 3.05175781E-5 : f32
      %mul3A_2893 = vector.broadcast %mul3A_2892 : f32 to vector<16xf32>
      %mul3A_2894 = arith.mulf %get3A_2891, %mul3A_2893 : vector<16xf32>
      %add3A_2895 = arith.constant 9.99999974E-6 : f32
      %add3A_2896 = vector.broadcast %add3A_2895 : f32 to vector<16xf32>
      %add3A_2897 = arith.addf %mul3A_2894, %add3A_2896 : vector<16xf32>
      %bitcast_convert_type3A_2898 = tpu.bitcast %add3A_2897 : vector<16xf32> -> vector<16xi32>
      %shift_right_arithmetic3A_2899 = arith.constant 23 : i32
      %shift_right_arithmetic3A_2900 = vector.broadcast %shift_right_arithmetic3A_2899 : i32 to vector<16xi32>
      %shift_right_arithmetic3A_2901 = arith.shrsi %bitcast_convert_type3A_2898, %shift_right_arithmetic3A_2900 : vector<16xi32>
      %and3A_2902 = arith.constant 255 : i32
      %and3A_2903 = vector.broadcast %and3A_2902 : i32 to vector<16xi32>
      %and3A_2904 = arith.andi %shift_right_arithmetic3A_2901, %and3A_2903 : vector<16xi32>
      %sub3A_2905 = arith.constant 127 : i32
      %sub3A_2906 = vector.broadcast %sub3A_2905 : i32 to vector<16xi32>
      %sub3A_2907 = arith.subi %and3A_2904, %sub3A_2906 : vector<16xi32>
      %and3A_2908 = arith.constant 8388607 : i32
      %and3A_2909 = vector.broadcast %and3A_2908 : i32 to vector<16xi32>
      %and3A_2910 = arith.andi %bitcast_convert_type3A_2898, %and3A_2909 : vector<16xi32>
      %or3A_2911 = arith.constant 1065353216 : i32
      %or3A_2912 = vector.broadcast %or3A_2911 : i32 to vector<16xi32>
      %or3A_2913 = arith.ori %and3A_2910, %or3A_2912 : vector<16xi32>
      %bitcast_convert_type3A_2914 = tpu.bitcast %or3A_2913 : vector<16xi32> -> vector<16xf32>
      %sub3A_2915 = arith.constant 1.000000e+00 : f32
      %sub3A_2916 = vector.broadcast %sub3A_2915 : f32 to vector<16xf32>
      %sub3A_2917 = arith.subf %bitcast_convert_type3A_2914, %sub3A_2916 : vector<16xf32>
      %add3A_2918 = arith.constant 1.000000e+00 : f32
      %add3A_2919 = vector.broadcast %add3A_2918 : f32 to vector<16xf32>
      %add3A_2920 = arith.addf %bitcast_convert_type3A_2914, %add3A_2919 : vector<16xf32>
      %div3A_2921 = arith.divf %sub3A_2917, %add3A_2920 : vector<16xf32>
      %mul3A_2922 = arith.mulf %div3A_2921, %div3A_2921 : vector<16xf32>
      %mul3A_2923 = arith.constant 0.285714298 : f32
      %mul3A_2924 = vector.broadcast %mul3A_2923 : f32 to vector<16xf32>
      %mul3A_2925 = arith.mulf %mul3A_2922, %mul3A_2924 : vector<16xf32>
      %add3A_2926 = arith.constant 4.000000e-01 : f32
      %add3A_2927 = vector.broadcast %add3A_2926 : f32 to vector<16xf32>
      %add3A_2928 = arith.addf %add3A_2927, %mul3A_2925 : vector<16xf32>
      %mul3A_2929 = arith.mulf %mul3A_2922, %add3A_2928 : vector<16xf32>
      %add3A_2930 = arith.constant 0.666666686 : f32
      %add3A_2931 = vector.broadcast %add3A_2930 : f32 to vector<16xf32>
      %add3A_2932 = arith.addf %add3A_2931, %mul3A_2929 : vector<16xf32>
      %mul3A_2933 = arith.mulf %mul3A_2922, %add3A_2932 : vector<16xf32>
      %add3A_2934 = arith.constant 2.000000e+00 : f32
      %add3A_2935 = vector.broadcast %add3A_2934 : f32 to vector<16xf32>
      %add3A_2936 = arith.addf %add3A_2935, %mul3A_2933 : vector<16xf32>
      %mul3A_2937 = arith.mulf %div3A_2921, %add3A_2936 : vector<16xf32>
      %convert_element_type3A_2938 = arith.sitofp %sub3A_2907 : vector<16xi32> to vector<16xf32>
      %mul3A_2939 = arith.constant 0.693147182 : f32
      %mul3A_2940 = vector.broadcast %mul3A_2939 : f32 to vector<16xf32>
      %mul3A_2941 = arith.mulf %convert_element_type3A_2938, %mul3A_2940 : vector<16xf32>
      %add3A_2942 = arith.addf %mul3A_2941, %mul3A_2937 : vector<16xf32>
      %mul3A_2943 = arith.mulf %mul3A_2894, %add3A_2942 : vector<16xf32>
      %add3A_2944 = arith.addf %add3A_2889, %mul3A_2943 : vector<16xf32>
      %get3A_2945 = arith.constant 704 : index
      %get3A_2946 = tpu.vector_load %arg10[%get3A_2945] {strides = array<i32>} : memref<1024xf32, #tpu.memory_space<vmem>>, vector<16xf32>,
      %mul3A_2947 = arith.constant 3.05175781E-5 : f32
      %mul3A_2948 = vector.broadcast %mul3A_2947 : f32 to vector<16xf32>
      %mul3A_2949 = arith.mulf %get3A_2946, %mul3A_2948 : vector<16xf32>
      %add3A_2950 = arith.constant 9.99999974E-6 : f32
      %add3A_2951 = vector.broadcast %add3A_2950 : f32 to vector<16xf32>
      %add3A_2952 = arith.addf %mul3A_2949, %add3A_2951 : vector<16xf32>
      %bitcast_convert_type3A_2953 = tpu.bitcast %add3A_2952 : vector<16xf32> -> vector<16xi32>
      %shift_right_arithmetic3A_2954 = arith.constant 23 : i32
      %shift_right_arithmetic3A_2955 = vector.broadcast %shift_right_arithmetic3A_2954 : i32 to vector<16xi32>
      %shift_right_arithmetic3A_2956 = arith.shrsi %bitcast_convert_type3A_2953, %shift_right_arithmetic3A_2955 : vector<16xi32>
      %and3A_2957 = arith.constant 255 : i32
      %and3A_2958 = vector.broadcast %and3A_2957 : i32 to vector<16xi32>
      %and3A_2959 = arith.andi %shift_right_arithmetic3A_2956, %and3A_2958 : vector<16xi32>
      %sub3A_2960 = arith.constant 127 : i32
      %sub3A_2961 = vector.broadcast %sub3A_2960 : i32 to vector<16xi32>
      %sub3A_2962 = arith.subi %and3A_2959, %sub3A_2961 : vector<16xi32>
      %and3A_2963 = arith.constant 8388607 : i32
      %and3A_2964 = vector.broadcast %and3A_2963 : i32 to vector<16xi32>
      %and3A_2965 = arith.andi %bitcast_convert_type3A_2953, %and3A_2964 : vector<16xi32>
      %or3A_2966 = arith.constant 1065353216 : i32
      %or3A_2967 = vector.broadcast %or3A_2966 : i32 to vector<16xi32>
      %or3A_2968 = arith.ori %and3A_2965, %or3A_2967 : vector<16xi32>
      %bitcast_convert_type3A_2969 = tpu.bitcast %or3A_2968 : vector<16xi32> -> vector<16xf32>
      %sub3A_2970 = arith.constant 1.000000e+00 : f32
      %sub3A_2971 = vector.broadcast %sub3A_2970 : f32 to vector<16xf32>
      %sub3A_2972 = arith.subf %bitcast_convert_type3A_2969, %sub3A_2971 : vector<16xf32>
      %add3A_2973 = arith.constant 1.000000e+00 : f32
      %add3A_2974 = vector.broadcast %add3A_2973 : f32 to vector<16xf32>
      %add3A_2975 = arith.addf %bitcast_convert_type3A_2969, %add3A_2974 : vector<16xf32>
      %div3A_2976 = arith.divf %sub3A_2972, %add3A_2975 : vector<16xf32>
      %mul3A_2977 = arith.mulf %div3A_2976, %div3A_2976 : vector<16xf32>
      %mul3A_2978 = arith.constant 0.285714298 : f32
      %mul3A_2979 = vector.broadcast %mul3A_2978 : f32 to vector<16xf32>
      %mul3A_2980 = arith.mulf %mul3A_2977, %mul3A_2979 : vector<16xf32>
      %add3A_2981 = arith.constant 4.000000e-01 : f32
      %add3A_2982 = vector.broadcast %add3A_2981 : f32 to vector<16xf32>
      %add3A_2983 = arith.addf %add3A_2982, %mul3A_2980 : vector<16xf32>
      %mul3A_2984 = arith.mulf %mul3A_2977, %add3A_2983 : vector<16xf32>
      %add3A_2985 = arith.constant 0.666666686 : f32
      %add3A_2986 = vector.broadcast %add3A_2985 : f32 to vector<16xf32>
      %add3A_2987 = arith.addf %add3A_2986, %mul3A_2984 : vector<16xf32>
      %mul3A_2988 = arith.mulf %mul3A_2977, %add3A_2987 : vector<16xf32>
      %add3A_2989 = arith.constant 2.000000e+00 : f32
      %add3A_2990 = vector.broadcast %add3A_2989 : f32 to vector<16xf32>
      %add3A_2991 = arith.addf %add3A_2990, %mul3A_2988 : vector<16xf32>
      %mul3A_2992 = arith.mulf %div3A_2976, %add3A_2991 : vector<16xf32>
      %convert_element_type3A_2993 = arith.sitofp %sub3A_2962 : vector<16xi32> to vector<16xf32>
      %mul3A_2994 = arith.constant 0.693147182 : f32
      %mul3A_2995 = vector.broadcast %mul3A_2994 : f32 to vector<16xf32>
      %mul3A_2996 = arith.mulf %convert_element_type3A_2993, %mul3A_2995 : vector<16xf32>
      %add3A_2997 = arith.addf %mul3A_2996, %mul3A_2992 : vector<16xf32>
      %mul3A_2998 = arith.mulf %mul3A_2949, %add3A_2997 : vector<16xf32>
      %add3A_2999 = arith.addf %add3A_2944, %mul3A_2998 : vector<16xf32>
      %get3A_3000 = arith.constant 720 : index
      %get3A_3001 = tpu.vector_load %arg10[%get3A_3000] {strides = array<i32>} : memref<1024xf32, #tpu.memory_space<vmem>>, vector<16xf32>,
      %mul3A_3002 = arith.constant 3.05175781E-5 : f32
      %mul3A_3003 = vector.broadcast %mul3A_3002 : f32 to vector<16xf32>
      %mul3A_3004 = arith.mulf %get3A_3001, %mul3A_3003 : vector<16xf32>
      %add3A_3005 = arith.constant 9.99999974E-6 : f32
      %add3A_3006 = vector.broadcast %add3A_3005 : f32 to vector<16xf32>
      %add3A_3007 = arith.addf %mul3A_3004, %add3A_3006 : vector<16xf32>
      %bitcast_convert_type3A_3008 = tpu.bitcast %add3A_3007 : vector<16xf32> -> vector<16xi32>
      %shift_right_arithmetic3A_3009 = arith.constant 23 : i32
      %shift_right_arithmetic3A_3010 = vector.broadcast %shift_right_arithmetic3A_3009 : i32 to vector<16xi32>
      %shift_right_arithmetic3A_3011 = arith.shrsi %bitcast_convert_type3A_3008, %shift_right_arithmetic3A_3010 : vector<16xi32>
      %and3A_3012 = arith.constant 255 : i32
      %and3A_3013 = vector.broadcast %and3A_3012 : i32 to vector<16xi32>
      %and3A_3014 = arith.andi %shift_right_arithmetic3A_3011, %and3A_3013 : vector<16xi32>
      %sub3A_3015 = arith.constant 127 : i32
      %sub3A_3016 = vector.broadcast %sub3A_3015 : i32 to vector<16xi32>
      %sub3A_3017 = arith.subi %and3A_3014, %sub3A_3016 : vector<16xi32>
      %and3A_3018 = arith.constant 8388607 : i32
      %and3A_3019 = vector.broadcast %and3A_3018 : i32 to vector<16xi32>
      %and3A_3020 = arith.andi %bitcast_convert_type3A_3008, %and3A_3019 : vector<16xi32>
      %or3A_3021 = arith.constant 1065353216 : i32
      %or3A_3022 = vector.broadcast %or3A_3021 : i32 to vector<16xi32>
      %or3A_3023 = arith.ori %and3A_3020, %or3A_3022 : vector<16xi32>
      %bitcast_convert_type3A_3024 = tpu.bitcast %or3A_3023 : vector<16xi32> -> vector<16xf32>
      %sub3A_3025 = arith.constant 1.000000e+00 : f32
      %sub3A_3026 = vector.broadcast %sub3A_3025 : f32 to vector<16xf32>
      %sub3A_3027 = arith.subf %bitcast_convert_type3A_3024, %sub3A_3026 : vector<16xf32>
      %add3A_3028 = arith.constant 1.000000e+00 : f32
      %add3A_3029 = vector.broadcast %add3A_3028 : f32 to vector<16xf32>
      %add3A_3030 = arith.addf %bitcast_convert_type3A_3024, %add3A_3029 : vector<16xf32>
      %div3A_3031 = arith.divf %sub3A_3027, %add3A_3030 : vector<16xf32>
      %mul3A_3032 = arith.mulf %div3A_3031, %div3A_3031 : vector<16xf32>
      %mul3A_3033 = arith.constant 0.285714298 : f32
      %mul3A_3034 = vector.broadcast %mul3A_3033 : f32 to vector<16xf32>
      %mul3A_3035 = arith.mulf %mul3A_3032, %mul3A_3034 : vector<16xf32>
      %add3A_3036 = arith.constant 4.000000e-01 : f32
      %add3A_3037 = vector.broadcast %add3A_3036 : f32 to vector<16xf32>
      %add3A_3038 = arith.addf %add3A_3037, %mul3A_3035 : vector<16xf32>
      %mul3A_3039 = arith.mulf %mul3A_3032, %add3A_3038 : vector<16xf32>
      %add3A_3040 = arith.constant 0.666666686 : f32
      %add3A_3041 = vector.broadcast %add3A_3040 : f32 to vector<16xf32>
      %add3A_3042 = arith.addf %add3A_3041, %mul3A_3039 : vector<16xf32>
      %mul3A_3043 = arith.mulf %mul3A_3032, %add3A_3042 : vector<16xf32>
      %add3A_3044 = arith.constant 2.000000e+00 : f32
      %add3A_3045 = vector.broadcast %add3A_3044 : f32 to vector<16xf32>
      %add3A_3046 = arith.addf %add3A_3045, %mul3A_3043 : vector<16xf32>
      %mul3A_3047 = arith.mulf %div3A_3031, %add3A_3046 : vector<16xf32>
      %convert_element_type3A_3048 = arith.sitofp %sub3A_3017 : vector<16xi32> to vector<16xf32>
      %mul3A_3049 = arith.constant 0.693147182 : f32
      %mul3A_3050 = vector.broadcast %mul3A_3049 : f32 to vector<16xf32>
      %mul3A_3051 = arith.mulf %convert_element_type3A_3048, %mul3A_3050 : vector<16xf32>
      %add3A_3052 = arith.addf %mul3A_3051, %mul3A_3047 : vector<16xf32>
      %mul3A_3053 = arith.mulf %mul3A_3004, %add3A_3052 : vector<16xf32>
      %add3A_3054 = arith.addf %add3A_2999, %mul3A_3053 : vector<16xf32>
      %get3A_3055 = arith.constant 736 : index
      %get3A_3056 = tpu.vector_load %arg10[%get3A_3055] {strides = array<i32>} : memref<1024xf32, #tpu.memory_space<vmem>>, vector<16xf32>,
      %mul3A_3057 = arith.constant 3.05175781E-5 : f32
      %mul3A_3058 = vector.broadcast %mul3A_3057 : f32 to vector<16xf32>
      %mul3A_3059 = arith.mulf %get3A_3056, %mul3A_3058 : vector<16xf32>
      %add3A_3060 = arith.constant 9.99999974E-6 : f32
      %add3A_3061 = vector.broadcast %add3A_3060 : f32 to vector<16xf32>
      %add3A_3062 = arith.addf %mul3A_3059, %add3A_3061 : vector<16xf32>
      %bitcast_convert_type3A_3063 = tpu.bitcast %add3A_3062 : vector<16xf32> -> vector<16xi32>
      %shift_right_arithmetic3A_3064 = arith.constant 23 : i32
      %shift_right_arithmetic3A_3065 = vector.broadcast %shift_right_arithmetic3A_3064 : i32 to vector<16xi32>
      %shift_right_arithmetic3A_3066 = arith.shrsi %bitcast_convert_type3A_3063, %shift_right_arithmetic3A_3065 : vector<16xi32>
      %and3A_3067 = arith.constant 255 : i32
      %and3A_3068 = vector.broadcast %and3A_3067 : i32 to vector<16xi32>
      %and3A_3069 = arith.andi %shift_right_arithmetic3A_3066, %and3A_3068 : vector<16xi32>
      %sub3A_3070 = arith.constant 127 : i32
      %sub3A_3071 = vector.broadcast %sub3A_3070 : i32 to vector<16xi32>
      %sub3A_3072 = arith.subi %and3A_3069, %sub3A_3071 : vector<16xi32>
      %and3A_3073 = arith.constant 8388607 : i32
      %and3A_3074 = vector.broadcast %and3A_3073 : i32 to vector<16xi32>
      %and3A_3075 = arith.andi %bitcast_convert_type3A_3063, %and3A_3074 : vector<16xi32>
      %or3A_3076 = arith.constant 1065353216 : i32
      %or3A_3077 = vector.broadcast %or3A_3076 : i32 to vector<16xi32>
      %or3A_3078 = arith.ori %and3A_3075, %or3A_3077 : vector<16xi32>
      %bitcast_convert_type3A_3079 = tpu.bitcast %or3A_3078 : vector<16xi32> -> vector<16xf32>
      %sub3A_3080 = arith.constant 1.000000e+00 : f32
      %sub3A_3081 = vector.broadcast %sub3A_3080 : f32 to vector<16xf32>
      %sub3A_3082 = arith.subf %bitcast_convert_type3A_3079, %sub3A_3081 : vector<16xf32>
      %add3A_3083 = arith.constant 1.000000e+00 : f32
      %add3A_3084 = vector.broadcast %add3A_3083 : f32 to vector<16xf32>
      %add3A_3085 = arith.addf %bitcast_convert_type3A_3079, %add3A_3084 : vector<16xf32>
      %div3A_3086 = arith.divf %sub3A_3082, %add3A_3085 : vector<16xf32>
      %mul3A_3087 = arith.mulf %div3A_3086, %div3A_3086 : vector<16xf32>
      %mul3A_3088 = arith.constant 0.285714298 : f32
      %mul3A_3089 = vector.broadcast %mul3A_3088 : f32 to vector<16xf32>
      %mul3A_3090 = arith.mulf %mul3A_3087, %mul3A_3089 : vector<16xf32>
      %add3A_3091 = arith.constant 4.000000e-01 : f32
      %add3A_3092 = vector.broadcast %add3A_3091 : f32 to vector<16xf32>
      %add3A_3093 = arith.addf %add3A_3092, %mul3A_3090 : vector<16xf32>
      %mul3A_3094 = arith.mulf %mul3A_3087, %add3A_3093 : vector<16xf32>
      %add3A_3095 = arith.constant 0.666666686 : f32
      %add3A_3096 = vector.broadcast %add3A_3095 : f32 to vector<16xf32>
      %add3A_3097 = arith.addf %add3A_3096, %mul3A_3094 : vector<16xf32>
      %mul3A_3098 = arith.mulf %mul3A_3087, %add3A_3097 : vector<16xf32>
      %add3A_3099 = arith.constant 2.000000e+00 : f32
      %add3A_3100 = vector.broadcast %add3A_3099 : f32 to vector<16xf32>
      %add3A_3101 = arith.addf %add3A_3100, %mul3A_3098 : vector<16xf32>
      %mul3A_3102 = arith.mulf %div3A_3086, %add3A_3101 : vector<16xf32>
      %convert_element_type3A_3103 = arith.sitofp %sub3A_3072 : vector<16xi32> to vector<16xf32>
      %mul3A_3104 = arith.constant 0.693147182 : f32
      %mul3A_3105 = vector.broadcast %mul3A_3104 : f32 to vector<16xf32>
      %mul3A_3106 = arith.mulf %convert_element_type3A_3103, %mul3A_3105 : vector<16xf32>
      %add3A_3107 = arith.addf %mul3A_3106, %mul3A_3102 : vector<16xf32>
      %mul3A_3108 = arith.mulf %mul3A_3059, %add3A_3107 : vector<16xf32>
      %add3A_3109 = arith.addf %add3A_3054, %mul3A_3108 : vector<16xf32>
      %get3A_3110 = arith.constant 752 : index
      %get3A_3111 = tpu.vector_load %arg10[%get3A_3110] {strides = array<i32>} : memref<1024xf32, #tpu.memory_space<vmem>>, vector<16xf32>,
      %mul3A_3112 = arith.constant 3.05175781E-5 : f32
      %mul3A_3113 = vector.broadcast %mul3A_3112 : f32 to vector<16xf32>
      %mul3A_3114 = arith.mulf %get3A_3111, %mul3A_3113 : vector<16xf32>
      %add3A_3115 = arith.constant 9.99999974E-6 : f32
      %add3A_3116 = vector.broadcast %add3A_3115 : f32 to vector<16xf32>
      %add3A_3117 = arith.addf %mul3A_3114, %add3A_3116 : vector<16xf32>
      %bitcast_convert_type3A_3118 = tpu.bitcast %add3A_3117 : vector<16xf32> -> vector<16xi32>
      %shift_right_arithmetic3A_3119 = arith.constant 23 : i32
      %shift_right_arithmetic3A_3120 = vector.broadcast %shift_right_arithmetic3A_3119 : i32 to vector<16xi32>
      %shift_right_arithmetic3A_3121 = arith.shrsi %bitcast_convert_type3A_3118, %shift_right_arithmetic3A_3120 : vector<16xi32>
      %and3A_3122 = arith.constant 255 : i32
      %and3A_3123 = vector.broadcast %and3A_3122 : i32 to vector<16xi32>
      %and3A_3124 = arith.andi %shift_right_arithmetic3A_3121, %and3A_3123 : vector<16xi32>
      %sub3A_3125 = arith.constant 127 : i32
      %sub3A_3126 = vector.broadcast %sub3A_3125 : i32 to vector<16xi32>
      %sub3A_3127 = arith.subi %and3A_3124, %sub3A_3126 : vector<16xi32>
      %and3A_3128 = arith.constant 8388607 : i32
      %and3A_3129 = vector.broadcast %and3A_3128 : i32 to vector<16xi32>
      %and3A_3130 = arith.andi %bitcast_convert_type3A_3118, %and3A_3129 : vector<16xi32>
      %or3A_3131 = arith.constant 1065353216 : i32
      %or3A_3132 = vector.broadcast %or3A_3131 : i32 to vector<16xi32>
      %or3A_3133 = arith.ori %and3A_3130, %or3A_3132 : vector<16xi32>
      %bitcast_convert_type3A_3134 = tpu.bitcast %or3A_3133 : vector<16xi32> -> vector<16xf32>
      %sub3A_3135 = arith.constant 1.000000e+00 : f32
      %sub3A_3136 = vector.broadcast %sub3A_3135 : f32 to vector<16xf32>
      %sub3A_3137 = arith.subf %bitcast_convert_type3A_3134, %sub3A_3136 : vector<16xf32>
      %add3A_3138 = arith.constant 1.000000e+00 : f32
      %add3A_3139 = vector.broadcast %add3A_3138 : f32 to vector<16xf32>
      %add3A_3140 = arith.addf %bitcast_convert_type3A_3134, %add3A_3139 : vector<16xf32>
      %div3A_3141 = arith.divf %sub3A_3137, %add3A_3140 : vector<16xf32>
      %mul3A_3142 = arith.mulf %div3A_3141, %div3A_3141 : vector<16xf32>
      %mul3A_3143 = arith.constant 0.285714298 : f32
      %mul3A_3144 = vector.broadcast %mul3A_3143 : f32 to vector<16xf32>
      %mul3A_3145 = arith.mulf %mul3A_3142, %mul3A_3144 : vector<16xf32>
      %add3A_3146 = arith.constant 4.000000e-01 : f32
      %add3A_3147 = vector.broadcast %add3A_3146 : f32 to vector<16xf32>
      %add3A_3148 = arith.addf %add3A_3147, %mul3A_3145 : vector<16xf32>
      %mul3A_3149 = arith.mulf %mul3A_3142, %add3A_3148 : vector<16xf32>
      %add3A_3150 = arith.constant 0.666666686 : f32
      %add3A_3151 = vector.broadcast %add3A_3150 : f32 to vector<16xf32>
      %add3A_3152 = arith.addf %add3A_3151, %mul3A_3149 : vector<16xf32>
      %mul3A_3153 = arith.mulf %mul3A_3142, %add3A_3152 : vector<16xf32>
      %add3A_3154 = arith.constant 2.000000e+00 : f32
      %add3A_3155 = vector.broadcast %add3A_3154 : f32 to vector<16xf32>
      %add3A_3156 = arith.addf %add3A_3155, %mul3A_3153 : vector<16xf32>
      %mul3A_3157 = arith.mulf %div3A_3141, %add3A_3156 : vector<16xf32>
      %convert_element_type3A_3158 = arith.sitofp %sub3A_3127 : vector<16xi32> to vector<16xf32>
      %mul3A_3159 = arith.constant 0.693147182 : f32
      %mul3A_3160 = vector.broadcast %mul3A_3159 : f32 to vector<16xf32>
      %mul3A_3161 = arith.mulf %convert_element_type3A_3158, %mul3A_3160 : vector<16xf32>
      %add3A_3162 = arith.addf %mul3A_3161, %mul3A_3157 : vector<16xf32>
      %mul3A_3163 = arith.mulf %mul3A_3114, %add3A_3162 : vector<16xf32>
      %add3A_3164 = arith.addf %add3A_3109, %mul3A_3163 : vector<16xf32>
      %get3A_3165 = arith.constant 768 : index
      %get3A_3166 = tpu.vector_load %arg10[%get3A_3165] {strides = array<i32>} : memref<1024xf32, #tpu.memory_space<vmem>>, vector<16xf32>,
      %mul3A_3167 = arith.constant 3.05175781E-5 : f32
      %mul3A_3168 = vector.broadcast %mul3A_3167 : f32 to vector<16xf32>
      %mul3A_3169 = arith.mulf %get3A_3166, %mul3A_3168 : vector<16xf32>
      %add3A_3170 = arith.constant 9.99999974E-6 : f32
      %add3A_3171 = vector.broadcast %add3A_3170 : f32 to vector<16xf32>
      %add3A_3172 = arith.addf %mul3A_3169, %add3A_3171 : vector<16xf32>
      %bitcast_convert_type3A_3173 = tpu.bitcast %add3A_3172 : vector<16xf32> -> vector<16xi32>
      %shift_right_arithmetic3A_3174 = arith.constant 23 : i32
      %shift_right_arithmetic3A_3175 = vector.broadcast %shift_right_arithmetic3A_3174 : i32 to vector<16xi32>
      %shift_right_arithmetic3A_3176 = arith.shrsi %bitcast_convert_type3A_3173, %shift_right_arithmetic3A_3175 : vector<16xi32>
      %and3A_3177 = arith.constant 255 : i32
      %and3A_3178 = vector.broadcast %and3A_3177 : i32 to vector<16xi32>
      %and3A_3179 = arith.andi %shift_right_arithmetic3A_3176, %and3A_3178 : vector<16xi32>
      %sub3A_3180 = arith.constant 127 : i32
      %sub3A_3181 = vector.broadcast %sub3A_3180 : i32 to vector<16xi32>
      %sub3A_3182 = arith.subi %and3A_3179, %sub3A_3181 : vector<16xi32>
      %and3A_3183 = arith.constant 8388607 : i32
      %and3A_3184 = vector.broadcast %and3A_3183 : i32 to vector<16xi32>
      %and3A_3185 = arith.andi %bitcast_convert_type3A_3173, %and3A_3184 : vector<16xi32>
      %or3A_3186 = arith.constant 1065353216 : i32
      %or3A_3187 = vector.broadcast %or3A_3186 : i32 to vector<16xi32>
      %or3A_3188 = arith.ori %and3A_3185, %or3A_3187 : vector<16xi32>
      %bitcast_convert_type3A_3189 = tpu.bitcast %or3A_3188 : vector<16xi32> -> vector<16xf32>
      %sub3A_3190 = arith.constant 1.000000e+00 : f32
      %sub3A_3191 = vector.broadcast %sub3A_3190 : f32 to vector<16xf32>
      %sub3A_3192 = arith.subf %bitcast_convert_type3A_3189, %sub3A_3191 : vector<16xf32>
      %add3A_3193 = arith.constant 1.000000e+00 : f32
      %add3A_3194 = vector.broadcast %add3A_3193 : f32 to vector<16xf32>
      %add3A_3195 = arith.addf %bitcast_convert_type3A_3189, %add3A_3194 : vector<16xf32>
      %div3A_3196 = arith.divf %sub3A_3192, %add3A_3195 : vector<16xf32>
      %mul3A_3197 = arith.mulf %div3A_3196, %div3A_3196 : vector<16xf32>
      %mul3A_3198 = arith.constant 0.285714298 : f32
      %mul3A_3199 = vector.broadcast %mul3A_3198 : f32 to vector<16xf32>
      %mul3A_3200 = arith.mulf %mul3A_3197, %mul3A_3199 : vector<16xf32>
      %add3A_3201 = arith.constant 4.000000e-01 : f32
      %add3A_3202 = vector.broadcast %add3A_3201 : f32 to vector<16xf32>
      %add3A_3203 = arith.addf %add3A_3202, %mul3A_3200 : vector<16xf32>
      %mul3A_3204 = arith.mulf %mul3A_3197, %add3A_3203 : vector<16xf32>
      %add3A_3205 = arith.constant 0.666666686 : f32
      %add3A_3206 = vector.broadcast %add3A_3205 : f32 to vector<16xf32>
      %add3A_3207 = arith.addf %add3A_3206, %mul3A_3204 : vector<16xf32>
      %mul3A_3208 = arith.mulf %mul3A_3197, %add3A_3207 : vector<16xf32>
      %add3A_3209 = arith.constant 2.000000e+00 : f32
      %add3A_3210 = vector.broadcast %add3A_3209 : f32 to vector<16xf32>
      %add3A_3211 = arith.addf %add3A_3210, %mul3A_3208 : vector<16xf32>
      %mul3A_3212 = arith.mulf %div3A_3196, %add3A_3211 : vector<16xf32>
      %convert_element_type3A_3213 = arith.sitofp %sub3A_3182 : vector<16xi32> to vector<16xf32>
      %mul3A_3214 = arith.constant 0.693147182 : f32
      %mul3A_3215 = vector.broadcast %mul3A_3214 : f32 to vector<16xf32>
      %mul3A_3216 = arith.mulf %convert_element_type3A_3213, %mul3A_3215 : vector<16xf32>
      %add3A_3217 = arith.addf %mul3A_3216, %mul3A_3212 : vector<16xf32>
      %mul3A_3218 = arith.mulf %mul3A_3169, %add3A_3217 : vector<16xf32>
      %add3A_3219 = arith.addf %add3A_3164, %mul3A_3218 : vector<16xf32>
      %get3A_3220 = arith.constant 784 : index
      %get3A_3221 = tpu.vector_load %arg10[%get3A_3220] {strides = array<i32>} : memref<1024xf32, #tpu.memory_space<vmem>>, vector<16xf32>,
      %mul3A_3222 = arith.constant 3.05175781E-5 : f32
      %mul3A_3223 = vector.broadcast %mul3A_3222 : f32 to vector<16xf32>
      %mul3A_3224 = arith.mulf %get3A_3221, %mul3A_3223 : vector<16xf32>
      %add3A_3225 = arith.constant 9.99999974E-6 : f32
      %add3A_3226 = vector.broadcast %add3A_3225 : f32 to vector<16xf32>
      %add3A_3227 = arith.addf %mul3A_3224, %add3A_3226 : vector<16xf32>
      %bitcast_convert_type3A_3228 = tpu.bitcast %add3A_3227 : vector<16xf32> -> vector<16xi32>
      %shift_right_arithmetic3A_3229 = arith.constant 23 : i32
      %shift_right_arithmetic3A_3230 = vector.broadcast %shift_right_arithmetic3A_3229 : i32 to vector<16xi32>
      %shift_right_arithmetic3A_3231 = arith.shrsi %bitcast_convert_type3A_3228, %shift_right_arithmetic3A_3230 : vector<16xi32>
      %and3A_3232 = arith.constant 255 : i32
      %and3A_3233 = vector.broadcast %and3A_3232 : i32 to vector<16xi32>
      %and3A_3234 = arith.andi %shift_right_arithmetic3A_3231, %and3A_3233 : vector<16xi32>
      %sub3A_3235 = arith.constant 127 : i32
      %sub3A_3236 = vector.broadcast %sub3A_3235 : i32 to vector<16xi32>
      %sub3A_3237 = arith.subi %and3A_3234, %sub3A_3236 : vector<16xi32>
      %and3A_3238 = arith.constant 8388607 : i32
      %and3A_3239 = vector.broadcast %and3A_3238 : i32 to vector<16xi32>
      %and3A_3240 = arith.andi %bitcast_convert_type3A_3228, %and3A_3239 : vector<16xi32>
      %or3A_3241 = arith.constant 1065353216 : i32
      %or3A_3242 = vector.broadcast %or3A_3241 : i32 to vector<16xi32>
      %or3A_3243 = arith.ori %and3A_3240, %or3A_3242 : vector<16xi32>
      %bitcast_convert_type3A_3244 = tpu.bitcast %or3A_3243 : vector<16xi32> -> vector<16xf32>
      %sub3A_3245 = arith.constant 1.000000e+00 : f32
      %sub3A_3246 = vector.broadcast %sub3A_3245 : f32 to vector<16xf32>
      %sub3A_3247 = arith.subf %bitcast_convert_type3A_3244, %sub3A_3246 : vector<16xf32>
      %add3A_3248 = arith.constant 1.000000e+00 : f32
      %add3A_3249 = vector.broadcast %add3A_3248 : f32 to vector<16xf32>
      %add3A_3250 = arith.addf %bitcast_convert_type3A_3244, %add3A_3249 : vector<16xf32>
      %div3A_3251 = arith.divf %sub3A_3247, %add3A_3250 : vector<16xf32>
      %mul3A_3252 = arith.mulf %div3A_3251, %div3A_3251 : vector<16xf32>
      %mul3A_3253 = arith.constant 0.285714298 : f32
      %mul3A_3254 = vector.broadcast %mul3A_3253 : f32 to vector<16xf32>
      %mul3A_3255 = arith.mulf %mul3A_3252, %mul3A_3254 : vector<16xf32>
      %add3A_3256 = arith.constant 4.000000e-01 : f32
      %add3A_3257 = vector.broadcast %add3A_3256 : f32 to vector<16xf32>
      %add3A_3258 = arith.addf %add3A_3257, %mul3A_3255 : vector<16xf32>
      %mul3A_3259 = arith.mulf %mul3A_3252, %add3A_3258 : vector<16xf32>
      %add3A_3260 = arith.constant 0.666666686 : f32
      %add3A_3261 = vector.broadcast %add3A_3260 : f32 to vector<16xf32>
      %add3A_3262 = arith.addf %add3A_3261, %mul3A_3259 : vector<16xf32>
      %mul3A_3263 = arith.mulf %mul3A_3252, %add3A_3262 : vector<16xf32>
      %add3A_3264 = arith.constant 2.000000e+00 : f32
      %add3A_3265 = vector.broadcast %add3A_3264 : f32 to vector<16xf32>
      %add3A_3266 = arith.addf %add3A_3265, %mul3A_3263 : vector<16xf32>
      %mul3A_3267 = arith.mulf %div3A_3251, %add3A_3266 : vector<16xf32>
      %convert_element_type3A_3268 = arith.sitofp %sub3A_3237 : vector<16xi32> to vector<16xf32>
      %mul3A_3269 = arith.constant 0.693147182 : f32
      %mul3A_3270 = vector.broadcast %mul3A_3269 : f32 to vector<16xf32>
      %mul3A_3271 = arith.mulf %convert_element_type3A_3268, %mul3A_3270 : vector<16xf32>
      %add3A_3272 = arith.addf %mul3A_3271, %mul3A_3267 : vector<16xf32>
      %mul3A_3273 = arith.mulf %mul3A_3224, %add3A_3272 : vector<16xf32>
      %add3A_3274 = arith.addf %add3A_3219, %mul3A_3273 : vector<16xf32>
      %get3A_3275 = arith.constant 800 : index
      %get3A_3276 = tpu.vector_load %arg10[%get3A_3275] {strides = array<i32>} : memref<1024xf32, #tpu.memory_space<vmem>>, vector<16xf32>,
      %mul3A_3277 = arith.constant 3.05175781E-5 : f32
      %mul3A_3278 = vector.broadcast %mul3A_3277 : f32 to vector<16xf32>
      %mul3A_3279 = arith.mulf %get3A_3276, %mul3A_3278 : vector<16xf32>
      %add3A_3280 = arith.constant 9.99999974E-6 : f32
      %add3A_3281 = vector.broadcast %add3A_3280 : f32 to vector<16xf32>
      %add3A_3282 = arith.addf %mul3A_3279, %add3A_3281 : vector<16xf32>
      %bitcast_convert_type3A_3283 = tpu.bitcast %add3A_3282 : vector<16xf32> -> vector<16xi32>
      %shift_right_arithmetic3A_3284 = arith.constant 23 : i32
      %shift_right_arithmetic3A_3285 = vector.broadcast %shift_right_arithmetic3A_3284 : i32 to vector<16xi32>
      %shift_right_arithmetic3A_3286 = arith.shrsi %bitcast_convert_type3A_3283, %shift_right_arithmetic3A_3285 : vector<16xi32>
      %and3A_3287 = arith.constant 255 : i32
      %and3A_3288 = vector.broadcast %and3A_3287 : i32 to vector<16xi32>
      %and3A_3289 = arith.andi %shift_right_arithmetic3A_3286, %and3A_3288 : vector<16xi32>
      %sub3A_3290 = arith.constant 127 : i32
      %sub3A_3291 = vector.broadcast %sub3A_3290 : i32 to vector<16xi32>
      %sub3A_3292 = arith.subi %and3A_3289, %sub3A_3291 : vector<16xi32>
      %and3A_3293 = arith.constant 8388607 : i32
      %and3A_3294 = vector.broadcast %and3A_3293 : i32 to vector<16xi32>
      %and3A_3295 = arith.andi %bitcast_convert_type3A_3283, %and3A_3294 : vector<16xi32>
      %or3A_3296 = arith.constant 1065353216 : i32
      %or3A_3297 = vector.broadcast %or3A_3296 : i32 to vector<16xi32>
      %or3A_3298 = arith.ori %and3A_3295, %or3A_3297 : vector<16xi32>
      %bitcast_convert_type3A_3299 = tpu.bitcast %or3A_3298 : vector<16xi32> -> vector<16xf32>
      %sub3A_3300 = arith.constant 1.000000e+00 : f32
      %sub3A_3301 = vector.broadcast %sub3A_3300 : f32 to vector<16xf32>
      %sub3A_3302 = arith.subf %bitcast_convert_type3A_3299, %sub3A_3301 : vector<16xf32>
      %add3A_3303 = arith.constant 1.000000e+00 : f32
      %add3A_3304 = vector.broadcast %add3A_3303 : f32 to vector<16xf32>
      %add3A_3305 = arith.addf %bitcast_convert_type3A_3299, %add3A_3304 : vector<16xf32>
      %div3A_3306 = arith.divf %sub3A_3302, %add3A_3305 : vector<16xf32>
      %mul3A_3307 = arith.mulf %div3A_3306, %div3A_3306 : vector<16xf32>
      %mul3A_3308 = arith.constant 0.285714298 : f32
      %mul3A_3309 = vector.broadcast %mul3A_3308 : f32 to vector<16xf32>
      %mul3A_3310 = arith.mulf %mul3A_3307, %mul3A_3309 : vector<16xf32>
      %add3A_3311 = arith.constant 4.000000e-01 : f32
      %add3A_3312 = vector.broadcast %add3A_3311 : f32 to vector<16xf32>
      %add3A_3313 = arith.addf %add3A_3312, %mul3A_3310 : vector<16xf32>
      %mul3A_3314 = arith.mulf %mul3A_3307, %add3A_3313 : vector<16xf32>
      %add3A_3315 = arith.constant 0.666666686 : f32
      %add3A_3316 = vector.broadcast %add3A_3315 : f32 to vector<16xf32>
      %add3A_3317 = arith.addf %add3A_3316, %mul3A_3314 : vector<16xf32>
      %mul3A_3318 = arith.mulf %mul3A_3307, %add3A_3317 : vector<16xf32>
      %add3A_3319 = arith.constant 2.000000e+00 : f32
      %add3A_3320 = vector.broadcast %add3A_3319 : f32 to vector<16xf32>
      %add3A_3321 = arith.addf %add3A_3320, %mul3A_3318 : vector<16xf32>
      %mul3A_3322 = arith.mulf %div3A_3306, %add3A_3321 : vector<16xf32>
      %convert_element_type3A_3323 = arith.sitofp %sub3A_3292 : vector<16xi32> to vector<16xf32>
      %mul3A_3324 = arith.constant 0.693147182 : f32
      %mul3A_3325 = vector.broadcast %mul3A_3324 : f32 to vector<16xf32>
      %mul3A_3326 = arith.mulf %convert_element_type3A_3323, %mul3A_3325 : vector<16xf32>
      %add3A_3327 = arith.addf %mul3A_3326, %mul3A_3322 : vector<16xf32>
      %mul3A_3328 = arith.mulf %mul3A_3279, %add3A_3327 : vector<16xf32>
      %add3A_3329 = arith.addf %add3A_3274, %mul3A_3328 : vector<16xf32>
      %get3A_3330 = arith.constant 816 : index
      %get3A_3331 = tpu.vector_load %arg10[%get3A_3330] {strides = array<i32>} : memref<1024xf32, #tpu.memory_space<vmem>>, vector<16xf32>,
      %mul3A_3332 = arith.constant 3.05175781E-5 : f32
      %mul3A_3333 = vector.broadcast %mul3A_3332 : f32 to vector<16xf32>
      %mul3A_3334 = arith.mulf %get3A_3331, %mul3A_3333 : vector<16xf32>
      %add3A_3335 = arith.constant 9.99999974E-6 : f32
      %add3A_3336 = vector.broadcast %add3A_3335 : f32 to vector<16xf32>
      %add3A_3337 = arith.addf %mul3A_3334, %add3A_3336 : vector<16xf32>
      %bitcast_convert_type3A_3338 = tpu.bitcast %add3A_3337 : vector<16xf32> -> vector<16xi32>
      %shift_right_arithmetic3A_3339 = arith.constant 23 : i32
      %shift_right_arithmetic3A_3340 = vector.broadcast %shift_right_arithmetic3A_3339 : i32 to vector<16xi32>
      %shift_right_arithmetic3A_3341 = arith.shrsi %bitcast_convert_type3A_3338, %shift_right_arithmetic3A_3340 : vector<16xi32>
      %and3A_3342 = arith.constant 255 : i32
      %and3A_3343 = vector.broadcast %and3A_3342 : i32 to vector<16xi32>
      %and3A_3344 = arith.andi %shift_right_arithmetic3A_3341, %and3A_3343 : vector<16xi32>
      %sub3A_3345 = arith.constant 127 : i32
      %sub3A_3346 = vector.broadcast %sub3A_3345 : i32 to vector<16xi32>
      %sub3A_3347 = arith.subi %and3A_3344, %sub3A_3346 : vector<16xi32>
      %and3A_3348 = arith.constant 8388607 : i32
      %and3A_3349 = vector.broadcast %and3A_3348 : i32 to vector<16xi32>
      %and3A_3350 = arith.andi %bitcast_convert_type3A_3338, %and3A_3349 : vector<16xi32>
      %or3A_3351 = arith.constant 1065353216 : i32
      %or3A_3352 = vector.broadcast %or3A_3351 : i32 to vector<16xi32>
      %or3A_3353 = arith.ori %and3A_3350, %or3A_3352 : vector<16xi32>
      %bitcast_convert_type3A_3354 = tpu.bitcast %or3A_3353 : vector<16xi32> -> vector<16xf32>
      %sub3A_3355 = arith.constant 1.000000e+00 : f32
      %sub3A_3356 = vector.broadcast %sub3A_3355 : f32 to vector<16xf32>
      %sub3A_3357 = arith.subf %bitcast_convert_type3A_3354, %sub3A_3356 : vector<16xf32>
      %add3A_3358 = arith.constant 1.000000e+00 : f32
      %add3A_3359 = vector.broadcast %add3A_3358 : f32 to vector<16xf32>
      %add3A_3360 = arith.addf %bitcast_convert_type3A_3354, %add3A_3359 : vector<16xf32>
      %div3A_3361 = arith.divf %sub3A_3357, %add3A_3360 : vector<16xf32>
      %mul3A_3362 = arith.mulf %div3A_3361, %div3A_3361 : vector<16xf32>
      %mul3A_3363 = arith.constant 0.285714298 : f32
      %mul3A_3364 = vector.broadcast %mul3A_3363 : f32 to vector<16xf32>
      %mul3A_3365 = arith.mulf %mul3A_3362, %mul3A_3364 : vector<16xf32>
      %add3A_3366 = arith.constant 4.000000e-01 : f32
      %add3A_3367 = vector.broadcast %add3A_3366 : f32 to vector<16xf32>
      %add3A_3368 = arith.addf %add3A_3367, %mul3A_3365 : vector<16xf32>
      %mul3A_3369 = arith.mulf %mul3A_3362, %add3A_3368 : vector<16xf32>
      %add3A_3370 = arith.constant 0.666666686 : f32
      %add3A_3371 = vector.broadcast %add3A_3370 : f32 to vector<16xf32>
      %add3A_3372 = arith.addf %add3A_3371, %mul3A_3369 : vector<16xf32>
      %mul3A_3373 = arith.mulf %mul3A_3362, %add3A_3372 : vector<16xf32>
      %add3A_3374 = arith.constant 2.000000e+00 : f32
      %add3A_3375 = vector.broadcast %add3A_3374 : f32 to vector<16xf32>
      %add3A_3376 = arith.addf %add3A_3375, %mul3A_3373 : vector<16xf32>
      %mul3A_3377 = arith.mulf %div3A_3361, %add3A_3376 : vector<16xf32>
      %convert_element_type3A_3378 = arith.sitofp %sub3A_3347 : vector<16xi32> to vector<16xf32>
      %mul3A_3379 = arith.constant 0.693147182 : f32
      %mul3A_3380 = vector.broadcast %mul3A_3379 : f32 to vector<16xf32>
      %mul3A_3381 = arith.mulf %convert_element_type3A_3378, %mul3A_3380 : vector<16xf32>
      %add3A_3382 = arith.addf %mul3A_3381, %mul3A_3377 : vector<16xf32>
      %mul3A_3383 = arith.mulf %mul3A_3334, %add3A_3382 : vector<16xf32>
      %add3A_3384 = arith.addf %add3A_3329, %mul3A_3383 : vector<16xf32>
      %get3A_3385 = arith.constant 832 : index
      %get3A_3386 = tpu.vector_load %arg10[%get3A_3385] {strides = array<i32>} : memref<1024xf32, #tpu.memory_space<vmem>>, vector<16xf32>,
      %mul3A_3387 = arith.constant 3.05175781E-5 : f32
      %mul3A_3388 = vector.broadcast %mul3A_3387 : f32 to vector<16xf32>
      %mul3A_3389 = arith.mulf %get3A_3386, %mul3A_3388 : vector<16xf32>
      %add3A_3390 = arith.constant 9.99999974E-6 : f32
      %add3A_3391 = vector.broadcast %add3A_3390 : f32 to vector<16xf32>
      %add3A_3392 = arith.addf %mul3A_3389, %add3A_3391 : vector<16xf32>
      %bitcast_convert_type3A_3393 = tpu.bitcast %add3A_3392 : vector<16xf32> -> vector<16xi32>
      %shift_right_arithmetic3A_3394 = arith.constant 23 : i32
      %shift_right_arithmetic3A_3395 = vector.broadcast %shift_right_arithmetic3A_3394 : i32 to vector<16xi32>
      %shift_right_arithmetic3A_3396 = arith.shrsi %bitcast_convert_type3A_3393, %shift_right_arithmetic3A_3395 : vector<16xi32>
      %and3A_3397 = arith.constant 255 : i32
      %and3A_3398 = vector.broadcast %and3A_3397 : i32 to vector<16xi32>
      %and3A_3399 = arith.andi %shift_right_arithmetic3A_3396, %and3A_3398 : vector<16xi32>
      %sub3A_3400 = arith.constant 127 : i32
      %sub3A_3401 = vector.broadcast %sub3A_3400 : i32 to vector<16xi32>
      %sub3A_3402 = arith.subi %and3A_3399, %sub3A_3401 : vector<16xi32>
      %and3A_3403 = arith.constant 8388607 : i32
      %and3A_3404 = vector.broadcast %and3A_3403 : i32 to vector<16xi32>
      %and3A_3405 = arith.andi %bitcast_convert_type3A_3393, %and3A_3404 : vector<16xi32>
      %or3A_3406 = arith.constant 1065353216 : i32
      %or3A_3407 = vector.broadcast %or3A_3406 : i32 to vector<16xi32>
      %or3A_3408 = arith.ori %and3A_3405, %or3A_3407 : vector<16xi32>
      %bitcast_convert_type3A_3409 = tpu.bitcast %or3A_3408 : vector<16xi32> -> vector<16xf32>
      %sub3A_3410 = arith.constant 1.000000e+00 : f32
      %sub3A_3411 = vector.broadcast %sub3A_3410 : f32 to vector<16xf32>
      %sub3A_3412 = arith.subf %bitcast_convert_type3A_3409, %sub3A_3411 : vector<16xf32>
      %add3A_3413 = arith.constant 1.000000e+00 : f32
      %add3A_3414 = vector.broadcast %add3A_3413 : f32 to vector<16xf32>
      %add3A_3415 = arith.addf %bitcast_convert_type3A_3409, %add3A_3414 : vector<16xf32>
      %div3A_3416 = arith.divf %sub3A_3412, %add3A_3415 : vector<16xf32>
      %mul3A_3417 = arith.mulf %div3A_3416, %div3A_3416 : vector<16xf32>
      %mul3A_3418 = arith.constant 0.285714298 : f32
      %mul3A_3419 = vector.broadcast %mul3A_3418 : f32 to vector<16xf32>
      %mul3A_3420 = arith.mulf %mul3A_3417, %mul3A_3419 : vector<16xf32>
      %add3A_3421 = arith.constant 4.000000e-01 : f32
      %add3A_3422 = vector.broadcast %add3A_3421 : f32 to vector<16xf32>
      %add3A_3423 = arith.addf %add3A_3422, %mul3A_3420 : vector<16xf32>
      %mul3A_3424 = arith.mulf %mul3A_3417, %add3A_3423 : vector<16xf32>
      %add3A_3425 = arith.constant 0.666666686 : f32
      %add3A_3426 = vector.broadcast %add3A_3425 : f32 to vector<16xf32>
      %add3A_3427 = arith.addf %add3A_3426, %mul3A_3424 : vector<16xf32>
      %mul3A_3428 = arith.mulf %mul3A_3417, %add3A_3427 : vector<16xf32>
      %add3A_3429 = arith.constant 2.000000e+00 : f32
      %add3A_3430 = vector.broadcast %add3A_3429 : f32 to vector<16xf32>
      %add3A_3431 = arith.addf %add3A_3430, %mul3A_3428 : vector<16xf32>
      %mul3A_3432 = arith.mulf %div3A_3416, %add3A_3431 : vector<16xf32>
      %convert_element_type3A_3433 = arith.sitofp %sub3A_3402 : vector<16xi32> to vector<16xf32>
      %mul3A_3434 = arith.constant 0.693147182 : f32
      %mul3A_3435 = vector.broadcast %mul3A_3434 : f32 to vector<16xf32>
      %mul3A_3436 = arith.mulf %convert_element_type3A_3433, %mul3A_3435 : vector<16xf32>
      %add3A_3437 = arith.addf %mul3A_3436, %mul3A_3432 : vector<16xf32>
      %mul3A_3438 = arith.mulf %mul3A_3389, %add3A_3437 : vector<16xf32>
      %add3A_3439 = arith.addf %add3A_3384, %mul3A_3438 : vector<16xf32>
      %get3A_3440 = arith.constant 848 : index
      %get3A_3441 = tpu.vector_load %arg10[%get3A_3440] {strides = array<i32>} : memref<1024xf32, #tpu.memory_space<vmem>>, vector<16xf32>,
      %mul3A_3442 = arith.constant 3.05175781E-5 : f32
      %mul3A_3443 = vector.broadcast %mul3A_3442 : f32 to vector<16xf32>
      %mul3A_3444 = arith.mulf %get3A_3441, %mul3A_3443 : vector<16xf32>
      %add3A_3445 = arith.constant 9.99999974E-6 : f32
      %add3A_3446 = vector.broadcast %add3A_3445 : f32 to vector<16xf32>
      %add3A_3447 = arith.addf %mul3A_3444, %add3A_3446 : vector<16xf32>
      %bitcast_convert_type3A_3448 = tpu.bitcast %add3A_3447 : vector<16xf32> -> vector<16xi32>
      %shift_right_arithmetic3A_3449 = arith.constant 23 : i32
      %shift_right_arithmetic3A_3450 = vector.broadcast %shift_right_arithmetic3A_3449 : i32 to vector<16xi32>
      %shift_right_arithmetic3A_3451 = arith.shrsi %bitcast_convert_type3A_3448, %shift_right_arithmetic3A_3450 : vector<16xi32>
      %and3A_3452 = arith.constant 255 : i32
      %and3A_3453 = vector.broadcast %and3A_3452 : i32 to vector<16xi32>
      %and3A_3454 = arith.andi %shift_right_arithmetic3A_3451, %and3A_3453 : vector<16xi32>
      %sub3A_3455 = arith.constant 127 : i32
      %sub3A_3456 = vector.broadcast %sub3A_3455 : i32 to vector<16xi32>
      %sub3A_3457 = arith.subi %and3A_3454, %sub3A_3456 : vector<16xi32>
      %and3A_3458 = arith.constant 8388607 : i32
      %and3A_3459 = vector.broadcast %and3A_3458 : i32 to vector<16xi32>
      %and3A_3460 = arith.andi %bitcast_convert_type3A_3448, %and3A_3459 : vector<16xi32>
      %or3A_3461 = arith.constant 1065353216 : i32
      %or3A_3462 = vector.broadcast %or3A_3461 : i32 to vector<16xi32>
      %or3A_3463 = arith.ori %and3A_3460, %or3A_3462 : vector<16xi32>
      %bitcast_convert_type3A_3464 = tpu.bitcast %or3A_3463 : vector<16xi32> -> vector<16xf32>
      %sub3A_3465 = arith.constant 1.000000e+00 : f32
      %sub3A_3466 = vector.broadcast %sub3A_3465 : f32 to vector<16xf32>
      %sub3A_3467 = arith.subf %bitcast_convert_type3A_3464, %sub3A_3466 : vector<16xf32>
      %add3A_3468 = arith.constant 1.000000e+00 : f32
      %add3A_3469 = vector.broadcast %add3A_3468 : f32 to vector<16xf32>
      %add3A_3470 = arith.addf %bitcast_convert_type3A_3464, %add3A_3469 : vector<16xf32>
      %div3A_3471 = arith.divf %sub3A_3467, %add3A_3470 : vector<16xf32>
      %mul3A_3472 = arith.mulf %div3A_3471, %div3A_3471 : vector<16xf32>
      %mul3A_3473 = arith.constant 0.285714298 : f32
      %mul3A_3474 = vector.broadcast %mul3A_3473 : f32 to vector<16xf32>
      %mul3A_3475 = arith.mulf %mul3A_3472, %mul3A_3474 : vector<16xf32>
      %add3A_3476 = arith.constant 4.000000e-01 : f32
      %add3A_3477 = vector.broadcast %add3A_3476 : f32 to vector<16xf32>
      %add3A_3478 = arith.addf %add3A_3477, %mul3A_3475 : vector<16xf32>
      %mul3A_3479 = arith.mulf %mul3A_3472, %add3A_3478 : vector<16xf32>
      %add3A_3480 = arith.constant 0.666666686 : f32
      %add3A_3481 = vector.broadcast %add3A_3480 : f32 to vector<16xf32>
      %add3A_3482 = arith.addf %add3A_3481, %mul3A_3479 : vector<16xf32>
      %mul3A_3483 = arith.mulf %mul3A_3472, %add3A_3482 : vector<16xf32>
      %add3A_3484 = arith.constant 2.000000e+00 : f32
      %add3A_3485 = vector.broadcast %add3A_3484 : f32 to vector<16xf32>
      %add3A_3486 = arith.addf %add3A_3485, %mul3A_3483 : vector<16xf32>
      %mul3A_3487 = arith.mulf %div3A_3471, %add3A_3486 : vector<16xf32>
      %convert_element_type3A_3488 = arith.sitofp %sub3A_3457 : vector<16xi32> to vector<16xf32>
      %mul3A_3489 = arith.constant 0.693147182 : f32
      %mul3A_3490 = vector.broadcast %mul3A_3489 : f32 to vector<16xf32>
      %mul3A_3491 = arith.mulf %convert_element_type3A_3488, %mul3A_3490 : vector<16xf32>
      %add3A_3492 = arith.addf %mul3A_3491, %mul3A_3487 : vector<16xf32>
      %mul3A_3493 = arith.mulf %mul3A_3444, %add3A_3492 : vector<16xf32>
      %add3A_3494 = arith.addf %add3A_3439, %mul3A_3493 : vector<16xf32>
      %get3A_3495 = arith.constant 864 : index
      %get3A_3496 = tpu.vector_load %arg10[%get3A_3495] {strides = array<i32>} : memref<1024xf32, #tpu.memory_space<vmem>>, vector<16xf32>,
      %mul3A_3497 = arith.constant 3.05175781E-5 : f32
      %mul3A_3498 = vector.broadcast %mul3A_3497 : f32 to vector<16xf32>
      %mul3A_3499 = arith.mulf %get3A_3496, %mul3A_3498 : vector<16xf32>
      %add3A_3500 = arith.constant 9.99999974E-6 : f32
      %add3A_3501 = vector.broadcast %add3A_3500 : f32 to vector<16xf32>
      %add3A_3502 = arith.addf %mul3A_3499, %add3A_3501 : vector<16xf32>
      %bitcast_convert_type3A_3503 = tpu.bitcast %add3A_3502 : vector<16xf32> -> vector<16xi32>
      %shift_right_arithmetic3A_3504 = arith.constant 23 : i32
      %shift_right_arithmetic3A_3505 = vector.broadcast %shift_right_arithmetic3A_3504 : i32 to vector<16xi32>
      %shift_right_arithmetic3A_3506 = arith.shrsi %bitcast_convert_type3A_3503, %shift_right_arithmetic3A_3505 : vector<16xi32>
      %and3A_3507 = arith.constant 255 : i32
      %and3A_3508 = vector.broadcast %and3A_3507 : i32 to vector<16xi32>
      %and3A_3509 = arith.andi %shift_right_arithmetic3A_3506, %and3A_3508 : vector<16xi32>
      %sub3A_3510 = arith.constant 127 : i32
      %sub3A_3511 = vector.broadcast %sub3A_3510 : i32 to vector<16xi32>
      %sub3A_3512 = arith.subi %and3A_3509, %sub3A_3511 : vector<16xi32>
      %and3A_3513 = arith.constant 8388607 : i32
      %and3A_3514 = vector.broadcast %and3A_3513 : i32 to vector<16xi32>
      %and3A_3515 = arith.andi %bitcast_convert_type3A_3503, %and3A_3514 : vector<16xi32>
      %or3A_3516 = arith.constant 1065353216 : i32
      %or3A_3517 = vector.broadcast %or3A_3516 : i32 to vector<16xi32>
      %or3A_3518 = arith.ori %and3A_3515, %or3A_3517 : vector<16xi32>
      %bitcast_convert_type3A_3519 = tpu.bitcast %or3A_3518 : vector<16xi32> -> vector<16xf32>
      %sub3A_3520 = arith.constant 1.000000e+00 : f32
      %sub3A_3521 = vector.broadcast %sub3A_3520 : f32 to vector<16xf32>
      %sub3A_3522 = arith.subf %bitcast_convert_type3A_3519, %sub3A_3521 : vector<16xf32>
      %add3A_3523 = arith.constant 1.000000e+00 : f32
      %add3A_3524 = vector.broadcast %add3A_3523 : f32 to vector<16xf32>
      %add3A_3525 = arith.addf %bitcast_convert_type3A_3519, %add3A_3524 : vector<16xf32>
      %div3A_3526 = arith.divf %sub3A_3522, %add3A_3525 : vector<16xf32>
      %mul3A_3527 = arith.mulf %div3A_3526, %div3A_3526 : vector<16xf32>
      %mul3A_3528 = arith.constant 0.285714298 : f32
      %mul3A_3529 = vector.broadcast %mul3A_3528 : f32 to vector<16xf32>
      %mul3A_3530 = arith.mulf %mul3A_3527, %mul3A_3529 : vector<16xf32>
      %add3A_3531 = arith.constant 4.000000e-01 : f32
      %add3A_3532 = vector.broadcast %add3A_3531 : f32 to vector<16xf32>
      %add3A_3533 = arith.addf %add3A_3532, %mul3A_3530 : vector<16xf32>
      %mul3A_3534 = arith.mulf %mul3A_3527, %add3A_3533 : vector<16xf32>
      %add3A_3535 = arith.constant 0.666666686 : f32
      %add3A_3536 = vector.broadcast %add3A_3535 : f32 to vector<16xf32>
      %add3A_3537 = arith.addf %add3A_3536, %mul3A_3534 : vector<16xf32>
      %mul3A_3538 = arith.mulf %mul3A_3527, %add3A_3537 : vector<16xf32>
      %add3A_3539 = arith.constant 2.000000e+00 : f32
      %add3A_3540 = vector.broadcast %add3A_3539 : f32 to vector<16xf32>
      %add3A_3541 = arith.addf %add3A_3540, %mul3A_3538 : vector<16xf32>
      %mul3A_3542 = arith.mulf %div3A_3526, %add3A_3541 : vector<16xf32>
      %convert_element_type3A_3543 = arith.sitofp %sub3A_3512 : vector<16xi32> to vector<16xf32>
      %mul3A_3544 = arith.constant 0.693147182 : f32
      %mul3A_3545 = vector.broadcast %mul3A_3544 : f32 to vector<16xf32>
      %mul3A_3546 = arith.mulf %convert_element_type3A_3543, %mul3A_3545 : vector<16xf32>
      %add3A_3547 = arith.addf %mul3A_3546, %mul3A_3542 : vector<16xf32>
      %mul3A_3548 = arith.mulf %mul3A_3499, %add3A_3547 : vector<16xf32>
      %add3A_3549 = arith.addf %add3A_3494, %mul3A_3548 : vector<16xf32>
      %get3A_3550 = arith.constant 880 : index
      %get3A_3551 = tpu.vector_load %arg10[%get3A_3550] {strides = array<i32>} : memref<1024xf32, #tpu.memory_space<vmem>>, vector<16xf32>,
      %mul3A_3552 = arith.constant 3.05175781E-5 : f32
      %mul3A_3553 = vector.broadcast %mul3A_3552 : f32 to vector<16xf32>
      %mul3A_3554 = arith.mulf %get3A_3551, %mul3A_3553 : vector<16xf32>
      %add3A_3555 = arith.constant 9.99999974E-6 : f32
      %add3A_3556 = vector.broadcast %add3A_3555 : f32 to vector<16xf32>
      %add3A_3557 = arith.addf %mul3A_3554, %add3A_3556 : vector<16xf32>
      %bitcast_convert_type3A_3558 = tpu.bitcast %add3A_3557 : vector<16xf32> -> vector<16xi32>
      %shift_right_arithmetic3A_3559 = arith.constant 23 : i32
      %shift_right_arithmetic3A_3560 = vector.broadcast %shift_right_arithmetic3A_3559 : i32 to vector<16xi32>
      %shift_right_arithmetic3A_3561 = arith.shrsi %bitcast_convert_type3A_3558, %shift_right_arithmetic3A_3560 : vector<16xi32>
      %and3A_3562 = arith.constant 255 : i32
      %and3A_3563 = vector.broadcast %and3A_3562 : i32 to vector<16xi32>
      %and3A_3564 = arith.andi %shift_right_arithmetic3A_3561, %and3A_3563 : vector<16xi32>
      %sub3A_3565 = arith.constant 127 : i32
      %sub3A_3566 = vector.broadcast %sub3A_3565 : i32 to vector<16xi32>
      %sub3A_3567 = arith.subi %and3A_3564, %sub3A_3566 : vector<16xi32>
      %and3A_3568 = arith.constant 8388607 : i32
      %and3A_3569 = vector.broadcast %and3A_3568 : i32 to vector<16xi32>
      %and3A_3570 = arith.andi %bitcast_convert_type3A_3558, %and3A_3569 : vector<16xi32>
      %or3A_3571 = arith.constant 1065353216 : i32
      %or3A_3572 = vector.broadcast %or3A_3571 : i32 to vector<16xi32>
      %or3A_3573 = arith.ori %and3A_3570, %or3A_3572 : vector<16xi32>
      %bitcast_convert_type3A_3574 = tpu.bitcast %or3A_3573 : vector<16xi32> -> vector<16xf32>
      %sub3A_3575 = arith.constant 1.000000e+00 : f32
      %sub3A_3576 = vector.broadcast %sub3A_3575 : f32 to vector<16xf32>
      %sub3A_3577 = arith.subf %bitcast_convert_type3A_3574, %sub3A_3576 : vector<16xf32>
      %add3A_3578 = arith.constant 1.000000e+00 : f32
      %add3A_3579 = vector.broadcast %add3A_3578 : f32 to vector<16xf32>
      %add3A_3580 = arith.addf %bitcast_convert_type3A_3574, %add3A_3579 : vector<16xf32>
      %div3A_3581 = arith.divf %sub3A_3577, %add3A_3580 : vector<16xf32>
      %mul3A_3582 = arith.mulf %div3A_3581, %div3A_3581 : vector<16xf32>
      %mul3A_3583 = arith.constant 0.285714298 : f32
      %mul3A_3584 = vector.broadcast %mul3A_3583 : f32 to vector<16xf32>
      %mul3A_3585 = arith.mulf %mul3A_3582, %mul3A_3584 : vector<16xf32>
      %add3A_3586 = arith.constant 4.000000e-01 : f32
      %add3A_3587 = vector.broadcast %add3A_3586 : f32 to vector<16xf32>
      %add3A_3588 = arith.addf %add3A_3587, %mul3A_3585 : vector<16xf32>
      %mul3A_3589 = arith.mulf %mul3A_3582, %add3A_3588 : vector<16xf32>
      %add3A_3590 = arith.constant 0.666666686 : f32
      %add3A_3591 = vector.broadcast %add3A_3590 : f32 to vector<16xf32>
      %add3A_3592 = arith.addf %add3A_3591, %mul3A_3589 : vector<16xf32>
      %mul3A_3593 = arith.mulf %mul3A_3582, %add3A_3592 : vector<16xf32>
      %add3A_3594 = arith.constant 2.000000e+00 : f32
      %add3A_3595 = vector.broadcast %add3A_3594 : f32 to vector<16xf32>
      %add3A_3596 = arith.addf %add3A_3595, %mul3A_3593 : vector<16xf32>
      %mul3A_3597 = arith.mulf %div3A_3581, %add3A_3596 : vector<16xf32>
      %convert_element_type3A_3598 = arith.sitofp %sub3A_3567 : vector<16xi32> to vector<16xf32>
      %mul3A_3599 = arith.constant 0.693147182 : f32
      %mul3A_3600 = vector.broadcast %mul3A_3599 : f32 to vector<16xf32>
      %mul3A_3601 = arith.mulf %convert_element_type3A_3598, %mul3A_3600 : vector<16xf32>
      %add3A_3602 = arith.addf %mul3A_3601, %mul3A_3597 : vector<16xf32>
      %mul3A_3603 = arith.mulf %mul3A_3554, %add3A_3602 : vector<16xf32>
      %add3A_3604 = arith.addf %add3A_3549, %mul3A_3603 : vector<16xf32>
      %get3A_3605 = arith.constant 896 : index
      %get3A_3606 = tpu.vector_load %arg10[%get3A_3605] {strides = array<i32>} : memref<1024xf32, #tpu.memory_space<vmem>>, vector<16xf32>,
      %mul3A_3607 = arith.constant 3.05175781E-5 : f32
      %mul3A_3608 = vector.broadcast %mul3A_3607 : f32 to vector<16xf32>
      %mul3A_3609 = arith.mulf %get3A_3606, %mul3A_3608 : vector<16xf32>
      %add3A_3610 = arith.constant 9.99999974E-6 : f32
      %add3A_3611 = vector.broadcast %add3A_3610 : f32 to vector<16xf32>
      %add3A_3612 = arith.addf %mul3A_3609, %add3A_3611 : vector<16xf32>
      %bitcast_convert_type3A_3613 = tpu.bitcast %add3A_3612 : vector<16xf32> -> vector<16xi32>
      %shift_right_arithmetic3A_3614 = arith.constant 23 : i32
      %shift_right_arithmetic3A_3615 = vector.broadcast %shift_right_arithmetic3A_3614 : i32 to vector<16xi32>
      %shift_right_arithmetic3A_3616 = arith.shrsi %bitcast_convert_type3A_3613, %shift_right_arithmetic3A_3615 : vector<16xi32>
      %and3A_3617 = arith.constant 255 : i32
      %and3A_3618 = vector.broadcast %and3A_3617 : i32 to vector<16xi32>
      %and3A_3619 = arith.andi %shift_right_arithmetic3A_3616, %and3A_3618 : vector<16xi32>
      %sub3A_3620 = arith.constant 127 : i32
      %sub3A_3621 = vector.broadcast %sub3A_3620 : i32 to vector<16xi32>
      %sub3A_3622 = arith.subi %and3A_3619, %sub3A_3621 : vector<16xi32>
      %and3A_3623 = arith.constant 8388607 : i32
      %and3A_3624 = vector.broadcast %and3A_3623 : i32 to vector<16xi32>
      %and3A_3625 = arith.andi %bitcast_convert_type3A_3613, %and3A_3624 : vector<16xi32>
      %or3A_3626 = arith.constant 1065353216 : i32
      %or3A_3627 = vector.broadcast %or3A_3626 : i32 to vector<16xi32>
      %or3A_3628 = arith.ori %and3A_3625, %or3A_3627 : vector<16xi32>
      %bitcast_convert_type3A_3629 = tpu.bitcast %or3A_3628 : vector<16xi32> -> vector<16xf32>
      %sub3A_3630 = arith.constant 1.000000e+00 : f32
      %sub3A_3631 = vector.broadcast %sub3A_3630 : f32 to vector<16xf32>
      %sub3A_3632 = arith.subf %bitcast_convert_type3A_3629, %sub3A_3631 : vector<16xf32>
      %add3A_3633 = arith.constant 1.000000e+00 : f32
      %add3A_3634 = vector.broadcast %add3A_3633 : f32 to vector<16xf32>
      %add3A_3635 = arith.addf %bitcast_convert_type3A_3629, %add3A_3634 : vector<16xf32>
      %div3A_3636 = arith.divf %sub3A_3632, %add3A_3635 : vector<16xf32>
      %mul3A_3637 = arith.mulf %div3A_3636, %div3A_3636 : vector<16xf32>
      %mul3A_3638 = arith.constant 0.285714298 : f32
      %mul3A_3639 = vector.broadcast %mul3A_3638 : f32 to vector<16xf32>
      %mul3A_3640 = arith.mulf %mul3A_3637, %mul3A_3639 : vector<16xf32>
      %add3A_3641 = arith.constant 4.000000e-01 : f32
      %add3A_3642 = vector.broadcast %add3A_3641 : f32 to vector<16xf32>
      %add3A_3643 = arith.addf %add3A_3642, %mul3A_3640 : vector<16xf32>
      %mul3A_3644 = arith.mulf %mul3A_3637, %add3A_3643 : vector<16xf32>
      %add3A_3645 = arith.constant 0.666666686 : f32
      %add3A_3646 = vector.broadcast %add3A_3645 : f32 to vector<16xf32>
      %add3A_3647 = arith.addf %add3A_3646, %mul3A_3644 : vector<16xf32>
      %mul3A_3648 = arith.mulf %mul3A_3637, %add3A_3647 : vector<16xf32>
      %add3A_3649 = arith.constant 2.000000e+00 : f32
      %add3A_3650 = vector.broadcast %add3A_3649 : f32 to vector<16xf32>
      %add3A_3651 = arith.addf %add3A_3650, %mul3A_3648 : vector<16xf32>
      %mul3A_3652 = arith.mulf %div3A_3636, %add3A_3651 : vector<16xf32>
      %convert_element_type3A_3653 = arith.sitofp %sub3A_3622 : vector<16xi32> to vector<16xf32>
      %mul3A_3654 = arith.constant 0.693147182 : f32
      %mul3A_3655 = vector.broadcast %mul3A_3654 : f32 to vector<16xf32>
      %mul3A_3656 = arith.mulf %convert_element_type3A_3653, %mul3A_3655 : vector<16xf32>
      %add3A_3657 = arith.addf %mul3A_3656, %mul3A_3652 : vector<16xf32>
      %mul3A_3658 = arith.mulf %mul3A_3609, %add3A_3657 : vector<16xf32>
      %add3A_3659 = arith.addf %add3A_3604, %mul3A_3658 : vector<16xf32>
      %get3A_3660 = arith.constant 912 : index
      %get3A_3661 = tpu.vector_load %arg10[%get3A_3660] {strides = array<i32>} : memref<1024xf32, #tpu.memory_space<vmem>>, vector<16xf32>,
      %mul3A_3662 = arith.constant 3.05175781E-5 : f32
      %mul3A_3663 = vector.broadcast %mul3A_3662 : f32 to vector<16xf32>
      %mul3A_3664 = arith.mulf %get3A_3661, %mul3A_3663 : vector<16xf32>
      %add3A_3665 = arith.constant 9.99999974E-6 : f32
      %add3A_3666 = vector.broadcast %add3A_3665 : f32 to vector<16xf32>
      %add3A_3667 = arith.addf %mul3A_3664, %add3A_3666 : vector<16xf32>
      %bitcast_convert_type3A_3668 = tpu.bitcast %add3A_3667 : vector<16xf32> -> vector<16xi32>
      %shift_right_arithmetic3A_3669 = arith.constant 23 : i32
      %shift_right_arithmetic3A_3670 = vector.broadcast %shift_right_arithmetic3A_3669 : i32 to vector<16xi32>
      %shift_right_arithmetic3A_3671 = arith.shrsi %bitcast_convert_type3A_3668, %shift_right_arithmetic3A_3670 : vector<16xi32>
      %and3A_3672 = arith.constant 255 : i32
      %and3A_3673 = vector.broadcast %and3A_3672 : i32 to vector<16xi32>
      %and3A_3674 = arith.andi %shift_right_arithmetic3A_3671, %and3A_3673 : vector<16xi32>
      %sub3A_3675 = arith.constant 127 : i32
      %sub3A_3676 = vector.broadcast %sub3A_3675 : i32 to vector<16xi32>
      %sub3A_3677 = arith.subi %and3A_3674, %sub3A_3676 : vector<16xi32>
      %and3A_3678 = arith.constant 8388607 : i32
      %and3A_3679 = vector.broadcast %and3A_3678 : i32 to vector<16xi32>
      %and3A_3680 = arith.andi %bitcast_convert_type3A_3668, %and3A_3679 : vector<16xi32>
      %or3A_3681 = arith.constant 1065353216 : i32
      %or3A_3682 = vector.broadcast %or3A_3681 : i32 to vector<16xi32>
      %or3A_3683 = arith.ori %and3A_3680, %or3A_3682 : vector<16xi32>
      %bitcast_convert_type3A_3684 = tpu.bitcast %or3A_3683 : vector<16xi32> -> vector<16xf32>
      %sub3A_3685 = arith.constant 1.000000e+00 : f32
      %sub3A_3686 = vector.broadcast %sub3A_3685 : f32 to vector<16xf32>
      %sub3A_3687 = arith.subf %bitcast_convert_type3A_3684, %sub3A_3686 : vector<16xf32>
      %add3A_3688 = arith.constant 1.000000e+00 : f32
      %add3A_3689 = vector.broadcast %add3A_3688 : f32 to vector<16xf32>
      %add3A_3690 = arith.addf %bitcast_convert_type3A_3684, %add3A_3689 : vector<16xf32>
      %div3A_3691 = arith.divf %sub3A_3687, %add3A_3690 : vector<16xf32>
      %mul3A_3692 = arith.mulf %div3A_3691, %div3A_3691 : vector<16xf32>
      %mul3A_3693 = arith.constant 0.285714298 : f32
      %mul3A_3694 = vector.broadcast %mul3A_3693 : f32 to vector<16xf32>
      %mul3A_3695 = arith.mulf %mul3A_3692, %mul3A_3694 : vector<16xf32>
      %add3A_3696 = arith.constant 4.000000e-01 : f32
      %add3A_3697 = vector.broadcast %add3A_3696 : f32 to vector<16xf32>
      %add3A_3698 = arith.addf %add3A_3697, %mul3A_3695 : vector<16xf32>
      %mul3A_3699 = arith.mulf %mul3A_3692, %add3A_3698 : vector<16xf32>
      %add3A_3700 = arith.constant 0.666666686 : f32
      %add3A_3701 = vector.broadcast %add3A_3700 : f32 to vector<16xf32>
      %add3A_3702 = arith.addf %add3A_3701, %mul3A_3699 : vector<16xf32>
      %mul3A_3703 = arith.mulf %mul3A_3692, %add3A_3702 : vector<16xf32>
      %add3A_3704 = arith.constant 2.000000e+00 : f32
      %add3A_3705 = vector.broadcast %add3A_3704 : f32 to vector<16xf32>
      %add3A_3706 = arith.addf %add3A_3705, %mul3A_3703 : vector<16xf32>
      %mul3A_3707 = arith.mulf %div3A_3691, %add3A_3706 : vector<16xf32>
      %convert_element_type3A_3708 = arith.sitofp %sub3A_3677 : vector<16xi32> to vector<16xf32>
      %mul3A_3709 = arith.constant 0.693147182 : f32
      %mul3A_3710 = vector.broadcast %mul3A_3709 : f32 to vector<16xf32>
      %mul3A_3711 = arith.mulf %convert_element_type3A_3708, %mul3A_3710 : vector<16xf32>
      %add3A_3712 = arith.addf %mul3A_3711, %mul3A_3707 : vector<16xf32>
      %mul3A_3713 = arith.mulf %mul3A_3664, %add3A_3712 : vector<16xf32>
      %add3A_3714 = arith.addf %add3A_3659, %mul3A_3713 : vector<16xf32>
      %get3A_3715 = arith.constant 928 : index
      %get3A_3716 = tpu.vector_load %arg10[%get3A_3715] {strides = array<i32>} : memref<1024xf32, #tpu.memory_space<vmem>>, vector<16xf32>,
      %mul3A_3717 = arith.constant 3.05175781E-5 : f32
      %mul3A_3718 = vector.broadcast %mul3A_3717 : f32 to vector<16xf32>
      %mul3A_3719 = arith.mulf %get3A_3716, %mul3A_3718 : vector<16xf32>
      %add3A_3720 = arith.constant 9.99999974E-6 : f32
      %add3A_3721 = vector.broadcast %add3A_3720 : f32 to vector<16xf32>
      %add3A_3722 = arith.addf %mul3A_3719, %add3A_3721 : vector<16xf32>
      %bitcast_convert_type3A_3723 = tpu.bitcast %add3A_3722 : vector<16xf32> -> vector<16xi32>
      %shift_right_arithmetic3A_3724 = arith.constant 23 : i32
      %shift_right_arithmetic3A_3725 = vector.broadcast %shift_right_arithmetic3A_3724 : i32 to vector<16xi32>
      %shift_right_arithmetic3A_3726 = arith.shrsi %bitcast_convert_type3A_3723, %shift_right_arithmetic3A_3725 : vector<16xi32>
      %and3A_3727 = arith.constant 255 : i32
      %and3A_3728 = vector.broadcast %and3A_3727 : i32 to vector<16xi32>
      %and3A_3729 = arith.andi %shift_right_arithmetic3A_3726, %and3A_3728 : vector<16xi32>
      %sub3A_3730 = arith.constant 127 : i32
      %sub3A_3731 = vector.broadcast %sub3A_3730 : i32 to vector<16xi32>
      %sub3A_3732 = arith.subi %and3A_3729, %sub3A_3731 : vector<16xi32>
      %and3A_3733 = arith.constant 8388607 : i32
      %and3A_3734 = vector.broadcast %and3A_3733 : i32 to vector<16xi32>
      %and3A_3735 = arith.andi %bitcast_convert_type3A_3723, %and3A_3734 : vector<16xi32>
      %or3A_3736 = arith.constant 1065353216 : i32
      %or3A_3737 = vector.broadcast %or3A_3736 : i32 to vector<16xi32>
      %or3A_3738 = arith.ori %and3A_3735, %or3A_3737 : vector<16xi32>
      %bitcast_convert_type3A_3739 = tpu.bitcast %or3A_3738 : vector<16xi32> -> vector<16xf32>
      %sub3A_3740 = arith.constant 1.000000e+00 : f32
      %sub3A_3741 = vector.broadcast %sub3A_3740 : f32 to vector<16xf32>
      %sub3A_3742 = arith.subf %bitcast_convert_type3A_3739, %sub3A_3741 : vector<16xf32>
      %add3A_3743 = arith.constant 1.000000e+00 : f32
      %add3A_3744 = vector.broadcast %add3A_3743 : f32 to vector<16xf32>
      %add3A_3745 = arith.addf %bitcast_convert_type3A_3739, %add3A_3744 : vector<16xf32>
      %div3A_3746 = arith.divf %sub3A_3742, %add3A_3745 : vector<16xf32>
      %mul3A_3747 = arith.mulf %div3A_3746, %div3A_3746 : vector<16xf32>
      %mul3A_3748 = arith.constant 0.285714298 : f32
      %mul3A_3749 = vector.broadcast %mul3A_3748 : f32 to vector<16xf32>
      %mul3A_3750 = arith.mulf %mul3A_3747, %mul3A_3749 : vector<16xf32>
      %add3A_3751 = arith.constant 4.000000e-01 : f32
      %add3A_3752 = vector.broadcast %add3A_3751 : f32 to vector<16xf32>
      %add3A_3753 = arith.addf %add3A_3752, %mul3A_3750 : vector<16xf32>
      %mul3A_3754 = arith.mulf %mul3A_3747, %add3A_3753 : vector<16xf32>
      %add3A_3755 = arith.constant 0.666666686 : f32
      %add3A_3756 = vector.broadcast %add3A_3755 : f32 to vector<16xf32>
      %add3A_3757 = arith.addf %add3A_3756, %mul3A_3754 : vector<16xf32>
      %mul3A_3758 = arith.mulf %mul3A_3747, %add3A_3757 : vector<16xf32>
      %add3A_3759 = arith.constant 2.000000e+00 : f32
      %add3A_3760 = vector.broadcast %add3A_3759 : f32 to vector<16xf32>
      %add3A_3761 = arith.addf %add3A_3760, %mul3A_3758 : vector<16xf32>
      %mul3A_3762 = arith.mulf %div3A_3746, %add3A_3761 : vector<16xf32>
      %convert_element_type3A_3763 = arith.sitofp %sub3A_3732 : vector<16xi32> to vector<16xf32>
      %mul3A_3764 = arith.constant 0.693147182 : f32
      %mul3A_3765 = vector.broadcast %mul3A_3764 : f32 to vector<16xf32>
      %mul3A_3766 = arith.mulf %convert_element_type3A_3763, %mul3A_3765 : vector<16xf32>
      %add3A_3767 = arith.addf %mul3A_3766, %mul3A_3762 : vector<16xf32>
      %mul3A_3768 = arith.mulf %mul3A_3719, %add3A_3767 : vector<16xf32>
      %add3A_3769 = arith.addf %add3A_3714, %mul3A_3768 : vector<16xf32>
      %get3A_3770 = arith.constant 944 : index
      %get3A_3771 = tpu.vector_load %arg10[%get3A_3770] {strides = array<i32>} : memref<1024xf32, #tpu.memory_space<vmem>>, vector<16xf32>,
      %mul3A_3772 = arith.constant 3.05175781E-5 : f32
      %mul3A_3773 = vector.broadcast %mul3A_3772 : f32 to vector<16xf32>
      %mul3A_3774 = arith.mulf %get3A_3771, %mul3A_3773 : vector<16xf32>
      %add3A_3775 = arith.constant 9.99999974E-6 : f32
      %add3A_3776 = vector.broadcast %add3A_3775 : f32 to vector<16xf32>
      %add3A_3777 = arith.addf %mul3A_3774, %add3A_3776 : vector<16xf32>
      %bitcast_convert_type3A_3778 = tpu.bitcast %add3A_3777 : vector<16xf32> -> vector<16xi32>
      %shift_right_arithmetic3A_3779 = arith.constant 23 : i32
      %shift_right_arithmetic3A_3780 = vector.broadcast %shift_right_arithmetic3A_3779 : i32 to vector<16xi32>
      %shift_right_arithmetic3A_3781 = arith.shrsi %bitcast_convert_type3A_3778, %shift_right_arithmetic3A_3780 : vector<16xi32>
      %and3A_3782 = arith.constant 255 : i32
      %and3A_3783 = vector.broadcast %and3A_3782 : i32 to vector<16xi32>
      %and3A_3784 = arith.andi %shift_right_arithmetic3A_3781, %and3A_3783 : vector<16xi32>
      %sub3A_3785 = arith.constant 127 : i32
      %sub3A_3786 = vector.broadcast %sub3A_3785 : i32 to vector<16xi32>
      %sub3A_3787 = arith.subi %and3A_3784, %sub3A_3786 : vector<16xi32>
      %and3A_3788 = arith.constant 8388607 : i32
      %and3A_3789 = vector.broadcast %and3A_3788 : i32 to vector<16xi32>
      %and3A_3790 = arith.andi %bitcast_convert_type3A_3778, %and3A_3789 : vector<16xi32>
      %or3A_3791 = arith.constant 1065353216 : i32
      %or3A_3792 = vector.broadcast %or3A_3791 : i32 to vector<16xi32>
      %or3A_3793 = arith.ori %and3A_3790, %or3A_3792 : vector<16xi32>
      %bitcast_convert_type3A_3794 = tpu.bitcast %or3A_3793 : vector<16xi32> -> vector<16xf32>
      %sub3A_3795 = arith.constant 1.000000e+00 : f32
      %sub3A_3796 = vector.broadcast %sub3A_3795 : f32 to vector<16xf32>
      %sub3A_3797 = arith.subf %bitcast_convert_type3A_3794, %sub3A_3796 : vector<16xf32>
      %add3A_3798 = arith.constant 1.000000e+00 : f32
      %add3A_3799 = vector.broadcast %add3A_3798 : f32 to vector<16xf32>
      %add3A_3800 = arith.addf %bitcast_convert_type3A_3794, %add3A_3799 : vector<16xf32>
      %div3A_3801 = arith.divf %sub3A_3797, %add3A_3800 : vector<16xf32>
      %mul3A_3802 = arith.mulf %div3A_3801, %div3A_3801 : vector<16xf32>
      %mul3A_3803 = arith.constant 0.285714298 : f32
      %mul3A_3804 = vector.broadcast %mul3A_3803 : f32 to vector<16xf32>
      %mul3A_3805 = arith.mulf %mul3A_3802, %mul3A_3804 : vector<16xf32>
      %add3A_3806 = arith.constant 4.000000e-01 : f32
      %add3A_3807 = vector.broadcast %add3A_3806 : f32 to vector<16xf32>
      %add3A_3808 = arith.addf %add3A_3807, %mul3A_3805 : vector<16xf32>
      %mul3A_3809 = arith.mulf %mul3A_3802, %add3A_3808 : vector<16xf32>
      %add3A_3810 = arith.constant 0.666666686 : f32
      %add3A_3811 = vector.broadcast %add3A_3810 : f32 to vector<16xf32>
      %add3A_3812 = arith.addf %add3A_3811, %mul3A_3809 : vector<16xf32>
      %mul3A_3813 = arith.mulf %mul3A_3802, %add3A_3812 : vector<16xf32>
      %add3A_3814 = arith.constant 2.000000e+00 : f32
      %add3A_3815 = vector.broadcast %add3A_3814 : f32 to vector<16xf32>
      %add3A_3816 = arith.addf %add3A_3815, %mul3A_3813 : vector<16xf32>
      %mul3A_3817 = arith.mulf %div3A_3801, %add3A_3816 : vector<16xf32>
      %convert_element_type3A_3818 = arith.sitofp %sub3A_3787 : vector<16xi32> to vector<16xf32>
      %mul3A_3819 = arith.constant 0.693147182 : f32
      %mul3A_3820 = vector.broadcast %mul3A_3819 : f32 to vector<16xf32>
      %mul3A_3821 = arith.mulf %convert_element_type3A_3818, %mul3A_3820 : vector<16xf32>
      %add3A_3822 = arith.addf %mul3A_3821, %mul3A_3817 : vector<16xf32>
      %mul3A_3823 = arith.mulf %mul3A_3774, %add3A_3822 : vector<16xf32>
      %add3A_3824 = arith.addf %add3A_3769, %mul3A_3823 : vector<16xf32>
      %get3A_3825 = arith.constant 960 : index
      %get3A_3826 = tpu.vector_load %arg10[%get3A_3825] {strides = array<i32>} : memref<1024xf32, #tpu.memory_space<vmem>>, vector<16xf32>,
      %mul3A_3827 = arith.constant 3.05175781E-5 : f32
      %mul3A_3828 = vector.broadcast %mul3A_3827 : f32 to vector<16xf32>
      %mul3A_3829 = arith.mulf %get3A_3826, %mul3A_3828 : vector<16xf32>
      %add3A_3830 = arith.constant 9.99999974E-6 : f32
      %add3A_3831 = vector.broadcast %add3A_3830 : f32 to vector<16xf32>
      %add3A_3832 = arith.addf %mul3A_3829, %add3A_3831 : vector<16xf32>
      %bitcast_convert_type3A_3833 = tpu.bitcast %add3A_3832 : vector<16xf32> -> vector<16xi32>
      %shift_right_arithmetic3A_3834 = arith.constant 23 : i32
      %shift_right_arithmetic3A_3835 = vector.broadcast %shift_right_arithmetic3A_3834 : i32 to vector<16xi32>
      %shift_right_arithmetic3A_3836 = arith.shrsi %bitcast_convert_type3A_3833, %shift_right_arithmetic3A_3835 : vector<16xi32>
      %and3A_3837 = arith.constant 255 : i32
      %and3A_3838 = vector.broadcast %and3A_3837 : i32 to vector<16xi32>
      %and3A_3839 = arith.andi %shift_right_arithmetic3A_3836, %and3A_3838 : vector<16xi32>
      %sub3A_3840 = arith.constant 127 : i32
      %sub3A_3841 = vector.broadcast %sub3A_3840 : i32 to vector<16xi32>
      %sub3A_3842 = arith.subi %and3A_3839, %sub3A_3841 : vector<16xi32>
      %and3A_3843 = arith.constant 8388607 : i32
      %and3A_3844 = vector.broadcast %and3A_3843 : i32 to vector<16xi32>
      %and3A_3845 = arith.andi %bitcast_convert_type3A_3833, %and3A_3844 : vector<16xi32>
      %or3A_3846 = arith.constant 1065353216 : i32
      %or3A_3847 = vector.broadcast %or3A_3846 : i32 to vector<16xi32>
      %or3A_3848 = arith.ori %and3A_3845, %or3A_3847 : vector<16xi32>
      %bitcast_convert_type3A_3849 = tpu.bitcast %or3A_3848 : vector<16xi32> -> vector<16xf32>
      %sub3A_3850 = arith.constant 1.000000e+00 : f32
      %sub3A_3851 = vector.broadcast %sub3A_3850 : f32 to vector<16xf32>
      %sub3A_3852 = arith.subf %bitcast_convert_type3A_3849, %sub3A_3851 : vector<16xf32>
      %add3A_3853 = arith.constant 1.000000e+00 : f32
      %add3A_3854 = vector.broadcast %add3A_3853 : f32 to vector<16xf32>
      %add3A_3855 = arith.addf %bitcast_convert_type3A_3849, %add3A_3854 : vector<16xf32>
      %div3A_3856 = arith.divf %sub3A_3852, %add3A_3855 : vector<16xf32>
      %mul3A_3857 = arith.mulf %div3A_3856, %div3A_3856 : vector<16xf32>
      %mul3A_3858 = arith.constant 0.285714298 : f32
      %mul3A_3859 = vector.broadcast %mul3A_3858 : f32 to vector<16xf32>
      %mul3A_3860 = arith.mulf %mul3A_3857, %mul3A_3859 : vector<16xf32>
      %add3A_3861 = arith.constant 4.000000e-01 : f32
      %add3A_3862 = vector.broadcast %add3A_3861 : f32 to vector<16xf32>
      %add3A_3863 = arith.addf %add3A_3862, %mul3A_3860 : vector<16xf32>
      %mul3A_3864 = arith.mulf %mul3A_3857, %add3A_3863 : vector<16xf32>
      %add3A_3865 = arith.constant 0.666666686 : f32
      %add3A_3866 = vector.broadcast %add3A_3865 : f32 to vector<16xf32>
      %add3A_3867 = arith.addf %add3A_3866, %mul3A_3864 : vector<16xf32>
      %mul3A_3868 = arith.mulf %mul3A_3857, %add3A_3867 : vector<16xf32>
      %add3A_3869 = arith.constant 2.000000e+00 : f32
      %add3A_3870 = vector.broadcast %add3A_3869 : f32 to vector<16xf32>
      %add3A_3871 = arith.addf %add3A_3870, %mul3A_3868 : vector<16xf32>
      %mul3A_3872 = arith.mulf %div3A_3856, %add3A_3871 : vector<16xf32>
      %convert_element_type3A_3873 = arith.sitofp %sub3A_3842 : vector<16xi32> to vector<16xf32>
      %mul3A_3874 = arith.constant 0.693147182 : f32
      %mul3A_3875 = vector.broadcast %mul3A_3874 : f32 to vector<16xf32>
      %mul3A_3876 = arith.mulf %convert_element_type3A_3873, %mul3A_3875 : vector<16xf32>
      %add3A_3877 = arith.addf %mul3A_3876, %mul3A_3872 : vector<16xf32>
      %mul3A_3878 = arith.mulf %mul3A_3829, %add3A_3877 : vector<16xf32>
      %add3A_3879 = arith.addf %add3A_3824, %mul3A_3878 : vector<16xf32>
      %get3A_3880 = arith.constant 976 : index
      %get3A_3881 = tpu.vector_load %arg10[%get3A_3880] {strides = array<i32>} : memref<1024xf32, #tpu.memory_space<vmem>>, vector<16xf32>,
      %mul3A_3882 = arith.constant 3.05175781E-5 : f32
      %mul3A_3883 = vector.broadcast %mul3A_3882 : f32 to vector<16xf32>
      %mul3A_3884 = arith.mulf %get3A_3881, %mul3A_3883 : vector<16xf32>
      %add3A_3885 = arith.constant 9.99999974E-6 : f32
      %add3A_3886 = vector.broadcast %add3A_3885 : f32 to vector<16xf32>
      %add3A_3887 = arith.addf %mul3A_3884, %add3A_3886 : vector<16xf32>
      %bitcast_convert_type3A_3888 = tpu.bitcast %add3A_3887 : vector<16xf32> -> vector<16xi32>
      %shift_right_arithmetic3A_3889 = arith.constant 23 : i32
      %shift_right_arithmetic3A_3890 = vector.broadcast %shift_right_arithmetic3A_3889 : i32 to vector<16xi32>
      %shift_right_arithmetic3A_3891 = arith.shrsi %bitcast_convert_type3A_3888, %shift_right_arithmetic3A_3890 : vector<16xi32>
      %and3A_3892 = arith.constant 255 : i32
      %and3A_3893 = vector.broadcast %and3A_3892 : i32 to vector<16xi32>
      %and3A_3894 = arith.andi %shift_right_arithmetic3A_3891, %and3A_3893 : vector<16xi32>
      %sub3A_3895 = arith.constant 127 : i32
      %sub3A_3896 = vector.broadcast %sub3A_3895 : i32 to vector<16xi32>
      %sub3A_3897 = arith.subi %and3A_3894, %sub3A_3896 : vector<16xi32>
      %and3A_3898 = arith.constant 8388607 : i32
      %and3A_3899 = vector.broadcast %and3A_3898 : i32 to vector<16xi32>
      %and3A_3900 = arith.andi %bitcast_convert_type3A_3888, %and3A_3899 : vector<16xi32>
      %or3A_3901 = arith.constant 1065353216 : i32
      %or3A_3902 = vector.broadcast %or3A_3901 : i32 to vector<16xi32>
      %or3A_3903 = arith.ori %and3A_3900, %or3A_3902 : vector<16xi32>
      %bitcast_convert_type3A_3904 = tpu.bitcast %or3A_3903 : vector<16xi32> -> vector<16xf32>
      %sub3A_3905 = arith.constant 1.000000e+00 : f32
      %sub3A_3906 = vector.broadcast %sub3A_3905 : f32 to vector<16xf32>
      %sub3A_3907 = arith.subf %bitcast_convert_type3A_3904, %sub3A_3906 : vector<16xf32>
      %add3A_3908 = arith.constant 1.000000e+00 : f32
      %add3A_3909 = vector.broadcast %add3A_3908 : f32 to vector<16xf32>
      %add3A_3910 = arith.addf %bitcast_convert_type3A_3904, %add3A_3909 : vector<16xf32>
      %div3A_3911 = arith.divf %sub3A_3907, %add3A_3910 : vector<16xf32>
      %mul3A_3912 = arith.mulf %div3A_3911, %div3A_3911 : vector<16xf32>
      %mul3A_3913 = arith.constant 0.285714298 : f32
      %mul3A_3914 = vector.broadcast %mul3A_3913 : f32 to vector<16xf32>
      %mul3A_3915 = arith.mulf %mul3A_3912, %mul3A_3914 : vector<16xf32>
      %add3A_3916 = arith.constant 4.000000e-01 : f32
      %add3A_3917 = vector.broadcast %add3A_3916 : f32 to vector<16xf32>
      %add3A_3918 = arith.addf %add3A_3917, %mul3A_3915 : vector<16xf32>
      %mul3A_3919 = arith.mulf %mul3A_3912, %add3A_3918 : vector<16xf32>
      %add3A_3920 = arith.constant 0.666666686 : f32
      %add3A_3921 = vector.broadcast %add3A_3920 : f32 to vector<16xf32>
      %add3A_3922 = arith.addf %add3A_3921, %mul3A_3919 : vector<16xf32>
      %mul3A_3923 = arith.mulf %mul3A_3912, %add3A_3922 : vector<16xf32>
      %add3A_3924 = arith.constant 2.000000e+00 : f32
      %add3A_3925 = vector.broadcast %add3A_3924 : f32 to vector<16xf32>
      %add3A_3926 = arith.addf %add3A_3925, %mul3A_3923 : vector<16xf32>
      %mul3A_3927 = arith.mulf %div3A_3911, %add3A_3926 : vector<16xf32>
      %convert_element_type3A_3928 = arith.sitofp %sub3A_3897 : vector<16xi32> to vector<16xf32>
      %mul3A_3929 = arith.constant 0.693147182 : f32
      %mul3A_3930 = vector.broadcast %mul3A_3929 : f32 to vector<16xf32>
      %mul3A_3931 = arith.mulf %convert_element_type3A_3928, %mul3A_3930 : vector<16xf32>
      %add3A_3932 = arith.addf %mul3A_3931, %mul3A_3927 : vector<16xf32>
      %mul3A_3933 = arith.mulf %mul3A_3884, %add3A_3932 : vector<16xf32>
      %add3A_3934 = arith.addf %add3A_3879, %mul3A_3933 : vector<16xf32>
      %get3A_3935 = arith.constant 992 : index
      %get3A_3936 = tpu.vector_load %arg10[%get3A_3935] {strides = array<i32>} : memref<1024xf32, #tpu.memory_space<vmem>>, vector<16xf32>,
      %mul3A_3937 = arith.constant 3.05175781E-5 : f32
      %mul3A_3938 = vector.broadcast %mul3A_3937 : f32 to vector<16xf32>
      %mul3A_3939 = arith.mulf %get3A_3936, %mul3A_3938 : vector<16xf32>
      %add3A_3940 = arith.constant 9.99999974E-6 : f32
      %add3A_3941 = vector.broadcast %add3A_3940 : f32 to vector<16xf32>
      %add3A_3942 = arith.addf %mul3A_3939, %add3A_3941 : vector<16xf32>
      %bitcast_convert_type3A_3943 = tpu.bitcast %add3A_3942 : vector<16xf32> -> vector<16xi32>
      %shift_right_arithmetic3A_3944 = arith.constant 23 : i32
      %shift_right_arithmetic3A_3945 = vector.broadcast %shift_right_arithmetic3A_3944 : i32 to vector<16xi32>
      %shift_right_arithmetic3A_3946 = arith.shrsi %bitcast_convert_type3A_3943, %shift_right_arithmetic3A_3945 : vector<16xi32>
      %and3A_3947 = arith.constant 255 : i32
      %and3A_3948 = vector.broadcast %and3A_3947 : i32 to vector<16xi32>
      %and3A_3949 = arith.andi %shift_right_arithmetic3A_3946, %and3A_3948 : vector<16xi32>
      %sub3A_3950 = arith.constant 127 : i32
      %sub3A_3951 = vector.broadcast %sub3A_3950 : i32 to vector<16xi32>
      %sub3A_3952 = arith.subi %and3A_3949, %sub3A_3951 : vector<16xi32>
      %and3A_3953 = arith.constant 8388607 : i32
      %and3A_3954 = vector.broadcast %and3A_3953 : i32 to vector<16xi32>
      %and3A_3955 = arith.andi %bitcast_convert_type3A_3943, %and3A_3954 : vector<16xi32>
      %or3A_3956 = arith.constant 1065353216 : i32
      %or3A_3957 = vector.broadcast %or3A_3956 : i32 to vector<16xi32>
      %or3A_3958 = arith.ori %and3A_3955, %or3A_3957 : vector<16xi32>
      %bitcast_convert_type3A_3959 = tpu.bitcast %or3A_3958 : vector<16xi32> -> vector<16xf32>
      %sub3A_3960 = arith.constant 1.000000e+00 : f32
      %sub3A_3961 = vector.broadcast %sub3A_3960 : f32 to vector<16xf32>
      %sub3A_3962 = arith.subf %bitcast_convert_type3A_3959, %sub3A_3961 : vector<16xf32>
      %add3A_3963 = arith.constant 1.000000e+00 : f32
      %add3A_3964 = vector.broadcast %add3A_3963 : f32 to vector<16xf32>
      %add3A_3965 = arith.addf %bitcast_convert_type3A_3959, %add3A_3964 : vector<16xf32>
      %div3A_3966 = arith.divf %sub3A_3962, %add3A_3965 : vector<16xf32>
      %mul3A_3967 = arith.mulf %div3A_3966, %div3A_3966 : vector<16xf32>
      %mul3A_3968 = arith.constant 0.285714298 : f32
      %mul3A_3969 = vector.broadcast %mul3A_3968 : f32 to vector<16xf32>
      %mul3A_3970 = arith.mulf %mul3A_3967, %mul3A_3969 : vector<16xf32>
      %add3A_3971 = arith.constant 4.000000e-01 : f32
      %add3A_3972 = vector.broadcast %add3A_3971 : f32 to vector<16xf32>
      %add3A_3973 = arith.addf %add3A_3972, %mul3A_3970 : vector<16xf32>
      %mul3A_3974 = arith.mulf %mul3A_3967, %add3A_3973 : vector<16xf32>
      %add3A_3975 = arith.constant 0.666666686 : f32
      %add3A_3976 = vector.broadcast %add3A_3975 : f32 to vector<16xf32>
      %add3A_3977 = arith.addf %add3A_3976, %mul3A_3974 : vector<16xf32>
      %mul3A_3978 = arith.mulf %mul3A_3967, %add3A_3977 : vector<16xf32>
      %add3A_3979 = arith.constant 2.000000e+00 : f32
      %add3A_3980 = vector.broadcast %add3A_3979 : f32 to vector<16xf32>
      %add3A_3981 = arith.addf %add3A_3980, %mul3A_3978 : vector<16xf32>
      %mul3A_3982 = arith.mulf %div3A_3966, %add3A_3981 : vector<16xf32>
      %convert_element_type3A_3983 = arith.sitofp %sub3A_3952 : vector<16xi32> to vector<16xf32>
      %mul3A_3984 = arith.constant 0.693147182 : f32
      %mul3A_3985 = vector.broadcast %mul3A_3984 : f32 to vector<16xf32>
      %mul3A_3986 = arith.mulf %convert_element_type3A_3983, %mul3A_3985 : vector<16xf32>
      %add3A_3987 = arith.addf %mul3A_3986, %mul3A_3982 : vector<16xf32>
      %mul3A_3988 = arith.mulf %mul3A_3939, %add3A_3987 : vector<16xf32>
      %add3A_3989 = arith.addf %add3A_3934, %mul3A_3988 : vector<16xf32>
      %get3A_3990 = arith.constant 1008 : index
      %get3A_3991 = tpu.vector_load %arg10[%get3A_3990] {strides = array<i32>} : memref<1024xf32, #tpu.memory_space<vmem>>, vector<16xf32>,
      %mul3A_3992 = arith.constant 3.05175781E-5 : f32
      %mul3A_3993 = vector.broadcast %mul3A_3992 : f32 to vector<16xf32>
      %mul3A_3994 = arith.mulf %get3A_3991, %mul3A_3993 : vector<16xf32>
      %add3A_3995 = arith.constant 9.99999974E-6 : f32
      %add3A_3996 = vector.broadcast %add3A_3995 : f32 to vector<16xf32>
      %add3A_3997 = arith.addf %mul3A_3994, %add3A_3996 : vector<16xf32>
      %bitcast_convert_type3A_3998 = tpu.bitcast %add3A_3997 : vector<16xf32> -> vector<16xi32>
      %shift_right_arithmetic3A_3999 = arith.constant 23 : i32
      %shift_right_arithmetic3A_4000 = vector.broadcast %shift_right_arithmetic3A_3999 : i32 to vector<16xi32>
      %shift_right_arithmetic3A_4001 = arith.shrsi %bitcast_convert_type3A_3998, %shift_right_arithmetic3A_4000 : vector<16xi32>
      %and3A_4002 = arith.constant 255 : i32
      %and3A_4003 = vector.broadcast %and3A_4002 : i32 to vector<16xi32>
      %and3A_4004 = arith.andi %shift_right_arithmetic3A_4001, %and3A_4003 : vector<16xi32>
      %sub3A_4005 = arith.constant 127 : i32
      %sub3A_4006 = vector.broadcast %sub3A_4005 : i32 to vector<16xi32>
      %sub3A_4007 = arith.subi %and3A_4004, %sub3A_4006 : vector<16xi32>
      %and3A_4008 = arith.constant 8388607 : i32
      %and3A_4009 = vector.broadcast %and3A_4008 : i32 to vector<16xi32>
      %and3A_4010 = arith.andi %bitcast_convert_type3A_3998, %and3A_4009 : vector<16xi32>
      %or3A_4011 = arith.constant 1065353216 : i32
      %or3A_4012 = vector.broadcast %or3A_4011 : i32 to vector<16xi32>
      %or3A_4013 = arith.ori %and3A_4010, %or3A_4012 : vector<16xi32>
      %bitcast_convert_type3A_4014 = tpu.bitcast %or3A_4013 : vector<16xi32> -> vector<16xf32>
      %sub3A_4015 = arith.constant 1.000000e+00 : f32
      %sub3A_4016 = vector.broadcast %sub3A_4015 : f32 to vector<16xf32>
      %sub3A_4017 = arith.subf %bitcast_convert_type3A_4014, %sub3A_4016 : vector<16xf32>
      %add3A_4018 = arith.constant 1.000000e+00 : f32
      %add3A_4019 = vector.broadcast %add3A_4018 : f32 to vector<16xf32>
      %add3A_4020 = arith.addf %bitcast_convert_type3A_4014, %add3A_4019 : vector<16xf32>
      %div3A_4021 = arith.divf %sub3A_4017, %add3A_4020 : vector<16xf32>
      %mul3A_4022 = arith.mulf %div3A_4021, %div3A_4021 : vector<16xf32>
      %mul3A_4023 = arith.constant 0.285714298 : f32
      %mul3A_4024 = vector.broadcast %mul3A_4023 : f32 to vector<16xf32>
      %mul3A_4025 = arith.mulf %mul3A_4022, %mul3A_4024 : vector<16xf32>
      %add3A_4026 = arith.constant 4.000000e-01 : f32
      %add3A_4027 = vector.broadcast %add3A_4026 : f32 to vector<16xf32>
      %add3A_4028 = arith.addf %add3A_4027, %mul3A_4025 : vector<16xf32>
      %mul3A_4029 = arith.mulf %mul3A_4022, %add3A_4028 : vector<16xf32>
      %add3A_4030 = arith.constant 0.666666686 : f32
      %add3A_4031 = vector.broadcast %add3A_4030 : f32 to vector<16xf32>
      %add3A_4032 = arith.addf %add3A_4031, %mul3A_4029 : vector<16xf32>
      %mul3A_4033 = arith.mulf %mul3A_4022, %add3A_4032 : vector<16xf32>
      %add3A_4034 = arith.constant 2.000000e+00 : f32
      %add3A_4035 = vector.broadcast %add3A_4034 : f32 to vector<16xf32>
      %add3A_4036 = arith.addf %add3A_4035, %mul3A_4033 : vector<16xf32>
      %mul3A_4037 = arith.mulf %div3A_4021, %add3A_4036 : vector<16xf32>
      %convert_element_type3A_4038 = arith.sitofp %sub3A_4007 : vector<16xi32> to vector<16xf32>
      %mul3A_4039 = arith.constant 0.693147182 : f32
      %mul3A_4040 = vector.broadcast %mul3A_4039 : f32 to vector<16xf32>
      %mul3A_4041 = arith.mulf %convert_element_type3A_4038, %mul3A_4040 : vector<16xf32>
      %add3A_4042 = arith.addf %mul3A_4041, %mul3A_4037 : vector<16xf32>
      %mul3A_4043 = arith.mulf %mul3A_3994, %add3A_4042 : vector<16xf32>
      %add3A_4044 = arith.addf %add3A_3989, %mul3A_4043 : vector<16xf32>
      %reduce_sum3A = arith.constant true
      %reduce_sum3A_4045 = vector.broadcast %reduce_sum3A : i1 to vector<16xi1>
      %reduce_sum3A_4046 = tpu.scan <sum>, %add3A_4044 masked %reduce_sum3A_4045 : vector<16xf32>, vector<16xi1> -> vector<16xf32>
      %reduce_sum3A_4047 = vector.extract %reduce_sum3A_4046[15] : f32 from vector<16xf32>
      %neg3A = arith.constant 0.000000e+00 : f32
      %neg3A_4048 = arith.subf %neg3A, %reduce_sum3A_4047 : f32
      %broadcast_in_dim3A_4049 = vector.broadcast %neg3A_4048 : f32 to vector<16xf32>
      %exp3A = math.exp %broadcast_in_dim3A_4049 : vector<16xf32>
      %swap3A_4050 = arith.constant 0 : index
      %swap3A_4051 = tpu.vector_load %arg12[%swap3A_4050] {strides = array<i32>} : memref<16xf32, #tpu.memory_space<vmem>>, vector<16xf32>,
      tpu.vector_store %arg12[%swap3A_4050], %exp3A {strides = array<i32>} : memref<16xf32, #tpu.memory_space<vmem>>, vector<16xf32>,
      "tpu.region"() ({
        %run_scoped3A = tpu.sem_alloc : memref<!tpu.dma_semaphore, #tpu.memory_space<semaphore_mem>>
        tpu.enqueue_dma source(%arg12 : memref<16xf32, #tpu.memory_space<vmem>>) target(%arg5 : memref<16xf32, #tpu.memory_space<hbm>>) target_semaphore(%run_scoped3A : memref<!tpu.dma_semaphore, #tpu.memory_space<semaphore_mem>>)
        tpu.wait_dma2 semaphore(%run_scoped3A : memref<!tpu.dma_semaphore, #tpu.memory_space<semaphore_mem>>) src(%arg12 : memref<16xf32, #tpu.memory_space<vmem>>) dst(%arg5 : memref<16xf32, #tpu.memory_space<hbm>>)
        tpu.yield
      }) : () -> ()
    } else {
    }
    return
  }
}

module attributes {stable_mosaic.version = 14 : i64} {
  func.func @_vq_body(%arg0: i32, %arg1: memref<4096x32xf32, #tpu.memory_space<vmem>>, %arg2: memref<1024x32xf32, #tpu.memory_space<vmem>>, %arg3: memref<1x4096xf32, #tpu.memory_space<vmem>>, %arg4: memref<1024x1xf32, #tpu.memory_space<vmem>>, %arg5: memref<1x1x4096xi32, #tpu.memory_space<vmem>>, %arg6: memref<1x1xf32, #tpu.memory_space<smem>>) attributes {dimension_semantics = [#tpu.dimension_semantics<arbitrary>], iteration_bounds = array<i64: 8>, scalar_prefetch = 0 : i64, scratch_operands = 0 : i64, tpu.core_type = #tpu.core_type<tc>, window_params = [{transform_indices = @transform_0, window_bounds = array<i64: 4096, 32>}, {pipeline_mode = #tpu.pipeline_mode<synchronous>, transform_indices = @transform_1, window_bounds = array<i64: 1024, 32>}, {transform_indices = @transform_2, window_bounds = array<i64: 1, 4096>}, {pipeline_mode = #tpu.pipeline_mode<synchronous>, transform_indices = @transform_3, window_bounds = array<i64: 1024, 1>}, {transform_indices = @transform_4, window_bounds = array<i64: 1, 1, 4096>}, {transform_indices = @transform_5, window_bounds = array<i64: 1, 1>}]} {
    %get3A = arith.constant 0 : index
    %get3A_0 = arith.constant 0 : index
    %get3A_1 = vector.load %arg1[%get3A, %get3A_0] : memref<4096x32xf32, #tpu.memory_space<vmem>>, vector<4096x32xf32>
    %get3A_2 = arith.constant 0 : index
    %get3A_3 = arith.constant 0 : index
    %get3A_4 = vector.load %arg2[%get3A_2, %get3A_3] : memref<1024x32xf32, #tpu.memory_space<vmem>>, vector<1024x32xf32>
    %dot_general3A = arith.constant dense<0.000000e+00> : vector<1024x4096xf32>
    %dot_general3A_5 = tpu.matmul %get3A_4, %get3A_1, %dot_general3A {dimension_numbers = #tpu.dot_dimension_numbers<[1], [1], [0], [0], [0, 0, 1, 0], [], []>, transpose_lhs_hint = false} : vector<1024x32xf32>, vector<4096x32xf32>, vector<1024x4096xf32> -> vector<1024x4096xf32>
    %get3A_6 = arith.constant 0 : index
    %get3A_7 = arith.constant 0 : index
    %get3A_8 = vector.load %arg3[%get3A_6, %get3A_7] : memref<1x4096xf32, #tpu.memory_space<vmem>>, vector<1x4096xf32>
    %get3A_9 = arith.constant 0 : index
    %get3A_10 = arith.constant 0 : index
    %get3A_11 = vector.load %arg4[%get3A_9, %get3A_10] : memref<1024x1xf32, #tpu.memory_space<vmem>>, vector<1024x1xf32>
    %add3A = vector.broadcast %get3A_8 : vector<1x4096xf32> to vector<1024x4096xf32>
    %add3A_12 = vector.broadcast %get3A_11 : vector<1024x1xf32> to vector<1024x4096xf32>
    %add3A_13 = arith.addf %add3A, %add3A_12 : vector<1024x4096xf32>
    %mul3A = arith.constant 2.000000e+00 : f32
    %mul3A_14 = vector.broadcast %mul3A : f32 to vector<1024x4096xf32>
    %mul3A_15 = arith.mulf %mul3A_14, %dot_general3A_5 : vector<1024x4096xf32>
    %sub3A = arith.subf %add3A_13, %mul3A_15 : vector<1024x4096xf32>
    %reduce_min3A = arith.constant dense<0x7F800000> : vector<4096xf32>
    %reduce_min3A_16 = vector.multi_reduction <minimumf>, %sub3A, %reduce_min3A [0] : vector<1024x4096xf32> to vector<4096xf32>
    %broadcast_in_dim3A = vector.shape_cast %reduce_min3A_16 : vector<4096xf32> to vector<1x4096xf32>
    %iota3A = tpu.iota {dimensions = array<i32: 0>} : vector<1024x4096xi32>
    %eq3A = vector.broadcast %broadcast_in_dim3A : vector<1x4096xf32> to vector<1024x4096xf32>
    %eq3A_17 = arith.cmpf oeq, %sub3A, %eq3A : vector<1024x4096xf32>
    %jit3A = arith.constant 1024 : i32
    %broadcast_in_dim3A_18 = vector.broadcast %jit3A : i32 to vector<1024x4096xi32>
    %select_n3A = arith.select %eq3A_17, %iota3A, %broadcast_in_dim3A_18 : vector<1024x4096xi1>, vector<1024x4096xi32>
    %reduce_min3A_19 = arith.constant dense<2147483647> : vector<4096xi32>
    %reduce_min3A_20 = vector.multi_reduction <minsi>, %select_n3A, %reduce_min3A_19 [0] : vector<1024x4096xi32> to vector<4096xi32>
    %swap3A = arith.constant 0 : index
    %swap3A_21 = arith.constant 0 : index
    %swap3A_22 = arith.constant 0 : index
    %swap3A_23 = vector.load %arg5[%swap3A, %swap3A_21, %swap3A_22] : memref<1x1x4096xi32, #tpu.memory_space<vmem>>, vector<1x1x4096xi32>
    %swap3A_24 = vector.shape_cast %swap3A_23 : vector<1x1x4096xi32> to vector<4096xi32>
    %swap3A_25 = vector.shape_cast %reduce_min3A_20 : vector<4096xi32> to vector<1x1x4096xi32>
    tpu.vector_store %arg5[%swap3A, %swap3A_21, %swap3A_22], %swap3A_25 {strides = array<i32>} : memref<1x1x4096xi32, #tpu.memory_space<vmem>>, vector<1x1x4096xi32>,
    %reduce_sum3A = vector.shape_cast %broadcast_in_dim3A : vector<1x4096xf32> to vector<1x1x4096xf32>
    %reduce_sum3A_26 = arith.constant dense<0.000000e+00> : vector<1xf32>
    %reduce_sum3A_27 = vector.multi_reduction <add>, %reduce_sum3A, %reduce_sum3A_26 [1, 2] : vector<1x1x4096xf32> to vector<1xf32>
    %reduce_sum3A_28 = vector.shape_cast %reduce_sum3A_27 : vector<1xf32> to vector<1x1x1xf32>
    %reduce_sum3A_29 = vector.extract %reduce_sum3A_28[0, 0, 0] : f32 from vector<1x1x1xf32>
    %eq3A_30 = arith.constant 0 : i32
    %eq3A_31 = arith.cmpi eq, %arg0, %eq3A_30 : i32
    %convert_element_type3A = arith.extui %eq3A_31 : i1 to i32
    %cond3A = arith.constant 0 : i32
    %cond3A_32 = arith.cmpi ne, %convert_element_type3A, %cond3A : i32
    scf.if %cond3A_32 {
      %swap3A_37 = arith.constant 0 : index
      %swap3A_38 = arith.constant 0 : index
      %swap3A_39 = memref.load %arg6[%swap3A_37, %swap3A_38] : memref<1x1xf32, #tpu.memory_space<smem>>
      memref.store %reduce_sum3A_29, %arg6[%swap3A_37, %swap3A_38] : memref<1x1xf32, #tpu.memory_space<smem>>
    } else {
    }
    %gt3A = arith.constant 0 : i32
    %gt3A_33 = arith.cmpi sgt, %arg0, %gt3A : i32
    %convert_element_type3A_34 = arith.extui %gt3A_33 : i1 to i32
    %cond3A_35 = arith.constant 0 : i32
    %cond3A_36 = arith.cmpi ne, %convert_element_type3A_34, %cond3A_35 : i32
    scf.if %cond3A_36 {
      %get3A_37 = arith.constant 0 : index
      %get3A_38 = arith.constant 0 : index
      %get3A_39 = memref.load %arg6[%get3A_37, %get3A_38] : memref<1x1xf32, #tpu.memory_space<smem>>
      %add3A_40 = arith.addf %get3A_39, %reduce_sum3A_29 : f32
      %swap3A_41 = arith.constant 0 : index
      %swap3A_42 = arith.constant 0 : index
      %swap3A_43 = memref.load %arg6[%swap3A_41, %swap3A_42] : memref<1x1xf32, #tpu.memory_space<smem>>
      memref.store %add3A_40, %arg6[%swap3A_41, %swap3A_42] : memref<1x1xf32, #tpu.memory_space<smem>>
    } else {
    }
    return
  }
  func.func @transform_0(%arg0: i32) -> (i32, i32) {
    %add3A = arith.constant 0 : i32
    %add3A_0 = arith.addi %arg0, %add3A : i32
    %c0_i32 = arith.constant 0 : i32
    %c0_i32_1 = arith.constant 0 : i32
    return %add3A_0, %c0_i32 : i32, i32
  }
  func.func @transform_1(%arg0: i32) -> (i32, i32) {
    %c0_i32 = arith.constant 0 : i32
    %c0_i32_0 = arith.constant 0 : i32
    %c0_i32_1 = arith.constant 0 : i32
    return %c0_i32, %c0_i32_0 : i32, i32
  }
  func.func @transform_2(%arg0: i32) -> (i32, i32) {
    %add3A = arith.constant 0 : i32
    %add3A_0 = arith.addi %arg0, %add3A : i32
    %c0_i32 = arith.constant 0 : i32
    %c0_i32_1 = arith.constant 0 : i32
    return %c0_i32, %add3A_0 : i32, i32
  }
  func.func @transform_3(%arg0: i32) -> (i32, i32) {
    %c0_i32 = arith.constant 0 : i32
    %c0_i32_0 = arith.constant 0 : i32
    %c0_i32_1 = arith.constant 0 : i32
    return %c0_i32, %c0_i32_0 : i32, i32
  }
  func.func @transform_4(%arg0: i32) -> (i32, i32, i32) {
    %c0_i32 = arith.constant 0 : i32
    %c0_i32_0 = arith.constant 0 : i32
    %c0_i32_1 = arith.constant 0 : i32
    return %arg0, %c0_i32, %c0_i32_0 : i32, i32, i32
  }
  func.func @transform_5(%arg0: i32) -> (i32, i32) {
    %c0_i32 = arith.constant 0 : i32
    %c0_i32_0 = arith.constant 0 : i32
    %c0_i32_1 = arith.constant 0 : i32
    return %c0_i32, %c0_i32_0 : i32, i32
  }
}

</mosaic_0001>

<sc_bundles>
// kernel: kernel.4.cloned.1.call-start
scs
__scs_entry_jumppad:
0x0: {  	(pc) =	sbr.rel $0x88, $3  }
0x1: {  	(tag) =	ssettag $0x0;
	lr =	simm.s32 $0x1  }
0x2: {  	[smem:$0x3F9F] =	sst lr;
	_ =	strace $0xD0000000  }
0x3: {  	_ = 	snop  }
0x4: {  	_ = 	snop  }
0x5: {  	_ = 	snop  }
0x6: {  	_ = 	snop  }
0x7: {  	_ = 	snop  }
__scs_overlays_trampoline_lowered:
0x8: {  	[smem:$0x3FAE] =	sst s0  }
0x9: {  	[smem:$0x3FAF] =	sst s1  }
0xa: {  	[smem:$0x3FB0] =	sst s2  }
0xb: {  	[smem:$0x3FB1] =	sst s3  }
0xc: {  	[smem:$0x3FB2] =	sst s4  }
0xd: {  	[smem:$0x3FB3] =	sst s5  }
0xe: {  	[smem:$0x3FB4] =	sst s6  }
0xf: {  	[smem:$0x3FB5] =	sst s7  }
0x10: {  	[smem:$0x3FB6] =	sst s8  }
0x11: {  	[smem:$0x3FB7] =	sst s9;
	s0 =	simm.s32 @!p0 $0x0  }
0x12: {  	s1 =	sld [smem:$0x3F9D];
	s0 =	simm.s32 @p0 $0x1  }
0x13: {  	[smem:$0x3FB8] =	sst s0;
	s0 =	simm.s32 @!p1 $0x0  }
0x14: {  	s2 =	sld [smem:$0x3F9C];
	s0 =	simm.s32 @p1 $0x1  }
0x15: {  	[smem:$0x3FB9] =	sst s0;
	s0 =	simm.s32 @!p2 $0x0  }
0x16: {  	s3 =	sld [smem:$0x3FDB];
	s0 =	simm.s32 @p2 $0x1  }
0x17: {  	s4 =	simm.s32 $0x1BF5;
	[smem:$0x3FBB] =	sst s0  }
0x18: {  	s0 =	sld [smem:$0x3F9E];
	_ =	swait.ge [sflag:s4], $0x0  }
0x19: {  	s7 =	sld [smem:$0x3F9F]  }
0x1a: {  	s8 =	sadd.s32 $0xFFFFE003, lr  }
0x1b: {  	s9 =	sadd.s32 $0xFFFFFEF7, lr;
	s5 =	simm.s32 $0xFFFFFFFF;
	p2 =	slt.u32 s8, $0xFFFFF086  }
0x1c: {  	p1 =	slt.u32 s9, $0xF7A;
	s5 =	simm.s32 @!p2 $0x0  }
0x1d: {  	s5 =	simm.s32 @p1 $0x1;
	p0 =	seq.s32 s7, s2  }
0x1e: {  	s7 =	smul.u32 @!p0 $0xF7A, s2;
	p2 =	seq.s32 @!p0 s5, $0x0  }
0x1f: {  	s9 =	smul.u32 $0xF7A, s1;
	s8 =	simm.s32 @!p0 $0x1BF5;
	p2 =	por !p2, p0  }
0x20: {  	[sflag:s8] =	ssyncset.s32 @!p0 $0xFFFFF086;
	s6 =	sadd.s32 @!p0 s3, s7;
	s7 =	simm.s32 @!p0 $0x108  }
0x21: {  	s3 =	sadd.s32 s3, s9;
	s6 =	sadd.s32 @!p0 $0x88, s6;
	s7 =	simm.s32 @p2 $0x1082  }
0x22: {  	[simem:s7], [sflag:s8] =	dma.local @!p0 [hbm:s6], $0xF7A  }
0x23: {  	s9 =	sor.u32 $0xD0000000, s2;
	s6 =	simm.s32 $0x108;
	_ =	swait.ge @!p0 [sflag:s8], $0x0  }
0x24: {  	s3 =	sadd.s32 $0x88, s3;
	s6 =	simm.s32 @!p1 $0x1082;
	[sflag:s4] =	ssyncset.s32 $0xFFFFF086  }
0x25: {  	[simem:s6], [sflag:s4] =	dma.local [hbm:s3], $0xF7A  }
0x26: {  	[smem:$0x3F9F] =	sst s1;
	(tag) =	ssettag s2;
	_ =	strace s9  }
0x27: {  	s1 =	sld [smem:$0x3FAF]  }
0x28: {  	s2 =	sld [smem:$0x3FB0]  }
0x29: {  	s4 =	sld [smem:$0x3FB2]  }
0x2a: {  	p0 =	seq.s32 s5, $0x0;
	s5 =	sld [smem:$0x3FB3]  }
0x2b: {  	s6 =	sld [smem:$0x3FB4]  }
0x2c: {  	s7 =	sld [smem:$0x3FB5]  }
0x2d: {  	s3 =	simm.s32 $0x108;
	s8 =	sld [smem:$0x3FB6]  }
0x2e: {  	s3 =	simm.s32 @!p0 $0x1082;
	s9 =	sld [smem:$0x3FB7]  }
0x2f: {  	lr =	sadd.s32 s0, s3;
	s0 =	sld [smem:$0x3FAE]  }
0x30: {  	s3 =	sld [smem:$0x3FB1]  }
0x31: {  	[smem:$0x3FBA] =	sst s10  }
0x32: {  	s10 =	sld [smem:$0x3FB8];
	_ =	sdelay $0x3  }
0x33: {  	p0 =	seq.s32 s10, $0x1;
	s10 =	sld [smem:$0x3FBA];
	_ =	sdelay $0x3  }
0x34: {  	[smem:$0x3FBA] =	sst s10  }
0x35: {  	s10 =	sld [smem:$0x3FB9];
	_ =	sdelay $0x3  }
0x36: {  	p1 =	seq.s32 s10, $0x1;
	s10 =	sld [smem:$0x3FBA];
	_ =	sdelay $0x3  }
0x37: {  	[smem:$0x3FBA] =	sst s10  }
0x38: {  	s10 =	sld [smem:$0x3FBB]  }
0x39: {  	_ = 	snop;
	(pc) =	sbr.ind lr, $3  }
0x3a: {  	_ = 	snop  }
0x3b: {  	_ = 	snop  }
0x3c: {  	p2 =	seq.s32 s10, $0x1;
	s10 =	sld [smem:$0x3FBA]  }
0x3d: {  	_ =	shalt  }
0x3e: {  	_ =	shalt  }
0x3f: {  	_ =	shalt  }
0x40: {  	_ =	shalt  }
0x41: {  	_ =	shalt  }
0x42: {  	_ =	shalt  }
0x43: {  	_ =	shalt  }
0x44: {  	_ =	shalt  }
0x45: {  	_ =	shalt  }
0x46: {  	_ =	shalt  }
0x47: {  	_ =	shalt  }
0x48: {  	_ =	shalt  }
0x49: {  	_ =	shalt  }
0x4a: {  	_ =	shalt  }
0x4b: {  	_ =	shalt  }
0x4c: {  	_ =	shalt  }
0x4d: {  	_ =	shalt  }
0x4e: {  	_ =	shalt  }
0x4f: {  	_ =	shalt  }
0x50: {  	_ =	shalt  }
0x51: {  	_ =	shalt  }
0x52: {  	_ =	shalt  }
0x53: {  	_ =	shalt  }
0x54: {  	_ =	shalt  }
0x55: {  	_ =	shalt  }
0x56: {  	_ =	shalt  }
0x57: {  	_ =	shalt  }
0x58: {  	_ =	shalt  }
0x59: {  	_ =	shalt  }
0x5a: {  	_ =	shalt  }
0x5b: {  	_ =	shalt  }
0x5c: {  	_ =	shalt  }
0x5d: {  	_ =	shalt  }
0x5e: {  	_ =	shalt  }
0x5f: {  	_ =	shalt  }
0x60: {  	_ =	shalt  }
0x61: {  	_ =	shalt  }
0x62: {  	_ =	shalt  }
0x63: {  	_ =	shalt  }
0x64: {  	_ =	shalt  }
0x65: {  	_ =	shalt  }
0x66: {  	_ =	shalt  }
0x67: {  	_ =	shalt  }
0x68: {  	_ =	shalt  }
0x69: {  	_ =	shalt  }
0x6a: {  	_ =	shalt  }
0x6b: {  	_ =	shalt  }
0x6c: {  	_ =	shalt  }
0x6d: {  	_ =	shalt  }
0x6e: {  	_ =	shalt  }
0x6f: {  	_ =	shalt  }
0x70: {  	_ =	shalt  }
0x71: {  	_ =	shalt  }
0x72: {  	_ =	shalt  }
0x73: {  	_ =	shalt  }
0x74: {  	_ =	shalt  }
0x75: {  	_ =	shalt  }
0x76: {  	_ =	shalt  }
0x77: {  	_ =	shalt  }
0x78: {  	_ =	shalt  }
0x79: {  	_ =	shalt  }
0x7a: {  	_ =	shalt  }
0x7b: {  	_ =	shalt  }
0x7c: {  	_ =	shalt  }
0x7d: {  	_ =	shalt  }
0x7e: {  	_ =	shalt  }
0x7f: {  	_ =	shalt  }
0x80: {  	_ =	shalt  }
0x81: {  	_ =	shalt  }
0x82: {  	_ =	shalt  }
0x83: {  	_ =	shalt  }
0x84: {  	_ =	shalt  }
0x85: {  	_ =	shalt  }
0x86: {  	_ =	shalt  }
0x87: {  	_ =	shalt  }
.Lfunc_end0:
.L_simem_size_0:
called_computation_lowered:
.L_overlay_start_0:
0x88: {  	s2 =	sld [smem:$0x3FD9]  }
0x89: {  	s3 =	sld [smem:$0x3FFE];
	_ =	sdelay $0x1  }
0x8a: {  	s1 =	srdreg.scid  }
0x8b: {  	s0 =	sand.u32 $0x1, s1  }
0x8c: {  	s14 =	sshll.u32 s0, $0xA;
	s2 =	sadd.s32 s3, s2  }
0x8d: {  	s2 =	sadd.s32 s2, s14  }
0x8e: {  	[smem:$0x3FC6] =	sst s2  }
0x8f: {  	_ = 	snop  }
0x90: {  	s2 =	sld [smem:$0x3FD0];
	_ =	sdelay $0x2  }
0x91: {  	s15 =	simm.s32 $0xA;
	s4 =	simm.s32 $0x10  }
0x92: {  	[smem:s4], [sflag:s15] =	dma.local [hbm:s2], $0x1  }
0x93: {  	_ =	swait.eq [sflag:s15], $0x1  }
0x94: {  	[sflag:s15] =	ssyncset.done $0x0  }
0x95: {  	s16 =	sld [smem:$0x10];
	[sflag:s15] =	ssyncadd.s32 $0xFFFFFFFF  }
0x96: {  	s17 =	sld [smem:$0x14];
	(tm) =	ssettm $0x1  }
0x97: {  	s18 =	sld [smem:$0x3FFB];
	_ =	sdelay $0x3  }
0x98: {  	_ =	strace s18  }
0x99: {  	s4 =	sld [smem:$0x3FFC];
	_ =	sdelay $0x3  }
0x9a: {  	_ =	strace s4  }
0x9b: {  	s4 =	sld [smem:$0x3FFD];
	_ =	sdelay $0x3  }
0x9c: {  	_ =	strace s4  }
0x9d: {  	_ =	strace $0x8FFFFFFF  }
0x9e: {  	s19 =	sld [smem:$0x3FDB];
	_ =	sdelay $0x1  }
0x9f: {  	s5 =	simm.s32 $_scs_section_size  }
0xa0: {  	s6 =	simm.s32 $_size__tile_overlayer_lowered;
	s7 =	simm.s32 $_tile_overlayer_lowered  }
0xa1: {  	s22 =	simm.s32 $0x1BFF;
	s21 =	sshll.u32 s7, $0x1;
	s4 =	sadd.s32 s5, s19  }
0xa2: {  	s8 =	simm.s32 $0x0;
	s20 =	sshll.u32 s6, $0x1;
	s6 =	sadd.s32 s21, s4  }
0xa3: {  	[timem:s8], [sflag:s22] =	dma.local [hbm:s6], s20  }
0xa4: {  	_ =	swait.ge [sflag:s22], s20  }
0xa5: {  	s5 =	ssub.s32 $0x0, s20;
	[sflag:s22] =	ssyncset.done $0x0  }
0xa6: {  	[sflag:s22] =	ssyncadd.s32 s5;
	_ =	sdelay $0x1  }
0xa7: {  	s23 =	simm.s32 $0x1B8B  }
0xa8: {  	_ =	swait.ge [sflag:s23], $0x1  }
0xa9: {  	[sflag:s23] =	ssyncset.done $0x0  }
0xaa: {  	s25 =	simm.s32 $0x1B8E;
	s24 =	sld [smem:$0x3FFE];
	[sflag:s23] =	ssyncadd.s32 $0xFFFFFFFF  }
0xab: {  	s26 =	simm.s32 $execute0_lowered;
	[smem:$0x3FD2] =	sst s25  }
0xac: {  	s6 =	sshll.u32 s26, $0x1;
	_ =	strace $0x80000046;
	[dreg:$0x1] =	wrdreg $0xFFFFFFFF  }
0xad: {  	s28 =	simm.s32 $_size_execute0_lowered;
	s4 =	sadd.s32 s4, s6;
	[dreg:$0x0] =	wrdreg $0x0  }
0xae: {  	s6 =	sshll.u32 s28, $0x1;
	[dreg:$0x2] =	wrdreg s4  }
0xaf: {  	[dreg:$0x3] =	wrdreg s6  }
0xb0: {  	[dreg:$0x4] =	wrdreg $0xC0  }
0xb1: {  	_ =	task [dreg:s8], $0x5FFFF  }
0xb2: {  	[dreg:$0x1] =	wrdreg $0xFFFFFFFF  }
0xb3: {  	[dreg:$0x0] =	wrdreg $0x60  }
0xb4: {  	[dreg:$0x2] =	wrdreg s24  }
0xb5: {  	[dreg:$0x3] =	wrdreg s16  }
0xb6: {  	[dreg:$0x4] =	wrdreg s17  }
0xb7: {  	[dreg:$0x5] =	wrdreg $0x98000  }
0xb8: {  	[dreg:$0x6] =	wrdreg $0x9  }
0xb9: {  	_ =	task.clear_ibuf [dreg:s8], $0x7FFFF;
	_ =	strace $0x90000046  }
0xba: {  	s29 =	simm.s32 $0x9;
	_ =	strace $0x80000048  }
0xbb: {  	_ =	swait.ge [sflag:s29], $0x1  }
0xbc: {  	[sflag:s29] =	ssyncadd.s32 $0xFFFFFFFF  }
0xbd: {  	_ =	strace $0x90000048  }
0xbe: {  	_ =	sfence  }
0xbf: {  	s30 =	sld [smem:$0x0];
	_ =	sdelay $0x2  }
0xc0: {  	s31 =	sshll.u32 s1, $0xD;
	s1 =	sshrl.u32 s1, $0x2  }
0xc1: {  	s3 =	sand.u32 $0x4000, s31;
	s1 =	sadd.s32 s1, s30  }
0xc2: {  	s0 =	sor.u32 s3, s0;
	s1 =	sshll.u32 s1, $0x11  }
0xc3: {  	s0 =	sor.u32 s1, s0  }
0xc4: {  	s0 =	sadd.s32 $0x8F2B, s0  }
0xc5: {  	[sflag:s0] =	ssyncadd.remote.s32 $0x1  }
0xc6: {  	_ =	sfence.sel $0xFFFF  }
0xc7: {  	[dreg:$0x0] =	wrdreg $0xFFFFFFFF;
	(pc) =	sbr.abs _section_cstart, $3  }
0xc8: {  	[dreg:$0x1] =	wrdreg $0xFFFFFFFF  }
0xc9: {  	_ =	task.clear_ibuf [dreg:s8], $0x2FFFF;
	_ =	strace $0x9FFFFFFF  }
0xca: {  	(tm) =	ssettm $0x7FFFFFFF  }
0xcb: {  	_ =	shalt  }
tec
execute0_lowered:
.L_overlay_start_1:
0x0: {  	(tag) =	ssettag $0x1  }
0x1: {  	s1 =	rddreg [dreg:$0x0]  }
0x2: {  	s7 =	rddreg [dreg:$0x1]  }
0x3: {  	s2 =	rddreg [dreg:$0x2]  }
0x4: {  	s3 =	rddreg [dreg:$0x3]  }
0x5: {  	s0 =	rddreg [dreg:$0x4];
	s4 =	simm.s32 $0x0;
	s5 =	srdreg.scid  }
0x6: {  	s9 =	stileid.u32;
	s14 =	simm.s32 $0x800;
	s15 =	simm.s32 $0x8C00  }
0x7: {  	s16 =	simm.s32 $0x9840;
	[smem:$0x7FF] =	sst s4;
	s8 =	sand.u32 $0x1, s5  }
0x8: {  	s10 =	sshll.u32 s9, $0xB;
	s12 =	sadd.s32 $0x1000, s1;
	s30 =	sshll.u32 s9, $0x8  }
0x9: {  	p0 =	sne.s32 s9, $0x0;
	_ =	strace $0x80000047;
	s5 =	ssub.s32 $0x2, s8  }
0xa: {  	s11 =	sshll.u32 s8, $0xA;
	s31 =	sor.u32 s8, s9;
	s9 =	simm.s32 $0x8400  }
.Ltmp0:
0xb: {  	s6 =	sshrl.u32 s5, $0x1;
	s29 =	sor.u32 s11, s10;
	(pc) =	sbr.rel .LBB2_1-.Ltmp0, $4  }
0xc: {  	p1 =	sne.s32 s31, $0x0;
	s13 =	ssub.s32 s5, s6;
	s10 =	sshrl.u32 s29, $0x3  }
0xd: {  	s11 =	sshll.u32 s29, $0x2;
	s5 =	sadd.s32 s12, s30;
	s6 =	sadd.s32 s12, s10  }
0xe: {  	s7 =	sadd.s32 s7, s11;
	s8 =	smax.u32 s13, $0x1;
	s10 =	simm.s32 $0x2  }
0xf: {  	v0 =	vimm.f32 $1.000000000e+00;
	v1 =	vimm.f32 $0.0e+00;
	s11 =	simm.s32 $0x9400;
	s12 =	simm.s32 $0x400;
	s13 =	simm.s32 $0x1  }
.LBB2_5:
0x10: {  	s8 =	sadd.s32 $0xFFFFFFFF, s8  }
0x11: {  	p2 =	sne.s32 s8, $0x0  }
.Ltmp1:
0x12: {  	_ = 	snop;
	(pc) =	sbr.rel @!p2 .LBB2_6-.Ltmp1, $1  }
0x13: {  	_ =	sdelay $0x3  }
.LBB2_1:
0x14: {  	[tilespmem:s9], [sflag:$0x2] =	stream.linear.gather [hbm4b:s5+s4], $0x800, $0x38;
	[tilespmem:$0x9850] =	vst v63  }
0x15: {  	_ =	swait.ge [sflag:s10], $0x800  }
0x16: {  	[sflag:s10] =	ssyncset.done $0x0  }
0x17: {  	[sflag:s10] =	ssyncadd.s32 $0xFFFFF800  }
0x18: {  	[tilespmem:$0x8C00] =	vst v0  }
0x19: {  	[tilespmem:$0x8C10] =	vst v0  }
0x1a: {  	[tilespmem:$0x8C20] =	vst v0  }
0x1b: {  	[tilespmem:$0x8C30] =	vst v0  }
0x1c: {  	[tilespmem:$0x8C40] =	vst v0  }
0x1d: {  	[tilespmem:$0x8C50] =	vst v0  }
0x1e: {  	[tilespmem:$0x8C60] =	vst v0  }
0x1f: {  	[tilespmem:$0x8C70] =	vst v0  }
0x20: {  	[tilespmem:$0x8C80] =	vst v0  }
0x21: {  	[tilespmem:$0x8C90] =	vst v0  }
0x22: {  	[tilespmem:$0x8CA0] =	vst v0  }
0x23: {  	[tilespmem:$0x8CB0] =	vst v0  }
0x24: {  	[tilespmem:$0x8CC0] =	vst v0  }
0x25: {  	[tilespmem:$0x8CD0] =	vst v0  }
0x26: {  	[tilespmem:$0x8CE0] =	vst v0  }
0x27: {  	[tilespmem:$0x8CF0] =	vst v0  }
0x28: {  	[tilespmem:$0x8D00] =	vst v0  }
0x29: {  	[tilespmem:$0x8D10] =	vst v0  }
0x2a: {  	[tilespmem:$0x8D20] =	vst v0  }
0x2b: {  	[tilespmem:$0x8D30] =	vst v0  }
0x2c: {  	[tilespmem:$0x8D40] =	vst v0  }
0x2d: {  	[tilespmem:$0x8D50] =	vst v0  }
0x2e: {  	[tilespmem:$0x8D60] =	vst v0  }
0x2f: {  	[tilespmem:$0x8D70] =	vst v0  }
0x30: {  	[tilespmem:$0x8D80] =	vst v0  }
0x31: {  	[tilespmem:$0x8D90] =	vst v0  }
0x32: {  	[tilespmem:$0x8DA0] =	vst v0  }
0x33: {  	[tilespmem:$0x8DB0] =	vst v0  }
0x34: {  	[tilespmem:$0x8DC0] =	vst v0  }
0x35: {  	[tilespmem:$0x8DD0] =	vst v0  }
0x36: {  	[tilespmem:$0x8DE0] =	vst v0  }
0x37: {  	[tilespmem:$0x8DF0] =	vst v0  }
0x38: {  	[tilespmem:$0x8E00] =	vst v0  }
0x39: {  	[tilespmem:$0x8E10] =	vst v0  }
0x3a: {  	[tilespmem:$0x8E20] =	vst v0  }
0x3b: {  	[tilespmem:$0x8E30] =	vst v0  }
0x3c: {  	[tilespmem:$0x8E40] =	vst v0  }
0x3d: {  	[tilespmem:$0x8E50] =	vst v0  }
0x3e: {  	[tilespmem:$0x8E60] =	vst v0  }
0x3f: {  	[tilespmem:$0x8E70] =	vst v0  }
0x40: {  	[tilespmem:$0x8E80] =	vst v0  }
0x41: {  	[tilespmem:$0x8E90] =	vst v0  }
0x42: {  	[tilespmem:$0x8EA0] =	vst v0  }
0x43: {  	[tilespmem:$0x8EB0] =	vst v0  }
0x44: {  	[tilespmem:$0x8EC0] =	vst v0  }
0x45: {  	[tilespmem:$0x8ED0] =	vst v0  }
0x46: {  	[tilespmem:$0x8EE0] =	vst v0  }
0x47: {  	[tilespmem:$0x8EF0] =	vst v0  }
0x48: {  	[tilespmem:$0x8F00] =	vst v0  }
0x49: {  	[tilespmem:$0x8F10] =	vst v0  }
0x4a: {  	[tilespmem:$0x8F20] =	vst v0  }
0x4b: {  	[tilespmem:$0x8F30] =	vst v0  }
0x4c: {  	[tilespmem:$0x8F40] =	vst v0  }
0x4d: {  	[tilespmem:$0x8F50] =	vst v0  }
0x4e: {  	[tilespmem:$0x8F60] =	vst v0  }
0x4f: {  	[tilespmem:$0x8F70] =	vst v0  }
0x50: {  	[tilespmem:$0x8F80] =	vst v0  }
0x51: {  	[tilespmem:$0x8F90] =	vst v0  }
0x52: {  	[tilespmem:$0x8FA0] =	vst v0  }
0x53: {  	[tilespmem:$0x8FB0] =	vst v0  }
0x54: {  	[tilespmem:$0x8FC0] =	vst v0  }
0x55: {  	[tilespmem:$0x8FD0] =	vst v0  }
0x56: {  	[tilespmem:$0x8FE0] =	vst v0  }
0x57: {  	[tilespmem:$0x8FF0] =	vst v0  }
0x58: {  	[tilespmem:$0x9000] =	vst v0  }
0x59: {  	[tilespmem:$0x9010] =	vst v0  }
0x5a: {  	[tilespmem:$0x9020] =	vst v0  }
0x5b: {  	[tilespmem:$0x9030] =	vst v0  }
0x5c: {  	[tilespmem:$0x9040] =	vst v0  }
0x5d: {  	[tilespmem:$0x9050] =	vst v0  }
0x5e: {  	[tilespmem:$0x9060] =	vst v0  }
0x5f: {  	[tilespmem:$0x9070] =	vst v0  }
0x60: {  	[tilespmem:$0x9080] =	vst v0  }
0x61: {  	[tilespmem:$0x9090] =	vst v0  }
0x62: {  	[tilespmem:$0x90A0] =	vst v0  }
0x63: {  	[tilespmem:$0x90B0] =	vst v0  }
0x64: {  	[tilespmem:$0x90C0] =	vst v0  }
0x65: {  	[tilespmem:$0x90D0] =	vst v0  }
0x66: {  	[tilespmem:$0x90E0] =	vst v0  }
0x67: {  	[tilespmem:$0x90F0] =	vst v0  }
0x68: {  	[tilespmem:$0x9100] =	vst v0  }
0x69: {  	[tilespmem:$0x9110] =	vst v0  }
0x6a: {  	[tilespmem:$0x9120] =	vst v0  }
0x6b: {  	[tilespmem:$0x9130] =	vst v0  }
0x6c: {  	[tilespmem:$0x9140] =	vst v0  }
0x6d: {  	[tilespmem:$0x9150] =	vst v0  }
0x6e: {  	[tilespmem:$0x9160] =	vst v0  }
0x6f: {  	[tilespmem:$0x9170] =	vst v0  }
0x70: {  	[tilespmem:$0x9180] =	vst v0  }
0x71: {  	[tilespmem:$0x9190] =	vst v0  }
0x72: {  	[tilespmem:$0x91A0] =	vst v0  }
0x73: {  	[tilespmem:$0x91B0] =	vst v0  }
0x74: {  	[tilespmem:$0x91C0] =	vst v0  }
0x75: {  	[tilespmem:$0x91D0] =	vst v0  }
0x76: {  	[tilespmem:$0x91E0] =	vst v0  }
0x77: {  	[tilespmem:$0x91F0] =	vst v0  }
0x78: {  	[tilespmem:$0x9200] =	vst v0  }
0x79: {  	[tilespmem:$0x9210] =	vst v0  }
0x7a: {  	[tilespmem:$0x9220] =	vst v0  }
0x7b: {  	[tilespmem:$0x9230] =	vst v0  }
0x7c: {  	[tilespmem:$0x9240] =	vst v0  }
0x7d: {  	[tilespmem:$0x9250] =	vst v0  }
0x7e: {  	[tilespmem:$0x9260] =	vst v0  }
0x7f: {  	[tilespmem:$0x9270] =	vst v0  }
0x80: {  	[tilespmem:$0x9280] =	vst v0  }
0x81: {  	[tilespmem:$0x9290] =	vst v0  }
0x82: {  	[tilespmem:$0x92A0] =	vst v0  }
0x83: {  	[tilespmem:$0x92B0] =	vst v0  }
0x84: {  	[tilespmem:$0x92C0] =	vst v0  }
0x85: {  	[tilespmem:$0x92D0] =	vst v0  }
0x86: {  	[tilespmem:$0x92E0] =	vst v0  }
0x87: {  	[tilespmem:$0x92F0] =	vst v0  }
0x88: {  	[tilespmem:$0x9300] =	vst v0  }
0x89: {  	[tilespmem:$0x9310] =	vst v0  }
0x8a: {  	[tilespmem:$0x9320] =	vst v0  }
0x8b: {  	[tilespmem:$0x9330] =	vst v0  }
0x8c: {  	[tilespmem:$0x9340] =	vst v0  }
0x8d: {  	[tilespmem:$0x9350] =	vst v0  }
0x8e: {  	[tilespmem:$0x9360] =	vst v0  }
0x8f: {  	[tilespmem:$0x9370] =	vst v0  }
0x90: {  	[tilespmem:$0x9380] =	vst v0  }
0x91: {  	[tilespmem:$0x9390] =	vst v0  }
0x92: {  	[tilespmem:$0x93A0] =	vst v0  }
.Ltmp2:
0x93: {  	[tilespmem:$0x93B0] =	vst v0;
	(pc) =	sbr.rel @p0 .LBB2_3-.Ltmp2, $4  }
0x94: {  	[tilespmem:$0x93C0] =	vst v0  }
0x95: {  	[tilespmem:$0x93D0] =	vst v0  }
0x96: {  	[tilespmem:$0x93E0] =	vst v0  }
0x97: {  	[tilespmem:$0x93F0] =	vst v0  }
0x98: {  	[tilespmem:$0x9400] =	vst v1  }
0x99: {  	[tilespmem:$0x9410] =	vst v1  }
0x9a: {  	[tilespmem:$0x9420] =	vst v1  }
0x9b: {  	[tilespmem:$0x9430] =	vst v1  }
0x9c: {  	[tilespmem:$0x9440] =	vst v1  }
0x9d: {  	[tilespmem:$0x9450] =	vst v1  }
0x9e: {  	[tilespmem:$0x9460] =	vst v1  }
0x9f: {  	[tilespmem:$0x9470] =	vst v1  }
0xa0: {  	[tilespmem:$0x9480] =	vst v1  }
0xa1: {  	[tilespmem:$0x9490] =	vst v1  }
0xa2: {  	[tilespmem:$0x94A0] =	vst v1  }
0xa3: {  	[tilespmem:$0x94B0] =	vst v1  }
0xa4: {  	[tilespmem:$0x94C0] =	vst v1  }
0xa5: {  	[tilespmem:$0x94D0] =	vst v1  }
0xa6: {  	[tilespmem:$0x94E0] =	vst v1  }
0xa7: {  	[tilespmem:$0x94F0] =	vst v1  }
0xa8: {  	[tilespmem:$0x9500] =	vst v1  }
0xa9: {  	[tilespmem:$0x9510] =	vst v1  }
0xaa: {  	[tilespmem:$0x9520] =	vst v1  }
0xab: {  	[tilespmem:$0x9530] =	vst v1  }
0xac: {  	[tilespmem:$0x9540] =	vst v1  }
0xad: {  	[tilespmem:$0x9550] =	vst v1  }
0xae: {  	[tilespmem:$0x9560] =	vst v1  }
0xaf: {  	[tilespmem:$0x9570] =	vst v1  }
0xb0: {  	[tilespmem:$0x9580] =	vst v1  }
0xb1: {  	[tilespmem:$0x9590] =	vst v1  }
0xb2: {  	[tilespmem:$0x95A0] =	vst v1  }
0xb3: {  	[tilespmem:$0x95B0] =	vst v1  }
0xb4: {  	[tilespmem:$0x95C0] =	vst v1  }
0xb5: {  	[tilespmem:$0x95D0] =	vst v1  }
0xb6: {  	[tilespmem:$0x95E0] =	vst v1  }
0xb7: {  	[tilespmem:$0x95F0] =	vst v1  }
0xb8: {  	[tilespmem:$0x9600] =	vst v1  }
0xb9: {  	[tilespmem:$0x9610] =	vst v1  }
0xba: {  	[tilespmem:$0x9620] =	vst v1  }
0xbb: {  	[tilespmem:$0x9630] =	vst v1  }
0xbc: {  	[tilespmem:$0x9640] =	vst v1  }
0xbd: {  	[tilespmem:$0x9650] =	vst v1  }
0xbe: {  	[tilespmem:$0x9660] =	vst v1  }
0xbf: {  	[tilespmem:$0x9670] =	vst v1  }
0xc0: {  	[tilespmem:$0x9680] =	vst v1  }
0xc1: {  	[tilespmem:$0x9690] =	vst v1  }
0xc2: {  	[tilespmem:$0x96A0] =	vst v1  }
0xc3: {  	[tilespmem:$0x96B0] =	vst v1  }
0xc4: {  	[tilespmem:$0x96C0] =	vst v1  }
0xc5: {  	[tilespmem:$0x96D0] =	vst v1  }
0xc6: {  	[tilespmem:$0x96E0] =	vst v1  }
0xc7: {  	[tilespmem:$0x96F0] =	vst v1  }
0xc8: {  	[tilespmem:$0x9700] =	vst v1  }
0xc9: {  	[tilespmem:$0x9710] =	vst v1  }
0xca: {  	[tilespmem:$0x9720] =	vst v1  }
0xcb: {  	[tilespmem:$0x9730] =	vst v1  }
0xcc: {  	[tilespmem:$0x9740] =	vst v1  }
0xcd: {  	[tilespmem:$0x9750] =	vst v1  }
0xce: {  	[tilespmem:$0x9760] =	vst v1  }
0xcf: {  	[tilespmem:$0x9770] =	vst v1  }
0xd0: {  	[tilespmem:$0x9780] =	vst v1  }
0xd1: {  	[tilespmem:$0x9790] =	vst v1  }
0xd2: {  	[tilespmem:$0x97A0] =	vst v1  }
0xd3: {  	[tilespmem:$0x97B0] =	vst v1  }
0xd4: {  	[tilespmem:$0x97C0] =	vst v1  }
0xd5: {  	[tilespmem:$0x97D0] =	vst v1  }
0xd6: {  	[tilespmem:$0x97E0] =	vst v1  }
0xd7: {  	[tilespmem:$0x97F0] =	vst v1  }
0xd8: {  	[spmem:s3] =	stream.linear.scatter [tilespmem:s11], [sflag:$0x2], $0x400, $0x38;
	[tilespmem:$0x9850] =	vst v63  }
0xd9: {  	_ =	swait.ge [sflag:s10], $0x400  }
0xda: {  	[sflag:s10] =	ssyncset.done $0x0  }
0xdb: {  	[sflag:s10] =	ssyncadd.s32 $0xFFFFFC00  }
.LBB2_3:
0xdc: {  	[tilespmem:s4], [sflag:$0x2] =	stream.linear.gather [hbm4b:s6+s4], $0x400, $0x38;
	[tilespmem:$0x9850] =	vst v63  }
0xdd: {  	_ =	swait.ge [sflag:s10], $0x400  }
0xde: {  	[sflag:s10] =	ssyncset.done $0x0  }
0xdf: {  	[sflag:s10] =	ssyncadd.s32 $0xFFFFFC00  }
0xe0: {  	[tilespmem:s12], [sflag:$0x1] =	stream.indirect.gather [hbm4b:s1+s12], $0x20, s4, s12, $0xb8;
	[tilespmem:$0x9850] =	vst v63  }
0xe1: {  	_ =	swait.ge [sflag:s13], $0x8000  }
0xe2: {  	[sflag:s13] =	ssyncset.done $0x0  }
0xe3: {  	[sflag:s13] =	ssyncadd.s32 $0xFFFF8000  }
0xe4: {  	[hbm4b:s7+s4] =	stream.linear.scatter [tilespmem:s12], [sflag:$0x2], $0x8000, $0x38;
	[tilespmem:$0x9850] =	vst v63  }
0xe5: {  	_ =	swait.ge [sflag:s10], $0x8000  }
0xe6: {  	[sflag:s10] =	ssyncset.done $0x0  }
0xe7: {  	[sflag:s10] =	ssyncadd.s32 $0xFFFF8000  }
0xe8: {  	[bflag:$0x0] =	sbarrier.arrive $0xFFFF  }
0xe9: {  	[spmem:s3] =	stream.indirect.scatter.add.f32 [tilespmem:s15], [sflag:$0x2], $0x1, s9, s14, $0xb8;
	[tilespmem:$0x9850] =	vst v63  }
.Ltmp3:
0xea: {  	_ =	swait.ge [sflag:s10], $0x800;
	(pc) =	sbr.rel @p1 .LBB2_5-.Ltmp3, $3  }
0xeb: {  	[sflag:s10] =	ssyncset.done $0x0  }
0xec: {  	[sflag:s10] =	ssyncadd.s32 $0xFFFFF800  }
0xed: {  	[bflag:$0x0] =	sbarrier.arrive $0xFFFF;
	_ =	sdelay $0x1  }
0xee: {  	[tilespmem:s11], [sflag:$0x2] =	stream.linear.gather [spmem:s3], $0x400, $0x38;
	[tilespmem:$0x9850] =	vst v63  }
0xef: {  	_ =	swait.ge [sflag:s10], $0x400  }
0xf0: {  	[sflag:s10] =	ssyncset.done $0x0  }
0xf1: {  	[sflag:s10] =	ssyncadd.s32 $0xFFFFFC00  }
0xf2: {  	v2 =	vld [tilespmem:$0x9400];
	_ =	sdelay $0x1  }
0xf3: {  	v3 =	vld [tilespmem:$0x9410];
	_ =	sdelay $0x2  }
0xf4: {  	v2 =	vmul.f32 $3.051757810e-05, v2;
	_ =	sdelay $0x1  }
0xf5: {  	v3 =	vmul.f32 $3.051757810e-05, v3;
	v4 =	vadd.f32 $9.999999740e-06, v2;
	_ =	sdelay $0x1  }
0xf6: {  	v42 =	vadd.f32 $9.999999740e-06, v3;
	v5 =	vand.u32 $0x7FFFFF, v4  }
0xf7: {  	v5 =	vor.u32 $0x3F800000, v5  }
0xf8: {  	v8 =	vld [tilespmem:$0x9420];
	v7 =	vand.u32 $0x7FFFFF, v42;
	v6 =	vadd.f32 $1.000000000e+00, v5  }
0xf9: {  	v7 =	vor.u32 $0x3F800000, v7  }
0xfa: {  	v9 =	vadd.f32 $1.000000000e+00, v7;
	(erf) = vrcp.f32 v6;
	_ =	sdelay $0x1  }
0xfb: {  	(erf) = vrcp.f32 v9  }
0xfc: {  	v8 =	vmul.f32 $3.051757810e-05, v8  }
0xfd: {  	v11 =	vld [tilespmem:$0x9430]  }
0xfe: {  	v10 =	vadd.f32 $9.999999740e-06, v8;
	_ =	sdelay $0x1  }
0xff: {  	v44 =	vand.u32 $0x7FFFFF, v10  }
0x100: {  	v5 =	vadd.f32 $-1.000000000e+00, v5;
	v9 =	vor.u32 $0x3F800000, v44  }
0x101: {  	v11 =	vmul.f32 $3.051757810e-05, v11;
	v13 =	vadd.f32 $1.000000000e+00, v9;
	v43 =	vpop (erf)  }
0x102: {  	v5 =	vmul.f32 v43, v5  }
0x103: {  	v47 =	vadd.f32 $9.999999740e-06, v11;
	v15 =	vpop (erf);
	(erf) = vrcp.f32 v13  }
0x104: {  	v20 =	vld [tilespmem:$0x9450];
	v7 =	vadd.f32 $-1.000000000e+00, v7;
	v12 =	vmul.f32 v5, v5  }
0x105: {  	v17 =	vand.u32 $0x7FFFFF, v47  }
0x106: {  	v4 =	vshrl.u32 v4, $0x17;
	v7 =	vmul.f32 v15, v7;
	v14 =	vmul.f32 $2.857142980e-01, v12  }
0x107: {  	v10 =	vshrl.u32 v10, $0x17;
	v17 =	vor.u32 $0x3F800000, v17;
	v4 =	vand.u32 $0xFF, v4  }
0x108: {  	v10 =	vand.u32 $0xFF, v10;
	v46 =	vmul.f32 v7, v7;
	v45 =	vadd.f32 $4.000000060e-01, v14  }
0x109: {  	v49 =	vadd.f32 $1.000000000e+00, v17;
	v54 =	vadd.f32 $-1.000000000e+00, v17;
	v17 =	vmul.f32 $3.051757810e-05, v20  }
0x10a: {  	v4 =	vadd.s32 $0xFFFFFF81, v4;
	v16 =	vmul.f32 $2.857142980e-01, v46;
	v13 =	vmul.f32 v45, v12  }
0x10b: {  	v10 =	vadd.s32 $0xFFFFFF81, v10;
	v4 =	vcvt.s32.f32 v4;
	v9 =	vadd.f32 $-1.000000000e+00, v9  }
0x10c: {  	(erf) = vrcp.f32 v49;
	v48 =	vadd.f32 $4.000000060e-01, v16;
	v19 =	vpop (erf);
	v13 =	vadd.f32 $6.666666860e-01, v13  }
0x10d: {  	v10 =	vcvt.s32.f32 v10;
	v9 =	vmul.f32 v19, v9  }
0x10e: {  	v18 =	vld [tilespmem:$0x9440];
	v12 =	vmul.f32 v13, v12;
	v13 =	vmul.f32 v48, v46  }
0x10f: {  	v6 =	vshrl.u32 v42, $0x17;
	v4 =	vmul.f32 $6.931471820e-01, v4;
	v50 =	vmul.f32 v9, v9  }
0x110: {  	v6 =	vand.u32 $0xFF, v6;
	v10 =	vmul.f32 $6.931471820e-01, v10;
	v13 =	vadd.f32 $6.666666860e-01, v13  }
0x111: {  	v6 =	vadd.s32 $0xFFFFFF81, v6;
	v12 =	vadd.f32 $2.000000000e+00, v12;
	v52 =	vmul.f32 $2.857142980e-01, v50  }
0x112: {  	v59 =	vadd.f32 $9.999999740e-06, v17;
	v6 =	vcvt.s32.f32 v6;
	v13 =	vmul.f32 v13, v46  }
0x113: {  	v12 =	vmul.f32 v12, v5;
	v5 =	vmul.f32 $3.051757810e-05, v18;
	v18 =	vadd.f32 $4.000000060e-01, v52  }
0x114: {  	v62 =	vand.u32 $0x7FFFFF, v59;
	v6 =	vmul.f32 $6.931471820e-01, v6;
	v13 =	vadd.f32 $2.000000000e+00, v13  }
0x115: {  	v15 =	vshrl.u32 v47, $0x17;
	v21 =	vpop (erf);
	v51 =	vadd.f32 $9.999999740e-06, v5;
	v18 =	vmul.f32 v18, v50  }
0x116: {  	v4 =	vadd.f32 v12, v4;
	v7 =	vmul.f32 v13, v7;
	v13 =	vmul.f32 v21, v54  }
0x117: {  	v34 =	vand.u32 $0xFF, v15;
	v53 =	vand.u32 $0x7FFFFF, v51;
	v56 =	vadd.f32 $6.666666860e-01, v18  }
0x118: {  	v2 =	vmul.f32 v4, v2;
	v19 =	vor.u32 $0x3F800000, v53;
	v57 =	vmul.f32 v13, v13  }
0x119: {  	v61 =	vld [tilespmem:$0x9460];
	v18 =	vor.u32 $0x3F800000, v62;
	v55 =	vadd.f32 $1.000000000e+00, v19;
	v58 =	vmul.f32 v56, v50  }
0x11a: {  	v26 =	vld [tilespmem:$0x9470];
	v63 =	vadd.f32 $1.000000000e+00, v18;
	v6 =	vadd.f32 v7, v6;
	v60 =	vmul.f32 $2.857142980e-01, v57  }
0x11b: {  	v2 =	vadd.f32 $0.0e+00, v2;
	(erf) = vrcp.f32 v55;
	v4 =	vadd.f32 $2.000000000e+00, v58  }
0x11c: {  	v3 =	vmul.f32 v6, v3;
	(erf) = vrcp.f32 v63;
	v6 =	vadd.f32 $4.000000060e-01, v60  }
0x11d: {  	v12 =	vshrl.u32 v59, $0x17;
	v43 =	vshrl.u32 v51, $0x17;
	v4 =	vmul.f32 v4, v9  }
0x11e: {  	v2 =	vadd.f32 v3, v2;
	v9 =	vadd.s32 $0xFFFFFF81, v34;
	v24 =	vmul.f32 v6, v57  }
0x11f: {  	v6 =	vmul.f32 $3.051757810e-05, v61;
	v3 =	vadd.f32 v4, v10;
	v4 =	vmul.f32 $3.051757810e-05, v26  }
0x120: {  	v18 =	vadd.f32 $-1.000000000e+00, v18;
	v9 =	vcvt.s32.f32 v9;
	v28 =	vadd.f32 $6.666666860e-01, v24  }
0x121: {  	v51 =	vand.u32 $0xFF, v12;
	v29 =	vadd.f32 $9.999999740e-06, v6;
	v22 =	vadd.f32 $9.999999740e-06, v4  }
0x122: {  	v19 =	vadd.f32 $-1.000000000e+00, v19;
	v9 =	vmul.f32 $6.931471820e-01, v9;
	v3 =	vmul.f32 v3, v8  }
0x123: {  	v7 =	vmul.f32 v28, v57;
	v31 =	vand.u32 $0x7FFFFF, v29;
	v38 =	vand.u32 $0x7FFFFF, v22  }
0x124: {  	v3 =	vadd.f32 v3, v2;
	v20 =	vshrl.u32 v29, $0x17;
	v25 =	vpop (erf);
	v33 =	vor.u32 $0x3F800000, v31  }
0x125: {  	v22 =	vshrl.u32 v22, $0x17;
	v27 =	vmul.f32 v25, v19;
	v35 =	vadd.f32 $1.000000000e+00, v33;
	v37 =	vpop (erf)  }
0x126: {  	v39 =	vor.u32 $0x3F800000, v38;
	v7 =	vadd.f32 $2.000000000e+00, v7;
	v15 =	vmul.f32 v37, v18  }
0x127: {  	v42 =	vld [tilespmem:$0x9480];
	v41 =	vadd.f32 $1.000000000e+00, v39;
	v30 =	vmul.f32 v27, v27;
	(erf) = vrcp.f32 v35  }
0x128: {  	v26 =	vand.u32 $0xFF, v20;
	v7 =	vmul.f32 v7, v13;
	v44 =	vmul.f32 v15, v15  }
0x129: {  	v47 =	vadd.f32 $-1.000000000e+00, v33;
	(erf) = vrcp.f32 v41;
	v32 =	vmul.f32 $2.857142980e-01, v30  }
0x12a: {  	v7 =	vadd.f32 v7, v9;
	v9 =	vand.u32 $0xFF, v43;
	v45 =	vmul.f32 $2.857142980e-01, v44  }
0x12b: {  	v18 =	vadd.f32 $-1.000000000e+00, v39;
	v2 =	vadd.s32 $0xFFFFFF81, v9;
	v19 =	vadd.f32 $4.000000060e-01, v32  }
0x12c: {  	v48 =	vld [tilespmem:$0x9490];
	v46 =	vcvt.s32.f32 v2;
	v2 =	vmul.f32 $3.051757810e-05, v42;
	v9 =	vadd.f32 $4.000000060e-01, v45  }
0x12d: {  	v7 =	vmul.f32 v7, v11;
	v32 =	vand.u32 $0xFF, v22;
	v36 =	vmul.f32 v19, v30  }
0x12e: {  	v34 =	vadd.s32 $0xFFFFFF81, v32;
	v50 =	vadd.f32 $9.999999740e-06, v2;
	v9 =	vmul.f32 v9, v44  }
0x12f: {  	v10 =	vmul.f32 $6.931471820e-01, v46;
	v7 =	vadd.f32 v7, v3;
	v40 =	vadd.f32 $6.666666860e-01, v36  }
0x130: {  	v3 =	vand.u32 $0x7FFFFF, v50;
	v16 =	vshrl.u32 v50, $0x17;
	v9 =	vadd.f32 $6.666666860e-01, v9  }
0x131: {  	v49 =	vpop (erf);
	v53 =	vor.u32 $0x3F800000, v3;
	v3 =	vmul.f32 $3.051757810e-05, v48;
	v16 =	vand.u32 $0xFF, v16  }
0x132: {  	v8 =	vmul.f32 v40, v30;
	v11 =	vmul.f32 v49, v47;
	v56 =	vadd.f32 $1.000000000e+00, v53  }
0x133: {  	v55 =	vpop (erf);
	v19 =	vadd.f32 $-1.000000000e+00, v53;
	v16 =	vadd.s32 $0xFFFFFF81, v16;
	v9 =	vmul.f32 v9, v44  }
0x134: {  	v14 =	vmul.f32 v55, v18;
	v57 =	vadd.f32 $9.999999740e-06, v3;
	v48 =	vcvt.s32.f32 v16  }
0x135: {  	v49 =	vld [tilespmem:$0x94D0];
	v8 =	vadd.f32 $2.000000000e+00, v8;
	v52 =	vmul.f32 v11, v11;
	(erf) = vrcp.f32 v56  }
0x136: {  	v9 =	vadd.f32 $2.000000000e+00, v9;
	v58 =	vmul.f32 v14, v14;
	v24 =	vand.u32 $0x7FFFFF, v57  }
0x137: {  	v18 =	vshrl.u32 v57, $0x17;
	v8 =	vmul.f32 v8, v27;
	v54 =	vmul.f32 $2.857142980e-01, v52  }
0x138: {  	v59 =	vor.u32 $0x3F800000, v24;
	v18 =	vand.u32 $0xFF, v18;
	v9 =	vmul.f32 v9, v15  }
0x139: {  	v23 =	vld [tilespmem:$0x94A0];
	v60 =	vmul.f32 $2.857142980e-01, v58;
	v25 =	vadd.f32 $1.000000000e+00, v59;
	v15 =	vadd.f32 $-1.000000000e+00, v59  }
0x13a: {  	v31 =	vld [tilespmem:$0x94B0];
	v18 =	vadd.s32 $0xFFFFFF81, v18;
	v16 =	vmul.f32 $3.051757810e-05, v49;
	v13 =	vadd.f32 $4.000000060e-01, v54  }
0x13b: {  	v8 =	vadd.f32 v8, v10;
	v10 =	vadd.s32 $0xFFFFFF81, v51;
	v54 =	vcvt.s32.f32 v18  }
0x13c: {  	v10 =	vcvt.s32.f32 v10;
	v62 =	vadd.f32 $4.000000060e-01, v60;
	v13 =	vmul.f32 v13, v52  }
0x13d: {  	(erf) = vrcp.f32 v25;
	v24 =	vadd.f32 $9.999999740e-06, v16;
	v5 =	vmul.f32 v8, v5  }
0x13e: {  	v56 =	vmul.f32 $6.931471820e-01, v54;
	v10 =	vmul.f32 $6.931471820e-01, v10;
	v61 =	vadd.f32 $6.666666860e-01, v13  }
0x13f: {  	v13 =	vmul.f32 $3.051757810e-05, v23;
	v5 =	vadd.f32 v5, v7;
	v7 =	vmul.f32 $3.051757810e-05, v31  }
0x140: {  	v9 =	vadd.f32 v9, v10;
	v10 =	vmul.f32 v62, v58;
	v28 =	vpop (erf);
	v8 =	vmul.f32 v61, v52  }
0x141: {  	v63 =	vadd.f32 $9.999999740e-06, v13;
	v29 =	vmul.f32 v28, v19;
	v19 =	vcvt.s32.f32 v34  }
0x142: {  	v31 =	vld [tilespmem:$0x94F0];
	v40 =	vadd.f32 $9.999999740e-06, v7;
	v9 =	vmul.f32 v9, v17;
	v17 =	vadd.s32 $0xFFFFFF81, v26  }
0x143: {  	v10 =	vadd.f32 $6.666666860e-01, v10;
	v8 =	vadd.f32 $2.000000000e+00, v8;
	v17 =	vcvt.s32.f32 v17  }
0x144: {  	v27 =	vand.u32 $0x7FFFFF, v63;
	v33 =	vmul.f32 v29, v29;
	v38 =	vmul.f32 $6.931471820e-01, v19  }
0x145: {  	v44 =	vand.u32 $0x7FFFFF, v40;
	v12 =	vshrl.u32 v63, $0x17;
	v20 =	vor.u32 $0x3F800000, v27  }
0x146: {  	v10 =	vmul.f32 v10, v58;
	v30 =	vadd.f32 $1.000000000e+00, v20;
	v35 =	vmul.f32 $2.857142980e-01, v33  }
0x147: {  	v9 =	vadd.f32 v9, v5;
	v58 =	vand.u32 $0x7FFFFF, v24;
	v18 =	vmul.f32 $3.051757810e-05, v31  }
0x148: {  	v8 =	vmul.f32 v8, v11;
	v36 =	vpop (erf);
	(erf) = vrcp.f32 v30;
	v37 =	vadd.f32 $4.000000060e-01, v35  }
0x149: {  	v12 =	vand.u32 $0xFF, v12;
	v17 =	vmul.f32 $6.931471820e-01, v17;
	v15 =	vmul.f32 v36, v15  }
0x14a: {  	v12 =	vadd.s32 $0xFFFFFF81, v12;
	v10 =	vadd.f32 $2.000000000e+00, v10;
	v41 =	vmul.f32 v37, v33  }
0x14b: {  	v45 =	vld [tilespmem:$0x94C0];
	v20 =	vadd.f32 $-1.000000000e+00, v20;
	v62 =	vcvt.s32.f32 v12;
	v39 =	vmul.f32 v15, v15  }
0x14c: {  	v36 =	vshrl.u32 v40, $0x17;
	v10 =	vmul.f32 v10, v14;
	v5 =	vadd.f32 $6.666666860e-01, v41  }
0x14d: {  	v8 =	vadd.f32 v8, v17;
	v14 =	vor.u32 $0x3F800000, v44;
	v43 =	vmul.f32 $2.857142980e-01, v39  }
0x14e: {  	v25 =	vmul.f32 $6.931471820e-01, v62;
	v42 =	vadd.f32 v10, v38;
	v5 =	vmul.f32 v5, v33  }
0x14f: {  	v6 =	vmul.f32 v8, v6;
	v47 =	vadd.f32 $1.000000000e+00, v14;
	v10 =	vadd.f32 $4.000000060e-01, v43  }
0x150: {  	v59 =	vld [tilespmem:$0x94E0];
	v4 =	vmul.f32 v42, v4;
	v22 =	vadd.f32 $2.000000000e+00, v5;
	v5 =	vmul.f32 $3.051757810e-05, v45  }
0x151: {  	v6 =	vadd.f32 v6, v9;
	v10 =	vmul.f32 v10, v39;
	v46 =	vpop (erf);
	(erf) = vrcp.f32 v47  }
0x152: {  	v14 =	vadd.f32 $-1.000000000e+00, v14;
	v20 =	vmul.f32 v46, v20;
	v51 =	vadd.f32 $9.999999740e-06, v5  }
0x153: {  	v8 =	vmul.f32 $6.931471820e-01, v48;
	v6 =	vadd.f32 v4, v6;
	v10 =	vadd.f32 $6.666666860e-01, v10  }
0x154: {  	v11 =	vmul.f32 v22, v29;
	v23 =	vmul.f32 v20, v20;
	v52 =	vand.u32 $0x7FFFFF, v51  }
0x155: {  	v4 =	vmul.f32 $3.051757810e-05, v59;
	v10 =	vmul.f32 v10, v39;
	v19 =	vor.u32 $0x3F800000, v52  }
0x156: {  	v8 =	vadd.f32 v11, v8;
	v50 =	vmul.f32 $2.857142980e-01, v23;
	v53 =	vadd.f32 $1.000000000e+00, v19  }
0x157: {  	v11 =	vand.u32 $0xFF, v36;
	v46 =	vshrl.u32 v51, $0x17;
	v10 =	vadd.f32 $2.000000000e+00, v10  }
0x158: {  	v11 =	vadd.s32 $0xFFFFFF81, v11;
	v17 =	vadd.f32 $4.000000060e-01, v50;
	(erf) = vrcp.f32 v53  }
0x159: {  	v49 =	vand.u32 $0xFF, v46;
	v2 =	vmul.f32 v8, v2;
	v27 =	vadd.f32 $-1.000000000e+00, v19  }
0x15a: {  	v19 =	vadd.f32 $9.999999740e-06, v18;
	v41 =	vcvt.s32.f32 v11;
	v17 =	vmul.f32 v17, v23;
	v55 =	vpop (erf)  }
0x15b: {  	v8 =	vadd.s32 $0xFFFFFF81, v49;
	v10 =	vmul.f32 v10, v15;
	v14 =	vmul.f32 v55, v14  }
0x15c: {  	v8 =	vcvt.s32.f32 v8;
	v2 =	vadd.f32 v2, v6;
	v17 =	vadd.f32 $6.666666860e-01, v17  }
0x15d: {  	v44 =	vand.u32 $0x7FFFFF, v19;
	v19 =	vshrl.u32 v19, $0x17;
	v60 =	vmul.f32 v14, v14  }
0x15e: {  	v26 =	vadd.f32 v10, v56;
	v57 =	vmul.f32 v17, v23;
	v17 =	vor.u32 $0x3F800000, v58  }
0x15f: {  	v19 =	vand.u32 $0xFF, v19;
	v61 =	vadd.f32 $1.000000000e+00, v17;
	v63 =	vmul.f32 $2.857142980e-01, v60  }
0x160: {  	v19 =	vadd.s32 $0xFFFFFF81, v19;
	v3 =	vmul.f32 v26, v3;
	v15 =	vadd.f32 $2.000000000e+00, v57  }
0x161: {  	v19 =	vcvt.s32.f32 v19;
	(erf) = vrcp.f32 v61;
	v12 =	vadd.f32 $4.000000060e-01, v63;
	v30 =	vpop (erf)  }
0x162: {  	v20 =	vmul.f32 v15, v20;
	v15 =	vadd.f32 $9.999999740e-06, v4;
	v32 =	vmul.f32 v30, v27  }
0x163: {  	v8 =	vmul.f32 $6.931471820e-01, v8;
	v2 =	vadd.f32 v3, v2;
	v29 =	vmul.f32 v12, v60  }
0x164: {  	v49 =	vmul.f32 $6.931471820e-01, v19;
	v35 =	vand.u32 $0x7FFFFF, v15;
	v12 =	vmul.f32 v32, v32  }
0x165: {  	v17 =	vadd.f32 $-1.000000000e+00, v17;
	v34 =	vadd.f32 $6.666666860e-01, v29;
	v10 =	vor.u32 $0x3F800000, v35  }
0x166: {  	v57 =	vshrl.u32 v24, $0x17;
	v37 =	vadd.f32 $1.000000000e+00, v10;
	v38 =	vmul.f32 $2.857142980e-01, v12  }
0x167: {  	v28 =	vadd.f32 v20, v25;
	v20 =	vand.u32 $0xFF, v57;
	v9 =	vmul.f32 v34, v60  }
0x168: {  	v15 =	vshrl.u32 v15, $0x17;
	(erf) = vrcp.f32 v37;
	v40 =	vadd.f32 $4.000000060e-01, v38  }
0x169: {  	v20 =	vadd.s32 $0xFFFFFF81, v20;
	v15 =	vand.u32 $0xFF, v15;
	v9 =	vadd.f32 $2.000000000e+00, v9  }
0x16a: {  	v45 =	vld [tilespmem:$0x9500];
	v33 =	vmul.f32 v28, v13;
	v10 =	vadd.f32 $-1.000000000e+00, v10;
	v39 =	vpop (erf);
	v42 =	vmul.f32 v40, v12  }
0x16b: {  	v17 =	vmul.f32 v39, v17;
	v3 =	vmul.f32 v9, v14;
	v14 =	vor.u32 $0x3F800000, v44  }
0x16c: {  	v9 =	vmul.f32 $6.931471820e-01, v41;
	v11 =	vadd.f32 $6.666666860e-01, v42;
	v48 =	vadd.f32 $1.000000000e+00, v14  }
0x16d: {  	v20 =	vcvt.s32.f32 v20;
	v15 =	vadd.s32 $0xFFFFFF81, v15;
	v43 =	vmul.f32 v17, v17  }
0x16e: {  	v3 =	vadd.f32 v3, v9;
	v50 =	vmul.f32 v11, v12;
	(erf) = vrcp.f32 v48  }
0x16f: {  	v2 =	vadd.f32 v33, v2;
	v12 =	vmul.f32 $3.051757810e-05, v45;
	v47 =	vmul.f32 $2.857142980e-01, v43  }
0x170: {  	v30 =	vmul.f32 $6.931471820e-01, v20;
	v3 =	vmul.f32 v3, v7;
	v9 =	vadd.f32 $2.000000000e+00, v50  }
0x171: {  	v56 =	vld [tilespmem:$0x9510];
	v41 =	vcvt.s32.f32 v15;
	v54 =	vadd.f32 $9.999999740e-06, v12;
	v51 =	vadd.f32 $4.000000060e-01, v47;
	v52 =	vpop (erf)  }
0x172: {  	v14 =	vadd.f32 $-1.000000000e+00, v14;
	v2 =	vadd.f32 v3, v2;
	v53 =	vmul.f32 v52, v10  }
0x173: {  	v6 =	vmul.f32 v9, v32;
	v59 =	vand.u32 $0x7FFFFF, v54;
	v52 =	vld [tilespmem:$0x9540];
	v11 =	vmul.f32 v51, v43  }
0x174: {  	v54 =	vshrl.u32 v54, $0x17;
	v60 =	vor.u32 $0x3F800000, v59;
	v58 =	vmul.f32 v53, v53  }
0x175: {  	v57 =	vand.u32 $0xFF, v54;
	v6 =	vadd.f32 v6, v8;
	v55 =	vadd.f32 $6.666666860e-01, v11  }
0x176: {  	v62 =	vadd.f32 $1.000000000e+00, v60;
	v11 =	vmul.f32 $3.051757810e-05, v56;
	v61 =	vmul.f32 $2.857142980e-01, v58  }
0x177: {  	v13 =	vadd.f32 $-1.000000000e+00, v60;
	v3 =	vmul.f32 v6, v5;
	v9 =	vmul.f32 v55, v43  }
0x178: {  	v33 =	vld [tilespmem:$0x9520];
	v63 =	vpop (erf);
	(erf) = vrcp.f32 v62;
	v32 =	vadd.f32 $9.999999740e-06, v11;
	v19 =	vmul.f32 $3.051757810e-05, v52  }
0x179: {  	v22 =	vadd.f32 $4.000000060e-01, v61;
	v29 =	vmul.f32 v63, v14;
	v2 =	vadd.f32 v3, v2  }
0x17a: {  	v9 =	vadd.f32 $2.000000000e+00, v9;
	v37 =	vand.u32 $0x7FFFFF, v32;
	v63 =	vadd.f32 $9.999999740e-06, v19  }
0x17b: {  	v20 =	vshrl.u32 v32, $0x17;
	v31 =	vmul.f32 v22, v58;
	v14 =	vor.u32 $0x3F800000, v37  }
0x17c: {  	v34 =	vmul.f32 v29, v29;
	v28 =	vmul.f32 v9, v17;
	v38 =	vadd.f32 $1.000000000e+00, v14  }
0x17d: {  	v17 =	vmul.f32 $3.051757810e-05, v33;
	v14 =	vadd.f32 $-1.000000000e+00, v14;
	v33 =	vand.u32 $0xFF, v20  }
0x17e: {  	v36 =	vadd.f32 $6.666666860e-01, v31;
	v3 =	vmul.f32 $2.857142980e-01, v34;
	v35 =	vadd.f32 v28, v30  }
0x17f: {  	(erf) = vrcp.f32 v38;
	v21 =	vadd.f32 $9.999999740e-06, v17;
	v30 =	vand.u32 $0x7FFFFF, v63  }
0x180: {  	v8 =	vmul.f32 v36, v58;
	v3 =	vadd.f32 $4.000000060e-01, v3;
	v31 =	vor.u32 $0x3F800000, v30  }
0x181: {  	v6 =	vmul.f32 v35, v16;
	v42 =	vand.u32 $0x7FFFFF, v21;
	v26 =	vadd.f32 $1.000000000e+00, v31  }
0x182: {  	v21 =	vshrl.u32 v21, $0x17;
	v8 =	vadd.f32 $2.000000000e+00, v8;
	v3 =	vmul.f32 v3, v34;
	v39 =	vpop (erf)  }
0x183: {  	v15 =	vor.u32 $0x3F800000, v42;
	v42 =	vand.u32 $0xFF, v21;
	v40 =	vmul.f32 v39, v13  }
0x184: {  	v43 =	vld [tilespmem:$0x9530];
	v45 =	vadd.f32 $1.000000000e+00, v15;
	v13 =	vmul.f32 $6.931471820e-01, v41;
	v3 =	vadd.f32 $6.666666860e-01, v3  }
0x185: {  	v15 =	vadd.f32 $-1.000000000e+00, v15;
	v7 =	vmul.f32 v8, v53;
	v44 =	vmul.f32 v40, v40  }
0x186: {  	v8 =	vadd.s32 $0xFFFFFF81, v33;
	(erf) = vrcp.f32 v45;
	v3 =	vmul.f32 v3, v34  }
0x187: {  	v2 =	vadd.f32 v6, v2;
	v8 =	vcvt.s32.f32 v8;
	v7 =	vadd.f32 v7, v13  }
0x188: {  	v45 =	vadd.f32 $-1.000000000e+00, v31;
	v46 =	vmul.f32 $2.857142980e-01, v44;
	v47 =	vadd.f32 $2.000000000e+00, v3  }
0x189: {  	v3 =	vmul.f32 $3.051757810e-05, v43;
	v50 =	vpop (erf);
	v7 =	vmul.f32 v7, v4;
	v4 =	vadd.s32 $0xFFFFFF81, v57  }
0x18a: {  	v62 =	vld [tilespmem:$0x9550];
	v48 =	vadd.f32 $4.000000060e-01, v46;
	v14 =	vmul.f32 v50, v14;
	v4 =	vcvt.s32.f32 v4  }
0x18b: {  	v9 =	vmul.f32 v47, v29;
	v51 =	vadd.f32 $9.999999740e-06, v3;
	v2 =	vadd.f32 v7, v2  }
0x18c: {  	v7 =	vadd.s32 $0xFFFFFF81, v42;
	v5 =	vmul.f32 v48, v44;
	v55 =	vmul.f32 v14, v14  }
0x18d: {  	v28 =	vmul.f32 $6.931471820e-01, v4;
	v7 =	vcvt.s32.f32 v7;
	v56 =	vand.u32 $0x7FFFFF, v51  }
0x18e: {  	v53 =	vadd.f32 v9, v49;
	v58 =	vor.u32 $0x3F800000, v56;
	v59 =	vmul.f32 $2.857142980e-01, v55  }
0x18f: {  	v4 =	vmul.f32 $3.051757810e-05, v62;
	v5 =	vadd.f32 $6.666666860e-01, v5;
	v60 =	vadd.f32 $1.000000000e+00, v58;
	v61 =	vpop (erf)  }
0x190: {  	v7 =	vmul.f32 $6.931471820e-01, v7;
	v13 =	vadd.f32 $4.000000060e-01, v59;
	v15 =	vmul.f32 v61, v15  }
0x191: {  	v49 =	vshrl.u32 v51, $0x17;
	v5 =	vmul.f32 v5, v44;
	(erf) = vrcp.f32 v60  }
0x192: {  	v35 =	vadd.f32 $9.999999740e-06, v4;
	v27 =	vmul.f32 v13, v55;
	v29 =	vmul.f32 v15, v15  }
0x193: {  	v18 =	vmul.f32 v53, v18;
	v5 =	vadd.f32 $2.000000000e+00, v5;
	(erf) = vrcp.f32 v26  }
0x194: {  	v9 =	vadd.f32 $-1.000000000e+00, v58;
	v6 =	vadd.f32 $6.666666860e-01, v27;
	v32 =	vmul.f32 $2.857142980e-01, v29  }
0x195: {  	v58 =	vshrl.u32 v63, $0x17;
	v37 =	vand.u32 $0x7FFFFF, v35;
	v5 =	vmul.f32 v5, v40  }
0x196: {  	v44 =	vld [tilespmem:$0x9560];
	v21 =	vand.u32 $0xFF, v58;
	v6 =	vmul.f32 v6, v55;
	v34 =	vadd.f32 $4.000000060e-01, v32  }
0x197: {  	v38 =	vor.u32 $0x3F800000, v37;
	v2 =	vadd.f32 v18, v2;
	v5 =	vadd.f32 v5, v28  }
0x198: {  	v21 =	vadd.s32 $0xFFFFFF81, v21;
	v6 =	vadd.f32 $2.000000000e+00, v6;
	v10 =	vmul.f32 v34, v29  }
0x199: {  	v39 =	vadd.f32 $1.000000000e+00, v38;
	v26 =	vcvt.s32.f32 v21;
	v5 =	vmul.f32 v5, v12  }
0x19a: {  	v40 =	vmul.f32 $6.931471820e-01, v8;
	v6 =	vmul.f32 v6, v14;
	v10 =	vadd.f32 $6.666666860e-01, v10  }
0x19b: {  	v36 =	vpop (erf);
	(erf) = vrcp.f32 v39;
	v5 =	vadd.f32 v5, v2;
	v14 =	vmul.f32 $3.051757810e-05, v44;
	v2 =	vld [tilespmem:$0x9570]  }
0x19c: {  	v12 =	vadd.f32 $-1.000000000e+00, v38;
	v9 =	vmul.f32 v36, v9;
	v47 =	vpop (erf);
	v10 =	vmul.f32 v10, v29  }
0x19d: {  	v6 =	vadd.f32 v6, v40;
	v13 =	vmul.f32 v47, v45;
	v51 =	vadd.f32 $9.999999740e-06, v14  }
0x19e: {  	v29 =	vshrl.u32 v35, $0x17;
	v41 =	vmul.f32 v9, v9;
	v10 =	vadd.f32 $2.000000000e+00, v10  }
0x19f: {  	v6 =	vmul.f32 v6, v11;
	v48 =	vmul.f32 v13, v13;
	v53 =	vand.u32 $0x7FFFFF, v51  }
0x1a0: {  	v18 =	vshrl.u32 v51, $0x17;
	v43 =	vmul.f32 $2.857142980e-01, v41;
	v2 =	vmul.f32 $3.051757810e-05, v2  }
0x1a1: {  	v10 =	vmul.f32 v10, v15;
	v50 =	vmul.f32 $2.857142980e-01, v48;
	v5 =	vadd.f32 v6, v5  }
0x1a2: {  	v6 =	vmul.f32 $6.931471820e-01, v26;
	v46 =	vadd.f32 $4.000000060e-01, v43;
	v56 =	vadd.f32 $9.999999740e-06, v2  }
0x1a3: {  	v7 =	vadd.f32 v10, v7;
	v10 =	vand.u32 $0xFF, v49;
	v16 =	vadd.f32 $4.000000060e-01, v50  }
0x1a4: {  	v62 =	vld [tilespmem:$0x9580];
	v11 =	vmul.f32 v46, v41;
	v10 =	vadd.s32 $0xFFFFFF81, v10;
	v59 =	vand.u32 $0x7FFFFF, v56  }
0x1a5: {  	v16 =	vmul.f32 v16, v48;
	v10 =	vcvt.s32.f32 v10;
	v61 =	vor.u32 $0x3F800000, v59  }
0x1a6: {  	v7 =	vmul.f32 v7, v17;
	v11 =	vadd.f32 $6.666666860e-01, v11;
	v63 =	vadd.f32 $1.000000000e+00, v61  }
0x1a7: {  	v52 =	vpop (erf);
	v35 =	vadd.f32 $-1.000000000e+00, v61;
	v16 =	vadd.f32 $6.666666860e-01, v16;
	v10 =	vmul.f32 $6.931471820e-01, v10  }
0x1a8: {  	v8 =	vmul.f32 v11, v41;
	v11 =	vmul.f32 v52, v12;
	v12 =	vor.u32 $0x3F800000, v53  }
0x1a9: {  	v5 =	vadd.f32 v7, v5;
	v7 =	vmul.f32 $3.051757810e-05, v62;
	v55 =	vadd.f32 $1.000000000e+00, v12  }
0x1aa: {  	v15 =	vmul.f32 v16, v48;
	v12 =	vadd.f32 $-1.000000000e+00, v12;
	v54 =	vmul.f32 v11, v11  }
0x1ab: {  	v31 =	vadd.f32 $9.999999740e-06, v7;
	v8 =	vadd.f32 $2.000000000e+00, v8;
	(erf) = vrcp.f32 v55  }
0x1ac: {  	v48 =	vand.u32 $0xFF, v18;
	v15 =	vadd.f32 $2.000000000e+00, v15;
	v57 =	vmul.f32 $2.857142980e-01, v54  }
0x1ad: {  	v33 =	vand.u32 $0x7FFFFF, v31;
	v8 =	vmul.f32 v8, v9;
	(erf) = vrcp.f32 v63  }
0x1ae: {  	v9 =	vshrl.u32 v56, $0x17;
	v27 =	vmul.f32 v15, v13;
	v60 =	vadd.f32 $4.000000060e-01, v57  }
0x1af: {  	v40 =	vld [tilespmem:$0x95A0];
	v13 =	vor.u32 $0x3F800000, v33;
	v9 =	vand.u32 $0xFF, v9;
	v8 =	vadd.f32 v8, v10  }
0x1b0: {  	v10 =	vand.u32 $0xFF, v29;
	v9 =	vadd.s32 $0xFFFFFF81, v9;
	v16 =	vmul.f32 v60, v54  }
0x1b1: {  	v6 =	vadd.f32 v27, v6;
	v10 =	vadd.s32 $0xFFFFFF81, v10;
	v9 =	vcvt.s32.f32 v9  }
0x1b2: {  	v8 =	vmul.f32 v8, v3;
	v10 =	vcvt.s32.f32 v10;
	v28 =	vadd.f32 $6.666666860e-01, v16  }
0x1b3: {  	v32 =	vld [tilespmem:$0x9590];
	v36 =	vadd.f32 $1.000000000e+00, v13;
	v6 =	vmul.f32 v6, v19;
	v60 =	vmul.f32 $6.931471820e-01, v9  }
0x1b4: {  	v13 =	vadd.f32 $-1.000000000e+00, v13;
	v16 =	vmul.f32 $3.051757810e-05, v40;
	v3 =	vmul.f32 v28, v54;
	v30 =	vpop (erf)  }
0x1b5: {  	v27 =	vshrl.u32 v31, $0x17;
	v10 =	vmul.f32 $6.931471820e-01, v10;
	v12 =	vmul.f32 v30, v12  }
0x1b6: {  	v17 =	vadd.f32 $9.999999740e-06, v16;
	v38 =	vpop (erf);
	(erf) = vrcp.f32 v36;
	v3 =	vadd.f32 $2.000000000e+00, v3  }
0x1b7: {  	v5 =	vadd.f32 v8, v5;
	v39 =	vmul.f32 v38, v35;
	v34 =	vmul.f32 v12, v12  }
0x1b8: {  	v51 =	vand.u32 $0x7FFFFF, v17;
	v11 =	vmul.f32 v3, v11;
	v3 =	vmul.f32 $3.051757810e-05, v32  }
0x1b9: {  	v52 =	vor.u32 $0x3F800000, v51;
	v43 =	vmul.f32 v39, v39;
	v37 =	vmul.f32 $2.857142980e-01, v34  }
0x1ba: {  	v5 =	vadd.f32 v6, v5;
	v30 =	vand.u32 $0xFF, v27;
	v53 =	vadd.f32 $1.000000000e+00, v52  }
0x1bb: {  	v42 =	vadd.f32 $9.999999740e-06, v3;
	v46 =	vmul.f32 $2.857142980e-01, v43;
	v41 =	vadd.f32 $4.000000060e-01, v37  }
0x1bc: {  	v33 =	vadd.s32 $0xFFFFFF81, v30;
	v21 =	vadd.f32 $-1.000000000e+00, v52;
	v10 =	vadd.f32 v11, v10  }
0x1bd: {  	v45 =	vand.u32 $0x7FFFFF, v42;
	v49 =	vadd.f32 $4.000000060e-01, v46;
	v44 =	vmul.f32 v41, v34  }
0x1be: {  	v62 =	vld [tilespmem:$0x95C0];
	v4 =	vmul.f32 v10, v4;
	v10 =	vadd.s32 $0xFFFFFF81, v48;
	v19 =	vor.u32 $0x3F800000, v45  }
0x1bf: {  	v47 =	vadd.f32 $1.000000000e+00, v19;
	v18 =	vmul.f32 v49, v43;
	v50 =	vpop (erf);
	v11 =	vadd.f32 $6.666666860e-01, v44  }
0x1c0: {  	v37 =	vshrl.u32 v42, $0x17;
	v10 =	vcvt.s32.f32 v10;
	v13 =	vmul.f32 v50, v13  }
0x1c1: {  	(erf) = vrcp.f32 v47;
	v18 =	vadd.f32 $6.666666860e-01, v18;
	v11 =	vmul.f32 v11, v34  }
0x1c2: {  	v57 =	vadd.f32 $-1.000000000e+00, v19;
	v55 =	vmul.f32 v13, v13;
	(erf) = vrcp.f32 v53  }
0x1c3: {  	v4 =	vadd.f32 v4, v5;
	v5 =	vmul.f32 $3.051757810e-05, v62;
	v6 =	vmul.f32 v18, v43  }
0x1c4: {  	v10 =	vmul.f32 $6.931471820e-01, v10;
	v11 =	vadd.f32 $2.000000000e+00, v11;
	v56 =	vmul.f32 $2.857142980e-01, v55  }
0x1c5: {  	v54 =	vld [tilespmem:$0x95B0];
	v50 =	vshrl.u32 v17, $0x17;
	v36 =	vadd.f32 $9.999999740e-06, v5;
	v6 =	vadd.f32 $2.000000000e+00, v6  }
0x1c6: {  	v53 =	vand.u32 $0xFF, v50;
	v11 =	vmul.f32 v11, v12;
	v58 =	vadd.f32 $4.000000060e-01, v56  }
0x1c7: {  	v30 =	vshrl.u32 v36, $0x17;
	v12 =	vcvt.s32.f32 v33;
	v6 =	vmul.f32 v6, v39  }
0x1c8: {  	v39 =	vand.u32 $0x7FFFFF, v36;
	v10 =	vadd.f32 v11, v10;
	v8 =	vmul.f32 v58, v55  }
0x1c9: {  	v12 =	vmul.f32 $6.931471820e-01, v12;
	v23 =	vor.u32 $0x3F800000, v39;
	v6 =	vadd.f32 v6, v60  }
0x1ca: {  	v10 =	vmul.f32 v10, v14;
	v59 =	vpop (erf);
	v14 =	vmul.f32 $3.051757810e-05, v54;
	v8 =	vadd.f32 $6.666666860e-01, v8  }
0x1cb: {  	v42 =	vadd.f32 $1.000000000e+00, v23;
	v61 =	vmul.f32 v59, v57;
	v31 =	vpop (erf);
	v6 =	vmul.f32 v6, v2  }
0x1cc: {  	v11 =	vadd.f32 $9.999999740e-06, v14;
	v8 =	vmul.f32 v8, v55;
	v21 =	vmul.f32 v31, v21  }
0x1cd: {  	v57 =	vadd.f32 $-1.000000000e+00, v23;
	v4 =	vadd.f32 v10, v4;
	v63 =	vmul.f32 v61, v61  }
0x1ce: {  	v28 =	vand.u32 $0x7FFFFF, v11;
	v8 =	vadd.f32 $2.000000000e+00, v8;
	v35 =	vmul.f32 v21, v21  }
0x1cf: {  	v52 =	vld [tilespmem:$0x95E0];
	v6 =	vadd.f32 v6, v4;
	v4 =	vadd.s32 $0xFFFFFF81, v53;
	v11 =	vshrl.u32 v11, $0x17  }
0x1d0: {  	v29 =	vmul.f32 $2.857142980e-01, v63;
	v15 =	vor.u32 $0x3F800000, v28;
	v4 =	vcvt.s32.f32 v4  }
0x1d1: {  	v40 =	vld [tilespmem:$0x95D0];
	v11 =	vand.u32 $0xFF, v11;
	v32 =	vadd.f32 $1.000000000e+00, v15;
	v8 =	vmul.f32 v8, v13  }
0x1d2: {  	v38 =	vmul.f32 $2.857142980e-01, v35;
	v13 =	vand.u32 $0xFF, v37;
	v45 =	vadd.f32 $-1.000000000e+00, v15  }
0x1d3: {  	v11 =	vadd.s32 $0xFFFFFF81, v11;
	v19 =	vadd.f32 $4.000000060e-01, v29;
	v59 =	vmul.f32 $6.931471820e-01, v4  }
0x1d4: {  	v4 =	vmul.f32 $3.051757810e-05, v52;
	(erf) = vrcp.f32 v32;
	v2 =	vadd.f32 v8, v12  }
0x1d5: {  	v43 =	vadd.s32 $0xFFFFFF81, v13;
	v34 =	vmul.f32 v19, v63;
	(erf) = vrcp.f32 v42  }
0x1d6: {  	v41 =	vadd.f32 $4.000000060e-01, v38;
	v7 =	vmul.f32 v2, v7;
	v2 =	vmul.f32 $3.051757810e-05, v40  }
0x1d7: {  	v29 =	vcvt.s32.f32 v11;
	v8 =	vcvt.s32.f32 v43;
	v18 =	vadd.f32 $6.666666860e-01, v34  }
0x1d8: {  	v15 =	vadd.f32 $9.999999740e-06, v4;
	v44 =	vmul.f32 v41, v35;
	v51 =	vadd.f32 $9.999999740e-06, v2  }
0x1d9: {  	v11 =	vand.u32 $0xFF, v30;
	v48 =	vmul.f32 $6.931471820e-01, v8;
	v10 =	vmul.f32 v18, v63  }
0x1da: {  	v8 =	vmul.f32 $6.931471820e-01, v29;
	v23 =	vand.u32 $0x7FFFFF, v15;
	v55 =	vand.u32 $0x7FFFFF, v51  }
0x1db: {  	v46 =	vadd.f32 $6.666666860e-01, v44;
	v10 =	vadd.f32 $2.000000000e+00, v10;
	v17 =	vor.u32 $0x3F800000, v55  }
0x1dc: {  	v15 =	vshrl.u32 v15, $0x17;
	v6 =	vadd.f32 v7, v6;
	v58 =	vadd.f32 $1.000000000e+00, v17  }
0x1dd: {  	v15 =	vand.u32 $0xFF, v15;
	v9 =	vmul.f32 v10, v61;
	v47 =	vpop (erf);
	v10 =	vmul.f32 v46, v35  }
0x1de: {  	v15 =	vadd.s32 $0xFFFFFF81, v15;
	v49 =	vmul.f32 v47, v45;
	v60 =	vpop (erf);
	(erf) = vrcp.f32 v58  }
0x1df: {  	v13 =	vshrl.u32 v51, $0x17;
	v10 =	vadd.f32 $2.000000000e+00, v10;
	v61 =	vmul.f32 v60, v57  }
0x1e0: {  	v15 =	vcvt.s32.f32 v15;
	v9 =	vadd.f32 v9, v48;
	v54 =	vmul.f32 v49, v49  }
0x1e1: {  	v13 =	vand.u32 $0xFF, v13;
	v10 =	vmul.f32 v10, v21;
	v19 =	vmul.f32 v61, v61  }
0x1e2: {  	v63 =	vld [tilespmem:$0x95F0];
	v27 =	vadd.f32 $-1.000000000e+00, v17;
	v3 =	vmul.f32 v9, v3;
	v56 =	vmul.f32 $2.857142980e-01, v54  }
0x1e3: {  	v9 =	vor.u32 $0x3F800000, v23;
	v10 =	vadd.f32 v10, v59;
	v24 =	vmul.f32 $2.857142980e-01, v19  }
0x1e4: {  	v32 =	vld [tilespmem:$0x9600];
	v50 =	vadd.s32 $0xFFFFFF81, v13;
	v25 =	vadd.f32 $1.000000000e+00, v9;
	v18 =	vadd.f32 $4.000000060e-01, v56  }
0x1e5: {  	v3 =	vadd.f32 v3, v6;
	v10 =	vmul.f32 v10, v16;
	v16 =	vadd.f32 $4.000000060e-01, v24  }
0x1e6: {  	v9 =	vadd.f32 $-1.000000000e+00, v9;
	(erf) = vrcp.f32 v25;
	v62 =	vmul.f32 v18, v54  }
0x1e7: {  	v18 =	vmul.f32 $3.051757810e-05, v63;
	v26 =	vmul.f32 v16, v19;
	v20 =	vpop (erf);
	v10 =	vadd.f32 v10, v3  }
0x1e8: {  	v3 =	vadd.s32 $0xFFFFFF81, v11;
	v21 =	vadd.f32 $6.666666860e-01, v62;
	v16 =	vmul.f32 v20, v27  }
0x1e9: {  	v28 =	vadd.f32 $9.999999740e-06, v18;
	v37 =	vcvt.s32.f32 v3;
	v3 =	vmul.f32 $3.051757810e-05, v32  }
0x1ea: {  	v63 =	vmul.f32 $6.931471820e-01, v15;
	v12 =	vadd.f32 $6.666666860e-01, v26;
	v6 =	vmul.f32 v21, v54  }
0x1eb: {  	v31 =	vand.u32 $0x7FFFFF, v28;
	v33 =	vmul.f32 v16, v16;
	v41 =	vadd.f32 $9.999999740e-06, v3  }
0x1ec: {  	v27 =	vshrl.u32 v28, $0x17;
	v20 =	vor.u32 $0x3F800000, v31;
	v12 =	vmul.f32 v12, v19  }
0x1ed: {  	v15 =	vand.u32 $0xFF, v27;
	v6 =	vadd.f32 $2.000000000e+00, v6;
	v34 =	vadd.f32 $1.000000000e+00, v20  }
0x1ee: {  	v36 =	vmul.f32 $2.857142980e-01, v33;
	v43 =	vand.u32 $0x7FFFFF, v41;
	v46 =	vadd.f32 $-1.000000000e+00, v20  }
0x1ef: {  	v15 =	vadd.s32 $0xFFFFFF81, v15;
	v35 =	vadd.f32 $2.000000000e+00, v12;
	v12 =	vmul.f32 $6.931471820e-01, v37  }
0x1f0: {  	v11 =	vshrl.u32 v41, $0x17;
	v39 =	vpop (erf);
	v15 =	vcvt.s32.f32 v15;
	v6 =	vmul.f32 v6, v49  }
0x1f1: {  	v40 =	vld [tilespmem:$0x9610];
	(erf) = vrcp.f32 v34;
	v38 =	vadd.f32 $4.000000060e-01, v36;
	v9 =	vmul.f32 v39, v9  }
0x1f2: {  	v7 =	vmul.f32 v35, v61;
	v35 =	vmul.f32 $6.931471820e-01, v15;
	v6 =	vadd.f32 v6, v8  }
0x1f3: {  	v11 =	vand.u32 $0xFF, v11;
	v8 =	vmul.f32 v38, v33;
	v42 =	vmul.f32 v9, v9  }
0x1f4: {  	v7 =	vadd.f32 v7, v12;
	v12 =	vor.u32 $0x3F800000, v43;
	v6 =	vmul.f32 v6, v14  }
0x1f5: {  	v8 =	vadd.f32 $6.666666860e-01, v8;
	v44 =	vmul.f32 $2.857142980e-01, v42;
	v45 =	vadd.f32 $1.000000000e+00, v12  }
0x1f6: {  	v14 =	vmul.f32 $3.051757810e-05, v40;
	v12 =	vadd.f32 $-1.000000000e+00, v12;
	v5 =	vmul.f32 v7, v5  }
0x1f7: {  	v7 =	vcvt.s32.f32 v50;
	v8 =	vmul.f32 v8, v33;
	v47 =	vadd.f32 $4.000000060e-01, v44  }
0x1f8: {  	v54 =	vld [tilespmem:$0x9620];
	v6 =	vadd.f32 v6, v10;
	(erf) = vrcp.f32 v45;
	v49 =	vadd.f32 $9.999999740e-06, v14  }
0x1f9: {  	v58 =	vmul.f32 $6.931471820e-01, v7;
	v8 =	vadd.f32 $2.000000000e+00, v8;
	v52 =	vmul.f32 v47, v42  }
0x1fa: {  	v53 =	vand.u32 $0x7FFFFF, v49;
	v5 =	vadd.f32 v5, v6;
	v44 =	vshrl.u32 v49, $0x17;
	v48 =	vpop (erf)  }
0x1fb: {  	v20 =	vor.u32 $0x3F800000, v53;
	v17 =	vand.u32 $0xFF, v44;
	v51 =	vmul.f32 v48, v46  }
0x1fc: {  	v8 =	vmul.f32 v8, v16;
	v57 =	vadd.f32 $1.000000000e+00, v20;
	v17 =	vadd.s32 $0xFFFFFF81, v17  }
0x1fd: {  	v56 =	vadd.f32 $6.666666860e-01, v52;
	v16 =	vmul.f32 $3.051757810e-05, v54;
	v17 =	vcvt.s32.f32 v17  }
0x1fe: {  	v20 =	vadd.f32 $-1.000000000e+00, v20;
	v55 =	vmul.f32 v51, v51;
	(erf) = vrcp.f32 v57  }
0x1ff: {  	v31 =	vld [tilespmem:$0x9630];
	v10 =	vmul.f32 v56, v42;
	v21 =	vadd.f32 $9.999999740e-06, v16;
	v6 =	vadd.f32 v8, v58  }
0x200: {  	v42 =	vadd.s32 $0xFFFFFF81, v11;
	v50 =	vmul.f32 $6.931471820e-01, v17;
	v59 =	vmul.f32 $2.857142980e-01, v55  }
0x201: {  	v10 =	vadd.f32 $2.000000000e+00, v10;
	v26 =	vand.u32 $0x7FFFFF, v21;
	v2 =	vmul.f32 v6, v2;
	v60 =	vpop (erf)  }
0x202: {  	v57 =	vshrl.u32 v21, $0x17;
	v62 =	vmul.f32 v60, v12;
	v12 =	vor.u32 $0x3F800000, v26  }
0x203: {  	v7 =	vadd.f32 $4.000000060e-01, v59;
	v61 =	vmul.f32 v10, v9;
	v29 =	vadd.f32 $1.000000000e+00, v12  }
0x204: {  	v2 =	vadd.f32 v2, v5;
	v5 =	vmul.f32 $3.051757810e-05, v31;
	v9 =	vcvt.s32.f32 v42  }
0x205: {  	v28 =	vmul.f32 v62, v62;
	v8 =	vadd.f32 v61, v63;
	(erf) = vrcp.f32 v29  }
0x206: {  	v7 =	vmul.f32 v7, v55;
	v38 =	vadd.f32 $9.999999740e-06, v5;
	v9 =	vmul.f32 $6.931471820e-01, v9  }
0x207: {  	v12 =	vadd.f32 $-1.000000000e+00, v12;
	v30 =	vmul.f32 $2.857142980e-01, v28;
	v4 =	vmul.f32 v8, v4;
	v32 =	vpop (erf)  }
0x208: {  	v7 =	vadd.f32 $6.666666860e-01, v7;
	v39 =	vand.u32 $0x7FFFFF, v38;
	v34 =	vmul.f32 v32, v20  }
0x209: {  	v10 =	vshrl.u32 v38, $0x17;
	v33 =	vadd.f32 $4.000000060e-01, v30;
	v4 =	vadd.f32 v4, v2;
	v2 =	vld [tilespmem:$0x9640]  }
0x20a: {  	v15 =	vor.u32 $0x3F800000, v39;
	v7 =	vmul.f32 v7, v55;
	v36 =	vmul.f32 v34, v34  }
0x20b: {  	v10 =	vand.u32 $0xFF, v10;
	v41 =	vadd.f32 $1.000000000e+00, v15;
	v6 =	vmul.f32 v33, v28  }
0x20c: {  	v10 =	vadd.s32 $0xFFFFFF81, v10;
	v7 =	vadd.f32 $2.000000000e+00, v7;
	v37 =	vmul.f32 $2.857142980e-01, v36  }
0x20d: {  	v10 =	vcvt.s32.f32 v10;
	(erf) = vrcp.f32 v41;
	v6 =	vadd.f32 $6.666666860e-01, v6  }
0x20e: {  	v7 =	vmul.f32 v7, v51;
	v2 =	vmul.f32 $3.051757810e-05, v2;
	v8 =	vadd.f32 $4.000000060e-01, v37;
	v40 =	vpop (erf)  }
0x20f: {  	v52 =	vadd.f32 $-1.000000000e+00, v15;
	v6 =	vmul.f32 v6, v28;
	v12 =	vmul.f32 v40, v12  }
0x210: {  	v47 =	vld [tilespmem:$0x9650];
	v7 =	vadd.f32 v7, v35;
	v45 =	vadd.f32 $9.999999740e-06, v2;
	v8 =	vmul.f32 v8, v36  }
0x211: {  	v10 =	vmul.f32 $6.931471820e-01, v10;
	v6 =	vadd.f32 $2.000000000e+00, v6;
	v43 =	vmul.f32 v12, v12  }
0x212: {  	v7 =	vmul.f32 v7, v18;
	v48 =	vand.u32 $0x7FFFFF, v45;
	v8 =	vadd.f32 $6.666666860e-01, v8  }
0x213: {  	v56 =	vld [tilespmem:$0x9660];
	v6 =	vmul.f32 v6, v62;
	v22 =	vor.u32 $0x3F800000, v48;
	v46 =	vmul.f32 $2.857142980e-01, v43  }
0x214: {  	v38 =	vshrl.u32 v45, $0x17;
	v49 =	vadd.f32 $1.000000000e+00, v22;
	v8 =	vmul.f32 v8, v36  }
0x215: {  	v6 =	vadd.f32 v6, v9;
	v9 =	vmul.f32 $3.051757810e-05, v47;
	v18 =	vadd.f32 $4.000000060e-01, v46  }
0x216: {  	v4 =	vadd.f32 v7, v4;
	(erf) = vrcp.f32 v49;
	v8 =	vadd.f32 $2.000000000e+00, v8  }
0x217: {  	v3 =	vmul.f32 v6, v3;
	v55 =	vadd.f32 $9.999999740e-06, v9;
	v51 =	vmul.f32 v18, v43  }
0x218: {  	v61 =	vadd.f32 $-1.000000000e+00, v22;
	v18 =	vmul.f32 $3.051757810e-05, v56;
	v8 =	vmul.f32 v8, v34  }
0x219: {  	v58 =	vand.u32 $0x7FFFFF, v55;
	v3 =	vadd.f32 v3, v4;
	v48 =	vshrl.u32 v55, $0x17  }
0x21a: {  	v54 =	vpop (erf);
	v53 =	vadd.f32 $6.666666860e-01, v51;
	v11 =	vor.u32 $0x3F800000, v58;
	v24 =	vadd.f32 $9.999999740e-06, v18  }
0x21b: {  	v13 =	vand.u32 $0xFF, v48;
	v7 =	vadd.f32 v8, v50;
	v8 =	vmul.f32 v54, v52  }
0x21c: {  	v59 =	vadd.f32 $1.000000000e+00, v11;
	v11 =	vadd.f32 $-1.000000000e+00, v11;
	v13 =	vadd.s32 $0xFFFFFF81, v13  }
0x21d: {  	v6 =	vmul.f32 v53, v43;
	v26 =	vand.u32 $0x7FFFFF, v24;
	v54 =	vshrl.u32 v24, $0x17  }
0x21e: {  	v7 =	vmul.f32 v7, v14;
	v14 =	vand.u32 $0xFF, v57;
	v15 =	vmul.f32 v8, v8  }
0x21f: {  	v47 =	vld [tilespmem:$0x9690];
	(erf) = vrcp.f32 v59;
	v57 =	vcvt.s32.f32 v13;
	v58 =	vand.u32 $0xFF, v54  }
0x220: {  	v14 =	vadd.s32 $0xFFFFFF81, v14;
	v6 =	vadd.f32 $2.000000000e+00, v6;
	v60 =	vmul.f32 $2.857142980e-01, v15;
	v63 =	vpop (erf)  }
0x221: {  	v62 =	vld [tilespmem:$0x9670];
	v13 =	vadd.s32 $0xFFFFFF81, v58;
	v14 =	vcvt.s32.f32 v14;
	v25 =	vmul.f32 v63, v61  }
0x222: {  	v6 =	vmul.f32 v6, v12;
	v12 =	vor.u32 $0x3F800000, v26;
	v4 =	vadd.f32 $4.000000060e-01, v60  }
0x223: {  	v35 =	vld [tilespmem:$0x9680];
	v14 =	vmul.f32 $6.931471820e-01, v14;
	v29 =	vadd.f32 $1.000000000e+00, v12;
	v27 =	vmul.f32 v25, v25  }
0x224: {  	v41 =	vadd.f32 $-1.000000000e+00, v12;
	v12 =	vmul.f32 $3.051757810e-05, v47;
	v4 =	vmul.f32 v4, v15  }
0x225: {  	v6 =	vadd.f32 v6, v14;
	(erf) = vrcp.f32 v29;
	v30 =	vmul.f32 $2.857142980e-01, v27  }
0x226: {  	v3 =	vadd.f32 v7, v3;
	v28 =	vadd.f32 $6.666666860e-01, v4;
	v4 =	vmul.f32 $3.051757810e-05, v62  }
0x227: {  	v23 =	vadd.f32 $9.999999740e-06, v12;
	v6 =	vmul.f32 v6, v16;
	v16 =	vadd.f32 $4.000000060e-01, v30  }
0x228: {  	v14 =	vmul.f32 $3.051757810e-05, v35;
	v31 =	vpop (erf);
	v15 =	vmul.f32 v28, v15;
	v19 =	vadd.f32 $9.999999740e-06, v4  }
0x229: {  	v61 =	vand.u32 $0x7FFFFF, v23;
	v11 =	vmul.f32 v31, v11;
	v16 =	vmul.f32 v16, v27  }
0x22a: {  	v23 =	vshrl.u32 v23, $0x17;
	v15 =	vadd.f32 $2.000000000e+00, v15;
	v32 =	vand.u32 $0x7FFFFF, v19  }
0x22b: {  	v37 =	vmul.f32 v11, v11;
	v33 =	vor.u32 $0x3F800000, v32;
	v36 =	vadd.f32 $6.666666860e-01, v16  }
0x22c: {  	v24 =	vor.u32 $0x3F800000, v61;
	v8 =	vmul.f32 v15, v8;
	v34 =	vadd.f32 $1.000000000e+00, v33  }
0x22d: {  	v3 =	vadd.f32 v6, v3;
	v39 =	vmul.f32 $2.857142980e-01, v37;
	v6 =	vmul.f32 v36, v27  }
0x22e: {  	v43 =	vpop (erf);
	v8 =	vadd.f32 v8, v10;
	(erf) = vrcp.f32 v34;
	v10 =	vand.u32 $0xFF, v38  }
0x22f: {  	v42 =	vadd.f32 $4.000000060e-01, v39;
	v45 =	vmul.f32 v43, v41;
	v40 =	vadd.s32 $0xFFFFFF81, v10  }
0x230: {  	v6 =	vadd.f32 $2.000000000e+00, v6;
	v10 =	vadd.f32 $9.999999740e-06, v14;
	v5 =	vmul.f32 v8, v5  }
0x231: {  	v63 =	vadd.f32 $1.000000000e+00, v24;
	v44 =	vcvt.s32.f32 v40;
	v46 =	vmul.f32 v42, v37  }
0x232: {  	v49 =	vmul.f32 v45, v45;
	v6 =	vmul.f32 v6, v25;
	v50 =	vand.u32 $0x7FFFFF, v10  }
0x233: {  	v3 =	vadd.f32 v5, v3;
	v7 =	vadd.f32 $6.666666860e-01, v46;
	v17 =	vor.u32 $0x3F800000, v50  }
0x234: {  	v5 =	vmul.f32 $6.931471820e-01, v44;
	v51 =	vmul.f32 $2.857142980e-01, v49;
	v53 =	vadd.f32 $1.000000000e+00, v17  }
0x235: {  	v42 =	vadd.f32 $-1.000000000e+00, v24;
	v24 =	vand.u32 $0xFF, v23;
	v7 =	vmul.f32 v7, v37  }
0x236: {  	v28 =	vld [tilespmem:$0x96A0];
	v22 =	vadd.f32 $4.000000060e-01, v51;
	v5 =	vadd.f32 v6, v5;
	(erf) = vrcp.f32 v53  }
0x237: {  	v30 =	vcvt.s32.f32 v13;
	v20 =	vadd.f32 $-1.000000000e+00, v33;
	v26 =	vadd.s32 $0xFFFFFF81, v24  }
0x238: {  	v7 =	vadd.f32 $2.000000000e+00, v7;
	v55 =	vmul.f32 v22, v49;
	v2 =	vmul.f32 v5, v2;
	v52 =	vpop (erf)  }
0x239: {  	v34 =	vadd.f32 $-1.000000000e+00, v17;
	(erf) = vrcp.f32 v63;
	v16 =	vmul.f32 v52, v20  }
0x23a: {  	v39 =	vld [tilespmem:$0x96B0];
	v7 =	vmul.f32 v7, v11;
	v59 =	vadd.f32 $6.666666860e-01, v55;
	v11 =	vmul.f32 $6.931471820e-01, v57  }
0x23b: {  	v37 =	vshrl.u32 v19, $0x17;
	v3 =	vadd.f32 v2, v3;
	v2 =	vmul.f32 $3.051757810e-05, v28  }
0x23c: {  	v56 =	vmul.f32 v16, v16;
	v15 =	vmul.f32 v59, v49;
	v29 =	vadd.f32 v7, v11  }
0x23d: {  	v7 =	vmul.f32 $6.931471820e-01, v30;
	v38 =	vadd.f32 $9.999999740e-06, v2;
	v49 =	vshrl.u32 v10, $0x17  }
0x23e: {  	v60 =	vmul.f32 $2.857142980e-01, v56;
	v31 =	vadd.f32 $2.000000000e+00, v15;
	v33 =	vmul.f32 v29, v9  }
0x23f: {  	v41 =	vand.u32 $0x7FFFFF, v38;
	v15 =	vmul.f32 $3.051757810e-05, v39;
	v29 =	vcvt.s32.f32 v26;
	v36 =	vpop (erf)  }
0x240: {  	v62 =	vadd.f32 $4.000000060e-01, v60;
	v8 =	vmul.f32 v31, v45;
	v6 =	vmul.f32 v36, v34  }
0x241: {  	v3 =	vadd.f32 v33, v3;
	v48 =	vadd.f32 $9.999999740e-06, v15;
	v36 =	vshrl.u32 v38, $0x17  }
0x242: {  	v32 =	vmul.f32 v62, v56;
	v7 =	vadd.f32 v8, v7;
	v43 =	vpop (erf);
	v11 =	vmul.f32 v6, v6  }
0x243: {  	v8 =	vand.u32 $0xFF, v37;
	v51 =	vand.u32 $0x7FFFFF, v48;
	v45 =	vmul.f32 v43, v42  }
0x244: {  	v8 =	vadd.s32 $0xFFFFFF81, v8;
	v35 =	vadd.f32 $6.666666860e-01, v32;
	v40 =	vmul.f32 $2.857142980e-01, v11  }
0x245: {  	v7 =	vmul.f32 v7, v18;
	v18 =	vor.u32 $0x3F800000, v41;
	v19 =	vmul.f32 v45, v45  }
0x246: {  	v44 =	vadd.f32 $1.000000000e+00, v18;
	v9 =	vmul.f32 v35, v56;
	v17 =	vadd.f32 $4.000000060e-01, v40  }
0x247: {  	v8 =	vcvt.s32.f32 v8;
	v58 =	vadd.f32 $-1.000000000e+00, v18;
	v50 =	vmul.f32 $2.857142980e-01, v19  }
0x248: {  	v47 =	vld [tilespmem:$0x96C0];
	(erf) = vrcp.f32 v44;
	v9 =	vadd.f32 $2.000000000e+00, v9;
	v46 =	vmul.f32 v17, v11  }
0x249: {  	v8 =	vmul.f32 $6.931471820e-01, v8;
	v7 =	vadd.f32 v7, v3;
	v10 =	vadd.f32 $4.000000060e-01, v50  }
0x24a: {  	v9 =	vmul.f32 v9, v16;
	v16 =	vor.u32 $0x3F800000, v51;
	v3 =	vadd.f32 $6.666666860e-01, v46  }
0x24b: {  	v52 =	vadd.f32 $1.000000000e+00, v16;
	v10 =	vmul.f32 v10, v19;
	v16 =	vadd.f32 $-1.000000000e+00, v16  }
0x24c: {  	v56 =	vld [tilespmem:$0x96D0];
	v8 =	vadd.f32 v9, v8;
	v9 =	vand.u32 $0xFF, v49;
	v11 =	vmul.f32 v3, v11  }
0x24d: {  	v3 =	vmul.f32 $3.051757810e-05, v47;
	v53 =	vadd.s32 $0xFFFFFF81, v9;
	(erf) = vrcp.f32 v52  }
0x24e: {  	v59 =	vadd.f32 $6.666666860e-01, v10;
	v4 =	vmul.f32 v8, v4;
	v57 =	vcvt.s32.f32 v53  }
0x24f: {  	v46 =	vshrl.u32 v48, $0x17;
	v54 =	vadd.f32 $2.000000000e+00, v11;
	v55 =	vadd.f32 $9.999999740e-06, v3  }
0x250: {  	v9 =	vmul.f32 v59, v19;
	v7 =	vadd.f32 v4, v7;
	v62 =	vmul.f32 $6.931471820e-01, v57  }
0x251: {  	v60 =	vpop (erf);
	v4 =	vmul.f32 $3.051757810e-05, v56;
	v6 =	vmul.f32 v54, v6;
	v61 =	vand.u32 $0x7FFFFF, v55  }
0x252: {  	v8 =	vmul.f32 v60, v58;
	v9 =	vadd.f32 $2.000000000e+00, v9;
	v11 =	vshrl.u32 v55, $0x17  }
0x253: {  	v63 =	vor.u32 $0x3F800000, v61;
	v28 =	vadd.f32 $9.999999740e-06, v4;
	v11 =	vand.u32 $0xFF, v11  }
0x254: {  	v18 =	vadd.f32 $1.000000000e+00, v63;
	v25 =	vmul.f32 v8, v8;
	v6 =	vadd.f32 v6, v62  }
0x255: {  	v34 =	vld [tilespmem:$0x96E0];
	v5 =	vmul.f32 v9, v45;
	v10 =	vadd.f32 $-1.000000000e+00, v63;
	v59 =	vadd.s32 $0xFFFFFF81, v11  }
0x256: {  	v40 =	vld [tilespmem:$0x96F0];
	v32 =	vand.u32 $0x7FFFFF, v28;
	(erf) = vrcp.f32 v18;
	v27 =	vmul.f32 $2.857142980e-01, v25  }
0x257: {  	v6 =	vmul.f32 v6, v14;
	v14 =	vmul.f32 $6.931471820e-01, v29;
	v33 =	vor.u32 $0x3F800000, v32;
	v31 =	vpop (erf)  }
0x258: {  	v18 =	vadd.f32 $1.000000000e+00, v33;
	v30 =	vadd.f32 $4.000000060e-01, v27;
	v16 =	vmul.f32 v31, v16  }
0x259: {  	v7 =	vadd.f32 v6, v7;
	v5 =	vadd.f32 v5, v14;
	v6 =	vand.u32 $0xFF, v36  }
0x25a: {  	(erf) = vrcp.f32 v18;
	v38 =	vadd.s32 $0xFFFFFF81, v6;
	v6 =	vmul.f32 $3.051757810e-05, v34  }
0x25b: {  	v26 =	vshrl.u32 v28, $0x17;
	v18 =	vmul.f32 $3.051757810e-05, v40;
	v9 =	vmul.f32 v30, v25  }
0x25c: {  	v17 =	vadd.f32 $-1.000000000e+00, v33;
	v35 =	vmul.f32 v16, v16;
	v5 =	vmul.f32 v5, v12  }
0x25d: {  	v42 =	vcvt.s32.f32 v38;
	v21 =	vadd.f32 $9.999999740e-06, v6;
	v51 =	vadd.f32 $9.999999740e-06, v18  }
0x25e: {  	v9 =	vadd.f32 $6.666666860e-01, v9;
	v37 =	vmul.f32 $2.857142980e-01, v35;
	v5 =	vadd.f32 v5, v7  }
0x25f: {  	v45 =	vmul.f32 $6.931471820e-01, v42;
	v48 =	vand.u32 $0x7FFFFF, v21;
	v53 =	vand.u32 $0x7FFFFF, v51  }
0x260: {  	v9 =	vmul.f32 v9, v25;
	v13 =	vadd.f32 $4.000000060e-01, v37;
	v22 =	vor.u32 $0x3F800000, v48;
	v39 =	vpop (erf)  }
0x261: {  	v24 =	vor.u32 $0x3F800000, v53;
	v50 =	vadd.f32 $1.000000000e+00, v22;
	v10 =	vmul.f32 v39, v10  }
0x262: {  	v48 =	vshrl.u32 v51, $0x17;
	v41 =	vadd.f32 $2.000000000e+00, v9;
	v43 =	vmul.f32 v13, v35  }
0x263: {  	v55 =	vadd.f32 $1.000000000e+00, v24;
	(erf) = vrcp.f32 v50;
	v44 =	vmul.f32 v10, v10  }
0x264: {  	v63 =	vadd.f32 $-1.000000000e+00, v22;
	v7 =	vmul.f32 v41, v8;
	v12 =	vadd.f32 $6.666666860e-01, v43;
	v49 =	vpop (erf)  }
0x265: {  	v9 =	vand.u32 $0xFF, v46;
	v14 =	vmul.f32 v49, v17;
	v47 =	vmul.f32 $2.857142980e-01, v44  }
0x266: {  	v57 =	vld [tilespmem:$0x9700];
	v9 =	vadd.s32 $0xFFFFFF81, v9;
	v12 =	vmul.f32 v12, v35;
	v7 =	vadd.f32 v7, v45  }
0x267: {  	v25 =	vld [tilespmem:$0x9710];
	v9 =	vcvt.s32.f32 v9;
	v52 =	vmul.f32 v14, v14;
	v20 =	vadd.f32 $4.000000060e-01, v47  }
0x268: {  	(erf) = vrcp.f32 v55;
	v12 =	vadd.f32 $2.000000000e+00, v12;
	v2 =	vmul.f32 v7, v2  }
0x269: {  	v29 =	vadd.f32 $-1.000000000e+00, v24;
	v54 =	vmul.f32 $2.857142980e-01, v52;
	v20 =	vmul.f32 v20, v44  }
0x26a: {  	v9 =	vmul.f32 $6.931471820e-01, v9;
	v12 =	vmul.f32 v12, v16;
	v2 =	vadd.f32 v2, v5  }
0x26b: {  	v5 =	vmul.f32 $3.051757810e-05, v57;
	v56 =	vadd.f32 $4.000000060e-01, v54;
	v20 =	vadd.f32 $6.666666860e-01, v20  }
0x26c: {  	v58 =	vadd.f32 v12, v9;
	v9 =	vcvt.s32.f32 v59;
	v22 =	vpop (erf);
	v12 =	vmul.f32 $3.051757810e-05, v25  }
0x26d: {  	v28 =	vadd.f32 $9.999999740e-06, v5;
	v61 =	vmul.f32 v56, v52;
	v8 =	vmul.f32 v22, v63  }
0x26e: {  	v45 =	vshrl.u32 v21, $0x17;
	v13 =	vmul.f32 v20, v44;
	v62 =	vmul.f32 v58, v15  }
0x26f: {  	v9 =	vmul.f32 $6.931471820e-01, v9;
	v32 =	vand.u32 $0x7FFFFF, v28;
	v37 =	vadd.f32 $9.999999740e-06, v12  }
0x270: {  	v15 =	vshrl.u32 v28, $0x17;
	v16 =	vadd.f32 $6.666666860e-01, v61;
	v33 =	vor.u32 $0x3F800000, v32  }
0x271: {  	v27 =	vmul.f32 v8, v8;
	v60 =	vadd.f32 $2.000000000e+00, v13;
	v35 =	vadd.f32 $1.000000000e+00, v33  }
0x272: {  	v2 =	vadd.f32 v62, v2;
	v40 =	vand.u32 $0x7FFFFF, v37;
	v47 =	vadd.f32 $-1.000000000e+00, v33  }
0x273: {  	v31 =	vpop (erf);
	v13 =	vand.u32 $0xFF, v48;
	v11 =	vmul.f32 v16, v52;
	v30 =	vmul.f32 $2.857142980e-01, v27  }
0x274: {  	v16 =	vmul.f32 v31, v29;
	v13 =	vadd.s32 $0xFFFFFF81, v13;
	v10 =	vmul.f32 v60, v10  }
0x275: {  	v28 =	vshrl.u32 v37, $0x17;
	(erf) = vrcp.f32 v35;
	v13 =	vcvt.s32.f32 v13  }
0x276: {  	v36 =	vmul.f32 v16, v16;
	v9 =	vadd.f32 v10, v9;
	v10 =	vand.u32 $0xFF, v26  }
0x277: {  	v11 =	vadd.f32 $2.000000000e+00, v11;
	v34 =	vadd.f32 $4.000000060e-01, v30;
	v10 =	vadd.s32 $0xFFFFFF81, v10  }
0x278: {  	v42 =	vld [tilespmem:$0x9720];
	v41 =	vor.u32 $0x3F800000, v40;
	v39 =	vmul.f32 $2.857142980e-01, v36;
	v10 =	vcvt.s32.f32 v10  }
0x279: {  	v43 =	vadd.f32 $1.000000000e+00, v41;
	v11 =	vmul.f32 v11, v14;
	v38 =	vmul.f32 v34, v27  }
0x27a: {  	v3 =	vmul.f32 v9, v3;
	v9 =	vadd.f32 $4.000000060e-01, v39;
	v10 =	vmul.f32 $6.931471820e-01, v10  }
0x27b: {  	v54 =	vadd.f32 $-1.000000000e+00, v41;
	(erf) = vrcp.f32 v43;
	v7 =	vadd.f32 $6.666666860e-01, v38  }
0x27c: {  	v60 =	vmul.f32 $6.931471820e-01, v13;
	v9 =	vmul.f32 v9, v36;
	v10 =	vadd.f32 v11, v10  }
0x27d: {  	v46 =	vld [tilespmem:$0x9730];
	v30 =	vand.u32 $0xFF, v28;
	v44 =	vmul.f32 v7, v27;
	v7 =	vmul.f32 $3.051757810e-05, v42  }
0x27e: {  	v2 =	vadd.f32 v3, v2;
	v9 =	vadd.f32 $6.666666860e-01, v9;
	v49 =	vpop (erf);
	v3 =	vmul.f32 v10, v4  }
0x27f: {  	v50 =	vadd.f32 $9.999999740e-06, v7;
	v4 =	vadd.f32 $2.000000000e+00, v44;
	v14 =	vmul.f32 v49, v47  }
0x280: {  	v9 =	vmul.f32 v9, v36;
	v2 =	vadd.f32 v3, v2;
	v3 =	vand.u32 $0xFF, v45  }
0x281: {  	v8 =	vmul.f32 v4, v8;
	v52 =	vmul.f32 v14, v14;
	v3 =	vadd.s32 $0xFFFFFF81, v3  }
0x282: {  	v51 =	vand.u32 $0x7FFFFF, v50;
	v4 =	vmul.f32 $3.051757810e-05, v46;
	v3 =	vcvt.s32.f32 v3  }
0x283: {  	v53 =	vor.u32 $0x3F800000, v51;
	v9 =	vadd.f32 $2.000000000e+00, v9;
	v56 =	vmul.f32 $2.857142980e-01, v52  }
0x284: {  	v57 =	vpop (erf);
	v55 =	vadd.f32 $1.000000000e+00, v53;
	v58 =	vadd.f32 $9.999999740e-06, v4;
	v3 =	vmul.f32 $6.931471820e-01, v3  }
0x285: {  	v59 =	vmul.f32 v57, v54;
	v9 =	vmul.f32 v9, v16;
	v61 =	vadd.f32 $4.000000060e-01, v56  }
0x286: {  	v37 =	vld [tilespmem:$0x9760];
	(erf) = vrcp.f32 v55;
	v62 =	vand.u32 $0x7FFFFF, v58;
	v3 =	vadd.f32 v8, v3  }
0x287: {  	v13 =	vor.u32 $0x3F800000, v62;
	v9 =	vadd.f32 v9, v60;
	v16 =	vmul.f32 v61, v52  }
0x288: {  	v63 =	vmul.f32 v59, v59;
	v21 =	vadd.f32 $1.000000000e+00, v13;
	v3 =	vmul.f32 v3, v6  }
0x289: {  	v22 =	vshrl.u32 v58, $0x17;
	v9 =	vmul.f32 v9, v18;
	v10 =	vadd.f32 $6.666666860e-01, v16  }
0x28a: {  	(erf) = vrcp.f32 v21;
	v2 =	vadd.f32 v3, v2;
	v3 =	vmul.f32 $2.857142980e-01, v63  }
0x28b: {  	v11 =	vmul.f32 $3.051757810e-05, v37;
	v22 =	vand.u32 $0xFF, v22;
	v10 =	vmul.f32 v10, v52  }
0x28c: {  	v3 =	vadd.f32 $4.000000060e-01, v3;
	v9 =	vadd.f32 v9, v2;
	v2 =	vand.u32 $0xFF, v15  }
0x28d: {  	v24 =	vld [tilespmem:$0x9740];
	v52 =	vadd.s32 $0xFFFFFF81, v22;
	v10 =	vadd.f32 $2.000000000e+00, v10;
	v2 =	vadd.s32 $0xFFFFFF81, v2  }
0x28e: {  	v26 =	vld [tilespmem:$0x9750];
	v25 =	vadd.f32 $-1.000000000e+00, v53;
	v18 =	vcvt.s32.f32 v52;
	v3 =	vmul.f32 v3, v63  }
0x28f: {  	v27 =	vcvt.s32.f32 v2;
	v10 =	vmul.f32 v10, v14;
	v14 =	vadd.s32 $0xFFFFFF81, v30  }
0x290: {  	v58 =	vmul.f32 $6.931471820e-01, v18;
	v14 =	vcvt.s32.f32 v14;
	v2 =	vpop (erf)  }
0x291: {  	v3 =	vadd.f32 $6.666666860e-01, v3;
	v29 =	vmul.f32 $6.931471820e-01, v27;
	v15 =	vmul.f32 v2, v25  }
0x292: {  	v13 =	vadd.f32 $-1.000000000e+00, v13;
	v2 =	vmul.f32 $3.051757810e-05, v24;
	v14 =	vmul.f32 $6.931471820e-01, v14  }
0x293: {  	v46 =	vshrl.u32 v50, $0x17;
	v34 =	vpop (erf);
	v6 =	vmul.f32 v3, v63;
	v3 =	vmul.f32 $3.051757810e-05, v26  }
0x294: {  	v13 =	vmul.f32 v34, v13;
	v10 =	vadd.f32 v10, v29;
	v32 =	vadd.f32 $9.999999740e-06, v2  }
0x295: {  	v31 =	vmul.f32 v15, v15;
	v6 =	vadd.f32 $2.000000000e+00, v6;
	v21 =	vadd.f32 $9.999999740e-06, v3  }
0x296: {  	v40 =	vmul.f32 v13, v13;
	v5 =	vmul.f32 v10, v5;
	v10 =	vadd.f32 $9.999999740e-06, v11  }
0x297: {  	v33 =	vmul.f32 $2.857142980e-01, v31;
	v35 =	vand.u32 $0x7FFFFF, v32;
	v19 =	vshrl.u32 v32, $0x17  }
0x298: {  	v36 =	vor.u32 $0x3F800000, v35;
	v6 =	vmul.f32 v6, v59;
	v41 =	vand.u32 $0x7FFFFF, v21  }
0x299: {  	v43 =	vmul.f32 $2.857142980e-01, v40;
	v47 =	vand.u32 $0x7FFFFF, v10;
	v5 =	vadd.f32 v5, v9  }
0x29a: {  	v19 =	vand.u32 $0xFF, v19;
	v10 =	vshrl.u32 v10, $0x17;
	v38 =	vadd.f32 $4.000000060e-01, v33  }
0x29b: {  	v39 =	vadd.f32 $1.000000000e+00, v36;
	v42 =	vor.u32 $0x3F800000, v41;
	v17 =	vor.u32 $0x3F800000, v47  }
0x29c: {  	v48 =	vadd.f32 $-1.000000000e+00, v36;
	v19 =	vadd.s32 $0xFFFFFF81, v19;
	v44 =	vadd.f32 $1.000000000e+00, v42  }
0x29d: {  	v10 =	vand.u32 $0xFF, v10;
	v6 =	vadd.f32 v6, v14;
	(erf) = vrcp.f32 v39  }
0x29e: {  	v45 =	vadd.f32 $4.000000060e-01, v43;
	v49 =	vadd.f32 $1.000000000e+00, v17;
	(erf) = vrcp.f32 v44  }
0x29f: {  	v56 =	vld [tilespmem:$0x9780];
	v16 =	vadd.f32 $-1.000000000e+00, v42;
	v10 =	vadd.s32 $0xFFFFFF81, v10;
	v8 =	vmul.f32 v38, v31  }
0x2a0: {  	v29 =	vadd.f32 $-1.000000000e+00, v17;
	v10 =	vcvt.s32.f32 v10;
	v14 =	vmul.f32 v45, v40  }
0x2a1: {  	v27 =	vld [tilespmem:$0x9790];
	v6 =	vmul.f32 v6, v12;
	v12 =	vand.u32 $0xFF, v46;
	v8 =	vadd.f32 $6.666666860e-01, v8  }
0x2a2: {  	v12 =	vadd.s32 $0xFFFFFF81, v12;
	v10 =	vmul.f32 $6.931471820e-01, v10;
	v14 =	vadd.f32 $6.666666860e-01, v14  }
0x2a3: {  	v42 =	vshrl.u32 v21, $0x17;
	v12 =	vcvt.s32.f32 v12;
	v8 =	vmul.f32 v8, v31  }
0x2a4: {  	v50 =	vld [tilespmem:$0x9770];
	v6 =	vadd.f32 v6, v5;
	v5 =	vmul.f32 $3.051757810e-05, v56;
	v14 =	vmul.f32 v14, v40  }
0x2a5: {  	v12 =	vmul.f32 $6.931471820e-01, v12;
	v40 =	vcvt.s32.f32 v19;
	v8 =	vadd.f32 $2.000000000e+00, v8  }
0x2a6: {  	v33 =	vadd.f32 $9.999999740e-06, v5;
	v19 =	vmul.f32 $3.051757810e-05, v27;
	v51 =	vpop (erf);
	(erf) = vrcp.f32 v49  }
0x2a7: {  	v14 =	vadd.f32 $2.000000000e+00, v14;
	v8 =	vmul.f32 v8, v15;
	v15 =	vmul.f32 v51, v48;
	v54 =	vpop (erf)  }
0x2a8: {  	v35 =	vand.u32 $0x7FFFFF, v33;
	v46 =	vadd.f32 $9.999999740e-06, v19;
	v55 =	vmul.f32 v54, v16  }
0x2a9: {  	v36 =	vor.u32 $0x3F800000, v35;
	v16 =	vmul.f32 $3.051757810e-05, v50;
	v53 =	vmul.f32 v15, v15  }
0x2aa: {  	v57 =	vmul.f32 v14, v13;
	v38 =	vadd.f32 $1.000000000e+00, v36;
	v22 =	vadd.f32 $-1.000000000e+00, v36  }
0x2ab: {  	v60 =	vmul.f32 v55, v55;
	v23 =	vadd.f32 $9.999999740e-06, v16;
	v59 =	vmul.f32 $2.857142980e-01, v53  }
0x2ac: {  	v8 =	vadd.f32 v8, v12;
	v48 =	vand.u32 $0x7FFFFF, v46;
	v61 =	vadd.f32 v57, v58  }
0x2ad: {  	v63 =	vmul.f32 $2.857142980e-01, v60;
	v28 =	vand.u32 $0x7FFFFF, v23;
	v62 =	vadd.f32 $4.000000060e-01, v59  }
0x2ae: {  	v24 =	vor.u32 $0x3F800000, v48;
	v7 =	vmul.f32 v8, v7;
	v30 =	vor.u32 $0x3F800000, v28  }
0x2af: {  	v49 =	vld [tilespmem:$0x97A0];
	v32 =	vadd.f32 $1.000000000e+00, v30;
	v13 =	vadd.f32 $4.000000060e-01, v63;
	v12 =	vmul.f32 v62, v53;
	v31 =	vpop (erf)  }
0x2b0: {  	v25 =	vadd.f32 $-1.000000000e+00, v24;
	v4 =	vmul.f32 v61, v4;
	v14 =	vmul.f32 v31, v29  }
0x2b1: {  	(erf) = vrcp.f32 v32;
	v13 =	vmul.f32 v13, v60;
	v12 =	vadd.f32 $6.666666860e-01, v12  }
0x2b2: {  	v6 =	vadd.f32 v7, v6;
	(erf) = vrcp.f32 v38;
	v34 =	vmul.f32 v14, v14  }
0x2b3: {  	v28 =	vadd.f32 $1.000000000e+00, v24;
	v13 =	vadd.f32 $6.666666860e-01, v13;
	v12 =	vmul.f32 v12, v53  }
0x2b4: {  	v6 =	vadd.f32 v4, v6;
	v4 =	vmul.f32 $3.051757810e-05, v49;
	v37 =	vmul.f32 $2.857142980e-01, v34  }
0x2b5: {  	v17 =	vadd.f32 $-1.000000000e+00, v30;
	v29 =	vld [tilespmem:$0x97C0];
	v13 =	vmul.f32 v13, v60;
	v39 =	vadd.f32 $2.000000000e+00, v12  }
0x2b6: {  	v61 =	vshrl.u32 v23, $0x17;
	v57 =	vadd.f32 $9.999999740e-06, v4;
	v41 =	vadd.f32 $4.000000060e-01, v37  }
0x2b7: {  	v13 =	vadd.f32 $2.000000000e+00, v13;
	v8 =	vmul.f32 v39, v15;
	v15 =	vand.u32 $0xFF, v42  }
0x2b8: {  	v12 =	vmul.f32 $6.931471820e-01, v40;
	v18 =	vmul.f32 v41, v34;
	v15 =	vadd.s32 $0xFFFFFF81, v15  }
0x2b9: {  	v31 =	vshrl.u32 v33, $0x17;
	v9 =	vmul.f32 v13, v55;
	v43 =	vcvt.s32.f32 v15  }
0x2ba: {  	v45 =	vpop (erf);
	(erf) = vrcp.f32 v28;
	v8 =	vadd.f32 v8, v12;
	v12 =	vmul.f32 $3.051757810e-05, v29  }
0x2bb: {  	v44 =	vadd.f32 $6.666666860e-01, v18;
	v17 =	vmul.f32 v45, v17;
	v51 =	vpop (erf);
	v13 =	vmul.f32 $6.931471820e-01, v43  }
0x2bc: {  	v60 =	vand.u32 $0x7FFFFF, v57;
	v53 =	vmul.f32 v51, v22;
	v2 =	vmul.f32 v8, v2  }
0x2bd: {  	v40 =	vshrl.u32 v46, $0x17;
	v15 =	vmul.f32 v44, v34;
	v47 =	vmul.f32 v17, v17  }
0x2be: {  	v63 =	vld [tilespmem:$0x97B0];
	v22 =	vmul.f32 v53, v53;
	v9 =	vadd.f32 v9, v13;
	v2 =	vadd.f32 v2, v6  }
0x2bf: {  	v13 =	vshrl.u32 v57, $0x17;
	v15 =	vadd.f32 $2.000000000e+00, v15;
	v50 =	vmul.f32 $2.857142980e-01, v47  }
0x2c0: {  	v13 =	vand.u32 $0xFF, v13;
	v56 =	vmul.f32 $2.857142980e-01, v22;
	v3 =	vmul.f32 v9, v3  }
0x2c1: {  	v13 =	vadd.s32 $0xFFFFFF81, v13;
	v52 =	vmul.f32 v15, v14;
	v54 =	vadd.f32 $4.000000060e-01, v50  }
0x2c2: {  	v13 =	vcvt.s32.f32 v13;
	v59 =	vadd.f32 $4.000000060e-01, v56;
	v3 =	vadd.f32 v3, v2  }
0x2c3: {  	v2 =	vmul.f32 $3.051757810e-05, v63;
	v7 =	vadd.f32 v52, v10;
	v10 =	vor.u32 $0x3F800000, v60  }
0x2c4: {  	v55 =	vmul.f32 v54, v47;
	v26 =	vpop (erf);
	v9 =	vmul.f32 v59, v22;
	v62 =	vadd.f32 $1.000000000e+00, v10  }
0x2c5: {  	v28 =	vmul.f32 v26, v25;
	v20 =	vadd.f32 $9.999999740e-06, v2;
	v10 =	vadd.f32 $-1.000000000e+00, v10  }
0x2c6: {  	v58 =	vadd.f32 $6.666666860e-01, v55;
	v7 =	vmul.f32 v7, v11;
	v11 =	vand.u32 $0xFF, v61  }
0x2c7: {  	v11 =	vadd.s32 $0xFFFFFF81, v11;
	v9 =	vadd.f32 $6.666666860e-01, v9;
	v30 =	vmul.f32 v28, v28  }
0x2c8: {  	(erf) = vrcp.f32 v62;
	v34 =	vand.u32 $0x7FFFFF, v20;
	v8 =	vmul.f32 v58, v47  }
0x2c9: {  	v11 =	vcvt.s32.f32 v11;
	v15 =	vor.u32 $0x3F800000, v34;
	v32 =	vmul.f32 $2.857142980e-01, v30  }
0x2ca: {  	v13 =	vmul.f32 $6.931471820e-01, v13;
	v36 =	vadd.f32 $1.000000000e+00, v15;
	v8 =	vadd.f32 $2.000000000e+00, v8  }
0x2cb: {  	v9 =	vmul.f32 v9, v22;
	v11 =	vmul.f32 $6.931471820e-01, v11;
	v33 =	vadd.f32 $4.000000060e-01, v32  }
0x2cc: {  	v22 =	vadd.f32 $9.999999740e-06, v12;
	(erf) = vrcp.f32 v36;
	v27 =	vmul.f32 v8, v17  }
0x2cd: {  	v3 =	vadd.f32 v7, v3;
	v51 =	vadd.f32 $-1.000000000e+00, v15;
	v14 =	vmul.f32 v33, v30  }
0x2ce: {  	v9 =	vadd.f32 $2.000000000e+00, v9;
	v39 =	vand.u32 $0x7FFFFF, v22;
	v6 =	vadd.f32 v27, v11  }
0x2cf: {  	v43 =	vld [tilespmem:$0x97D0];
	v11 =	vand.u32 $0xFF, v31;
	v38 =	vadd.f32 $6.666666860e-01, v14;
	v14 =	vor.u32 $0x3F800000, v39  }
0x2d0: {  	v9 =	vmul.f32 v9, v53;
	v11 =	vadd.s32 $0xFFFFFF81, v11;
	v42 =	vadd.f32 $1.000000000e+00, v14  }
0x2d1: {  	v6 =	vmul.f32 v6, v16;
	v11 =	vcvt.s32.f32 v11;
	v35 =	vpop (erf);
	v16 =	vand.u32 $0xFF, v40  }
0x2d2: {  	v49 =	vld [tilespmem:$0x97E0];
	v14 =	vadd.f32 $-1.000000000e+00, v14;
	v10 =	vmul.f32 v35, v10;
	(erf) = vrcp.f32 v42  }
0x2d3: {  	v44 =	vadd.s32 $0xFFFFFF81, v16;
	v37 =	vmul.f32 $6.931471820e-01, v11;
	v11 =	vmul.f32 v38, v30  }
0x2d4: {  	v52 =	vld [tilespmem:$0x97F0];
	v3 =	vadd.f32 v6, v3;
	v6 =	vmul.f32 $3.051757810e-05, v43;
	v41 =	vmul.f32 v10, v10  }
0x2d5: {  	v7 =	vadd.f32 v9, v37;
	v11 =	vadd.f32 $2.000000000e+00, v11;
	v9 =	vcvt.s32.f32 v44;
	v53 =	vpop (erf)  }
0x2d6: {  	v16 =	vadd.f32 $9.999999740e-06, v6;
	v45 =	vmul.f32 $2.857142980e-01, v41;
	v8 =	vmul.f32 v53, v51  }
0x2d7: {  	v40 =	vshrl.u32 v20, $0x17;
	v48 =	vmul.f32 $6.931471820e-01, v9;
	v9 =	vmul.f32 $3.051757810e-05, v49  }
0x2d8: {  	v5 =	vmul.f32 v7, v5;
	v47 =	vmul.f32 v11, v28;
	v54 =	vand.u32 $0x7FFFFF, v16  }
0x2d9: {  	v11 =	vmul.f32 $3.051757810e-05, v52;
	v46 =	vadd.f32 $4.000000060e-01, v45;
	v58 =	vadd.f32 $9.999999740e-06, v9  }
0x2da: {  	v55 =	vmul.f32 v8, v8;
	v15 =	vor.u32 $0x3F800000, v54;
	v3 =	vadd.f32 v5, v3  }
0x2db: {  	v57 =	vadd.f32 $1.000000000e+00, v15;
	v61 =	vadd.f32 $9.999999740e-06, v11;
	v60 =	vand.u32 $0x7FFFFF, v58;
	v56 =	vpop (erf)  }
0x2dc: {  	v50 =	vmul.f32 v46, v41;
	v18 =	vor.u32 $0x3F800000, v60;
	v14 =	vmul.f32 v56, v14  }
0x2dd: {  	v59 =	vmul.f32 $2.857142980e-01, v55;
	(erf) = vrcp.f32 v57;
	v63 =	vadd.f32 $1.000000000e+00, v18  }
0x2de: {  	v30 =	vand.u32 $0x7FFFFF, v61;
	v5 =	vadd.f32 $6.666666860e-01, v50;
	v62 =	vmul.f32 v14, v14  }
0x2df: {  	v23 =	vadd.f32 $4.000000060e-01, v59;
	v26 =	vor.u32 $0x3F800000, v30;
	(erf) = vrcp.f32 v63  }
0x2e0: {  	v32 =	vadd.f32 $1.000000000e+00, v26;
	v5 =	vmul.f32 v5, v41;
	v31 =	vmul.f32 $2.857142980e-01, v62  }
0x2e1: {  	v42 =	vshrl.u32 v22, $0x17;
	v7 =	vadd.f32 v47, v48;
	v23 =	vmul.f32 v23, v55  }
0x2e2: {  	v5 =	vadd.f32 $2.000000000e+00, v5;
	(erf) = vrcp.f32 v32;
	v34 =	vadd.f32 $4.000000060e-01, v31  }
0x2e3: {  	v54 =	vshrl.u32 v16, $0x17;
	v7 =	vmul.f32 v7, v19;
	v33 =	vadd.f32 $6.666666860e-01, v23  }
0x2e4: {  	v37 =	vadd.f32 $-1.000000000e+00, v15;
	v5 =	vmul.f32 v5, v10;
	v36 =	vmul.f32 v34, v62  }
0x2e5: {  	v58 =	vshrl.u32 v58, $0x17;
	v3 =	vadd.f32 v7, v3;
	v35 =	vmul.f32 v33, v55  }
0x2e6: {  	v5 =	vadd.f32 v5, v13;
	v38 =	vpop (erf);
	v13 =	vand.u32 $0xFF, v40;
	v10 =	vadd.f32 $6.666666860e-01, v36  }
0x2e7: {  	v43 =	vadd.f32 $-1.000000000e+00, v18;
	v39 =	vmul.f32 v38, v37;
	v13 =	vadd.s32 $0xFFFFFF81, v13  }
0x2e8: {  	v7 =	vadd.f32 $2.000000000e+00, v35;
	v13 =	vcvt.s32.f32 v13;
	v44 =	vpop (erf);
	v41 =	vmul.f32 v10, v62  }
0x2e9: {  	v46 =	vadd.f32 $-1.000000000e+00, v26;
	v15 =	vmul.f32 v39, v39;
	v17 =	vmul.f32 v44, v43  }
0x2ea: {  	v7 =	vmul.f32 v7, v8;
	v13 =	vmul.f32 $6.931471820e-01, v13;
	v8 =	vadd.f32 $2.000000000e+00, v41  }
0x2eb: {  	v10 =	vand.u32 $0xFF, v42;
	v45 =	vmul.f32 $2.857142980e-01, v15;
	v47 =	vpop (erf);
	v48 =	vmul.f32 v17, v17  }
0x2ec: {  	v10 =	vadd.s32 $0xFFFFFF81, v10;
	v8 =	vmul.f32 v8, v14;
	v14 =	vmul.f32 v47, v46  }
0x2ed: {  	v4 =	vmul.f32 v5, v4;
	v18 =	vadd.f32 $4.000000060e-01, v45;
	v10 =	vcvt.s32.f32 v10  }
0x2ee: {  	v7 =	vadd.f32 v7, v13;
	v50 =	vmul.f32 $2.857142980e-01, v48;
	v51 =	vmul.f32 v14, v14  }
0x2ef: {  	v3 =	vadd.f32 v4, v3;
	v49 =	vmul.f32 v18, v15;
	v10 =	vmul.f32 $6.931471820e-01, v10  }
0x2f0: {  	v2 =	vmul.f32 v7, v2;
	v18 =	vadd.f32 $4.000000060e-01, v50;
	v53 =	vmul.f32 $2.857142980e-01, v51  }
0x2f1: {  	v4 =	vadd.f32 $6.666666860e-01, v49;
	v52 =	vadd.f32 v8, v10;
	v10 =	vand.u32 $0xFF, v54  }
0x2f2: {  	v10 =	vadd.s32 $0xFFFFFF81, v10;
	v55 =	vmul.f32 v18, v48;
	v8 =	vadd.f32 $4.000000060e-01, v53  }
0x2f3: {  	v2 =	vadd.f32 v2, v3;
	v4 =	vmul.f32 v4, v15;
	v3 =	vcvt.s32.f32 v10  }
0x2f4: {  	v10 =	vand.u32 $0xFF, v58;
	v56 =	vadd.f32 $6.666666860e-01, v55;
	v8 =	vmul.f32 v8, v51  }
0x2f5: {  	v7 =	vmul.f32 v52, v12;
	v10 =	vadd.s32 $0xFFFFFF81, v10;
	v4 =	vadd.f32 $2.000000000e+00, v4  }
0x2f6: {  	v3 =	vmul.f32 $6.931471820e-01, v3;
	v57 =	vmul.f32 v56, v48;
	v8 =	vadd.f32 $6.666666860e-01, v8  }
0x2f7: {  	v59 =	vshrl.u32 v61, $0x17;
	v10 =	vcvt.s32.f32 v10;
	v4 =	vmul.f32 v4, v39  }
0x2f8: {  	v12 =	vand.u32 $0xFF, v59;
	v5 =	vadd.f32 $2.000000000e+00, v57;
	v8 =	vmul.f32 v8, v51  }
0x2f9: {  	v61 =	vadd.s32 $0xFFFFFF81, v12;
	v10 =	vmul.f32 $6.931471820e-01, v10;
	v3 =	vadd.f32 v4, v3  }
0x2fa: {  	v60 =	vmul.f32 v5, v17;
	v5 =	vcvt.s32.f32 v61;
	v8 =	vadd.f32 $2.000000000e+00, v8  }
0x2fb: {  	v2 =	vadd.f32 v7, v2;
	v3 =	vmul.f32 v3, v6  }
0x2fc: {  	v4 =	vadd.f32 v60, v10;
	v5 =	vmul.f32 $6.931471820e-01, v5;
	v62 =	vmul.f32 v8, v14;
	_ =	sdelay $0x1  }
0x2fd: {  	v2 =	vadd.f32 v3, v2;
	v3 =	vmul.f32 v4, v9;
	v63 =	vadd.f32 v62, v5;
	_ =	sdelay $0x1  }
0x2fe: {  	v2 =	vadd.f32 v3, v2;
	v3 =	vmul.f32 v63, v11;
	_ =	sdelay $0x1  }
0x2ff: {  	v2 =	vadd.f32 v3, v2;
	_ =	sdelay $0x1  }
0x300: {  	(xrf2) =	vadd.scan.msk.f32 $0xffff, v2;
	_ =	sdelay $0x9  }
0x301: {  	v2, _, _ =	vpop (xrf2)  }
0x302: {  	(v2sf) =	vpush v2, $0xF;
	_ =	sdelay $0xe  }
0x303: {  	s17 =	spop (v2sf)  }
0x304: {  	s17 =	ssub.f32 $0.0e+00, s17;
	_ =	sdelay $0x1  }
0x305: {  	v2 =	vmov s17  }
0x306: {  	v2 =	vmul.f32 $1.442695020e+00, v2;
	_ =	sdelay $0x1  }
0x307: {  	v2 =	vbroadcast v2, $0x0;
	_ =	sdelay $0x1  }
0x308: {  	(erf) = vpow2.f32 v2;
	_ =	sdelay $0x8  }
0x309: {  	v2 =	vpop (erf)  }
.Ltmp4:
0x30a: {  	[tilespmem:$0x9840] =	vst v2;
	(pc) =	sbr.rel .LBB2_5-.Ltmp4, $4  }
0x30b: {  	[hbm4b:s2+s4] =	stream.linear.scatter [tilespmem:s16], [sflag:$0x2], $0x10, $0x38;
	[tilespmem:$0x9850] =	vst v63  }
0x30c: {  	_ =	swait.ge [sflag:s10], $0x10  }
0x30d: {  	[sflag:s10] =	ssyncset.done $0x0  }
0x30e: {  	[sflag:s10] =	ssyncadd.s32 $0xFFFFFFF0  }
.LBB2_6:
0x30f: {  	_ =	sfence.sel $0x180000  }
0x310: {  	[bflag:$0x0] =	sbarrier.arrive $0xFFFF  }
0x311: {  	_ =	strace $0x90000047  }
0x312: {  	s0 =	sadd.s32 @!p0 $0x100000, s0;
	[bflag:$0x2] =	sbarrier.arrive $0xFFFF  }
0x313: {  	[sflag:s0] =	ssyncadd.tile.s32 @!p0 $0x1;
	_ =	shalt  }
.Lfunc_end2:
_tile_overlayer_lowered:
.L_overlay_start_2:
0x314: {  	(tag) =	ssettag $0x2  }
0x315: {  	s0 =	rddreg [dreg:$0x0];
	s2 =	stileid.u32  }
0x316: {  	s1 =	rddreg [dreg:$0x1];
	p0 =	sne.s32 s2, $0x0  }
0x317: {  	s3 =	rddreg [dreg:$0x2];
	[bflag:$0x3] =	sbarrier.arrive $0xFFFF;
	s2 =	simm.s32 @!p0 $0x1C02  }
0x318: {  	[timem:s3], [sflag:s2] =	dma.local @!p0 [hbm:s0], s1  }
0x319: {  	s0 =	simm.s32 @!p0 $0x2  }
0x31a: {  	_ =	swait.ge @!p0 [sflag:s0], s1  }
0x31b: {  	s1 =	ssub.s32 @!p0 $0x0, s1;
	[sflag:s0] =	ssyncset.done @!p0 $0x0  }
0x31c: {  	[sflag:s0] =	ssyncadd.s32 @!p0 s1  }
0x31d: {  	[bflag:$0x3] =	sbarrier.arrive $0xFFFF  }
0x31e: {  	_ =	shalt  }

</sc_bundles>
